<compile_context>
chip_gen: v7x
topology: tpu7x:2x2x1
jax: 0.10.2.dev20260603
libtpu: 0.0.44.dev20260713+nightly
codegen_flags: <defaults>
</compile_context>

<pallas_src>
import functools

import jax
import jax.numpy as jnp
from jax import lax
from jax.experimental import pallas as pl
from jax.experimental.pallas import tpu as pltpu
from jax.experimental.pallas import tpu_sc as plsc

N = 100000
NP = 102400
F = 20
H = 16
CLS = 2
NC = 2
NS = 16
NW = NC * NS
CHUNK = 128
G = 4
NPT = NP // NS
NPW = NP // NW
BN = 4096

_SC_PARAMS = pltpu.CompilerParams(needs_layout_passes=False,
                                  use_tc_tiling_on_sc=False)


def _mesh():
    return plsc.VectorSubcoreMesh(core_axis_name="c", subcore_axis_name="s",
                                  num_cores=NC, num_subcores=NS)


def _worker():
    c = lax.axis_index("c")
    s = lax.axis_index("s")
    return c, s


def _fill(ref, n, value, dtype):
    v = jnp.full((16,), value, dtype)

    @pl.loop(0, n // 16)
    def _(k):
        ref[pl.ds(k * 16, 16)] = v


def _k1a_body(nblk, eidx_hbm, z1_hbm, part_hbm,
              ib0, ib1, ones_b, bb, dacc, sem0, sem1):
    c, s = _worker()
    w = c * NS + s
    _fill(ones_b, CHUNK, 1.0, jnp.float32)
    _fill(bb, NPT // 8, 0.0, jnp.float32)

    @pl.loop(0, 8)
    def _(t):
        pltpu.sync_copy(bb, dacc.at[pl.ds(s * NPT + t * (NPT // 8),
                                          NPT // 8)])

    plsc.subcore_barrier()

    def block(j, ib, sem):
        @pl.when(j >= 2)
        def _():
            for _g in range(G):
                pltpu.make_async_copy(
                    z1_hbm.at[pl.ds(0, CHUNK)], ones_b, sem).wait()

        pltpu.sync_copy(eidx_hbm.at[w, j], ib)
        for g in range(G):
            pltpu.async_copy(ones_b, dacc.at[ib.at[G + g]], sem, add=True)

    @pl.loop(0, nblk)
    def _(j):
        @pl.when(j % 2 == 0)
        def _():
            block(j, ib0, sem0)

        @pl.when(j % 2 == 1)
        def _():
            block(j, ib1, sem1)

    for sem in (sem0, sem1):
        for _g in range(G):
            pltpu.make_async_copy(
                z1_hbm.at[pl.ds(0, CHUNK)], ones_b, sem).wait()

    plsc.subcore_barrier()

    @pl.loop(0, 8)
    def _(t):
        off = s * NPT + t * (NPT // 8)
        pltpu.sync_copy(dacc.at[pl.ds(off, NPT // 8)], bb)
        pltpu.sync_copy(bb, part_hbm.at[c, pl.ds(off, NPT // 8)])


CH1B = 800


def _k1b_body(part_hbm, t1_hbm, dinv16_hbm, h1p_hbm, p0b, p1b, ytmp, tb, ob, hb):
    c, s = _worker()
    w = c * NS + s
    pltpu.sync_copy(part_hbm.at[0, pl.ds(w * NPW, NPW)], p0b)
    pltpu.sync_copy(part_hbm.at[1, pl.ds(w * NPW, NPW)], p1b)

    @pl.loop(0, NPW // CH1B)
    def _(t):
        pltpu.sync_copy(t1_hbm.at[pl.ds(w * NPW + t * CH1B, CH1B)], tb)

        @pl.loop(0, CH1B // 16)
        def _(g):
            sl = pl.ds(t * CH1B + g * 16, 16)
            d = p0b[sl] + p1b[sl] + 1.0
            i = plsc.bitcast(d, jnp.int32)
            y = plsc.bitcast(jnp.int32(0x5F3759DF) - (i >> 1), jnp.float32)
            for _ in range(3):
                y = y * (1.5 - 0.5 * d * y * y)
            ytmp[...] = y
            for j in range(16):
                dsp = plsc.load_gather(ytmp, [jnp.full((16,), j, jnp.int32)])
                ob[g * 16 + j] = dsp
                hb[g * 16 + j] = dsp * tb[g * 16 + j]

        pltpu.sync_copy(ob, dinv16_hbm.at[pl.ds(w * NPW + t * CH1B, CH1B)])
        pltpu.sync_copy(hb, h1p_hbm.at[pl.ds(w * NPW + t * CH1B, CH1B)])


def _make_prop_body(nblk, d):
    def body(eidx_hbm, zd_hbm, h_hbm, out_hbm,
             ib0, ib1, gb0, gb1, acc, semg0, semg1, sems0, sems1):
        c, s = _worker()
        w = c * NS + s
        pltpu.sync_copy(zd_hbm.at[pl.ds(0, CHUNK)], gb0.at[pl.ds(0, CHUNK)])

        @pl.loop(0, NPT // CHUNK)
        def _(j):
            pltpu.sync_copy(gb0.at[pl.ds(0, CHUNK)],
                            acc.at[pl.ds(s * NPT + j * CHUNK, CHUNK)])

        plsc.subcore_barrier()

        def block(j, ib, gb, semg, sems):
            @pl.when(j >= 2)
            def _():
                for g in range(G):
                    pltpu.make_async_copy(
                        h_hbm.at[pl.ds(0, CHUNK)],
                        gb.at[pl.ds(g * CHUNK, CHUNK)], sems).wait()

            pltpu.sync_copy(eidx_hbm.at[w, j], ib)
            for g in range(G):
                pltpu.async_copy(h_hbm.at[ib.at[g]],
                                 gb.at[pl.ds(g * CHUNK, CHUNK)], semg)
            for g in range(G):
                pltpu.make_async_copy(
                    h_hbm.at[ib.at[g]],
                    gb.at[pl.ds(g * CHUNK, CHUNK)], semg).wait()
            for g in range(G):
                pltpu.async_copy(gb.at[pl.ds(g * CHUNK, CHUNK)],
                                 acc.at[ib.at[G + g]], sems, add=True)

        @pl.loop(0, nblk)
        def _(j):
            @pl.when(j % 2 == 0)
            def _():
                block(j, ib0, gb0, semg0, sems0)

            @pl.when(j % 2 == 1)
            def _():
                block(j, ib1, gb1, semg1, sems1)

        for gb, sems in ((gb0, sems0), (gb1, sems1)):
            for g in range(G):
                pltpu.make_async_copy(
                    h_hbm.at[pl.ds(0, CHUNK)],
                    gb.at[pl.ds(g * CHUNK, CHUNK)], sems).wait()

        plsc.subcore_barrier()

        @pl.loop(0, 8)
        def _(t):
            off = s * NPT + t * (NPT // 8)
            pltpu.sync_copy(acc.at[pl.ds(off, NPT // 8)],
                            gb0.at[pl.ds(0, NPT // 8)])
            pltpu.sync_copy(gb0.at[pl.ds(0, NPT // 8)],
                            out_hbm.at[c, pl.ds(off, NPT // 8)])

    return body


def _prop_kernel(nblk, d):
    f32 = jnp.float32
    return pl.kernel(
        _make_prop_body(nblk, d),
        out_type=jax.ShapeDtypeStruct((NC, NP, d), f32),
        mesh=_mesh(),
        compiler_params=_SC_PARAMS,
        scratch_types=[
            pltpu.VMEM((2 * G, CHUNK), jnp.int32),
            pltpu.VMEM((2 * G, CHUNK), jnp.int32),
            pltpu.VMEM((G * CHUNK, d), f32),
            pltpu.VMEM((G * CHUNK, d), f32),
            pltpu.VMEM_SHARED((NP, d), f32),
            pltpu.SemaphoreType.DMA,
            pltpu.SemaphoreType.DMA,
            pltpu.SemaphoreType.DMA,
            pltpu.SemaphoreType.DMA,
        ],
    )


def _k2_body(x_ref, w1_ref, o_ref):
    o_ref[...] = jnp.dot(x_ref[...], w1_ref[...],
                         preferred_element_type=jnp.float32)


def _k4_body(acc_ref, h1p_ref, dinv_ref, b1_ref, w2_ref, o_ref):
    dinv = dinv_ref[...]
    agg = acc_ref[0] + acc_ref[1] + h1p_ref[...]
    z = jnp.maximum(dinv * agg + b1_ref[...], 0.0)
    t2 = jnp.dot(z, w2_ref[...], preferred_element_type=jnp.float32)
    o_ref[...] = jnp.concatenate(
        [dinv[:, :CLS] * t2, jnp.zeros((t2.shape[0], H - CLS), jnp.float32)],
        axis=1)


def _k6_body(acc_ref, h2p_ref, dinv_ref, b2_ref, o_ref):
    o = dinv_ref[...][:, :CLS] * (
        acc_ref[0][:, :CLS] + acc_ref[1][:, :CLS] + h2p_ref[...][:, :CLS])
    o = o + b2_ref[...]
    m = jnp.max(o, axis=1, keepdims=True)
    ssum = jnp.sum(jnp.exp(o - m), axis=1, keepdims=True)
    o_ref[...] = o - m - jnp.log(ssum)


@jax.jit
def kernel(x, edge_index, W1, b1, W2, b2):
    f32 = jnp.float32
    row = edge_index[0].astype(jnp.int32)
    col = edge_index[1].astype(jnp.int32)
    e = row.shape[0]
    blk_edges = NW * G * CHUNK
    nblk = (e + blk_edges - 1) // blk_edges
    ep = nblk * blk_edges
    npad = ep - e
    padi = N + (jnp.arange(npad, dtype=jnp.int32) % 128)
    row_p = jnp.concatenate([row, padi]).reshape(NW, nblk, G, CHUNK)
    col_p = jnp.concatenate([col, padi]).reshape(NW, nblk, G, CHUNK)
    eidx = jnp.stack([row_p, col_p], axis=2).reshape(NW, nblk, 2 * G, CHUNK)
    x_p = jnp.pad(x, ((0, NP - N), (0, 0)))
    z1 = jnp.zeros((NP,), f32)
    z16 = jnp.zeros((NP, H), f32)

    t1 = pl.pallas_call(
        _k2_body, grid=(NP // BN,),
        in_specs=[pl.BlockSpec((BN, F), lambda i: (i, 0)),
                  pl.BlockSpec((F, H), lambda i: (0, 0))],
        out_specs=pl.BlockSpec((BN, H), lambda i: (i, 0)),
        out_shape=jax.ShapeDtypeStruct((NP, H), f32),
    )(x_p, W1)

    k1a = pl.kernel(
        functools.partial(_k1a_body, nblk),
        out_type=jax.ShapeDtypeStruct((NC, NP), f32),
        mesh=_mesh(),
        compiler_params=_SC_PARAMS,
        scratch_types=[
            pltpu.VMEM((2 * G, CHUNK), jnp.int32),
            pltpu.VMEM((2 * G, CHUNK), jnp.int32),
            pltpu.VMEM((CHUNK,), f32),
            pltpu.VMEM((NPT // 8,), f32),
            pltpu.VMEM_SHARED((NP,), f32),
            pltpu.SemaphoreType.DMA,
            pltpu.SemaphoreType.DMA,
        ],
    )
    deg_part = k1a(eidx, z1)

    k1b = pl.kernel(
        _k1b_body,
        out_type=(jax.ShapeDtypeStruct((NP, H), f32),
                  jax.ShapeDtypeStruct((NP, H), f32)),
        mesh=_mesh(),
        compiler_params=_SC_PARAMS,
        scratch_types=[
            pltpu.VMEM((NPW,), f32),
            pltpu.VMEM((NPW,), f32),
            pltpu.VMEM((16,), f32),
            pltpu.VMEM((CH1B, H), f32),
            pltpu.VMEM((CH1B, H), f32),
            pltpu.VMEM((CH1B, H), f32),
        ],
    )
    dinv16, h1p = k1b(deg_part, t1)

    acc1 = _prop_kernel(nblk, H)(eidx, z16, h1p)

    h2p = pl.pallas_call(
        _k4_body, grid=(NP // BN,),
        in_specs=[pl.BlockSpec((NC, BN, H), lambda i: (0, i, 0)),
                  pl.BlockSpec((BN, H), lambda i: (i, 0)),
                  pl.BlockSpec((BN, H), lambda i: (i, 0)),
                  pl.BlockSpec((1, H), lambda i: (0, 0)),
                  pl.BlockSpec((H, CLS), lambda i: (0, 0))],
        out_specs=pl.BlockSpec((BN, H), lambda i: (i, 0)),
        out_shape=jax.ShapeDtypeStruct((NP, H), f32),
    )(acc1, h1p, dinv16, b1.reshape(1, H), W2)

    acc2 = _prop_kernel(nblk, H)(eidx, z16, h2p)

    out = pl.pallas_call(
        _k6_body, grid=(NP // BN,),
        in_specs=[pl.BlockSpec((NC, BN, H), lambda i: (0, i, 0)),
                  pl.BlockSpec((BN, H), lambda i: (i, 0)),
                  pl.BlockSpec((BN, H), lambda i: (i, 0)),
                  pl.BlockSpec((1, CLS), lambda i: (0, 0))],
        out_specs=pl.BlockSpec((BN, CLS), lambda i: (i, 0)),
        out_shape=jax.ShapeDtypeStruct((NP, CLS), f32),
    )(acc2, h2p, dinv16, b2.reshape(1, CLS))

    return out[:N]

# --- scband reference (transcript-rebuilt; emitter-appended) ---
"""Pipeline reference for scband-net-23536420782419 (READ-ONLY COPY).

The authoritative reference and input builder live on the scoring server;
editing this copy changes nothing except your own understanding.
"""

import jax, jax.numpy as jnp
import numpy as np

N_NODES = 100000
N_EDGES = 3200000
N_FEATURES = 20
HIDDEN = 16
N_CLASSES = 2


def setup_inputs(seed: int = 0) -> dict:
    key = jax.random.key(seed)
    k1, k2, k3, k4, k5, k6 = jax.random.split(key, 6)
    x = jax.random.normal(k1, (N_NODES, N_FEATURES), dtype=jnp.float32)
    edge_index = jax.random.randint(k2, (2, N_EDGES), 0, N_NODES, dtype=jnp.int64)
    # GCNConv(20, 16) params (glorot weight, zero bias like PyG defaults)
    W1 = jax.random.normal(k3, (N_FEATURES, HIDDEN), dtype=jnp.float32) * (2.0 / (N_FEATURES + HIDDEN)) ** 0.5
    b1 = jnp.zeros((HIDDEN,), dtype=jnp.float32)
    # GCNConv(16, 2) params
    W2 = jax.random.normal(k4, (HIDDEN, N_CLASSES), dtype=jnp.float32) * (2.0 / (HIDDEN + N_CLASSES)) ** 0.5
    b2 = jnp.zeros((N_CLASSES,), dtype=jnp.float32)
    return {"x": x, "edge_index": edge_index, "W1": W1, "b1": b1, "W2": W2, "b2": b2}


def _gcn_conv(x, edge_index, W, b, n_nodes):
    # Faithful GCNConv: add self-loops, symmetric normalization, linear transform,
    # scatter-add aggregation (source_to_target flow).
    row = edge_index[0]
    col = edge_index[1]
    loop = jnp.arange(n_nodes, dtype=row.dtype)
    row = jnp.concatenate([row, loop])
    col = jnp.concatenate([col, loop])
    edge_weight = jnp.ones(row.shape[0], dtype=x.dtype)
    deg = jnp.zeros((n_nodes,), dtype=x.dtype).at[col].add(edge_weight)
    deg_inv_sqrt = jnp.where(deg > 0, deg ** -0.5, 0.0)
    norm = deg_inv_sqrt[row] * edge_weight * deg_inv_sqrt[col]
    h = x @ W
    out = jnp.zeros((n_nodes, h.shape[1]), dtype=h.dtype).at[col].add(norm[:, None] * h[row])
    return out + b


def reference(x, edge_index, W1, b1, W2, b2):
    n = x.shape[0]
    h = _gcn_conv(x, edge_index, W1, b1, n)
    h = jax.nn.relu(h)
    # F.dropout(training=self.training): identity in eval mode
    h = _gcn_conv(h, edge_index, W2, b2, n)
    return jax.nn.log_softmax(h, axis=1)

if __name__ == "__main__":
    import jax
    _d = setup_inputs()
    print(jax.jit(kernel)(*tuple(_d.values())))

</pallas_src>

<mosaic_0001>
#map = affine_map<(d0, d1) -> (0, 0, 0, 0)>
#map1 = affine_map<(d0, d1) -> (0)>
#map2 = affine_map<(d0, d1) -> (0, 0)>
module attributes {stable_mosaic.version = 14 : i64} {
  func.func @_k1a_body(%arg0: i32, %arg1: i32, %arg2: memref<32x196x8x128xi32, #tpu.memory_space<hbm>>, %arg3: memref<102400xf32, #tpu.memory_space<hbm>>, %arg4: memref<2x102400xf32, #tpu.memory_space<hbm>>, %arg5: memref<8x128xi32, #tpu.memory_space<vmem>>, %arg6: memref<8x128xi32, #tpu.memory_space<vmem>>, %arg7: memref<128xf32, #tpu.memory_space<vmem>>, %arg8: memref<800xf32, #tpu.memory_space<vmem>>, %arg9: memref<102400xf32, #tpu.memory_space<vmem_shared>>, %arg10: memref<!tpu.dma_semaphore, #tpu.memory_space<semaphore_mem>>, %arg11: memref<!tpu.dma_semaphore, #tpu.memory_space<semaphore_mem>>) attributes {dimension_semantics = [#tpu.dimension_semantics<core_parallel>, #tpu.dimension_semantics<subcore_parallel>], iteration_bounds = array<i64: 2, 16>, scalar_prefetch = 0 : i64, scratch_operands = 7 : i64, tpu.core_type = #tpu.core_type<sc_vector_subcore>, window_params = [{transform_indices = #map}, {transform_indices = #map1}, {transform_indices = #map2}]} {
    %mul3A = arith.constant 16 : i32
    %mul3A_0 = arith.muli %arg0, %mul3A : i32
    %add3A = arith.addi %mul3A_0, %arg1 : i32
    %broadcast_in_dim3A = arith.constant 1.000000e+00 : f32
    %broadcast_in_dim3A_1 = vector.broadcast %broadcast_in_dim3A : f32 to vector<16xf32>
    %scan3A = arith.constant 0 : i32
    %scan3A_2 = arith.constant 8 : i32
    %scan3A_3 = arith.addi %scan3A, %scan3A_2 : i32
    %scan3A_4 = arith.constant 1 : i32
    scf.for %scan3A_60 = %scan3A to %scan3A_3 step %scan3A_4  : i32 {
      %mul3A_61 = arith.constant 1 : i32
      %mul3A_62 = arith.muli %scan3A_60, %mul3A_61 : i32
      %add3A_63 = arith.constant 0 : i32
      %add3A_64 = arith.addi %add3A_63, %mul3A_62 : i32
      %mul3A_65 = arith.constant 16 : i32
      %mul3A_66 = arith.muli %add3A_64, %mul3A_65 : i32
      %swap3A = arith.index_cast %mul3A_66 : i32 to index
      %swap3A_67 = tpu.vector_load %arg7[%swap3A] {strides = array<i32>} : memref<128xf32, #tpu.memory_space<vmem>>, vector<16xf32>,
      tpu.vector_store %arg7[%swap3A], %broadcast_in_dim3A_1 {strides = array<i32>} : memref<128xf32, #tpu.memory_space<vmem>>, vector<16xf32>,
    }
    %scan3A_5 = arith.constant 8 : i32
    %broadcast_in_dim3A_6 = arith.constant 0.000000e+00 : f32
    %broadcast_in_dim3A_7 = vector.broadcast %broadcast_in_dim3A_6 : f32 to vector<16xf32>
    %scan3A_8 = arith.constant 0 : i32
    %scan3A_9 = arith.constant 50 : i32
    %scan3A_10 = arith.addi %scan3A_8, %scan3A_9 : i32
    %scan3A_11 = arith.constant 1 : i32
    scf.for %scan3A_60 = %scan3A_8 to %scan3A_10 step %scan3A_11  : i32 {
      %mul3A_61 = arith.constant 1 : i32
      %mul3A_62 = arith.muli %scan3A_60, %mul3A_61 : i32
      %add3A_63 = arith.constant 0 : i32
      %add3A_64 = arith.addi %add3A_63, %mul3A_62 : i32
      %mul3A_65 = arith.constant 16 : i32
      %mul3A_66 = arith.muli %add3A_64, %mul3A_65 : i32
      %swap3A = arith.index_cast %mul3A_66 : i32 to index
      %swap3A_67 = tpu.vector_load %arg8[%swap3A] {strides = array<i32>} : memref<800xf32, #tpu.memory_space<vmem>>, vector<16xf32>,
      tpu.vector_store %arg8[%swap3A], %broadcast_in_dim3A_7 {strides = array<i32>} : memref<800xf32, #tpu.memory_space<vmem>>, vector<16xf32>,
    }
    %scan3A_12 = arith.constant 50 : i32
    %scan3A_13 = arith.constant 0 : i32
    %scan3A_14 = arith.constant 8 : i32
    %scan3A_15 = arith.addi %scan3A_13, %scan3A_14 : i32
    %scan3A_16 = arith.constant 1 : i32
    scf.for %scan3A_60 = %scan3A_13 to %scan3A_15 step %scan3A_16  : i32 {
      %mul3A_61 = arith.constant 1 : i32
      %mul3A_62 = arith.muli %scan3A_60, %mul3A_61 : i32
      %add3A_63 = arith.constant 0 : i32
      %add3A_64 = arith.addi %add3A_63, %mul3A_62 : i32
      %mul3A_65 = arith.constant 6400 : i32
      %mul3A_66 = arith.muli %arg1, %mul3A_65 : i32
      %mul3A_67 = arith.constant 800 : i32
      %mul3A_68 = arith.muli %add3A_64, %mul3A_67 : i32
      %add3A_69 = arith.addi %mul3A_66, %mul3A_68 : i32
      "tpu.region"() ({
        %run_scoped3A = tpu.sem_alloc : memref<!tpu.dma_semaphore, #tpu.memory_space<semaphore_mem>>
        %dma_start3A = tpu.memref_slice %arg9[%add3A_69] : memref<102400xf32, #tpu.memory_space<vmem_shared>> -> memref<800xf32, #tpu.memory_space<vmem_shared>>
        %dma_start3A_70 = tpu.memref_slice %arg9[%add3A_69] : memref<102400xf32, #tpu.memory_space<vmem_shared>> -> memref<800xf32, #tpu.memory_space<vmem_shared>>
        tpu.enqueue_dma source(%arg8 : memref<800xf32, #tpu.memory_space<vmem>>) target(%dma_start3A_70 : memref<800xf32, #tpu.memory_space<vmem_shared>>) target_semaphore(%run_scoped3A : memref<!tpu.dma_semaphore, #tpu.memory_space<semaphore_mem>>)
        %dma_wait3A_71 = tpu.memref_slice %arg9[%add3A_69] : memref<102400xf32, #tpu.memory_space<vmem_shared>> -> memref<800xf32, #tpu.memory_space<vmem_shared>>
        %dma_wait3A_72 = tpu.memref_slice %arg9[%add3A_69] : memref<102400xf32, #tpu.memory_space<vmem_shared>> -> memref<800xf32, #tpu.memory_space<vmem_shared>>
        tpu.wait_dma2 semaphore(%run_scoped3A : memref<!tpu.dma_semaphore, #tpu.memory_space<semaphore_mem>>) src(%arg8 : memref<800xf32, #tpu.memory_space<vmem>>) dst(%dma_wait3A_72 : memref<800xf32, #tpu.memory_space<vmem_shared>>)
        tpu.yield
      }) : () -> ()
    }
    %scan3A_17 = arith.constant 8 : i32
    %barrier3A = arith.constant 0 : index
    tpu.barrier barrier_id(%barrier3A)
    %scan3A_18 = arith.constant 0 : i32
    %scan3A_19 = arith.constant 196 : i32
    %scan3A_20 = arith.addi %scan3A_18, %scan3A_19 : i32
    %scan3A_21 = arith.constant 1 : i32
    scf.for %scan3A_60 = %scan3A_18 to %scan3A_20 step %scan3A_21  : i32 {
      %mul3A_61 = arith.constant 1 : i32
      %mul3A_62 = arith.muli %scan3A_60, %mul3A_61 : i32
      %add3A_63 = arith.constant 0 : i32
      %add3A_64 = arith.addi %add3A_63, %mul3A_62 : i32
      %jit3A = arith.constant 2 : i32
      %eq3A = arith.constant 0 : i32
      %eq3A_65 = arith.cmpi eq, %jit3A, %eq3A : i32
      %jit3A_66 = arith.constant 1 : i32
      %select_n3A = arith.select %eq3A_65, %jit3A_66, %jit3A : i32
      %rem3A = arith.remsi %add3A_64, %select_n3A : i32
      %ne3A = arith.constant 0 : i32
      %ne3A_67 = arith.cmpi ne, %rem3A, %ne3A : i32
      %lt3A = arith.constant 0 : i32
      %lt3A_68 = arith.cmpi slt, %rem3A, %lt3A : i32
      %lt3A_69 = arith.constant 0 : i32
      %lt3A_70 = arith.cmpi slt, %select_n3A, %lt3A_69 : i32
      %ne3A_71 = arith.xori %lt3A_68, %lt3A_70 : i1
      %and3A = arith.andi %ne3A_71, %ne3A_67 : i1
      %add3A_72 = arith.addi %rem3A, %select_n3A : i32
      %select_n3A_73 = arith.select %and3A, %add3A_72, %rem3A : i32
      %eq3A_74 = arith.constant 0 : i32
      %eq3A_75 = arith.cmpi eq, %select_n3A_73, %eq3A_74 : i32
      %convert_element_type3A = arith.extui %eq3A_75 : i1 to i32
      %cond3A = arith.constant 0 : i32
      %cond3A_76 = arith.cmpi ne, %convert_element_type3A, %cond3A : i32
      scf.if %cond3A_76 {
        %ge3A = arith.constant 2 : i32
        %ge3A_98 = arith.cmpi sge, %add3A_64, %ge3A : i32
        %convert_element_type3A_99 = arith.extui %ge3A_98 : i1 to i32
        %cond3A_100 = arith.constant 0 : i32
        %cond3A_101 = arith.cmpi ne, %convert_element_type3A_99, %cond3A_100 : i32
        scf.if %cond3A_101 {
          %dma_wait3A_125 = arith.constant 0 : i32
          %dma_wait3A_126 = tpu.memref_slice %arg3[%dma_wait3A_125] : memref<102400xf32, #tpu.memory_space<hbm>> -> memref<128xf32, #tpu.memory_space<hbm>>
          %dma_wait3A_127 = arith.constant 0 : i32
          %dma_wait3A_128 = tpu.memref_slice %arg3[%dma_wait3A_127] : memref<102400xf32, #tpu.memory_space<hbm>> -> memref<128xf32, #tpu.memory_space<hbm>>
          tpu.wait_dma2 semaphore(%arg10 : memref<!tpu.dma_semaphore, #tpu.memory_space<semaphore_mem>>) src(%dma_wait3A_128 : memref<128xf32, #tpu.memory_space<hbm>>) dst(%arg7 : memref<128xf32, #tpu.memory_space<vmem>>)
          %dma_wait3A_129 = arith.constant 0 : i32
          %dma_wait3A_130 = tpu.memref_slice %arg3[%dma_wait3A_129] : memref<102400xf32, #tpu.memory_space<hbm>> -> memref<128xf32, #tpu.memory_space<hbm>>
          %dma_wait3A_131 = arith.constant 0 : i32
          %dma_wait3A_132 = tpu.memref_slice %arg3[%dma_wait3A_131] : memref<102400xf32, #tpu.memory_space<hbm>> -> memref<128xf32, #tpu.memory_space<hbm>>
          tpu.wait_dma2 semaphore(%arg10 : memref<!tpu.dma_semaphore, #tpu.memory_space<semaphore_mem>>) src(%dma_wait3A_132 : memref<128xf32, #tpu.memory_space<hbm>>) dst(%arg7 : memref<128xf32, #tpu.memory_space<vmem>>)
          %dma_wait3A_133 = arith.constant 0 : i32
          %dma_wait3A_134 = tpu.memref_slice %arg3[%dma_wait3A_133] : memref<102400xf32, #tpu.memory_space<hbm>> -> memref<128xf32, #tpu.memory_space<hbm>>
          %dma_wait3A_135 = arith.constant 0 : i32
          %dma_wait3A_136 = tpu.memref_slice %arg3[%dma_wait3A_135] : memref<102400xf32, #tpu.memory_space<hbm>> -> memref<128xf32, #tpu.memory_space<hbm>>
          tpu.wait_dma2 semaphore(%arg10 : memref<!tpu.dma_semaphore, #tpu.memory_space<semaphore_mem>>) src(%dma_wait3A_136 : memref<128xf32, #tpu.memory_space<hbm>>) dst(%arg7 : memref<128xf32, #tpu.memory_space<vmem>>)
          %dma_wait3A_137 = arith.constant 0 : i32
          %dma_wait3A_138 = tpu.memref_slice %arg3[%dma_wait3A_137] : memref<102400xf32, #tpu.memory_space<hbm>> -> memref<128xf32, #tpu.memory_space<hbm>>
          %dma_wait3A_139 = arith.constant 0 : i32
          %dma_wait3A_140 = tpu.memref_slice %arg3[%dma_wait3A_139] : memref<102400xf32, #tpu.memory_space<hbm>> -> memref<128xf32, #tpu.memory_space<hbm>>
          tpu.wait_dma2 semaphore(%arg10 : memref<!tpu.dma_semaphore, #tpu.memory_space<semaphore_mem>>) src(%dma_wait3A_140 : memref<128xf32, #tpu.memory_space<hbm>>) dst(%arg7 : memref<128xf32, #tpu.memory_space<vmem>>)
        } else {
        }
        "tpu.region"() ({
          %run_scoped3A = tpu.sem_alloc : memref<!tpu.dma_semaphore, #tpu.memory_space<semaphore_mem>>
          %dma_start3A_125 = arith.constant 0 : i32
          %dma_start3A_126 = arith.constant 0 : i32
          %dma_start3A_127 = tpu.memref_slice %arg2[%add3A, %add3A_64, %dma_start3A_125, %dma_start3A_126] : memref<32x196x8x128xi32, #tpu.memory_space<hbm>> -> memref<1x1x8x128xi32, #tpu.memory_space<hbm>>
          %dma_start3A_128 = tpu.memref_squeeze %dma_start3A_127 : memref<1x1x8x128xi32, #tpu.memory_space<hbm>> -> memref<8x128xi32, #tpu.memory_space<hbm>>
          %dma_start3A_129 = arith.constant 0 : i32
          %dma_start3A_130 = arith.constant 0 : i32
          %dma_start3A_131 = tpu.memref_slice %arg2[%add3A, %add3A_64, %dma_start3A_129, %dma_start3A_130] : memref<32x196x8x128xi32, #tpu.memory_space<hbm>> -> memref<1x1x8x128xi32, #tpu.memory_space<hbm>>
          %dma_start3A_132 = tpu.memref_squeeze %dma_start3A_131 : memref<1x1x8x128xi32, #tpu.memory_space<hbm>> -> memref<8x128xi32, #tpu.memory_space<hbm>>
          tpu.enqueue_dma source(%dma_start3A_132 : memref<8x128xi32, #tpu.memory_space<hbm>>) target(%arg5 : memref<8x128xi32, #tpu.memory_space<vmem>>) target_semaphore(%run_scoped3A : memref<!tpu.dma_semaphore, #tpu.memory_space<semaphore_mem>>)
          %dma_wait3A_133 = arith.constant 0 : i32
          %dma_wait3A_134 = arith.constant 0 : i32
          %dma_wait3A_135 = tpu.memref_slice %arg2[%add3A, %add3A_64, %dma_wait3A_133, %dma_wait3A_134] : memref<32x196x8x128xi32, #tpu.memory_space<hbm>> -> memref<1x1x8x128xi32, #tpu.memory_space<hbm>>
          %dma_wait3A_136 = tpu.memref_squeeze %dma_wait3A_135 : memref<1x1x8x128xi32, #tpu.memory_space<hbm>> -> memref<8x128xi32, #tpu.memory_space<hbm>>
          %dma_wait3A_137 = arith.constant 0 : i32
          %dma_wait3A_138 = arith.constant 0 : i32
          %dma_wait3A_139 = tpu.memref_slice %arg2[%add3A, %add3A_64, %dma_wait3A_137, %dma_wait3A_138] : memref<32x196x8x128xi32, #tpu.memory_space<hbm>> -> memref<1x1x8x128xi32, #tpu.memory_space<hbm>>
          %dma_wait3A_140 = tpu.memref_squeeze %dma_wait3A_139 : memref<1x1x8x128xi32, #tpu.memory_space<hbm>> -> memref<8x128xi32, #tpu.memory_space<hbm>>
          tpu.wait_dma2 semaphore(%run_scoped3A : memref<!tpu.dma_semaphore, #tpu.memory_space<semaphore_mem>>) src(%dma_wait3A_140 : memref<8x128xi32, #tpu.memory_space<hbm>>) dst(%arg5 : memref<8x128xi32, #tpu.memory_space<vmem>>)
          tpu.yield
        }) : () -> ()
        %dma_start3A = arith.constant 4 : i32
        %dma_start3A_102 = arith.constant 0 : i32
        %dma_start3A_103 = tpu.memref_slice %arg5[%dma_start3A, %dma_start3A_102] : memref<8x128xi32, #tpu.memory_space<vmem>> -> memref<1x128xi32, #tpu.memory_space<vmem>>
        %dma_start3A_104 = tpu.memref_squeeze %dma_start3A_103 : memref<1x128xi32, #tpu.memory_space<vmem>> -> memref<128xi32, #tpu.memory_space<vmem>>
        %dma_start3A_105 = arith.constant 0 : i32
        %dma_start3A_106 = tpu.memref_slice %arg9[%dma_start3A_105] : memref<102400xf32, #tpu.memory_space<vmem_shared>> -> memref<102400xf32, #tpu.memory_space<vmem_shared>>
        tpu.enqueue_indirect_dma source(%arg7 : memref<128xf32, #tpu.memory_space<vmem>>) target(%dma_start3A_106 : memref<102400xf32, #tpu.memory_space<vmem_shared>>) offsets(%dma_start3A_104 : memref<128xi32, #tpu.memory_space<vmem>>) semaphore(%arg10 : memref<!tpu.dma_semaphore, #tpu.memory_space<semaphore_mem>>) {add = true}
        %dma_start3A_107 = arith.constant 5 : i32
        %dma_start3A_108 = arith.constant 0 : i32
        %dma_start3A_109 = tpu.memref_slice %arg5[%dma_start3A_107, %dma_start3A_108] : memref<8x128xi32, #tpu.memory_space<vmem>> -> memref<1x128xi32, #tpu.memory_space<vmem>>
        %dma_start3A_110 = tpu.memref_squeeze %dma_start3A_109 : memref<1x128xi32, #tpu.memory_space<vmem>> -> memref<128xi32, #tpu.memory_space<vmem>>
        %dma_start3A_111 = arith.constant 0 : i32
        %dma_start3A_112 = tpu.memref_slice %arg9[%dma_start3A_111] : memref<102400xf32, #tpu.memory_space<vmem_shared>> -> memref<102400xf32, #tpu.memory_space<vmem_shared>>
        tpu.enqueue_indirect_dma source(%arg7 : memref<128xf32, #tpu.memory_space<vmem>>) target(%dma_start3A_112 : memref<102400xf32, #tpu.memory_space<vmem_shared>>) offsets(%dma_start3A_110 : memref<128xi32, #tpu.memory_space<vmem>>) semaphore(%arg10 : memref<!tpu.dma_semaphore, #tpu.memory_space<semaphore_mem>>) {add = true}
        %dma_start3A_113 = arith.constant 6 : i32
        %dma_start3A_114 = arith.constant 0 : i32
        %dma_start3A_115 = tpu.memref_slice %arg5[%dma_start3A_113, %dma_start3A_114] : memref<8x128xi32, #tpu.memory_space<vmem>> -> memref<1x128xi32, #tpu.memory_space<vmem>>
        %dma_start3A_116 = tpu.memref_squeeze %dma_start3A_115 : memref<1x128xi32, #tpu.memory_space<vmem>> -> memref<128xi32, #tpu.memory_space<vmem>>
        %dma_start3A_117 = arith.constant 0 : i32
        %dma_start3A_118 = tpu.memref_slice %arg9[%dma_start3A_117] : memref<102400xf32, #tpu.memory_space<vmem_shared>> -> memref<102400xf32, #tpu.memory_space<vmem_shared>>
        tpu.enqueue_indirect_dma source(%arg7 : memref<128xf32, #tpu.memory_space<vmem>>) target(%dma_start3A_118 : memref<102400xf32, #tpu.memory_space<vmem_shared>>) offsets(%dma_start3A_116 : memref<128xi32, #tpu.memory_space<vmem>>) semaphore(%arg10 : memref<!tpu.dma_semaphore, #tpu.memory_space<semaphore_mem>>) {add = true}
        %dma_start3A_119 = arith.constant 7 : i32
        %dma_start3A_120 = arith.constant 0 : i32
        %dma_start3A_121 = tpu.memref_slice %arg5[%dma_start3A_119, %dma_start3A_120] : memref<8x128xi32, #tpu.memory_space<vmem>> -> memref<1x128xi32, #tpu.memory_space<vmem>>
        %dma_start3A_122 = tpu.memref_squeeze %dma_start3A_121 : memref<1x128xi32, #tpu.memory_space<vmem>> -> memref<128xi32, #tpu.memory_space<vmem>>
        %dma_start3A_123 = arith.constant 0 : i32
        %dma_start3A_124 = tpu.memref_slice %arg9[%dma_start3A_123] : memref<102400xf32, #tpu.memory_space<vmem_shared>> -> memref<102400xf32, #tpu.memory_space<vmem_shared>>
        tpu.enqueue_indirect_dma source(%arg7 : memref<128xf32, #tpu.memory_space<vmem>>) target(%dma_start3A_124 : memref<102400xf32, #tpu.memory_space<vmem_shared>>) offsets(%dma_start3A_122 : memref<128xi32, #tpu.memory_space<vmem>>) semaphore(%arg10 : memref<!tpu.dma_semaphore, #tpu.memory_space<semaphore_mem>>) {add = true}
      } else {
      }
      %jit3A_77 = arith.constant 2 : i32
      %eq3A_78 = arith.constant 0 : i32
      %eq3A_79 = arith.cmpi eq, %jit3A_77, %eq3A_78 : i32
      %jit3A_80 = arith.constant 1 : i32
      %select_n3A_81 = arith.select %eq3A_79, %jit3A_80, %jit3A_77 : i32
      %rem3A_82 = arith.remsi %add3A_64, %select_n3A_81 : i32
      %ne3A_83 = arith.constant 0 : i32
      %ne3A_84 = arith.cmpi ne, %rem3A_82, %ne3A_83 : i32
      %lt3A_85 = arith.constant 0 : i32
      %lt3A_86 = arith.cmpi slt, %rem3A_82, %lt3A_85 : i32
      %lt3A_87 = arith.constant 0 : i32
      %lt3A_88 = arith.cmpi slt, %select_n3A_81, %lt3A_87 : i32
      %ne3A_89 = arith.xori %lt3A_86, %lt3A_88 : i1
      %and3A_90 = arith.andi %ne3A_89, %ne3A_84 : i1
      %add3A_91 = arith.addi %rem3A_82, %select_n3A_81 : i32
      %select_n3A_92 = arith.select %and3A_90, %add3A_91, %rem3A_82 : i32
      %eq3A_93 = arith.constant 1 : i32
      %eq3A_94 = arith.cmpi eq, %select_n3A_92, %eq3A_93 : i32
      %convert_element_type3A_95 = arith.extui %eq3A_94 : i1 to i32
      %cond3A_96 = arith.constant 0 : i32
      %cond3A_97 = arith.cmpi ne, %convert_element_type3A_95, %cond3A_96 : i32
      scf.if %cond3A_97 {
        %ge3A = arith.constant 2 : i32
        %ge3A_98 = arith.cmpi sge, %add3A_64, %ge3A : i32
        %convert_element_type3A_99 = arith.extui %ge3A_98 : i1 to i32
        %cond3A_100 = arith.constant 0 : i32
        %cond3A_101 = arith.cmpi ne, %convert_element_type3A_99, %cond3A_100 : i32
        scf.if %cond3A_101 {
          %dma_wait3A_125 = arith.constant 0 : i32
          %dma_wait3A_126 = tpu.memref_slice %arg3[%dma_wait3A_125] : memref<102400xf32, #tpu.memory_space<hbm>> -> memref<128xf32, #tpu.memory_space<hbm>>
          %dma_wait3A_127 = arith.constant 0 : i32
          %dma_wait3A_128 = tpu.memref_slice %arg3[%dma_wait3A_127] : memref<102400xf32, #tpu.memory_space<hbm>> -> memref<128xf32, #tpu.memory_space<hbm>>
          tpu.wait_dma2 semaphore(%arg11 : memref<!tpu.dma_semaphore, #tpu.memory_space<semaphore_mem>>) src(%dma_wait3A_128 : memref<128xf32, #tpu.memory_space<hbm>>) dst(%arg7 : memref<128xf32, #tpu.memory_space<vmem>>)
          %dma_wait3A_129 = arith.constant 0 : i32
          %dma_wait3A_130 = tpu.memref_slice %arg3[%dma_wait3A_129] : memref<102400xf32, #tpu.memory_space<hbm>> -> memref<128xf32, #tpu.memory_space<hbm>>
          %dma_wait3A_131 = arith.constant 0 : i32
          %dma_wait3A_132 = tpu.memref_slice %arg3[%dma_wait3A_131] : memref<102400xf32, #tpu.memory_space<hbm>> -> memref<128xf32, #tpu.memory_space<hbm>>
          tpu.wait_dma2 semaphore(%arg11 : memref<!tpu.dma_semaphore, #tpu.memory_space<semaphore_mem>>) src(%dma_wait3A_132 : memref<128xf32, #tpu.memory_space<hbm>>) dst(%arg7 : memref<128xf32, #tpu.memory_space<vmem>>)
          %dma_wait3A_133 = arith.constant 0 : i32
          %dma_wait3A_134 = tpu.memref_slice %arg3[%dma_wait3A_133] : memref<102400xf32, #tpu.memory_space<hbm>> -> memref<128xf32, #tpu.memory_space<hbm>>
          %dma_wait3A_135 = arith.constant 0 : i32
          %dma_wait3A_136 = tpu.memref_slice %arg3[%dma_wait3A_135] : memref<102400xf32, #tpu.memory_space<hbm>> -> memref<128xf32, #tpu.memory_space<hbm>>
          tpu.wait_dma2 semaphore(%arg11 : memref<!tpu.dma_semaphore, #tpu.memory_space<semaphore_mem>>) src(%dma_wait3A_136 : memref<128xf32, #tpu.memory_space<hbm>>) dst(%arg7 : memref<128xf32, #tpu.memory_space<vmem>>)
          %dma_wait3A_137 = arith.constant 0 : i32
          %dma_wait3A_138 = tpu.memref_slice %arg3[%dma_wait3A_137] : memref<102400xf32, #tpu.memory_space<hbm>> -> memref<128xf32, #tpu.memory_space<hbm>>
          %dma_wait3A_139 = arith.constant 0 : i32
          %dma_wait3A_140 = tpu.memref_slice %arg3[%dma_wait3A_139] : memref<102400xf32, #tpu.memory_space<hbm>> -> memref<128xf32, #tpu.memory_space<hbm>>
          tpu.wait_dma2 semaphore(%arg11 : memref<!tpu.dma_semaphore, #tpu.memory_space<semaphore_mem>>) src(%dma_wait3A_140 : memref<128xf32, #tpu.memory_space<hbm>>) dst(%arg7 : memref<128xf32, #tpu.memory_space<vmem>>)
        } else {
        }
        "tpu.region"() ({
          %run_scoped3A = tpu.sem_alloc : memref<!tpu.dma_semaphore, #tpu.memory_space<semaphore_mem>>
          %dma_start3A_125 = arith.constant 0 : i32
          %dma_start3A_126 = arith.constant 0 : i32
          %dma_start3A_127 = tpu.memref_slice %arg2[%add3A, %add3A_64, %dma_start3A_125, %dma_start3A_126] : memref<32x196x8x128xi32, #tpu.memory_space<hbm>> -> memref<1x1x8x128xi32, #tpu.memory_space<hbm>>
          %dma_start3A_128 = tpu.memref_squeeze %dma_start3A_127 : memref<1x1x8x128xi32, #tpu.memory_space<hbm>> -> memref<8x128xi32, #tpu.memory_space<hbm>>
          %dma_start3A_129 = arith.constant 0 : i32
          %dma_start3A_130 = arith.constant 0 : i32
          %dma_start3A_131 = tpu.memref_slice %arg2[%add3A, %add3A_64, %dma_start3A_129, %dma_start3A_130] : memref<32x196x8x128xi32, #tpu.memory_space<hbm>> -> memref<1x1x8x128xi32, #tpu.memory_space<hbm>>
          %dma_start3A_132 = tpu.memref_squeeze %dma_start3A_131 : memref<1x1x8x128xi32, #tpu.memory_space<hbm>> -> memref<8x128xi32, #tpu.memory_space<hbm>>
          tpu.enqueue_dma source(%dma_start3A_132 : memref<8x128xi32, #tpu.memory_space<hbm>>) target(%arg6 : memref<8x128xi32, #tpu.memory_space<vmem>>) target_semaphore(%run_scoped3A : memref<!tpu.dma_semaphore, #tpu.memory_space<semaphore_mem>>)
          %dma_wait3A_133 = arith.constant 0 : i32
          %dma_wait3A_134 = arith.constant 0 : i32
          %dma_wait3A_135 = tpu.memref_slice %arg2[%add3A, %add3A_64, %dma_wait3A_133, %dma_wait3A_134] : memref<32x196x8x128xi32, #tpu.memory_space<hbm>> -> memref<1x1x8x128xi32, #tpu.memory_space<hbm>>
          %dma_wait3A_136 = tpu.memref_squeeze %dma_wait3A_135 : memref<1x1x8x128xi32, #tpu.memory_space<hbm>> -> memref<8x128xi32, #tpu.memory_space<hbm>>
          %dma_wait3A_137 = arith.constant 0 : i32
          %dma_wait3A_138 = arith.constant 0 : i32
          %dma_wait3A_139 = tpu.memref_slice %arg2[%add3A, %add3A_64, %dma_wait3A_137, %dma_wait3A_138] : memref<32x196x8x128xi32, #tpu.memory_space<hbm>> -> memref<1x1x8x128xi32, #tpu.memory_space<hbm>>
          %dma_wait3A_140 = tpu.memref_squeeze %dma_wait3A_139 : memref<1x1x8x128xi32, #tpu.memory_space<hbm>> -> memref<8x128xi32, #tpu.memory_space<hbm>>
          tpu.wait_dma2 semaphore(%run_scoped3A : memref<!tpu.dma_semaphore, #tpu.memory_space<semaphore_mem>>) src(%dma_wait3A_140 : memref<8x128xi32, #tpu.memory_space<hbm>>) dst(%arg6 : memref<8x128xi32, #tpu.memory_space<vmem>>)
          tpu.yield
        }) : () -> ()
        %dma_start3A = arith.constant 4 : i32
        %dma_start3A_102 = arith.constant 0 : i32
        %dma_start3A_103 = tpu.memref_slice %arg6[%dma_start3A, %dma_start3A_102] : memref<8x128xi32, #tpu.memory_space<vmem>> -> memref<1x128xi32, #tpu.memory_space<vmem>>
        %dma_start3A_104 = tpu.memref_squeeze %dma_start3A_103 : memref<1x128xi32, #tpu.memory_space<vmem>> -> memref<128xi32, #tpu.memory_space<vmem>>
        %dma_start3A_105 = arith.constant 0 : i32
        %dma_start3A_106 = tpu.memref_slice %arg9[%dma_start3A_105] : memref<102400xf32, #tpu.memory_space<vmem_shared>> -> memref<102400xf32, #tpu.memory_space<vmem_shared>>
        tpu.enqueue_indirect_dma source(%arg7 : memref<128xf32, #tpu.memory_space<vmem>>) target(%dma_start3A_106 : memref<102400xf32, #tpu.memory_space<vmem_shared>>) offsets(%dma_start3A_104 : memref<128xi32, #tpu.memory_space<vmem>>) semaphore(%arg11 : memref<!tpu.dma_semaphore, #tpu.memory_space<semaphore_mem>>) {add = true}
        %dma_start3A_107 = arith.constant 5 : i32
        %dma_start3A_108 = arith.constant 0 : i32
        %dma_start3A_109 = tpu.memref_slice %arg6[%dma_start3A_107, %dma_start3A_108] : memref<8x128xi32, #tpu.memory_space<vmem>> -> memref<1x128xi32, #tpu.memory_space<vmem>>
        %dma_start3A_110 = tpu.memref_squeeze %dma_start3A_109 : memref<1x128xi32, #tpu.memory_space<vmem>> -> memref<128xi32, #tpu.memory_space<vmem>>
        %dma_start3A_111 = arith.constant 0 : i32
        %dma_start3A_112 = tpu.memref_slice %arg9[%dma_start3A_111] : memref<102400xf32, #tpu.memory_space<vmem_shared>> -> memref<102400xf32, #tpu.memory_space<vmem_shared>>
        tpu.enqueue_indirect_dma source(%arg7 : memref<128xf32, #tpu.memory_space<vmem>>) target(%dma_start3A_112 : memref<102400xf32, #tpu.memory_space<vmem_shared>>) offsets(%dma_start3A_110 : memref<128xi32, #tpu.memory_space<vmem>>) semaphore(%arg11 : memref<!tpu.dma_semaphore, #tpu.memory_space<semaphore_mem>>) {add = true}
        %dma_start3A_113 = arith.constant 6 : i32
        %dma_start3A_114 = arith.constant 0 : i32
        %dma_start3A_115 = tpu.memref_slice %arg6[%dma_start3A_113, %dma_start3A_114] : memref<8x128xi32, #tpu.memory_space<vmem>> -> memref<1x128xi32, #tpu.memory_space<vmem>>
        %dma_start3A_116 = tpu.memref_squeeze %dma_start3A_115 : memref<1x128xi32, #tpu.memory_space<vmem>> -> memref<128xi32, #tpu.memory_space<vmem>>
        %dma_start3A_117 = arith.constant 0 : i32
        %dma_start3A_118 = tpu.memref_slice %arg9[%dma_start3A_117] : memref<102400xf32, #tpu.memory_space<vmem_shared>> -> memref<102400xf32, #tpu.memory_space<vmem_shared>>
        tpu.enqueue_indirect_dma source(%arg7 : memref<128xf32, #tpu.memory_space<vmem>>) target(%dma_start3A_118 : memref<102400xf32, #tpu.memory_space<vmem_shared>>) offsets(%dma_start3A_116 : memref<128xi32, #tpu.memory_space<vmem>>) semaphore(%arg11 : memref<!tpu.dma_semaphore, #tpu.memory_space<semaphore_mem>>) {add = true}
        %dma_start3A_119 = arith.constant 7 : i32
        %dma_start3A_120 = arith.constant 0 : i32
        %dma_start3A_121 = tpu.memref_slice %arg6[%dma_start3A_119, %dma_start3A_120] : memref<8x128xi32, #tpu.memory_space<vmem>> -> memref<1x128xi32, #tpu.memory_space<vmem>>
        %dma_start3A_122 = tpu.memref_squeeze %dma_start3A_121 : memref<1x128xi32, #tpu.memory_space<vmem>> -> memref<128xi32, #tpu.memory_space<vmem>>
        %dma_start3A_123 = arith.constant 0 : i32
        %dma_start3A_124 = tpu.memref_slice %arg9[%dma_start3A_123] : memref<102400xf32, #tpu.memory_space<vmem_shared>> -> memref<102400xf32, #tpu.memory_space<vmem_shared>>
        tpu.enqueue_indirect_dma source(%arg7 : memref<128xf32, #tpu.memory_space<vmem>>) target(%dma_start3A_124 : memref<102400xf32, #tpu.memory_space<vmem_shared>>) offsets(%dma_start3A_122 : memref<128xi32, #tpu.memory_space<vmem>>) semaphore(%arg11 : memref<!tpu.dma_semaphore, #tpu.memory_space<semaphore_mem>>) {add = true}
      } else {
      }
    }
    %scan3A_22 = arith.constant 196 : i32
    %dma_wait3A = arith.constant 0 : i32
    %dma_wait3A_23 = tpu.memref_slice %arg3[%dma_wait3A] : memref<102400xf32, #tpu.memory_space<hbm>> -> memref<128xf32, #tpu.memory_space<hbm>>
    %dma_wait3A_24 = arith.constant 0 : i32
    %dma_wait3A_25 = tpu.memref_slice %arg3[%dma_wait3A_24] : memref<102400xf32, #tpu.memory_space<hbm>> -> memref<128xf32, #tpu.memory_space<hbm>>
    tpu.wait_dma2 semaphore(%arg10 : memref<!tpu.dma_semaphore, #tpu.memory_space<semaphore_mem>>) src(%dma_wait3A_25 : memref<128xf32, #tpu.memory_space<hbm>>) dst(%arg7 : memref<128xf32, #tpu.memory_space<vmem>>)
    %dma_wait3A_26 = arith.constant 0 : i32
    %dma_wait3A_27 = tpu.memref_slice %arg3[%dma_wait3A_26] : memref<102400xf32, #tpu.memory_space<hbm>> -> memref<128xf32, #tpu.memory_space<hbm>>
    %dma_wait3A_28 = arith.constant 0 : i32
    %dma_wait3A_29 = tpu.memref_slice %arg3[%dma_wait3A_28] : memref<102400xf32, #tpu.memory_space<hbm>> -> memref<128xf32, #tpu.memory_space<hbm>>
    tpu.wait_dma2 semaphore(%arg10 : memref<!tpu.dma_semaphore, #tpu.memory_space<semaphore_mem>>) src(%dma_wait3A_29 : memref<128xf32, #tpu.memory_space<hbm>>) dst(%arg7 : memref<128xf32, #tpu.memory_space<vmem>>)
    %dma_wait3A_30 = arith.constant 0 : i32
    %dma_wait3A_31 = tpu.memref_slice %arg3[%dma_wait3A_30] : memref<102400xf32, #tpu.memory_space<hbm>> -> memref<128xf32, #tpu.memory_space<hbm>>
    %dma_wait3A_32 = arith.constant 0 : i32
    %dma_wait3A_33 = tpu.memref_slice %arg3[%dma_wait3A_32] : memref<102400xf32, #tpu.memory_space<hbm>> -> memref<128xf32, #tpu.memory_space<hbm>>
    tpu.wait_dma2 semaphore(%arg10 : memref<!tpu.dma_semaphore, #tpu.memory_space<semaphore_mem>>) src(%dma_wait3A_33 : memref<128xf32, #tpu.memory_space<hbm>>) dst(%arg7 : memref<128xf32, #tpu.memory_space<vmem>>)
    %dma_wait3A_34 = arith.constant 0 : i32
    %dma_wait3A_35 = tpu.memref_slice %arg3[%dma_wait3A_34] : memref<102400xf32, #tpu.memory_space<hbm>> -> memref<128xf32, #tpu.memory_space<hbm>>
    %dma_wait3A_36 = arith.constant 0 : i32
    %dma_wait3A_37 = tpu.memref_slice %arg3[%dma_wait3A_36] : memref<102400xf32, #tpu.memory_space<hbm>> -> memref<128xf32, #tpu.memory_space<hbm>>
    tpu.wait_dma2 semaphore(%arg10 : memref<!tpu.dma_semaphore, #tpu.memory_space<semaphore_mem>>) src(%dma_wait3A_37 : memref<128xf32, #tpu.memory_space<hbm>>) dst(%arg7 : memref<128xf32, #tpu.memory_space<vmem>>)
    %dma_wait3A_38 = arith.constant 0 : i32
    %dma_wait3A_39 = tpu.memref_slice %arg3[%dma_wait3A_38] : memref<102400xf32, #tpu.memory_space<hbm>> -> memref<128xf32, #tpu.memory_space<hbm>>
    %dma_wait3A_40 = arith.constant 0 : i32
    %dma_wait3A_41 = tpu.memref_slice %arg3[%dma_wait3A_40] : memref<102400xf32, #tpu.memory_space<hbm>> -> memref<128xf32, #tpu.memory_space<hbm>>
    tpu.wait_dma2 semaphore(%arg11 : memref<!tpu.dma_semaphore, #tpu.memory_space<semaphore_mem>>) src(%dma_wait3A_41 : memref<128xf32, #tpu.memory_space<hbm>>) dst(%arg7 : memref<128xf32, #tpu.memory_space<vmem>>)
    %dma_wait3A_42 = arith.constant 0 : i32
    %dma_wait3A_43 = tpu.memref_slice %arg3[%dma_wait3A_42] : memref<102400xf32, #tpu.memory_space<hbm>> -> memref<128xf32, #tpu.memory_space<hbm>>
    %dma_wait3A_44 = arith.constant 0 : i32
    %dma_wait3A_45 = tpu.memref_slice %arg3[%dma_wait3A_44] : memref<102400xf32, #tpu.memory_space<hbm>> -> memref<128xf32, #tpu.memory_space<hbm>>
    tpu.wait_dma2 semaphore(%arg11 : memref<!tpu.dma_semaphore, #tpu.memory_space<semaphore_mem>>) src(%dma_wait3A_45 : memref<128xf32, #tpu.memory_space<hbm>>) dst(%arg7 : memref<128xf32, #tpu.memory_space<vmem>>)
    %dma_wait3A_46 = arith.constant 0 : i32
    %dma_wait3A_47 = tpu.memref_slice %arg3[%dma_wait3A_46] : memref<102400xf32, #tpu.memory_space<hbm>> -> memref<128xf32, #tpu.memory_space<hbm>>
    %dma_wait3A_48 = arith.constant 0 : i32
    %dma_wait3A_49 = tpu.memref_slice %arg3[%dma_wait3A_48] : memref<102400xf32, #tpu.memory_space<hbm>> -> memref<128xf32, #tpu.memory_space<hbm>>
    tpu.wait_dma2 semaphore(%arg11 : memref<!tpu.dma_semaphore, #tpu.memory_space<semaphore_mem>>) src(%dma_wait3A_49 : memref<128xf32, #tpu.memory_space<hbm>>) dst(%arg7 : memref<128xf32, #tpu.memory_space<vmem>>)
    %dma_wait3A_50 = arith.constant 0 : i32
    %dma_wait3A_51 = tpu.memref_slice %arg3[%dma_wait3A_50] : memref<102400xf32, #tpu.memory_space<hbm>> -> memref<128xf32, #tpu.memory_space<hbm>>
    %dma_wait3A_52 = arith.constant 0 : i32
    %dma_wait3A_53 = tpu.memref_slice %arg3[%dma_wait3A_52] : memref<102400xf32, #tpu.memory_space<hbm>> -> memref<128xf32, #tpu.memory_space<hbm>>
    tpu.wait_dma2 semaphore(%arg11 : memref<!tpu.dma_semaphore, #tpu.memory_space<semaphore_mem>>) src(%dma_wait3A_53 : memref<128xf32, #tpu.memory_space<hbm>>) dst(%arg7 : memref<128xf32, #tpu.memory_space<vmem>>)
    %barrier3A_54 = arith.constant 0 : index
    tpu.barrier barrier_id(%barrier3A_54)
    %scan3A_55 = arith.constant 0 : i32
    %scan3A_56 = arith.constant 8 : i32
    %scan3A_57 = arith.addi %scan3A_55, %scan3A_56 : i32
    %scan3A_58 = arith.constant 1 : i32
    scf.for %scan3A_60 = %scan3A_55 to %scan3A_57 step %scan3A_58  : i32 {
      %mul3A_61 = arith.constant 1 : i32
      %mul3A_62 = arith.muli %scan3A_60, %mul3A_61 : i32
      %add3A_63 = arith.constant 0 : i32
      %add3A_64 = arith.addi %add3A_63, %mul3A_62 : i32
      %mul3A_65 = arith.constant 6400 : i32
      %mul3A_66 = arith.muli %arg1, %mul3A_65 : i32
      %mul3A_67 = arith.constant 800 : i32
      %mul3A_68 = arith.muli %add3A_64, %mul3A_67 : i32
      %add3A_69 = arith.addi %mul3A_66, %mul3A_68 : i32
      "tpu.region"() ({
        %run_scoped3A = tpu.sem_alloc : memref<!tpu.dma_semaphore, #tpu.memory_space<semaphore_mem>>
        %dma_start3A = tpu.memref_slice %arg9[%add3A_69] : memref<102400xf32, #tpu.memory_space<vmem_shared>> -> memref<800xf32, #tpu.memory_space<vmem_shared>>
        %dma_start3A_70 = tpu.memref_slice %arg9[%add3A_69] : memref<102400xf32, #tpu.memory_space<vmem_shared>> -> memref<800xf32, #tpu.memory_space<vmem_shared>>
        tpu.enqueue_dma source(%dma_start3A_70 : memref<800xf32, #tpu.memory_space<vmem_shared>>) target(%arg8 : memref<800xf32, #tpu.memory_space<vmem>>) target_semaphore(%run_scoped3A : memref<!tpu.dma_semaphore, #tpu.memory_space<semaphore_mem>>)
        %dma_wait3A_71 = tpu.memref_slice %arg9[%add3A_69] : memref<102400xf32, #tpu.memory_space<vmem_shared>> -> memref<800xf32, #tpu.memory_space<vmem_shared>>
        %dma_wait3A_72 = tpu.memref_slice %arg9[%add3A_69] : memref<102400xf32, #tpu.memory_space<vmem_shared>> -> memref<800xf32, #tpu.memory_space<vmem_shared>>
        tpu.wait_dma2 semaphore(%run_scoped3A : memref<!tpu.dma_semaphore, #tpu.memory_space<semaphore_mem>>) src(%dma_wait3A_72 : memref<800xf32, #tpu.memory_space<vmem_shared>>) dst(%arg8 : memref<800xf32, #tpu.memory_space<vmem>>)
        tpu.yield
      }) : () -> ()
      "tpu.region"() ({
        %run_scoped3A = tpu.sem_alloc : memref<!tpu.dma_semaphore, #tpu.memory_space<semaphore_mem>>
        %dma_start3A = tpu.memref_slice %arg4[%arg0, %add3A_69] : memref<2x102400xf32, #tpu.memory_space<hbm>> -> memref<1x800xf32, #tpu.memory_space<hbm>>
        %dma_start3A_70 = tpu.memref_squeeze %dma_start3A : memref<1x800xf32, #tpu.memory_space<hbm>> -> memref<800xf32, #tpu.memory_space<hbm>>
        %dma_start3A_71 = tpu.memref_slice %arg4[%arg0, %add3A_69] : memref<2x102400xf32, #tpu.memory_space<hbm>> -> memref<1x800xf32, #tpu.memory_space<hbm>>
        %dma_start3A_72 = tpu.memref_squeeze %dma_start3A_71 : memref<1x800xf32, #tpu.memory_space<hbm>> -> memref<800xf32, #tpu.memory_space<hbm>>
        tpu.enqueue_dma source(%arg8 : memref<800xf32, #tpu.memory_space<vmem>>) target(%dma_start3A_72 : memref<800xf32, #tpu.memory_space<hbm>>) target_semaphore(%run_scoped3A : memref<!tpu.dma_semaphore, #tpu.memory_space<semaphore_mem>>)
        %dma_wait3A_73 = tpu.memref_slice %arg4[%arg0, %add3A_69] : memref<2x102400xf32, #tpu.memory_space<hbm>> -> memref<1x800xf32, #tpu.memory_space<hbm>>
        %dma_wait3A_74 = tpu.memref_squeeze %dma_wait3A_73 : memref<1x800xf32, #tpu.memory_space<hbm>> -> memref<800xf32, #tpu.memory_space<hbm>>
        %dma_wait3A_75 = tpu.memref_slice %arg4[%arg0, %add3A_69] : memref<2x102400xf32, #tpu.memory_space<hbm>> -> memref<1x800xf32, #tpu.memory_space<hbm>>
        %dma_wait3A_76 = tpu.memref_squeeze %dma_wait3A_75 : memref<1x800xf32, #tpu.memory_space<hbm>> -> memref<800xf32, #tpu.memory_space<hbm>>
        tpu.wait_dma2 semaphore(%run_scoped3A : memref<!tpu.dma_semaphore, #tpu.memory_space<semaphore_mem>>) src(%arg8 : memref<800xf32, #tpu.memory_space<vmem>>) dst(%dma_wait3A_76 : memref<800xf32, #tpu.memory_space<hbm>>)
        tpu.yield
      }) : () -> ()
    }
    %scan3A_59 = arith.constant 8 : i32
    return
  }
}

#map = affine_map<(d0, d1) -> (0, 0, 0, 0)>
#map1 = affine_map<(d0, d1) -> (0, 0)>
#map2 = affine_map<(d0, d1) -> (0, 0, 0)>
module attributes {stable_mosaic.version = 14 : i64} {
  func.func @body(%arg0: i32, %arg1: i32, %arg2: memref<32x196x8x128xi32, #tpu.memory_space<hbm>>, %arg3: memref<102400x16xf32, #tpu.memory_space<hbm>>, %arg4: memref<102400x16xf32, #tpu.memory_space<hbm>>, %arg5: memref<2x102400x16xf32, #tpu.memory_space<hbm>>, %arg6: memref<8x128xi32, #tpu.memory_space<vmem>>, %arg7: memref<8x128xi32, #tpu.memory_space<vmem>>, %arg8: memref<512x16xf32, #tpu.memory_space<vmem>>, %arg9: memref<512x16xf32, #tpu.memory_space<vmem>>, %arg10: memref<102400x16xf32, #tpu.memory_space<vmem_shared>>, %arg11: memref<!tpu.dma_semaphore, #tpu.memory_space<semaphore_mem>>, %arg12: memref<!tpu.dma_semaphore, #tpu.memory_space<semaphore_mem>>, %arg13: memref<!tpu.dma_semaphore, #tpu.memory_space<semaphore_mem>>, %arg14: memref<!tpu.dma_semaphore, #tpu.memory_space<semaphore_mem>>) attributes {dimension_semantics = [#tpu.dimension_semantics<core_parallel>, #tpu.dimension_semantics<subcore_parallel>], iteration_bounds = array<i64: 2, 16>, scalar_prefetch = 0 : i64, scratch_operands = 9 : i64, tpu.core_type = #tpu.core_type<sc_vector_subcore>, window_params = [{transform_indices = #map}, {transform_indices = #map1}, {transform_indices = #map1}, {transform_indices = #map2}]} {
    %mul3A = arith.constant 16 : i32
    %mul3A_0 = arith.muli %arg0, %mul3A : i32
    %add3A = arith.addi %mul3A_0, %arg1 : i32
    "tpu.region"() ({
      %run_scoped3A = tpu.sem_alloc : memref<!tpu.dma_semaphore, #tpu.memory_space<semaphore_mem>>
      %dma_start3A = arith.constant 0 : i32
      %dma_start3A_111 = arith.constant 0 : i32
      %dma_start3A_112 = tpu.memref_slice %arg8[%dma_start3A, %dma_start3A_111] : memref<512x16xf32, #tpu.memory_space<vmem>> -> memref<128x16xf32, #tpu.memory_space<vmem>>
      %dma_start3A_113 = arith.constant 0 : i32
      %dma_start3A_114 = arith.constant 0 : i32
      %dma_start3A_115 = tpu.memref_slice %arg3[%dma_start3A_113, %dma_start3A_114] : memref<102400x16xf32, #tpu.memory_space<hbm>> -> memref<128x16xf32, #tpu.memory_space<hbm>>
      %dma_start3A_116 = arith.constant 0 : i32
      %dma_start3A_117 = arith.constant 0 : i32
      %dma_start3A_118 = tpu.memref_slice %arg8[%dma_start3A_116, %dma_start3A_117] : memref<512x16xf32, #tpu.memory_space<vmem>> -> memref<128x16xf32, #tpu.memory_space<vmem>>
      %dma_start3A_119 = arith.constant 0 : i32
      %dma_start3A_120 = arith.constant 0 : i32
      %dma_start3A_121 = tpu.memref_slice %arg3[%dma_start3A_119, %dma_start3A_120] : memref<102400x16xf32, #tpu.memory_space<hbm>> -> memref<128x16xf32, #tpu.memory_space<hbm>>
      tpu.enqueue_dma source(%dma_start3A_121 : memref<128x16xf32, #tpu.memory_space<hbm>>) target(%dma_start3A_118 : memref<128x16xf32, #tpu.memory_space<vmem>>) target_semaphore(%run_scoped3A : memref<!tpu.dma_semaphore, #tpu.memory_space<semaphore_mem>>)
      %dma_wait3A_122 = arith.constant 0 : i32
      %dma_wait3A_123 = arith.constant 0 : i32
      %dma_wait3A_124 = tpu.memref_slice %arg8[%dma_wait3A_122, %dma_wait3A_123] : memref<512x16xf32, #tpu.memory_space<vmem>> -> memref<128x16xf32, #tpu.memory_space<vmem>>
      %dma_wait3A_125 = arith.constant 0 : i32
      %dma_wait3A_126 = arith.constant 0 : i32
      %dma_wait3A_127 = tpu.memref_slice %arg3[%dma_wait3A_125, %dma_wait3A_126] : memref<102400x16xf32, #tpu.memory_space<hbm>> -> memref<128x16xf32, #tpu.memory_space<hbm>>
      %dma_wait3A_128 = arith.constant 0 : i32
      %dma_wait3A_129 = arith.constant 0 : i32
      %dma_wait3A_130 = tpu.memref_slice %arg8[%dma_wait3A_128, %dma_wait3A_129] : memref<512x16xf32, #tpu.memory_space<vmem>> -> memref<128x16xf32, #tpu.memory_space<vmem>>
      %dma_wait3A_131 = arith.constant 0 : i32
      %dma_wait3A_132 = arith.constant 0 : i32
      %dma_wait3A_133 = tpu.memref_slice %arg3[%dma_wait3A_131, %dma_wait3A_132] : memref<102400x16xf32, #tpu.memory_space<hbm>> -> memref<128x16xf32, #tpu.memory_space<hbm>>
      tpu.wait_dma2 semaphore(%run_scoped3A : memref<!tpu.dma_semaphore, #tpu.memory_space<semaphore_mem>>) src(%dma_wait3A_133 : memref<128x16xf32, #tpu.memory_space<hbm>>) dst(%dma_wait3A_130 : memref<128x16xf32, #tpu.memory_space<vmem>>)
      tpu.yield
    }) : () -> ()
    %scan3A = arith.constant 0 : i32
    %scan3A_1 = arith.constant 50 : i32
    %scan3A_2 = arith.addi %scan3A, %scan3A_1 : i32
    %scan3A_3 = arith.constant 1 : i32
    scf.for %scan3A_111 = %scan3A to %scan3A_2 step %scan3A_3  : i32 {
      %mul3A_112 = arith.constant 1 : i32
      %mul3A_113 = arith.muli %scan3A_111, %mul3A_112 : i32
      %add3A_114 = arith.constant 0 : i32
      %add3A_115 = arith.addi %add3A_114, %mul3A_113 : i32
      %mul3A_116 = arith.constant 6400 : i32
      %mul3A_117 = arith.muli %arg1, %mul3A_116 : i32
      %mul3A_118 = arith.constant 128 : i32
      %mul3A_119 = arith.muli %add3A_115, %mul3A_118 : i32
      %add3A_120 = arith.addi %mul3A_117, %mul3A_119 : i32
      "tpu.region"() ({
        %run_scoped3A = tpu.sem_alloc : memref<!tpu.dma_semaphore, #tpu.memory_space<semaphore_mem>>
        %dma_start3A = arith.constant 0 : i32
        %dma_start3A_121 = arith.constant 0 : i32
        %dma_start3A_122 = tpu.memref_slice %arg8[%dma_start3A, %dma_start3A_121] : memref<512x16xf32, #tpu.memory_space<vmem>> -> memref<128x16xf32, #tpu.memory_space<vmem>>
        %dma_start3A_123 = arith.constant 0 : i32
        %dma_start3A_124 = tpu.memref_slice %arg10[%add3A_120, %dma_start3A_123] : memref<102400x16xf32, #tpu.memory_space<vmem_shared>> -> memref<128x16xf32, #tpu.memory_space<vmem_shared>>
        %dma_start3A_125 = arith.constant 0 : i32
        %dma_start3A_126 = tpu.memref_slice %arg10[%add3A_120, %dma_start3A_125] : memref<102400x16xf32, #tpu.memory_space<vmem_shared>> -> memref<128x16xf32, #tpu.memory_space<vmem_shared>>
        %dma_start3A_127 = arith.constant 0 : i32
        %dma_start3A_128 = arith.constant 0 : i32
        %dma_start3A_129 = tpu.memref_slice %arg8[%dma_start3A_127, %dma_start3A_128] : memref<512x16xf32, #tpu.memory_space<vmem>> -> memref<128x16xf32, #tpu.memory_space<vmem>>
        tpu.enqueue_dma source(%dma_start3A_129 : memref<128x16xf32, #tpu.memory_space<vmem>>) target(%dma_start3A_126 : memref<128x16xf32, #tpu.memory_space<vmem_shared>>) target_semaphore(%run_scoped3A : memref<!tpu.dma_semaphore, #tpu.memory_space<semaphore_mem>>)
        %dma_wait3A_130 = arith.constant 0 : i32
        %dma_wait3A_131 = arith.constant 0 : i32
        %dma_wait3A_132 = tpu.memref_slice %arg8[%dma_wait3A_130, %dma_wait3A_131] : memref<512x16xf32, #tpu.memory_space<vmem>> -> memref<128x16xf32, #tpu.memory_space<vmem>>
        %dma_wait3A_133 = arith.constant 0 : i32
        %dma_wait3A_134 = tpu.memref_slice %arg10[%add3A_120, %dma_wait3A_133] : memref<102400x16xf32, #tpu.memory_space<vmem_shared>> -> memref<128x16xf32, #tpu.memory_space<vmem_shared>>
        %dma_wait3A_135 = arith.constant 0 : i32
        %dma_wait3A_136 = tpu.memref_slice %arg10[%add3A_120, %dma_wait3A_135] : memref<102400x16xf32, #tpu.memory_space<vmem_shared>> -> memref<128x16xf32, #tpu.memory_space<vmem_shared>>
        %dma_wait3A_137 = arith.constant 0 : i32
        %dma_wait3A_138 = arith.constant 0 : i32
        %dma_wait3A_139 = tpu.memref_slice %arg8[%dma_wait3A_137, %dma_wait3A_138] : memref<512x16xf32, #tpu.memory_space<vmem>> -> memref<128x16xf32, #tpu.memory_space<vmem>>
        tpu.wait_dma2 semaphore(%run_scoped3A : memref<!tpu.dma_semaphore, #tpu.memory_space<semaphore_mem>>) src(%dma_wait3A_139 : memref<128x16xf32, #tpu.memory_space<vmem>>) dst(%dma_wait3A_136 : memref<128x16xf32, #tpu.memory_space<vmem_shared>>)
        tpu.yield
      }) : () -> ()
    }
    %scan3A_4 = arith.constant 50 : i32
    %barrier3A = arith.constant 0 : index
    tpu.barrier barrier_id(%barrier3A)
    %scan3A_5 = arith.constant 0 : i32
    %scan3A_6 = arith.constant 196 : i32
    %scan3A_7 = arith.addi %scan3A_5, %scan3A_6 : i32
    %scan3A_8 = arith.constant 1 : i32
    scf.for %scan3A_111 = %scan3A_5 to %scan3A_7 step %scan3A_8  : i32 {
      %mul3A_112 = arith.constant 1 : i32
      %mul3A_113 = arith.muli %scan3A_111, %mul3A_112 : i32
      %add3A_114 = arith.constant 0 : i32
      %add3A_115 = arith.addi %add3A_114, %mul3A_113 : i32
      %jit3A = arith.constant 2 : i32
      %eq3A = arith.constant 0 : i32
      %eq3A_116 = arith.cmpi eq, %jit3A, %eq3A : i32
      %jit3A_117 = arith.constant 1 : i32
      %select_n3A = arith.select %eq3A_116, %jit3A_117, %jit3A : i32
      %rem3A = arith.remsi %add3A_115, %select_n3A : i32
      %ne3A = arith.constant 0 : i32
      %ne3A_118 = arith.cmpi ne, %rem3A, %ne3A : i32
      %lt3A = arith.constant 0 : i32
      %lt3A_119 = arith.cmpi slt, %rem3A, %lt3A : i32
      %lt3A_120 = arith.constant 0 : i32
      %lt3A_121 = arith.cmpi slt, %select_n3A, %lt3A_120 : i32
      %ne3A_122 = arith.xori %lt3A_119, %lt3A_121 : i1
      %and3A = arith.andi %ne3A_122, %ne3A_118 : i1
      %add3A_123 = arith.addi %rem3A, %select_n3A : i32
      %select_n3A_124 = arith.select %and3A, %add3A_123, %rem3A : i32
      %eq3A_125 = arith.constant 0 : i32
      %eq3A_126 = arith.cmpi eq, %select_n3A_124, %eq3A_125 : i32
      %convert_element_type3A = arith.extui %eq3A_126 : i1 to i32
      %cond3A = arith.constant 0 : i32
      %cond3A_127 = arith.cmpi ne, %convert_element_type3A, %cond3A : i32
      scf.if %cond3A_127 {
        %ge3A = arith.constant 2 : i32
        %ge3A_149 = arith.cmpi sge, %add3A_115, %ge3A : i32
        %convert_element_type3A_150 = arith.extui %ge3A_149 : i1 to i32
        %cond3A_151 = arith.constant 0 : i32
        %cond3A_152 = arith.cmpi ne, %convert_element_type3A_150, %cond3A_151 : i32
        scf.if %cond3A_152 {
          %dma_wait3A_272 = arith.constant 0 : i32
          %dma_wait3A_273 = arith.constant 0 : i32
          %dma_wait3A_274 = tpu.memref_slice %arg8[%dma_wait3A_272, %dma_wait3A_273] : memref<512x16xf32, #tpu.memory_space<vmem>> -> memref<128x16xf32, #tpu.memory_space<vmem>>
          %dma_wait3A_275 = arith.constant 0 : i32
          %dma_wait3A_276 = arith.constant 0 : i32
          %dma_wait3A_277 = tpu.memref_slice %arg4[%dma_wait3A_275, %dma_wait3A_276] : memref<102400x16xf32, #tpu.memory_space<hbm>> -> memref<128x16xf32, #tpu.memory_space<hbm>>
          %dma_wait3A_278 = arith.constant 0 : i32
          %dma_wait3A_279 = arith.constant 0 : i32
          %dma_wait3A_280 = tpu.memref_slice %arg8[%dma_wait3A_278, %dma_wait3A_279] : memref<512x16xf32, #tpu.memory_space<vmem>> -> memref<128x16xf32, #tpu.memory_space<vmem>>
          %dma_wait3A_281 = arith.constant 0 : i32
          %dma_wait3A_282 = arith.constant 0 : i32
          %dma_wait3A_283 = tpu.memref_slice %arg4[%dma_wait3A_281, %dma_wait3A_282] : memref<102400x16xf32, #tpu.memory_space<hbm>> -> memref<128x16xf32, #tpu.memory_space<hbm>>
          tpu.wait_dma2 semaphore(%arg13 : memref<!tpu.dma_semaphore, #tpu.memory_space<semaphore_mem>>) src(%dma_wait3A_283 : memref<128x16xf32, #tpu.memory_space<hbm>>) dst(%dma_wait3A_280 : memref<128x16xf32, #tpu.memory_space<vmem>>)
          %dma_wait3A_284 = arith.constant 128 : i32
          %dma_wait3A_285 = arith.constant 0 : i32
          %dma_wait3A_286 = tpu.memref_slice %arg8[%dma_wait3A_284, %dma_wait3A_285] : memref<512x16xf32, #tpu.memory_space<vmem>> -> memref<128x16xf32, #tpu.memory_space<vmem>>
          %dma_wait3A_287 = arith.constant 0 : i32
          %dma_wait3A_288 = arith.constant 0 : i32
          %dma_wait3A_289 = tpu.memref_slice %arg4[%dma_wait3A_287, %dma_wait3A_288] : memref<102400x16xf32, #tpu.memory_space<hbm>> -> memref<128x16xf32, #tpu.memory_space<hbm>>
          %dma_wait3A_290 = arith.constant 128 : i32
          %dma_wait3A_291 = arith.constant 0 : i32
          %dma_wait3A_292 = tpu.memref_slice %arg8[%dma_wait3A_290, %dma_wait3A_291] : memref<512x16xf32, #tpu.memory_space<vmem>> -> memref<128x16xf32, #tpu.memory_space<vmem>>
          %dma_wait3A_293 = arith.constant 0 : i32
          %dma_wait3A_294 = arith.constant 0 : i32
          %dma_wait3A_295 = tpu.memref_slice %arg4[%dma_wait3A_293, %dma_wait3A_294] : memref<102400x16xf32, #tpu.memory_space<hbm>> -> memref<128x16xf32, #tpu.memory_space<hbm>>
          tpu.wait_dma2 semaphore(%arg13 : memref<!tpu.dma_semaphore, #tpu.memory_space<semaphore_mem>>) src(%dma_wait3A_295 : memref<128x16xf32, #tpu.memory_space<hbm>>) dst(%dma_wait3A_292 : memref<128x16xf32, #tpu.memory_space<vmem>>)
          %dma_wait3A_296 = arith.constant 256 : i32
          %dma_wait3A_297 = arith.constant 0 : i32
          %dma_wait3A_298 = tpu.memref_slice %arg8[%dma_wait3A_296, %dma_wait3A_297] : memref<512x16xf32, #tpu.memory_space<vmem>> -> memref<128x16xf32, #tpu.memory_space<vmem>>
          %dma_wait3A_299 = arith.constant 0 : i32
          %dma_wait3A_300 = arith.constant 0 : i32
          %dma_wait3A_301 = tpu.memref_slice %arg4[%dma_wait3A_299, %dma_wait3A_300] : memref<102400x16xf32, #tpu.memory_space<hbm>> -> memref<128x16xf32, #tpu.memory_space<hbm>>
          %dma_wait3A_302 = arith.constant 256 : i32
          %dma_wait3A_303 = arith.constant 0 : i32
          %dma_wait3A_304 = tpu.memref_slice %arg8[%dma_wait3A_302, %dma_wait3A_303] : memref<512x16xf32, #tpu.memory_space<vmem>> -> memref<128x16xf32, #tpu.memory_space<vmem>>
          %dma_wait3A_305 = arith.constant 0 : i32
          %dma_wait3A_306 = arith.constant 0 : i32
          %dma_wait3A_307 = tpu.memref_slice %arg4[%dma_wait3A_305, %dma_wait3A_306] : memref<102400x16xf32, #tpu.memory_space<hbm>> -> memref<128x16xf32, #tpu.memory_space<hbm>>
          tpu.wait_dma2 semaphore(%arg13 : memref<!tpu.dma_semaphore, #tpu.memory_space<semaphore_mem>>) src(%dma_wait3A_307 : memref<128x16xf32, #tpu.memory_space<hbm>>) dst(%dma_wait3A_304 : memref<128x16xf32, #tpu.memory_space<vmem>>)
          %dma_wait3A_308 = arith.constant 384 : i32
          %dma_wait3A_309 = arith.constant 0 : i32
          %dma_wait3A_310 = tpu.memref_slice %arg8[%dma_wait3A_308, %dma_wait3A_309] : memref<512x16xf32, #tpu.memory_space<vmem>> -> memref<128x16xf32, #tpu.memory_space<vmem>>
          %dma_wait3A_311 = arith.constant 0 : i32
          %dma_wait3A_312 = arith.constant 0 : i32
          %dma_wait3A_313 = tpu.memref_slice %arg4[%dma_wait3A_311, %dma_wait3A_312] : memref<102400x16xf32, #tpu.memory_space<hbm>> -> memref<128x16xf32, #tpu.memory_space<hbm>>
          %dma_wait3A_314 = arith.constant 384 : i32
          %dma_wait3A_315 = arith.constant 0 : i32
          %dma_wait3A_316 = tpu.memref_slice %arg8[%dma_wait3A_314, %dma_wait3A_315] : memref<512x16xf32, #tpu.memory_space<vmem>> -> memref<128x16xf32, #tpu.memory_space<vmem>>
          %dma_wait3A_317 = arith.constant 0 : i32
          %dma_wait3A_318 = arith.constant 0 : i32
          %dma_wait3A_319 = tpu.memref_slice %arg4[%dma_wait3A_317, %dma_wait3A_318] : memref<102400x16xf32, #tpu.memory_space<hbm>> -> memref<128x16xf32, #tpu.memory_space<hbm>>
          tpu.wait_dma2 semaphore(%arg13 : memref<!tpu.dma_semaphore, #tpu.memory_space<semaphore_mem>>) src(%dma_wait3A_319 : memref<128x16xf32, #tpu.memory_space<hbm>>) dst(%dma_wait3A_316 : memref<128x16xf32, #tpu.memory_space<vmem>>)
        } else {
        }
        "tpu.region"() ({
          %run_scoped3A = tpu.sem_alloc : memref<!tpu.dma_semaphore, #tpu.memory_space<semaphore_mem>>
          %dma_start3A_272 = arith.constant 0 : i32
          %dma_start3A_273 = arith.constant 0 : i32
          %dma_start3A_274 = tpu.memref_slice %arg2[%add3A, %add3A_115, %dma_start3A_272, %dma_start3A_273] : memref<32x196x8x128xi32, #tpu.memory_space<hbm>> -> memref<1x1x8x128xi32, #tpu.memory_space<hbm>>
          %dma_start3A_275 = tpu.memref_squeeze %dma_start3A_274 : memref<1x1x8x128xi32, #tpu.memory_space<hbm>> -> memref<8x128xi32, #tpu.memory_space<hbm>>
          %dma_start3A_276 = arith.constant 0 : i32
          %dma_start3A_277 = arith.constant 0 : i32
          %dma_start3A_278 = tpu.memref_slice %arg2[%add3A, %add3A_115, %dma_start3A_276, %dma_start3A_277] : memref<32x196x8x128xi32, #tpu.memory_space<hbm>> -> memref<1x1x8x128xi32, #tpu.memory_space<hbm>>
          %dma_start3A_279 = tpu.memref_squeeze %dma_start3A_278 : memref<1x1x8x128xi32, #tpu.memory_space<hbm>> -> memref<8x128xi32, #tpu.memory_space<hbm>>
          tpu.enqueue_dma source(%dma_start3A_279 : memref<8x128xi32, #tpu.memory_space<hbm>>) target(%arg6 : memref<8x128xi32, #tpu.memory_space<vmem>>) target_semaphore(%run_scoped3A : memref<!tpu.dma_semaphore, #tpu.memory_space<semaphore_mem>>)
          %dma_wait3A_280 = arith.constant 0 : i32
          %dma_wait3A_281 = arith.constant 0 : i32
          %dma_wait3A_282 = tpu.memref_slice %arg2[%add3A, %add3A_115, %dma_wait3A_280, %dma_wait3A_281] : memref<32x196x8x128xi32, #tpu.memory_space<hbm>> -> memref<1x1x8x128xi32, #tpu.memory_space<hbm>>
          %dma_wait3A_283 = tpu.memref_squeeze %dma_wait3A_282 : memref<1x1x8x128xi32, #tpu.memory_space<hbm>> -> memref<8x128xi32, #tpu.memory_space<hbm>>
          %dma_wait3A_284 = arith.constant 0 : i32
          %dma_wait3A_285 = arith.constant 0 : i32
          %dma_wait3A_286 = tpu.memref_slice %arg2[%add3A, %add3A_115, %dma_wait3A_284, %dma_wait3A_285] : memref<32x196x8x128xi32, #tpu.memory_space<hbm>> -> memref<1x1x8x128xi32, #tpu.memory_space<hbm>>
          %dma_wait3A_287 = tpu.memref_squeeze %dma_wait3A_286 : memref<1x1x8x128xi32, #tpu.memory_space<hbm>> -> memref<8x128xi32, #tpu.memory_space<hbm>>
          tpu.wait_dma2 semaphore(%run_scoped3A : memref<!tpu.dma_semaphore, #tpu.memory_space<semaphore_mem>>) src(%dma_wait3A_287 : memref<8x128xi32, #tpu.memory_space<hbm>>) dst(%arg6 : memref<8x128xi32, #tpu.memory_space<vmem>>)
          tpu.yield
        }) : () -> ()
        %dma_start3A = arith.constant 0 : i32
        %dma_start3A_153 = arith.constant 0 : i32
        %dma_start3A_154 = arith.constant 0 : i32
        %dma_start3A_155 = tpu.memref_slice %arg8[%dma_start3A_153, %dma_start3A_154] : memref<512x16xf32, #tpu.memory_space<vmem>> -> memref<128x16xf32, #tpu.memory_space<vmem>>
        %dma_start3A_156 = arith.constant 0 : i32
        %dma_start3A_157 = tpu.memref_slice %arg6[%dma_start3A, %dma_start3A_156] : memref<8x128xi32, #tpu.memory_space<vmem>> -> memref<1x128xi32, #tpu.memory_space<vmem>>
        %dma_start3A_158 = tpu.memref_squeeze %dma_start3A_157 : memref<1x128xi32, #tpu.memory_space<vmem>> -> memref<128xi32, #tpu.memory_space<vmem>>
        %dma_start3A_159 = arith.constant 0 : i32
        %dma_start3A_160 = arith.constant 0 : i32
        %dma_start3A_161 = tpu.memref_slice %arg4[%dma_start3A_159, %dma_start3A_160] : memref<102400x16xf32, #tpu.memory_space<hbm>> -> memref<102400x16xf32, #tpu.memory_space<hbm>>
        tpu.enqueue_indirect_dma source(%dma_start3A_161 : memref<102400x16xf32, #tpu.memory_space<hbm>>) target(%dma_start3A_155 : memref<128x16xf32, #tpu.memory_space<vmem>>) offsets(%dma_start3A_158 : memref<128xi32, #tpu.memory_space<vmem>>) semaphore(%arg11 : memref<!tpu.dma_semaphore, #tpu.memory_space<semaphore_mem>>)
        %dma_start3A_162 = arith.constant 1 : i32
        %dma_start3A_163 = arith.constant 128 : i32
        %dma_start3A_164 = arith.constant 0 : i32
        %dma_start3A_165 = tpu.memref_slice %arg8[%dma_start3A_163, %dma_start3A_164] : memref<512x16xf32, #tpu.memory_space<vmem>> -> memref<128x16xf32, #tpu.memory_space<vmem>>
        %dma_start3A_166 = arith.constant 0 : i32
        %dma_start3A_167 = tpu.memref_slice %arg6[%dma_start3A_162, %dma_start3A_166] : memref<8x128xi32, #tpu.memory_space<vmem>> -> memref<1x128xi32, #tpu.memory_space<vmem>>
        %dma_start3A_168 = tpu.memref_squeeze %dma_start3A_167 : memref<1x128xi32, #tpu.memory_space<vmem>> -> memref<128xi32, #tpu.memory_space<vmem>>
        %dma_start3A_169 = arith.constant 0 : i32
        %dma_start3A_170 = arith.constant 0 : i32
        %dma_start3A_171 = tpu.memref_slice %arg4[%dma_start3A_169, %dma_start3A_170] : memref<102400x16xf32, #tpu.memory_space<hbm>> -> memref<102400x16xf32, #tpu.memory_space<hbm>>
        tpu.enqueue_indirect_dma source(%dma_start3A_171 : memref<102400x16xf32, #tpu.memory_space<hbm>>) target(%dma_start3A_165 : memref<128x16xf32, #tpu.memory_space<vmem>>) offsets(%dma_start3A_168 : memref<128xi32, #tpu.memory_space<vmem>>) semaphore(%arg11 : memref<!tpu.dma_semaphore, #tpu.memory_space<semaphore_mem>>)
        %dma_start3A_172 = arith.constant 2 : i32
        %dma_start3A_173 = arith.constant 256 : i32
        %dma_start3A_174 = arith.constant 0 : i32
        %dma_start3A_175 = tpu.memref_slice %arg8[%dma_start3A_173, %dma_start3A_174] : memref<512x16xf32, #tpu.memory_space<vmem>> -> memref<128x16xf32, #tpu.memory_space<vmem>>
        %dma_start3A_176 = arith.constant 0 : i32
        %dma_start3A_177 = tpu.memref_slice %arg6[%dma_start3A_172, %dma_start3A_176] : memref<8x128xi32, #tpu.memory_space<vmem>> -> memref<1x128xi32, #tpu.memory_space<vmem>>
        %dma_start3A_178 = tpu.memref_squeeze %dma_start3A_177 : memref<1x128xi32, #tpu.memory_space<vmem>> -> memref<128xi32, #tpu.memory_space<vmem>>
        %dma_start3A_179 = arith.constant 0 : i32
        %dma_start3A_180 = arith.constant 0 : i32
        %dma_start3A_181 = tpu.memref_slice %arg4[%dma_start3A_179, %dma_start3A_180] : memref<102400x16xf32, #tpu.memory_space<hbm>> -> memref<102400x16xf32, #tpu.memory_space<hbm>>
        tpu.enqueue_indirect_dma source(%dma_start3A_181 : memref<102400x16xf32, #tpu.memory_space<hbm>>) target(%dma_start3A_175 : memref<128x16xf32, #tpu.memory_space<vmem>>) offsets(%dma_start3A_178 : memref<128xi32, #tpu.memory_space<vmem>>) semaphore(%arg11 : memref<!tpu.dma_semaphore, #tpu.memory_space<semaphore_mem>>)
        %dma_start3A_182 = arith.constant 3 : i32
        %dma_start3A_183 = arith.constant 384 : i32
        %dma_start3A_184 = arith.constant 0 : i32
        %dma_start3A_185 = tpu.memref_slice %arg8[%dma_start3A_183, %dma_start3A_184] : memref<512x16xf32, #tpu.memory_space<vmem>> -> memref<128x16xf32, #tpu.memory_space<vmem>>
        %dma_start3A_186 = arith.constant 0 : i32
        %dma_start3A_187 = tpu.memref_slice %arg6[%dma_start3A_182, %dma_start3A_186] : memref<8x128xi32, #tpu.memory_space<vmem>> -> memref<1x128xi32, #tpu.memory_space<vmem>>
        %dma_start3A_188 = tpu.memref_squeeze %dma_start3A_187 : memref<1x128xi32, #tpu.memory_space<vmem>> -> memref<128xi32, #tpu.memory_space<vmem>>
        %dma_start3A_189 = arith.constant 0 : i32
        %dma_start3A_190 = arith.constant 0 : i32
        %dma_start3A_191 = tpu.memref_slice %arg4[%dma_start3A_189, %dma_start3A_190] : memref<102400x16xf32, #tpu.memory_space<hbm>> -> memref<102400x16xf32, #tpu.memory_space<hbm>>
        tpu.enqueue_indirect_dma source(%dma_start3A_191 : memref<102400x16xf32, #tpu.memory_space<hbm>>) target(%dma_start3A_185 : memref<128x16xf32, #tpu.memory_space<vmem>>) offsets(%dma_start3A_188 : memref<128xi32, #tpu.memory_space<vmem>>) semaphore(%arg11 : memref<!tpu.dma_semaphore, #tpu.memory_space<semaphore_mem>>)
        %dma_wait3A_192 = arith.constant 0 : i32
        %dma_wait3A_193 = arith.constant 0 : i32
        %dma_wait3A_194 = arith.constant 0 : i32
        %dma_wait3A_195 = tpu.memref_slice %arg8[%dma_wait3A_193, %dma_wait3A_194] : memref<512x16xf32, #tpu.memory_space<vmem>> -> memref<128x16xf32, #tpu.memory_space<vmem>>
        %dma_wait3A_196 = arith.constant 0 : i32
        %dma_wait3A_197 = tpu.memref_slice %arg6[%dma_wait3A_192, %dma_wait3A_196] : memref<8x128xi32, #tpu.memory_space<vmem>> -> memref<1x128xi32, #tpu.memory_space<vmem>>
        %dma_wait3A_198 = tpu.memref_squeeze %dma_wait3A_197 : memref<1x128xi32, #tpu.memory_space<vmem>> -> memref<128xi32, #tpu.memory_space<vmem>>
        %dma_wait3A_199 = arith.constant 0 : i32
        %dma_wait3A_200 = arith.constant 0 : i32
        %dma_wait3A_201 = tpu.memref_slice %arg4[%dma_wait3A_199, %dma_wait3A_200] : memref<102400x16xf32, #tpu.memory_space<hbm>> -> memref<102400x16xf32, #tpu.memory_space<hbm>>
        tpu.wait_indirect_dma semaphore(%arg11 : memref<!tpu.dma_semaphore, #tpu.memory_space<semaphore_mem>>) src(%dma_wait3A_201 : memref<102400x16xf32, #tpu.memory_space<hbm>>) dst(%dma_wait3A_195 : memref<128x16xf32, #tpu.memory_space<vmem>>)
        %dma_wait3A_202 = arith.constant 1 : i32
        %dma_wait3A_203 = arith.constant 128 : i32
        %dma_wait3A_204 = arith.constant 0 : i32
        %dma_wait3A_205 = tpu.memref_slice %arg8[%dma_wait3A_203, %dma_wait3A_204] : memref<512x16xf32, #tpu.memory_space<vmem>> -> memref<128x16xf32, #tpu.memory_space<vmem>>
        %dma_wait3A_206 = arith.constant 0 : i32
        %dma_wait3A_207 = tpu.memref_slice %arg6[%dma_wait3A_202, %dma_wait3A_206] : memref<8x128xi32, #tpu.memory_space<vmem>> -> memref<1x128xi32, #tpu.memory_space<vmem>>
        %dma_wait3A_208 = tpu.memref_squeeze %dma_wait3A_207 : memref<1x128xi32, #tpu.memory_space<vmem>> -> memref<128xi32, #tpu.memory_space<vmem>>
        %dma_wait3A_209 = arith.constant 0 : i32
        %dma_wait3A_210 = arith.constant 0 : i32
        %dma_wait3A_211 = tpu.memref_slice %arg4[%dma_wait3A_209, %dma_wait3A_210] : memref<102400x16xf32, #tpu.memory_space<hbm>> -> memref<102400x16xf32, #tpu.memory_space<hbm>>
        tpu.wait_indirect_dma semaphore(%arg11 : memref<!tpu.dma_semaphore, #tpu.memory_space<semaphore_mem>>) src(%dma_wait3A_211 : memref<102400x16xf32, #tpu.memory_space<hbm>>) dst(%dma_wait3A_205 : memref<128x16xf32, #tpu.memory_space<vmem>>)
        %dma_wait3A_212 = arith.constant 2 : i32
        %dma_wait3A_213 = arith.constant 256 : i32
        %dma_wait3A_214 = arith.constant 0 : i32
        %dma_wait3A_215 = tpu.memref_slice %arg8[%dma_wait3A_213, %dma_wait3A_214] : memref<512x16xf32, #tpu.memory_space<vmem>> -> memref<128x16xf32, #tpu.memory_space<vmem>>
        %dma_wait3A_216 = arith.constant 0 : i32
        %dma_wait3A_217 = tpu.memref_slice %arg6[%dma_wait3A_212, %dma_wait3A_216] : memref<8x128xi32, #tpu.memory_space<vmem>> -> memref<1x128xi32, #tpu.memory_space<vmem>>
        %dma_wait3A_218 = tpu.memref_squeeze %dma_wait3A_217 : memref<1x128xi32, #tpu.memory_space<vmem>> -> memref<128xi32, #tpu.memory_space<vmem>>
        %dma_wait3A_219 = arith.constant 0 : i32
        %dma_wait3A_220 = arith.constant 0 : i32
        %dma_wait3A_221 = tpu.memref_slice %arg4[%dma_wait3A_219, %dma_wait3A_220] : memref<102400x16xf32, #tpu.memory_space<hbm>> -> memref<102400x16xf32, #tpu.memory_space<hbm>>
        tpu.wait_indirect_dma semaphore(%arg11 : memref<!tpu.dma_semaphore, #tpu.memory_space<semaphore_mem>>) src(%dma_wait3A_221 : memref<102400x16xf32, #tpu.memory_space<hbm>>) dst(%dma_wait3A_215 : memref<128x16xf32, #tpu.memory_space<vmem>>)
        %dma_wait3A_222 = arith.constant 3 : i32
        %dma_wait3A_223 = arith.constant 384 : i32
        %dma_wait3A_224 = arith.constant 0 : i32
        %dma_wait3A_225 = tpu.memref_slice %arg8[%dma_wait3A_223, %dma_wait3A_224] : memref<512x16xf32, #tpu.memory_space<vmem>> -> memref<128x16xf32, #tpu.memory_space<vmem>>
        %dma_wait3A_226 = arith.constant 0 : i32
        %dma_wait3A_227 = tpu.memref_slice %arg6[%dma_wait3A_222, %dma_wait3A_226] : memref<8x128xi32, #tpu.memory_space<vmem>> -> memref<1x128xi32, #tpu.memory_space<vmem>>
        %dma_wait3A_228 = tpu.memref_squeeze %dma_wait3A_227 : memref<1x128xi32, #tpu.memory_space<vmem>> -> memref<128xi32, #tpu.memory_space<vmem>>
        %dma_wait3A_229 = arith.constant 0 : i32
        %dma_wait3A_230 = arith.constant 0 : i32
        %dma_wait3A_231 = tpu.memref_slice %arg4[%dma_wait3A_229, %dma_wait3A_230] : memref<102400x16xf32, #tpu.memory_space<hbm>> -> memref<102400x16xf32, #tpu.memory_space<hbm>>
        tpu.wait_indirect_dma semaphore(%arg11 : memref<!tpu.dma_semaphore, #tpu.memory_space<semaphore_mem>>) src(%dma_wait3A_231 : memref<102400x16xf32, #tpu.memory_space<hbm>>) dst(%dma_wait3A_225 : memref<128x16xf32, #tpu.memory_space<vmem>>)
        %dma_start3A_232 = arith.constant 4 : i32
        %dma_start3A_233 = arith.constant 0 : i32
        %dma_start3A_234 = arith.constant 0 : i32
        %dma_start3A_235 = tpu.memref_slice %arg8[%dma_start3A_233, %dma_start3A_234] : memref<512x16xf32, #tpu.memory_space<vmem>> -> memref<128x16xf32, #tpu.memory_space<vmem>>
        %dma_start3A_236 = arith.constant 0 : i32
        %dma_start3A_237 = tpu.memref_slice %arg6[%dma_start3A_232, %dma_start3A_236] : memref<8x128xi32, #tpu.memory_space<vmem>> -> memref<1x128xi32, #tpu.memory_space<vmem>>
        %dma_start3A_238 = tpu.memref_squeeze %dma_start3A_237 : memref<1x128xi32, #tpu.memory_space<vmem>> -> memref<128xi32, #tpu.memory_space<vmem>>
        %dma_start3A_239 = arith.constant 0 : i32
        %dma_start3A_240 = arith.constant 0 : i32
        %dma_start3A_241 = tpu.memref_slice %arg10[%dma_start3A_239, %dma_start3A_240] : memref<102400x16xf32, #tpu.memory_space<vmem_shared>> -> memref<102400x16xf32, #tpu.memory_space<vmem_shared>>
        tpu.enqueue_indirect_dma source(%dma_start3A_235 : memref<128x16xf32, #tpu.memory_space<vmem>>) target(%dma_start3A_241 : memref<102400x16xf32, #tpu.memory_space<vmem_shared>>) offsets(%dma_start3A_238 : memref<128xi32, #tpu.memory_space<vmem>>) semaphore(%arg13 : memref<!tpu.dma_semaphore, #tpu.memory_space<semaphore_mem>>) {add = true}
        %dma_start3A_242 = arith.constant 5 : i32
        %dma_start3A_243 = arith.constant 128 : i32
        %dma_start3A_244 = arith.constant 0 : i32
        %dma_start3A_245 = tpu.memref_slice %arg8[%dma_start3A_243, %dma_start3A_244] : memref<512x16xf32, #tpu.memory_space<vmem>> -> memref<128x16xf32, #tpu.memory_space<vmem>>
        %dma_start3A_246 = arith.constant 0 : i32
        %dma_start3A_247 = tpu.memref_slice %arg6[%dma_start3A_242, %dma_start3A_246] : memref<8x128xi32, #tpu.memory_space<vmem>> -> memref<1x128xi32, #tpu.memory_space<vmem>>
        %dma_start3A_248 = tpu.memref_squeeze %dma_start3A_247 : memref<1x128xi32, #tpu.memory_space<vmem>> -> memref<128xi32, #tpu.memory_space<vmem>>
        %dma_start3A_249 = arith.constant 0 : i32
        %dma_start3A_250 = arith.constant 0 : i32
        %dma_start3A_251 = tpu.memref_slice %arg10[%dma_start3A_249, %dma_start3A_250] : memref<102400x16xf32, #tpu.memory_space<vmem_shared>> -> memref<102400x16xf32, #tpu.memory_space<vmem_shared>>
        tpu.enqueue_indirect_dma source(%dma_start3A_245 : memref<128x16xf32, #tpu.memory_space<vmem>>) target(%dma_start3A_251 : memref<102400x16xf32, #tpu.memory_space<vmem_shared>>) offsets(%dma_start3A_248 : memref<128xi32, #tpu.memory_space<vmem>>) semaphore(%arg13 : memref<!tpu.dma_semaphore, #tpu.memory_space<semaphore_mem>>) {add = true}
        %dma_start3A_252 = arith.constant 6 : i32
        %dma_start3A_253 = arith.constant 256 : i32
        %dma_start3A_254 = arith.constant 0 : i32
        %dma_start3A_255 = tpu.memref_slice %arg8[%dma_start3A_253, %dma_start3A_254] : memref<512x16xf32, #tpu.memory_space<vmem>> -> memref<128x16xf32, #tpu.memory_space<vmem>>
        %dma_start3A_256 = arith.constant 0 : i32
        %dma_start3A_257 = tpu.memref_slice %arg6[%dma_start3A_252, %dma_start3A_256] : memref<8x128xi32, #tpu.memory_space<vmem>> -> memref<1x128xi32, #tpu.memory_space<vmem>>
        %dma_start3A_258 = tpu.memref_squeeze %dma_start3A_257 : memref<1x128xi32, #tpu.memory_space<vmem>> -> memref<128xi32, #tpu.memory_space<vmem>>
        %dma_start3A_259 = arith.constant 0 : i32
        %dma_start3A_260 = arith.constant 0 : i32
        %dma_start3A_261 = tpu.memref_slice %arg10[%dma_start3A_259, %dma_start3A_260] : memref<102400x16xf32, #tpu.memory_space<vmem_shared>> -> memref<102400x16xf32, #tpu.memory_space<vmem_shared>>
        tpu.enqueue_indirect_dma source(%dma_start3A_255 : memref<128x16xf32, #tpu.memory_space<vmem>>) target(%dma_start3A_261 : memref<102400x16xf32, #tpu.memory_space<vmem_shared>>) offsets(%dma_start3A_258 : memref<128xi32, #tpu.memory_space<vmem>>) semaphore(%arg13 : memref<!tpu.dma_semaphore, #tpu.memory_space<semaphore_mem>>) {add = true}
        %dma_start3A_262 = arith.constant 7 : i32
        %dma_start3A_263 = arith.constant 384 : i32
        %dma_start3A_264 = arith.constant 0 : i32
        %dma_start3A_265 = tpu.memref_slice %arg8[%dma_start3A_263, %dma_start3A_264] : memref<512x16xf32, #tpu.memory_space<vmem>> -> memref<128x16xf32, #tpu.memory_space<vmem>>
        %dma_start3A_266 = arith.constant 0 : i32
        %dma_start3A_267 = tpu.memref_slice %arg6[%dma_start3A_262, %dma_start3A_266] : memref<8x128xi32, #tpu.memory_space<vmem>> -> memref<1x128xi32, #tpu.memory_space<vmem>>
        %dma_start3A_268 = tpu.memref_squeeze %dma_start3A_267 : memref<1x128xi32, #tpu.memory_space<vmem>> -> memref<128xi32, #tpu.memory_space<vmem>>
        %dma_start3A_269 = arith.constant 0 : i32
        %dma_start3A_270 = arith.constant 0 : i32
        %dma_start3A_271 = tpu.memref_slice %arg10[%dma_start3A_269, %dma_start3A_270] : memref<102400x16xf32, #tpu.memory_space<vmem_shared>> -> memref<102400x16xf32, #tpu.memory_space<vmem_shared>>
        tpu.enqueue_indirect_dma source(%dma_start3A_265 : memref<128x16xf32, #tpu.memory_space<vmem>>) target(%dma_start3A_271 : memref<102400x16xf32, #tpu.memory_space<vmem_shared>>) offsets(%dma_start3A_268 : memref<128xi32, #tpu.memory_space<vmem>>) semaphore(%arg13 : memref<!tpu.dma_semaphore, #tpu.memory_space<semaphore_mem>>) {add = true}
      } else {
      }
      %jit3A_128 = arith.constant 2 : i32
      %eq3A_129 = arith.constant 0 : i32
      %eq3A_130 = arith.cmpi eq, %jit3A_128, %eq3A_129 : i32
      %jit3A_131 = arith.constant 1 : i32
      %select_n3A_132 = arith.select %eq3A_130, %jit3A_131, %jit3A_128 : i32
      %rem3A_133 = arith.remsi %add3A_115, %select_n3A_132 : i32
      %ne3A_134 = arith.constant 0 : i32
      %ne3A_135 = arith.cmpi ne, %rem3A_133, %ne3A_134 : i32
      %lt3A_136 = arith.constant 0 : i32
      %lt3A_137 = arith.cmpi slt, %rem3A_133, %lt3A_136 : i32
      %lt3A_138 = arith.constant 0 : i32
      %lt3A_139 = arith.cmpi slt, %select_n3A_132, %lt3A_138 : i32
      %ne3A_140 = arith.xori %lt3A_137, %lt3A_139 : i1
      %and3A_141 = arith.andi %ne3A_140, %ne3A_135 : i1
      %add3A_142 = arith.addi %rem3A_133, %select_n3A_132 : i32
      %select_n3A_143 = arith.select %and3A_141, %add3A_142, %rem3A_133 : i32
      %eq3A_144 = arith.constant 1 : i32
      %eq3A_145 = arith.cmpi eq, %select_n3A_143, %eq3A_144 : i32
      %convert_element_type3A_146 = arith.extui %eq3A_145 : i1 to i32
      %cond3A_147 = arith.constant 0 : i32
      %cond3A_148 = arith.cmpi ne, %convert_element_type3A_146, %cond3A_147 : i32
      scf.if %cond3A_148 {
        %ge3A = arith.constant 2 : i32
        %ge3A_149 = arith.cmpi sge, %add3A_115, %ge3A : i32
        %convert_element_type3A_150 = arith.extui %ge3A_149 : i1 to i32
        %cond3A_151 = arith.constant 0 : i32
        %cond3A_152 = arith.cmpi ne, %convert_element_type3A_150, %cond3A_151 : i32
        scf.if %cond3A_152 {
          %dma_wait3A_272 = arith.constant 0 : i32
          %dma_wait3A_273 = arith.constant 0 : i32
          %dma_wait3A_274 = tpu.memref_slice %arg9[%dma_wait3A_272, %dma_wait3A_273] : memref<512x16xf32, #tpu.memory_space<vmem>> -> memref<128x16xf32, #tpu.memory_space<vmem>>
          %dma_wait3A_275 = arith.constant 0 : i32
          %dma_wait3A_276 = arith.constant 0 : i32
          %dma_wait3A_277 = tpu.memref_slice %arg4[%dma_wait3A_275, %dma_wait3A_276] : memref<102400x16xf32, #tpu.memory_space<hbm>> -> memref<128x16xf32, #tpu.memory_space<hbm>>
          %dma_wait3A_278 = arith.constant 0 : i32
          %dma_wait3A_279 = arith.constant 0 : i32
          %dma_wait3A_280 = tpu.memref_slice %arg9[%dma_wait3A_278, %dma_wait3A_279] : memref<512x16xf32, #tpu.memory_space<vmem>> -> memref<128x16xf32, #tpu.memory_space<vmem>>
          %dma_wait3A_281 = arith.constant 0 : i32
          %dma_wait3A_282 = arith.constant 0 : i32
          %dma_wait3A_283 = tpu.memref_slice %arg4[%dma_wait3A_281, %dma_wait3A_282] : memref<102400x16xf32, #tpu.memory_space<hbm>> -> memref<128x16xf32, #tpu.memory_space<hbm>>
          tpu.wait_dma2 semaphore(%arg14 : memref<!tpu.dma_semaphore, #tpu.memory_space<semaphore_mem>>) src(%dma_wait3A_283 : memref<128x16xf32, #tpu.memory_space<hbm>>) dst(%dma_wait3A_280 : memref<128x16xf32, #tpu.memory_space<vmem>>)
          %dma_wait3A_284 = arith.constant 128 : i32
          %dma_wait3A_285 = arith.constant 0 : i32
          %dma_wait3A_286 = tpu.memref_slice %arg9[%dma_wait3A_284, %dma_wait3A_285] : memref<512x16xf32, #tpu.memory_space<vmem>> -> memref<128x16xf32, #tpu.memory_space<vmem>>
          %dma_wait3A_287 = arith.constant 0 : i32
          %dma_wait3A_288 = arith.constant 0 : i32
          %dma_wait3A_289 = tpu.memref_slice %arg4[%dma_wait3A_287, %dma_wait3A_288] : memref<102400x16xf32, #tpu.memory_space<hbm>> -> memref<128x16xf32, #tpu.memory_space<hbm>>
          %dma_wait3A_290 = arith.constant 128 : i32
          %dma_wait3A_291 = arith.constant 0 : i32
          %dma_wait3A_292 = tpu.memref_slice %arg9[%dma_wait3A_290, %dma_wait3A_291] : memref<512x16xf32, #tpu.memory_space<vmem>> -> memref<128x16xf32, #tpu.memory_space<vmem>>
          %dma_wait3A_293 = arith.constant 0 : i32
          %dma_wait3A_294 = arith.constant 0 : i32
          %dma_wait3A_295 = tpu.memref_slice %arg4[%dma_wait3A_293, %dma_wait3A_294] : memref<102400x16xf32, #tpu.memory_space<hbm>> -> memref<128x16xf32, #tpu.memory_space<hbm>>
          tpu.wait_dma2 semaphore(%arg14 : memref<!tpu.dma_semaphore, #tpu.memory_space<semaphore_mem>>) src(%dma_wait3A_295 : memref<128x16xf32, #tpu.memory_space<hbm>>) dst(%dma_wait3A_292 : memref<128x16xf32, #tpu.memory_space<vmem>>)
          %dma_wait3A_296 = arith.constant 256 : i32
          %dma_wait3A_297 = arith.constant 0 : i32
          %dma_wait3A_298 = tpu.memref_slice %arg9[%dma_wait3A_296, %dma_wait3A_297] : memref<512x16xf32, #tpu.memory_space<vmem>> -> memref<128x16xf32, #tpu.memory_space<vmem>>
          %dma_wait3A_299 = arith.constant 0 : i32
          %dma_wait3A_300 = arith.constant 0 : i32
          %dma_wait3A_301 = tpu.memref_slice %arg4[%dma_wait3A_299, %dma_wait3A_300] : memref<102400x16xf32, #tpu.memory_space<hbm>> -> memref<128x16xf32, #tpu.memory_space<hbm>>
          %dma_wait3A_302 = arith.constant 256 : i32
          %dma_wait3A_303 = arith.constant 0 : i32
          %dma_wait3A_304 = tpu.memref_slice %arg9[%dma_wait3A_302, %dma_wait3A_303] : memref<512x16xf32, #tpu.memory_space<vmem>> -> memref<128x16xf32, #tpu.memory_space<vmem>>
          %dma_wait3A_305 = arith.constant 0 : i32
          %dma_wait3A_306 = arith.constant 0 : i32
          %dma_wait3A_307 = tpu.memref_slice %arg4[%dma_wait3A_305, %dma_wait3A_306] : memref<102400x16xf32, #tpu.memory_space<hbm>> -> memref<128x16xf32, #tpu.memory_space<hbm>>
          tpu.wait_dma2 semaphore(%arg14 : memref<!tpu.dma_semaphore, #tpu.memory_space<semaphore_mem>>) src(%dma_wait3A_307 : memref<128x16xf32, #tpu.memory_space<hbm>>) dst(%dma_wait3A_304 : memref<128x16xf32, #tpu.memory_space<vmem>>)
          %dma_wait3A_308 = arith.constant 384 : i32
          %dma_wait3A_309 = arith.constant 0 : i32
          %dma_wait3A_310 = tpu.memref_slice %arg9[%dma_wait3A_308, %dma_wait3A_309] : memref<512x16xf32, #tpu.memory_space<vmem>> -> memref<128x16xf32, #tpu.memory_space<vmem>>
          %dma_wait3A_311 = arith.constant 0 : i32
          %dma_wait3A_312 = arith.constant 0 : i32
          %dma_wait3A_313 = tpu.memref_slice %arg4[%dma_wait3A_311, %dma_wait3A_312] : memref<102400x16xf32, #tpu.memory_space<hbm>> -> memref<128x16xf32, #tpu.memory_space<hbm>>
          %dma_wait3A_314 = arith.constant 384 : i32
          %dma_wait3A_315 = arith.constant 0 : i32
          %dma_wait3A_316 = tpu.memref_slice %arg9[%dma_wait3A_314, %dma_wait3A_315] : memref<512x16xf32, #tpu.memory_space<vmem>> -> memref<128x16xf32, #tpu.memory_space<vmem>>
          %dma_wait3A_317 = arith.constant 0 : i32
          %dma_wait3A_318 = arith.constant 0 : i32
          %dma_wait3A_319 = tpu.memref_slice %arg4[%dma_wait3A_317, %dma_wait3A_318] : memref<102400x16xf32, #tpu.memory_space<hbm>> -> memref<128x16xf32, #tpu.memory_space<hbm>>
          tpu.wait_dma2 semaphore(%arg14 : memref<!tpu.dma_semaphore, #tpu.memory_space<semaphore_mem>>) src(%dma_wait3A_319 : memref<128x16xf32, #tpu.memory_space<hbm>>) dst(%dma_wait3A_316 : memref<128x16xf32, #tpu.memory_space<vmem>>)
        } else {
        }
        "tpu.region"() ({
          %run_scoped3A = tpu.sem_alloc : memref<!tpu.dma_semaphore, #tpu.memory_space<semaphore_mem>>
          %dma_start3A_272 = arith.constant 0 : i32
          %dma_start3A_273 = arith.constant 0 : i32
          %dma_start3A_274 = tpu.memref_slice %arg2[%add3A, %add3A_115, %dma_start3A_272, %dma_start3A_273] : memref<32x196x8x128xi32, #tpu.memory_space<hbm>> -> memref<1x1x8x128xi32, #tpu.memory_space<hbm>>
          %dma_start3A_275 = tpu.memref_squeeze %dma_start3A_274 : memref<1x1x8x128xi32, #tpu.memory_space<hbm>> -> memref<8x128xi32, #tpu.memory_space<hbm>>
          %dma_start3A_276 = arith.constant 0 : i32
          %dma_start3A_277 = arith.constant 0 : i32
          %dma_start3A_278 = tpu.memref_slice %arg2[%add3A, %add3A_115, %dma_start3A_276, %dma_start3A_277] : memref<32x196x8x128xi32, #tpu.memory_space<hbm>> -> memref<1x1x8x128xi32, #tpu.memory_space<hbm>>
          %dma_start3A_279 = tpu.memref_squeeze %dma_start3A_278 : memref<1x1x8x128xi32, #tpu.memory_space<hbm>> -> memref<8x128xi32, #tpu.memory_space<hbm>>
          tpu.enqueue_dma source(%dma_start3A_279 : memref<8x128xi32, #tpu.memory_space<hbm>>) target(%arg7 : memref<8x128xi32, #tpu.memory_space<vmem>>) target_semaphore(%run_scoped3A : memref<!tpu.dma_semaphore, #tpu.memory_space<semaphore_mem>>)
          %dma_wait3A_280 = arith.constant 0 : i32
          %dma_wait3A_281 = arith.constant 0 : i32
          %dma_wait3A_282 = tpu.memref_slice %arg2[%add3A, %add3A_115, %dma_wait3A_280, %dma_wait3A_281] : memref<32x196x8x128xi32, #tpu.memory_space<hbm>> -> memref<1x1x8x128xi32, #tpu.memory_space<hbm>>
          %dma_wait3A_283 = tpu.memref_squeeze %dma_wait3A_282 : memref<1x1x8x128xi32, #tpu.memory_space<hbm>> -> memref<8x128xi32, #tpu.memory_space<hbm>>
          %dma_wait3A_284 = arith.constant 0 : i32
          %dma_wait3A_285 = arith.constant 0 : i32
          %dma_wait3A_286 = tpu.memref_slice %arg2[%add3A, %add3A_115, %dma_wait3A_284, %dma_wait3A_285] : memref<32x196x8x128xi32, #tpu.memory_space<hbm>> -> memref<1x1x8x128xi32, #tpu.memory_space<hbm>>
          %dma_wait3A_287 = tpu.memref_squeeze %dma_wait3A_286 : memref<1x1x8x128xi32, #tpu.memory_space<hbm>> -> memref<8x128xi32, #tpu.memory_space<hbm>>
          tpu.wait_dma2 semaphore(%run_scoped3A : memref<!tpu.dma_semaphore, #tpu.memory_space<semaphore_mem>>) src(%dma_wait3A_287 : memref<8x128xi32, #tpu.memory_space<hbm>>) dst(%arg7 : memref<8x128xi32, #tpu.memory_space<vmem>>)
          tpu.yield
        }) : () -> ()
        %dma_start3A = arith.constant 0 : i32
        %dma_start3A_153 = arith.constant 0 : i32
        %dma_start3A_154 = arith.constant 0 : i32
        %dma_start3A_155 = tpu.memref_slice %arg9[%dma_start3A_153, %dma_start3A_154] : memref<512x16xf32, #tpu.memory_space<vmem>> -> memref<128x16xf32, #tpu.memory_space<vmem>>
        %dma_start3A_156 = arith.constant 0 : i32
        %dma_start3A_157 = tpu.memref_slice %arg7[%dma_start3A, %dma_start3A_156] : memref<8x128xi32, #tpu.memory_space<vmem>> -> memref<1x128xi32, #tpu.memory_space<vmem>>
        %dma_start3A_158 = tpu.memref_squeeze %dma_start3A_157 : memref<1x128xi32, #tpu.memory_space<vmem>> -> memref<128xi32, #tpu.memory_space<vmem>>
        %dma_start3A_159 = arith.constant 0 : i32
        %dma_start3A_160 = arith.constant 0 : i32
        %dma_start3A_161 = tpu.memref_slice %arg4[%dma_start3A_159, %dma_start3A_160] : memref<102400x16xf32, #tpu.memory_space<hbm>> -> memref<102400x16xf32, #tpu.memory_space<hbm>>
        tpu.enqueue_indirect_dma source(%dma_start3A_161 : memref<102400x16xf32, #tpu.memory_space<hbm>>) target(%dma_start3A_155 : memref<128x16xf32, #tpu.memory_space<vmem>>) offsets(%dma_start3A_158 : memref<128xi32, #tpu.memory_space<vmem>>) semaphore(%arg12 : memref<!tpu.dma_semaphore, #tpu.memory_space<semaphore_mem>>)
        %dma_start3A_162 = arith.constant 1 : i32
        %dma_start3A_163 = arith.constant 128 : i32
        %dma_start3A_164 = arith.constant 0 : i32
        %dma_start3A_165 = tpu.memref_slice %arg9[%dma_start3A_163, %dma_start3A_164] : memref<512x16xf32, #tpu.memory_space<vmem>> -> memref<128x16xf32, #tpu.memory_space<vmem>>
        %dma_start3A_166 = arith.constant 0 : i32
        %dma_start3A_167 = tpu.memref_slice %arg7[%dma_start3A_162, %dma_start3A_166] : memref<8x128xi32, #tpu.memory_space<vmem>> -> memref<1x128xi32, #tpu.memory_space<vmem>>
        %dma_start3A_168 = tpu.memref_squeeze %dma_start3A_167 : memref<1x128xi32, #tpu.memory_space<vmem>> -> memref<128xi32, #tpu.memory_space<vmem>>
        %dma_start3A_169 = arith.constant 0 : i32
        %dma_start3A_170 = arith.constant 0 : i32
        %dma_start3A_171 = tpu.memref_slice %arg4[%dma_start3A_169, %dma_start3A_170] : memref<102400x16xf32, #tpu.memory_space<hbm>> -> memref<102400x16xf32, #tpu.memory_space<hbm>>
        tpu.enqueue_indirect_dma source(%dma_start3A_171 : memref<102400x16xf32, #tpu.memory_space<hbm>>) target(%dma_start3A_165 : memref<128x16xf32, #tpu.memory_space<vmem>>) offsets(%dma_start3A_168 : memref<128xi32, #tpu.memory_space<vmem>>) semaphore(%arg12 : memref<!tpu.dma_semaphore, #tpu.memory_space<semaphore_mem>>)
        %dma_start3A_172 = arith.constant 2 : i32
        %dma_start3A_173 = arith.constant 256 : i32
        %dma_start3A_174 = arith.constant 0 : i32
        %dma_start3A_175 = tpu.memref_slice %arg9[%dma_start3A_173, %dma_start3A_174] : memref<512x16xf32, #tpu.memory_space<vmem>> -> memref<128x16xf32, #tpu.memory_space<vmem>>
        %dma_start3A_176 = arith.constant 0 : i32
        %dma_start3A_177 = tpu.memref_slice %arg7[%dma_start3A_172, %dma_start3A_176] : memref<8x128xi32, #tpu.memory_space<vmem>> -> memref<1x128xi32, #tpu.memory_space<vmem>>
        %dma_start3A_178 = tpu.memref_squeeze %dma_start3A_177 : memref<1x128xi32, #tpu.memory_space<vmem>> -> memref<128xi32, #tpu.memory_space<vmem>>
        %dma_start3A_179 = arith.constant 0 : i32
        %dma_start3A_180 = arith.constant 0 : i32
        %dma_start3A_181 = tpu.memref_slice %arg4[%dma_start3A_179, %dma_start3A_180] : memref<102400x16xf32, #tpu.memory_space<hbm>> -> memref<102400x16xf32, #tpu.memory_space<hbm>>
        tpu.enqueue_indirect_dma source(%dma_start3A_181 : memref<102400x16xf32, #tpu.memory_space<hbm>>) target(%dma_start3A_175 : memref<128x16xf32, #tpu.memory_space<vmem>>) offsets(%dma_start3A_178 : memref<128xi32, #tpu.memory_space<vmem>>) semaphore(%arg12 : memref<!tpu.dma_semaphore, #tpu.memory_space<semaphore_mem>>)
        %dma_start3A_182 = arith.constant 3 : i32
        %dma_start3A_183 = arith.constant 384 : i32
        %dma_start3A_184 = arith.constant 0 : i32
        %dma_start3A_185 = tpu.memref_slice %arg9[%dma_start3A_183, %dma_start3A_184] : memref<512x16xf32, #tpu.memory_space<vmem>> -> memref<128x16xf32, #tpu.memory_space<vmem>>
        %dma_start3A_186 = arith.constant 0 : i32
        %dma_start3A_187 = tpu.memref_slice %arg7[%dma_start3A_182, %dma_start3A_186] : memref<8x128xi32, #tpu.memory_space<vmem>> -> memref<1x128xi32, #tpu.memory_space<vmem>>
        %dma_start3A_188 = tpu.memref_squeeze %dma_start3A_187 : memref<1x128xi32, #tpu.memory_space<vmem>> -> memref<128xi32, #tpu.memory_space<vmem>>
        %dma_start3A_189 = arith.constant 0 : i32
        %dma_start3A_190 = arith.constant 0 : i32
        %dma_start3A_191 = tpu.memref_slice %arg4[%dma_start3A_189, %dma_start3A_190] : memref<102400x16xf32, #tpu.memory_space<hbm>> -> memref<102400x16xf32, #tpu.memory_space<hbm>>
        tpu.enqueue_indirect_dma source(%dma_start3A_191 : memref<102400x16xf32, #tpu.memory_space<hbm>>) target(%dma_start3A_185 : memref<128x16xf32, #tpu.memory_space<vmem>>) offsets(%dma_start3A_188 : memref<128xi32, #tpu.memory_space<vmem>>) semaphore(%arg12 : memref<!tpu.dma_semaphore, #tpu.memory_space<semaphore_mem>>)
        %dma_wait3A_192 = arith.constant 0 : i32
        %dma_wait3A_193 = arith.constant 0 : i32
        %dma_wait3A_194 = arith.constant 0 : i32
        %dma_wait3A_195 = tpu.memref_slice %arg9[%dma_wait3A_193, %dma_wait3A_194] : memref<512x16xf32, #tpu.memory_space<vmem>> -> memref<128x16xf32, #tpu.memory_space<vmem>>
        %dma_wait3A_196 = arith.constant 0 : i32
        %dma_wait3A_197 = tpu.memref_slice %arg7[%dma_wait3A_192, %dma_wait3A_196] : memref<8x128xi32, #tpu.memory_space<vmem>> -> memref<1x128xi32, #tpu.memory_space<vmem>>
        %dma_wait3A_198 = tpu.memref_squeeze %dma_wait3A_197 : memref<1x128xi32, #tpu.memory_space<vmem>> -> memref<128xi32, #tpu.memory_space<vmem>>
        %dma_wait3A_199 = arith.constant 0 : i32
        %dma_wait3A_200 = arith.constant 0 : i32
        %dma_wait3A_201 = tpu.memref_slice %arg4[%dma_wait3A_199, %dma_wait3A_200] : memref<102400x16xf32, #tpu.memory_space<hbm>> -> memref<102400x16xf32, #tpu.memory_space<hbm>>
        tpu.wait_indirect_dma semaphore(%arg12 : memref<!tpu.dma_semaphore, #tpu.memory_space<semaphore_mem>>) src(%dma_wait3A_201 : memref<102400x16xf32, #tpu.memory_space<hbm>>) dst(%dma_wait3A_195 : memref<128x16xf32, #tpu.memory_space<vmem>>)
        %dma_wait3A_202 = arith.constant 1 : i32
        %dma_wait3A_203 = arith.constant 128 : i32
        %dma_wait3A_204 = arith.constant 0 : i32
        %dma_wait3A_205 = tpu.memref_slice %arg9[%dma_wait3A_203, %dma_wait3A_204] : memref<512x16xf32, #tpu.memory_space<vmem>> -> memref<128x16xf32, #tpu.memory_space<vmem>>
        %dma_wait3A_206 = arith.constant 0 : i32
        %dma_wait3A_207 = tpu.memref_slice %arg7[%dma_wait3A_202, %dma_wait3A_206] : memref<8x128xi32, #tpu.memory_space<vmem>> -> memref<1x128xi32, #tpu.memory_space<vmem>>
        %dma_wait3A_208 = tpu.memref_squeeze %dma_wait3A_207 : memref<1x128xi32, #tpu.memory_space<vmem>> -> memref<128xi32, #tpu.memory_space<vmem>>
        %dma_wait3A_209 = arith.constant 0 : i32
        %dma_wait3A_210 = arith.constant 0 : i32
        %dma_wait3A_211 = tpu.memref_slice %arg4[%dma_wait3A_209, %dma_wait3A_210] : memref<102400x16xf32, #tpu.memory_space<hbm>> -> memref<102400x16xf32, #tpu.memory_space<hbm>>
        tpu.wait_indirect_dma semaphore(%arg12 : memref<!tpu.dma_semaphore, #tpu.memory_space<semaphore_mem>>) src(%dma_wait3A_211 : memref<102400x16xf32, #tpu.memory_space<hbm>>) dst(%dma_wait3A_205 : memref<128x16xf32, #tpu.memory_space<vmem>>)
        %dma_wait3A_212 = arith.constant 2 : i32
        %dma_wait3A_213 = arith.constant 256 : i32
        %dma_wait3A_214 = arith.constant 0 : i32
        %dma_wait3A_215 = tpu.memref_slice %arg9[%dma_wait3A_213, %dma_wait3A_214] : memref<512x16xf32, #tpu.memory_space<vmem>> -> memref<128x16xf32, #tpu.memory_space<vmem>>
        %dma_wait3A_216 = arith.constant 0 : i32
        %dma_wait3A_217 = tpu.memref_slice %arg7[%dma_wait3A_212, %dma_wait3A_216] : memref<8x128xi32, #tpu.memory_space<vmem>> -> memref<1x128xi32, #tpu.memory_space<vmem>>
        %dma_wait3A_218 = tpu.memref_squeeze %dma_wait3A_217 : memref<1x128xi32, #tpu.memory_space<vmem>> -> memref<128xi32, #tpu.memory_space<vmem>>
        %dma_wait3A_219 = arith.constant 0 : i32
        %dma_wait3A_220 = arith.constant 0 : i32
        %dma_wait3A_221 = tpu.memref_slice %arg4[%dma_wait3A_219, %dma_wait3A_220] : memref<102400x16xf32, #tpu.memory_space<hbm>> -> memref<102400x16xf32, #tpu.memory_space<hbm>>
        tpu.wait_indirect_dma semaphore(%arg12 : memref<!tpu.dma_semaphore, #tpu.memory_space<semaphore_mem>>) src(%dma_wait3A_221 : memref<102400x16xf32, #tpu.memory_space<hbm>>) dst(%dma_wait3A_215 : memref<128x16xf32, #tpu.memory_space<vmem>>)
        %dma_wait3A_222 = arith.constant 3 : i32
        %dma_wait3A_223 = arith.constant 384 : i32
        %dma_wait3A_224 = arith.constant 0 : i32
        %dma_wait3A_225 = tpu.memref_slice %arg9[%dma_wait3A_223, %dma_wait3A_224] : memref<512x16xf32, #tpu.memory_space<vmem>> -> memref<128x16xf32, #tpu.memory_space<vmem>>
        %dma_wait3A_226 = arith.constant 0 : i32
        %dma_wait3A_227 = tpu.memref_slice %arg7[%dma_wait3A_222, %dma_wait3A_226] : memref<8x128xi32, #tpu.memory_space<vmem>> -> memref<1x128xi32, #tpu.memory_space<vmem>>
        %dma_wait3A_228 = tpu.memref_squeeze %dma_wait3A_227 : memref<1x128xi32, #tpu.memory_space<vmem>> -> memref<128xi32, #tpu.memory_space<vmem>>
        %dma_wait3A_229 = arith.constant 0 : i32
        %dma_wait3A_230 = arith.constant 0 : i32
        %dma_wait3A_231 = tpu.memref_slice %arg4[%dma_wait3A_229, %dma_wait3A_230] : memref<102400x16xf32, #tpu.memory_space<hbm>> -> memref<102400x16xf32, #tpu.memory_space<hbm>>
        tpu.wait_indirect_dma semaphore(%arg12 : memref<!tpu.dma_semaphore, #tpu.memory_space<semaphore_mem>>) src(%dma_wait3A_231 : memref<102400x16xf32, #tpu.memory_space<hbm>>) dst(%dma_wait3A_225 : memref<128x16xf32, #tpu.memory_space<vmem>>)
        %dma_start3A_232 = arith.constant 4 : i32
        %dma_start3A_233 = arith.constant 0 : i32
        %dma_start3A_234 = arith.constant 0 : i32
        %dma_start3A_235 = tpu.memref_slice %arg9[%dma_start3A_233, %dma_start3A_234] : memref<512x16xf32, #tpu.memory_space<vmem>> -> memref<128x16xf32, #tpu.memory_space<vmem>>
        %dma_start3A_236 = arith.constant 0 : i32
        %dma_start3A_237 = tpu.memref_slice %arg7[%dma_start3A_232, %dma_start3A_236] : memref<8x128xi32, #tpu.memory_space<vmem>> -> memref<1x128xi32, #tpu.memory_space<vmem>>
        %dma_start3A_238 = tpu.memref_squeeze %dma_start3A_237 : memref<1x128xi32, #tpu.memory_space<vmem>> -> memref<128xi32, #tpu.memory_space<vmem>>
        %dma_start3A_239 = arith.constant 0 : i32
        %dma_start3A_240 = arith.constant 0 : i32
        %dma_start3A_241 = tpu.memref_slice %arg10[%dma_start3A_239, %dma_start3A_240] : memref<102400x16xf32, #tpu.memory_space<vmem_shared>> -> memref<102400x16xf32, #tpu.memory_space<vmem_shared>>
        tpu.enqueue_indirect_dma source(%dma_start3A_235 : memref<128x16xf32, #tpu.memory_space<vmem>>) target(%dma_start3A_241 : memref<102400x16xf32, #tpu.memory_space<vmem_shared>>) offsets(%dma_start3A_238 : memref<128xi32, #tpu.memory_space<vmem>>) semaphore(%arg14 : memref<!tpu.dma_semaphore, #tpu.memory_space<semaphore_mem>>) {add = true}
        %dma_start3A_242 = arith.constant 5 : i32
        %dma_start3A_243 = arith.constant 128 : i32
        %dma_start3A_244 = arith.constant 0 : i32
        %dma_start3A_245 = tpu.memref_slice %arg9[%dma_start3A_243, %dma_start3A_244] : memref<512x16xf32, #tpu.memory_space<vmem>> -> memref<128x16xf32, #tpu.memory_space<vmem>>
        %dma_start3A_246 = arith.constant 0 : i32
        %dma_start3A_247 = tpu.memref_slice %arg7[%dma_start3A_242, %dma_start3A_246] : memref<8x128xi32, #tpu.memory_space<vmem>> -> memref<1x128xi32, #tpu.memory_space<vmem>>
        %dma_start3A_248 = tpu.memref_squeeze %dma_start3A_247 : memref<1x128xi32, #tpu.memory_space<vmem>> -> memref<128xi32, #tpu.memory_space<vmem>>
        %dma_start3A_249 = arith.constant 0 : i32
        %dma_start3A_250 = arith.constant 0 : i32
        %dma_start3A_251 = tpu.memref_slice %arg10[%dma_start3A_249, %dma_start3A_250] : memref<102400x16xf32, #tpu.memory_space<vmem_shared>> -> memref<102400x16xf32, #tpu.memory_space<vmem_shared>>
        tpu.enqueue_indirect_dma source(%dma_start3A_245 : memref<128x16xf32, #tpu.memory_space<vmem>>) target(%dma_start3A_251 : memref<102400x16xf32, #tpu.memory_space<vmem_shared>>) offsets(%dma_start3A_248 : memref<128xi32, #tpu.memory_space<vmem>>) semaphore(%arg14 : memref<!tpu.dma_semaphore, #tpu.memory_space<semaphore_mem>>) {add = true}
        %dma_start3A_252 = arith.constant 6 : i32
        %dma_start3A_253 = arith.constant 256 : i32
        %dma_start3A_254 = arith.constant 0 : i32
        %dma_start3A_255 = tpu.memref_slice %arg9[%dma_start3A_253, %dma_start3A_254] : memref<512x16xf32, #tpu.memory_space<vmem>> -> memref<128x16xf32, #tpu.memory_space<vmem>>
        %dma_start3A_256 = arith.constant 0 : i32
        %dma_start3A_257 = tpu.memref_slice %arg7[%dma_start3A_252, %dma_start3A_256] : memref<8x128xi32, #tpu.memory_space<vmem>> -> memref<1x128xi32, #tpu.memory_space<vmem>>
        %dma_start3A_258 = tpu.memref_squeeze %dma_start3A_257 : memref<1x128xi32, #tpu.memory_space<vmem>> -> memref<128xi32, #tpu.memory_space<vmem>>
        %dma_start3A_259 = arith.constant 0 : i32
        %dma_start3A_260 = arith.constant 0 : i32
        %dma_start3A_261 = tpu.memref_slice %arg10[%dma_start3A_259, %dma_start3A_260] : memref<102400x16xf32, #tpu.memory_space<vmem_shared>> -> memref<102400x16xf32, #tpu.memory_space<vmem_shared>>
        tpu.enqueue_indirect_dma source(%dma_start3A_255 : memref<128x16xf32, #tpu.memory_space<vmem>>) target(%dma_start3A_261 : memref<102400x16xf32, #tpu.memory_space<vmem_shared>>) offsets(%dma_start3A_258 : memref<128xi32, #tpu.memory_space<vmem>>) semaphore(%arg14 : memref<!tpu.dma_semaphore, #tpu.memory_space<semaphore_mem>>) {add = true}
        %dma_start3A_262 = arith.constant 7 : i32
        %dma_start3A_263 = arith.constant 384 : i32
        %dma_start3A_264 = arith.constant 0 : i32
        %dma_start3A_265 = tpu.memref_slice %arg9[%dma_start3A_263, %dma_start3A_264] : memref<512x16xf32, #tpu.memory_space<vmem>> -> memref<128x16xf32, #tpu.memory_space<vmem>>
        %dma_start3A_266 = arith.constant 0 : i32
        %dma_start3A_267 = tpu.memref_slice %arg7[%dma_start3A_262, %dma_start3A_266] : memref<8x128xi32, #tpu.memory_space<vmem>> -> memref<1x128xi32, #tpu.memory_space<vmem>>
        %dma_start3A_268 = tpu.memref_squeeze %dma_start3A_267 : memref<1x128xi32, #tpu.memory_space<vmem>> -> memref<128xi32, #tpu.memory_space<vmem>>
        %dma_start3A_269 = arith.constant 0 : i32
        %dma_start3A_270 = arith.constant 0 : i32
        %dma_start3A_271 = tpu.memref_slice %arg10[%dma_start3A_269, %dma_start3A_270] : memref<102400x16xf32, #tpu.memory_space<vmem_shared>> -> memref<102400x16xf32, #tpu.memory_space<vmem_shared>>
        tpu.enqueue_indirect_dma source(%dma_start3A_265 : memref<128x16xf32, #tpu.memory_space<vmem>>) target(%dma_start3A_271 : memref<102400x16xf32, #tpu.memory_space<vmem_shared>>) offsets(%dma_start3A_268 : memref<128xi32, #tpu.memory_space<vmem>>) semaphore(%arg14 : memref<!tpu.dma_semaphore, #tpu.memory_space<semaphore_mem>>) {add = true}
      } else {
      }
    }
    %scan3A_9 = arith.constant 196 : i32
    %dma_wait3A = arith.constant 0 : i32
    %dma_wait3A_10 = arith.constant 0 : i32
    %dma_wait3A_11 = tpu.memref_slice %arg8[%dma_wait3A, %dma_wait3A_10] : memref<512x16xf32, #tpu.memory_space<vmem>> -> memref<128x16xf32, #tpu.memory_space<vmem>>
    %dma_wait3A_12 = arith.constant 0 : i32
    %dma_wait3A_13 = arith.constant 0 : i32
    %dma_wait3A_14 = tpu.memref_slice %arg4[%dma_wait3A_12, %dma_wait3A_13] : memref<102400x16xf32, #tpu.memory_space<hbm>> -> memref<128x16xf32, #tpu.memory_space<hbm>>
    %dma_wait3A_15 = arith.constant 0 : i32
    %dma_wait3A_16 = arith.constant 0 : i32
    %dma_wait3A_17 = tpu.memref_slice %arg8[%dma_wait3A_15, %dma_wait3A_16] : memref<512x16xf32, #tpu.memory_space<vmem>> -> memref<128x16xf32, #tpu.memory_space<vmem>>
    %dma_wait3A_18 = arith.constant 0 : i32
    %dma_wait3A_19 = arith.constant 0 : i32
    %dma_wait3A_20 = tpu.memref_slice %arg4[%dma_wait3A_18, %dma_wait3A_19] : memref<102400x16xf32, #tpu.memory_space<hbm>> -> memref<128x16xf32, #tpu.memory_space<hbm>>
    tpu.wait_dma2 semaphore(%arg13 : memref<!tpu.dma_semaphore, #tpu.memory_space<semaphore_mem>>) src(%dma_wait3A_20 : memref<128x16xf32, #tpu.memory_space<hbm>>) dst(%dma_wait3A_17 : memref<128x16xf32, #tpu.memory_space<vmem>>)
    %dma_wait3A_21 = arith.constant 128 : i32
    %dma_wait3A_22 = arith.constant 0 : i32
    %dma_wait3A_23 = tpu.memref_slice %arg8[%dma_wait3A_21, %dma_wait3A_22] : memref<512x16xf32, #tpu.memory_space<vmem>> -> memref<128x16xf32, #tpu.memory_space<vmem>>
    %dma_wait3A_24 = arith.constant 0 : i32
    %dma_wait3A_25 = arith.constant 0 : i32
    %dma_wait3A_26 = tpu.memref_slice %arg4[%dma_wait3A_24, %dma_wait3A_25] : memref<102400x16xf32, #tpu.memory_space<hbm>> -> memref<128x16xf32, #tpu.memory_space<hbm>>
    %dma_wait3A_27 = arith.constant 128 : i32
    %dma_wait3A_28 = arith.constant 0 : i32
    %dma_wait3A_29 = tpu.memref_slice %arg8[%dma_wait3A_27, %dma_wait3A_28] : memref<512x16xf32, #tpu.memory_space<vmem>> -> memref<128x16xf32, #tpu.memory_space<vmem>>
    %dma_wait3A_30 = arith.constant 0 : i32
    %dma_wait3A_31 = arith.constant 0 : i32
    %dma_wait3A_32 = tpu.memref_slice %arg4[%dma_wait3A_30, %dma_wait3A_31] : memref<102400x16xf32, #tpu.memory_space<hbm>> -> memref<128x16xf32, #tpu.memory_space<hbm>>
    tpu.wait_dma2 semaphore(%arg13 : memref<!tpu.dma_semaphore, #tpu.memory_space<semaphore_mem>>) src(%dma_wait3A_32 : memref<128x16xf32, #tpu.memory_space<hbm>>) dst(%dma_wait3A_29 : memref<128x16xf32, #tpu.memory_space<vmem>>)
    %dma_wait3A_33 = arith.constant 256 : i32
    %dma_wait3A_34 = arith.constant 0 : i32
    %dma_wait3A_35 = tpu.memref_slice %arg8[%dma_wait3A_33, %dma_wait3A_34] : memref<512x16xf32, #tpu.memory_space<vmem>> -> memref<128x16xf32, #tpu.memory_space<vmem>>
    %dma_wait3A_36 = arith.constant 0 : i32
    %dma_wait3A_37 = arith.constant 0 : i32
    %dma_wait3A_38 = tpu.memref_slice %arg4[%dma_wait3A_36, %dma_wait3A_37] : memref<102400x16xf32, #tpu.memory_space<hbm>> -> memref<128x16xf32, #tpu.memory_space<hbm>>
    %dma_wait3A_39 = arith.constant 256 : i32
    %dma_wait3A_40 = arith.constant 0 : i32
    %dma_wait3A_41 = tpu.memref_slice %arg8[%dma_wait3A_39, %dma_wait3A_40] : memref<512x16xf32, #tpu.memory_space<vmem>> -> memref<128x16xf32, #tpu.memory_space<vmem>>
    %dma_wait3A_42 = arith.constant 0 : i32
    %dma_wait3A_43 = arith.constant 0 : i32
    %dma_wait3A_44 = tpu.memref_slice %arg4[%dma_wait3A_42, %dma_wait3A_43] : memref<102400x16xf32, #tpu.memory_space<hbm>> -> memref<128x16xf32, #tpu.memory_space<hbm>>
    tpu.wait_dma2 semaphore(%arg13 : memref<!tpu.dma_semaphore, #tpu.memory_space<semaphore_mem>>) src(%dma_wait3A_44 : memref<128x16xf32, #tpu.memory_space<hbm>>) dst(%dma_wait3A_41 : memref<128x16xf32, #tpu.memory_space<vmem>>)
    %dma_wait3A_45 = arith.constant 384 : i32
    %dma_wait3A_46 = arith.constant 0 : i32
    %dma_wait3A_47 = tpu.memref_slice %arg8[%dma_wait3A_45, %dma_wait3A_46] : memref<512x16xf32, #tpu.memory_space<vmem>> -> memref<128x16xf32, #tpu.memory_space<vmem>>
    %dma_wait3A_48 = arith.constant 0 : i32
    %dma_wait3A_49 = arith.constant 0 : i32
    %dma_wait3A_50 = tpu.memref_slice %arg4[%dma_wait3A_48, %dma_wait3A_49] : memref<102400x16xf32, #tpu.memory_space<hbm>> -> memref<128x16xf32, #tpu.memory_space<hbm>>
    %dma_wait3A_51 = arith.constant 384 : i32
    %dma_wait3A_52 = arith.constant 0 : i32
    %dma_wait3A_53 = tpu.memref_slice %arg8[%dma_wait3A_51, %dma_wait3A_52] : memref<512x16xf32, #tpu.memory_space<vmem>> -> memref<128x16xf32, #tpu.memory_space<vmem>>
    %dma_wait3A_54 = arith.constant 0 : i32
    %dma_wait3A_55 = arith.constant 0 : i32
    %dma_wait3A_56 = tpu.memref_slice %arg4[%dma_wait3A_54, %dma_wait3A_55] : memref<102400x16xf32, #tpu.memory_space<hbm>> -> memref<128x16xf32, #tpu.memory_space<hbm>>
    tpu.wait_dma2 semaphore(%arg13 : memref<!tpu.dma_semaphore, #tpu.memory_space<semaphore_mem>>) src(%dma_wait3A_56 : memref<128x16xf32, #tpu.memory_space<hbm>>) dst(%dma_wait3A_53 : memref<128x16xf32, #tpu.memory_space<vmem>>)
    %dma_wait3A_57 = arith.constant 0 : i32
    %dma_wait3A_58 = arith.constant 0 : i32
    %dma_wait3A_59 = tpu.memref_slice %arg9[%dma_wait3A_57, %dma_wait3A_58] : memref<512x16xf32, #tpu.memory_space<vmem>> -> memref<128x16xf32, #tpu.memory_space<vmem>>
    %dma_wait3A_60 = arith.constant 0 : i32
    %dma_wait3A_61 = arith.constant 0 : i32
    %dma_wait3A_62 = tpu.memref_slice %arg4[%dma_wait3A_60, %dma_wait3A_61] : memref<102400x16xf32, #tpu.memory_space<hbm>> -> memref<128x16xf32, #tpu.memory_space<hbm>>
    %dma_wait3A_63 = arith.constant 0 : i32
    %dma_wait3A_64 = arith.constant 0 : i32
    %dma_wait3A_65 = tpu.memref_slice %arg9[%dma_wait3A_63, %dma_wait3A_64] : memref<512x16xf32, #tpu.memory_space<vmem>> -> memref<128x16xf32, #tpu.memory_space<vmem>>
    %dma_wait3A_66 = arith.constant 0 : i32
    %dma_wait3A_67 = arith.constant 0 : i32
    %dma_wait3A_68 = tpu.memref_slice %arg4[%dma_wait3A_66, %dma_wait3A_67] : memref<102400x16xf32, #tpu.memory_space<hbm>> -> memref<128x16xf32, #tpu.memory_space<hbm>>
    tpu.wait_dma2 semaphore(%arg14 : memref<!tpu.dma_semaphore, #tpu.memory_space<semaphore_mem>>) src(%dma_wait3A_68 : memref<128x16xf32, #tpu.memory_space<hbm>>) dst(%dma_wait3A_65 : memref<128x16xf32, #tpu.memory_space<vmem>>)
    %dma_wait3A_69 = arith.constant 128 : i32
    %dma_wait3A_70 = arith.constant 0 : i32
    %dma_wait3A_71 = tpu.memref_slice %arg9[%dma_wait3A_69, %dma_wait3A_70] : memref<512x16xf32, #tpu.memory_space<vmem>> -> memref<128x16xf32, #tpu.memory_space<vmem>>
    %dma_wait3A_72 = arith.constant 0 : i32
    %dma_wait3A_73 = arith.constant 0 : i32
    %dma_wait3A_74 = tpu.memref_slice %arg4[%dma_wait3A_72, %dma_wait3A_73] : memref<102400x16xf32, #tpu.memory_space<hbm>> -> memref<128x16xf32, #tpu.memory_space<hbm>>
    %dma_wait3A_75 = arith.constant 128 : i32
    %dma_wait3A_76 = arith.constant 0 : i32
    %dma_wait3A_77 = tpu.memref_slice %arg9[%dma_wait3A_75, %dma_wait3A_76] : memref<512x16xf32, #tpu.memory_space<vmem>> -> memref<128x16xf32, #tpu.memory_space<vmem>>
    %dma_wait3A_78 = arith.constant 0 : i32
    %dma_wait3A_79 = arith.constant 0 : i32
    %dma_wait3A_80 = tpu.memref_slice %arg4[%dma_wait3A_78, %dma_wait3A_79] : memref<102400x16xf32, #tpu.memory_space<hbm>> -> memref<128x16xf32, #tpu.memory_space<hbm>>
    tpu.wait_dma2 semaphore(%arg14 : memref<!tpu.dma_semaphore, #tpu.memory_space<semaphore_mem>>) src(%dma_wait3A_80 : memref<128x16xf32, #tpu.memory_space<hbm>>) dst(%dma_wait3A_77 : memref<128x16xf32, #tpu.memory_space<vmem>>)
    %dma_wait3A_81 = arith.constant 256 : i32
    %dma_wait3A_82 = arith.constant 0 : i32
    %dma_wait3A_83 = tpu.memref_slice %arg9[%dma_wait3A_81, %dma_wait3A_82] : memref<512x16xf32, #tpu.memory_space<vmem>> -> memref<128x16xf32, #tpu.memory_space<vmem>>
    %dma_wait3A_84 = arith.constant 0 : i32
    %dma_wait3A_85 = arith.constant 0 : i32
    %dma_wait3A_86 = tpu.memref_slice %arg4[%dma_wait3A_84, %dma_wait3A_85] : memref<102400x16xf32, #tpu.memory_space<hbm>> -> memref<128x16xf32, #tpu.memory_space<hbm>>
    %dma_wait3A_87 = arith.constant 256 : i32
    %dma_wait3A_88 = arith.constant 0 : i32
    %dma_wait3A_89 = tpu.memref_slice %arg9[%dma_wait3A_87, %dma_wait3A_88] : memref<512x16xf32, #tpu.memory_space<vmem>> -> memref<128x16xf32, #tpu.memory_space<vmem>>
    %dma_wait3A_90 = arith.constant 0 : i32
    %dma_wait3A_91 = arith.constant 0 : i32
    %dma_wait3A_92 = tpu.memref_slice %arg4[%dma_wait3A_90, %dma_wait3A_91] : memref<102400x16xf32, #tpu.memory_space<hbm>> -> memref<128x16xf32, #tpu.memory_space<hbm>>
    tpu.wait_dma2 semaphore(%arg14 : memref<!tpu.dma_semaphore, #tpu.memory_space<semaphore_mem>>) src(%dma_wait3A_92 : memref<128x16xf32, #tpu.memory_space<hbm>>) dst(%dma_wait3A_89 : memref<128x16xf32, #tpu.memory_space<vmem>>)
    %dma_wait3A_93 = arith.constant 384 : i32
    %dma_wait3A_94 = arith.constant 0 : i32
    %dma_wait3A_95 = tpu.memref_slice %arg9[%dma_wait3A_93, %dma_wait3A_94] : memref<512x16xf32, #tpu.memory_space<vmem>> -> memref<128x16xf32, #tpu.memory_space<vmem>>
    %dma_wait3A_96 = arith.constant 0 : i32
    %dma_wait3A_97 = arith.constant 0 : i32
    %dma_wait3A_98 = tpu.memref_slice %arg4[%dma_wait3A_96, %dma_wait3A_97] : memref<102400x16xf32, #tpu.memory_space<hbm>> -> memref<128x16xf32, #tpu.memory_space<hbm>>
    %dma_wait3A_99 = arith.constant 384 : i32
    %dma_wait3A_100 = arith.constant 0 : i32
    %dma_wait3A_101 = tpu.memref_slice %arg9[%dma_wait3A_99, %dma_wait3A_100] : memref<512x16xf32, #tpu.memory_space<vmem>> -> memref<128x16xf32, #tpu.memory_space<vmem>>
    %dma_wait3A_102 = arith.constant 0 : i32
    %dma_wait3A_103 = arith.constant 0 : i32
    %dma_wait3A_104 = tpu.memref_slice %arg4[%dma_wait3A_102, %dma_wait3A_103] : memref<102400x16xf32, #tpu.memory_space<hbm>> -> memref<128x16xf32, #tpu.memory_space<hbm>>
    tpu.wait_dma2 semaphore(%arg14 : memref<!tpu.dma_semaphore, #tpu.memory_space<semaphore_mem>>) src(%dma_wait3A_104 : memref<128x16xf32, #tpu.memory_space<hbm>>) dst(%dma_wait3A_101 : memref<128x16xf32, #tpu.memory_space<vmem>>)
    %barrier3A_105 = arith.constant 0 : index
    tpu.barrier barrier_id(%barrier3A_105)
    %scan3A_106 = arith.constant 0 : i32
    %scan3A_107 = arith.constant 8 : i32
    %scan3A_108 = arith.addi %scan3A_106, %scan3A_107 : i32
    %scan3A_109 = arith.constant 1 : i32
    scf.for %scan3A_111 = %scan3A_106 to %scan3A_108 step %scan3A_109  : i32 {
      %mul3A_112 = arith.constant 1 : i32
      %mul3A_113 = arith.muli %scan3A_111, %mul3A_112 : i32
      %add3A_114 = arith.constant 0 : i32
      %add3A_115 = arith.addi %add3A_114, %mul3A_113 : i32
      %mul3A_116 = arith.constant 6400 : i32
      %mul3A_117 = arith.muli %arg1, %mul3A_116 : i32
      %mul3A_118 = arith.constant 800 : i32
      %mul3A_119 = arith.muli %add3A_115, %mul3A_118 : i32
      %add3A_120 = arith.addi %mul3A_117, %mul3A_119 : i32
      "tpu.region"() ({
        %run_scoped3A = tpu.sem_alloc : memref<!tpu.dma_semaphore, #tpu.memory_space<semaphore_mem>>
        %dma_start3A = arith.constant 0 : i32
        %dma_start3A_121 = arith.constant 0 : i32
        %dma_start3A_122 = tpu.memref_slice %arg8[%dma_start3A, %dma_start3A_121] : memref<512x16xf32, #tpu.memory_space<vmem>> -> memref<800x16xf32, #tpu.memory_space<vmem>>
        %dma_start3A_123 = arith.constant 0 : i32
        %dma_start3A_124 = tpu.memref_slice %arg10[%add3A_120, %dma_start3A_123] : memref<102400x16xf32, #tpu.memory_space<vmem_shared>> -> memref<800x16xf32, #tpu.memory_space<vmem_shared>>
        %dma_start3A_125 = arith.constant 0 : i32
        %dma_start3A_126 = arith.constant 0 : i32
        %dma_start3A_127 = tpu.memref_slice %arg8[%dma_start3A_125, %dma_start3A_126] : memref<512x16xf32, #tpu.memory_space<vmem>> -> memref<800x16xf32, #tpu.memory_space<vmem>>
        %dma_start3A_128 = arith.constant 0 : i32
        %dma_start3A_129 = tpu.memref_slice %arg10[%add3A_120, %dma_start3A_128] : memref<102400x16xf32, #tpu.memory_space<vmem_shared>> -> memref<800x16xf32, #tpu.memory_space<vmem_shared>>
        tpu.enqueue_dma source(%dma_start3A_129 : memref<800x16xf32, #tpu.memory_space<vmem_shared>>) target(%dma_start3A_127 : memref<800x16xf32, #tpu.memory_space<vmem>>) target_semaphore(%run_scoped3A : memref<!tpu.dma_semaphore, #tpu.memory_space<semaphore_mem>>)
        %dma_wait3A_130 = arith.constant 0 : i32
        %dma_wait3A_131 = arith.constant 0 : i32
        %dma_wait3A_132 = tpu.memref_slice %arg8[%dma_wait3A_130, %dma_wait3A_131] : memref<512x16xf32, #tpu.memory_space<vmem>> -> memref<800x16xf32, #tpu.memory_space<vmem>>
        %dma_wait3A_133 = arith.constant 0 : i32
        %dma_wait3A_134 = tpu.memref_slice %arg10[%add3A_120, %dma_wait3A_133] : memref<102400x16xf32, #tpu.memory_space<vmem_shared>> -> memref<800x16xf32, #tpu.memory_space<vmem_shared>>
        %dma_wait3A_135 = arith.constant 0 : i32
        %dma_wait3A_136 = arith.constant 0 : i32
        %dma_wait3A_137 = tpu.memref_slice %arg8[%dma_wait3A_135, %dma_wait3A_136] : memref<512x16xf32, #tpu.memory_space<vmem>> -> memref<800x16xf32, #tpu.memory_space<vmem>>
        %dma_wait3A_138 = arith.constant 0 : i32
        %dma_wait3A_139 = tpu.memref_slice %arg10[%add3A_120, %dma_wait3A_138] : memref<102400x16xf32, #tpu.memory_space<vmem_shared>> -> memref<800x16xf32, #tpu.memory_space<vmem_shared>>
        tpu.wait_dma2 semaphore(%run_scoped3A : memref<!tpu.dma_semaphore, #tpu.memory_space<semaphore_mem>>) src(%dma_wait3A_139 : memref<800x16xf32, #tpu.memory_space<vmem_shared>>) dst(%dma_wait3A_137 : memref<800x16xf32, #tpu.memory_space<vmem>>)
        tpu.yield
      }) : () -> ()
      "tpu.region"() ({
        %run_scoped3A = tpu.sem_alloc : memref<!tpu.dma_semaphore, #tpu.memory_space<semaphore_mem>>
        %dma_start3A = arith.constant 0 : i32
        %dma_start3A_121 = arith.constant 0 : i32
        %dma_start3A_122 = tpu.memref_slice %arg8[%dma_start3A, %dma_start3A_121] : memref<512x16xf32, #tpu.memory_space<vmem>> -> memref<800x16xf32, #tpu.memory_space<vmem>>
        %dma_start3A_123 = arith.constant 0 : i32
        %dma_start3A_124 = tpu.memref_slice %arg5[%arg0, %add3A_120, %dma_start3A_123] : memref<2x102400x16xf32, #tpu.memory_space<hbm>> -> memref<1x800x16xf32, #tpu.memory_space<hbm>>
        %dma_start3A_125 = tpu.memref_squeeze %dma_start3A_124 : memref<1x800x16xf32, #tpu.memory_space<hbm>> -> memref<800x16xf32, #tpu.memory_space<hbm>>
        %dma_start3A_126 = arith.constant 0 : i32
        %dma_start3A_127 = tpu.memref_slice %arg5[%arg0, %add3A_120, %dma_start3A_126] : memref<2x102400x16xf32, #tpu.memory_space<hbm>> -> memref<1x800x16xf32, #tpu.memory_space<hbm>>
        %dma_start3A_128 = tpu.memref_squeeze %dma_start3A_127 : memref<1x800x16xf32, #tpu.memory_space<hbm>> -> memref<800x16xf32, #tpu.memory_space<hbm>>
        %dma_start3A_129 = arith.constant 0 : i32
        %dma_start3A_130 = arith.constant 0 : i32
        %dma_start3A_131 = tpu.memref_slice %arg8[%dma_start3A_129, %dma_start3A_130] : memref<512x16xf32, #tpu.memory_space<vmem>> -> memref<800x16xf32, #tpu.memory_space<vmem>>
        tpu.enqueue_dma source(%dma_start3A_131 : memref<800x16xf32, #tpu.memory_space<vmem>>) target(%dma_start3A_128 : memref<800x16xf32, #tpu.memory_space<hbm>>) target_semaphore(%run_scoped3A : memref<!tpu.dma_semaphore, #tpu.memory_space<semaphore_mem>>)
        %dma_wait3A_132 = arith.constant 0 : i32
        %dma_wait3A_133 = arith.constant 0 : i32
        %dma_wait3A_134 = tpu.memref_slice %arg8[%dma_wait3A_132, %dma_wait3A_133] : memref<512x16xf32, #tpu.memory_space<vmem>> -> memref<800x16xf32, #tpu.memory_space<vmem>>
        %dma_wait3A_135 = arith.constant 0 : i32
        %dma_wait3A_136 = tpu.memref_slice %arg5[%arg0, %add3A_120, %dma_wait3A_135] : memref<2x102400x16xf32, #tpu.memory_space<hbm>> -> memref<1x800x16xf32, #tpu.memory_space<hbm>>
        %dma_wait3A_137 = tpu.memref_squeeze %dma_wait3A_136 : memref<1x800x16xf32, #tpu.memory_space<hbm>> -> memref<800x16xf32, #tpu.memory_space<hbm>>
        %dma_wait3A_138 = arith.constant 0 : i32
        %dma_wait3A_139 = tpu.memref_slice %arg5[%arg0, %add3A_120, %dma_wait3A_138] : memref<2x102400x16xf32, #tpu.memory_space<hbm>> -> memref<1x800x16xf32, #tpu.memory_space<hbm>>
        %dma_wait3A_140 = tpu.memref_squeeze %dma_wait3A_139 : memref<1x800x16xf32, #tpu.memory_space<hbm>> -> memref<800x16xf32, #tpu.memory_space<hbm>>
        %dma_wait3A_141 = arith.constant 0 : i32
        %dma_wait3A_142 = arith.constant 0 : i32
        %dma_wait3A_143 = tpu.memref_slice %arg8[%dma_wait3A_141, %dma_wait3A_142] : memref<512x16xf32, #tpu.memory_space<vmem>> -> memref<800x16xf32, #tpu.memory_space<vmem>>
        tpu.wait_dma2 semaphore(%run_scoped3A : memref<!tpu.dma_semaphore, #tpu.memory_space<semaphore_mem>>) src(%dma_wait3A_143 : memref<800x16xf32, #tpu.memory_space<vmem>>) dst(%dma_wait3A_140 : memref<800x16xf32, #tpu.memory_space<hbm>>)
        tpu.yield
      }) : () -> ()
    }
    %scan3A_110 = arith.constant 8 : i32
    return
  }
}

#map = affine_map<(d0, d1) -> (0, 0, 0, 0)>
#map1 = affine_map<(d0, d1) -> (0, 0)>
#map2 = affine_map<(d0, d1) -> (0, 0, 0)>
module attributes {stable_mosaic.version = 14 : i64} {
  func.func @body(%arg0: i32, %arg1: i32, %arg2: memref<32x196x8x128xi32, #tpu.memory_space<hbm>>, %arg3: memref<102400x16xf32, #tpu.memory_space<hbm>>, %arg4: memref<102400x16xf32, #tpu.memory_space<hbm>>, %arg5: memref<2x102400x16xf32, #tpu.memory_space<hbm>>, %arg6: memref<8x128xi32, #tpu.memory_space<vmem>>, %arg7: memref<8x128xi32, #tpu.memory_space<vmem>>, %arg8: memref<512x16xf32, #tpu.memory_space<vmem>>, %arg9: memref<512x16xf32, #tpu.memory_space<vmem>>, %arg10: memref<102400x16xf32, #tpu.memory_space<vmem_shared>>, %arg11: memref<!tpu.dma_semaphore, #tpu.memory_space<semaphore_mem>>, %arg12: memref<!tpu.dma_semaphore, #tpu.memory_space<semaphore_mem>>, %arg13: memref<!tpu.dma_semaphore, #tpu.memory_space<semaphore_mem>>, %arg14: memref<!tpu.dma_semaphore, #tpu.memory_space<semaphore_mem>>) attributes {dimension_semantics = [#tpu.dimension_semantics<core_parallel>, #tpu.dimension_semantics<subcore_parallel>], iteration_bounds = array<i64: 2, 16>, scalar_prefetch = 0 : i64, scratch_operands = 9 : i64, tpu.core_type = #tpu.core_type<sc_vector_subcore>, window_params = [{transform_indices = #map}, {transform_indices = #map1}, {transform_indices = #map1}, {transform_indices = #map2}]} {
    %mul3A = arith.constant 16 : i32
    %mul3A_0 = arith.muli %arg0, %mul3A : i32
    %add3A = arith.addi %mul3A_0, %arg1 : i32
    "tpu.region"() ({
      %run_scoped3A = tpu.sem_alloc : memref<!tpu.dma_semaphore, #tpu.memory_space<semaphore_mem>>
      %dma_start3A = arith.constant 0 : i32
      %dma_start3A_111 = arith.constant 0 : i32
      %dma_start3A_112 = tpu.memref_slice %arg8[%dma_start3A, %dma_start3A_111] : memref<512x16xf32, #tpu.memory_space<vmem>> -> memref<128x16xf32, #tpu.memory_space<vmem>>
      %dma_start3A_113 = arith.constant 0 : i32
      %dma_start3A_114 = arith.constant 0 : i32
      %dma_start3A_115 = tpu.memref_slice %arg3[%dma_start3A_113, %dma_start3A_114] : memref<102400x16xf32, #tpu.memory_space<hbm>> -> memref<128x16xf32, #tpu.memory_space<hbm>>
      %dma_start3A_116 = arith.constant 0 : i32
      %dma_start3A_117 = arith.constant 0 : i32
      %dma_start3A_118 = tpu.memref_slice %arg8[%dma_start3A_116, %dma_start3A_117] : memref<512x16xf32, #tpu.memory_space<vmem>> -> memref<128x16xf32, #tpu.memory_space<vmem>>
      %dma_start3A_119 = arith.constant 0 : i32
      %dma_start3A_120 = arith.constant 0 : i32
      %dma_start3A_121 = tpu.memref_slice %arg3[%dma_start3A_119, %dma_start3A_120] : memref<102400x16xf32, #tpu.memory_space<hbm>> -> memref<128x16xf32, #tpu.memory_space<hbm>>
      tpu.enqueue_dma source(%dma_start3A_121 : memref<128x16xf32, #tpu.memory_space<hbm>>) target(%dma_start3A_118 : memref<128x16xf32, #tpu.memory_space<vmem>>) target_semaphore(%run_scoped3A : memref<!tpu.dma_semaphore, #tpu.memory_space<semaphore_mem>>)
      %dma_wait3A_122 = arith.constant 0 : i32
      %dma_wait3A_123 = arith.constant 0 : i32
      %dma_wait3A_124 = tpu.memref_slice %arg8[%dma_wait3A_122, %dma_wait3A_123] : memref<512x16xf32, #tpu.memory_space<vmem>> -> memref<128x16xf32, #tpu.memory_space<vmem>>
      %dma_wait3A_125 = arith.constant 0 : i32
      %dma_wait3A_126 = arith.constant 0 : i32
      %dma_wait3A_127 = tpu.memref_slice %arg3[%dma_wait3A_125, %dma_wait3A_126] : memref<102400x16xf32, #tpu.memory_space<hbm>> -> memref<128x16xf32, #tpu.memory_space<hbm>>
      %dma_wait3A_128 = arith.constant 0 : i32
      %dma_wait3A_129 = arith.constant 0 : i32
      %dma_wait3A_130 = tpu.memref_slice %arg8[%dma_wait3A_128, %dma_wait3A_129] : memref<512x16xf32, #tpu.memory_space<vmem>> -> memref<128x16xf32, #tpu.memory_space<vmem>>
      %dma_wait3A_131 = arith.constant 0 : i32
      %dma_wait3A_132 = arith.constant 0 : i32
      %dma_wait3A_133 = tpu.memref_slice %arg3[%dma_wait3A_131, %dma_wait3A_132] : memref<102400x16xf32, #tpu.memory_space<hbm>> -> memref<128x16xf32, #tpu.memory_space<hbm>>
      tpu.wait_dma2 semaphore(%run_scoped3A : memref<!tpu.dma_semaphore, #tpu.memory_space<semaphore_mem>>) src(%dma_wait3A_133 : memref<128x16xf32, #tpu.memory_space<hbm>>) dst(%dma_wait3A_130 : memref<128x16xf32, #tpu.memory_space<vmem>>)
      tpu.yield
    }) : () -> ()
    %scan3A = arith.constant 0 : i32
    %scan3A_1 = arith.constant 50 : i32
    %scan3A_2 = arith.addi %scan3A, %scan3A_1 : i32
    %scan3A_3 = arith.constant 1 : i32
    scf.for %scan3A_111 = %scan3A to %scan3A_2 step %scan3A_3  : i32 {
      %mul3A_112 = arith.constant 1 : i32
      %mul3A_113 = arith.muli %scan3A_111, %mul3A_112 : i32
      %add3A_114 = arith.constant 0 : i32
      %add3A_115 = arith.addi %add3A_114, %mul3A_113 : i32
      %mul3A_116 = arith.constant 6400 : i32
      %mul3A_117 = arith.muli %arg1, %mul3A_116 : i32
      %mul3A_118 = arith.constant 128 : i32
      %mul3A_119 = arith.muli %add3A_115, %mul3A_118 : i32
      %add3A_120 = arith.addi %mul3A_117, %mul3A_119 : i32
      "tpu.region"() ({
        %run_scoped3A = tpu.sem_alloc : memref<!tpu.dma_semaphore, #tpu.memory_space<semaphore_mem>>
        %dma_start3A = arith.constant 0 : i32
        %dma_start3A_121 = arith.constant 0 : i32
        %dma_start3A_122 = tpu.memref_slice %arg8[%dma_start3A, %dma_start3A_121] : memref<512x16xf32, #tpu.memory_space<vmem>> -> memref<128x16xf32, #tpu.memory_space<vmem>>
        %dma_start3A_123 = arith.constant 0 : i32
        %dma_start3A_124 = tpu.memref_slice %arg10[%add3A_120, %dma_start3A_123] : memref<102400x16xf32, #tpu.memory_space<vmem_shared>> -> memref<128x16xf32, #tpu.memory_space<vmem_shared>>
        %dma_start3A_125 = arith.constant 0 : i32
        %dma_start3A_126 = tpu.memref_slice %arg10[%add3A_120, %dma_start3A_125] : memref<102400x16xf32, #tpu.memory_space<vmem_shared>> -> memref<128x16xf32, #tpu.memory_space<vmem_shared>>
        %dma_start3A_127 = arith.constant 0 : i32
        %dma_start3A_128 = arith.constant 0 : i32
        %dma_start3A_129 = tpu.memref_slice %arg8[%dma_start3A_127, %dma_start3A_128] : memref<512x16xf32, #tpu.memory_space<vmem>> -> memref<128x16xf32, #tpu.memory_space<vmem>>
        tpu.enqueue_dma source(%dma_start3A_129 : memref<128x16xf32, #tpu.memory_space<vmem>>) target(%dma_start3A_126 : memref<128x16xf32, #tpu.memory_space<vmem_shared>>) target_semaphore(%run_scoped3A : memref<!tpu.dma_semaphore, #tpu.memory_space<semaphore_mem>>)
        %dma_wait3A_130 = arith.constant 0 : i32
        %dma_wait3A_131 = arith.constant 0 : i32
        %dma_wait3A_132 = tpu.memref_slice %arg8[%dma_wait3A_130, %dma_wait3A_131] : memref<512x16xf32, #tpu.memory_space<vmem>> -> memref<128x16xf32, #tpu.memory_space<vmem>>
        %dma_wait3A_133 = arith.constant 0 : i32
        %dma_wait3A_134 = tpu.memref_slice %arg10[%add3A_120, %dma_wait3A_133] : memref<102400x16xf32, #tpu.memory_space<vmem_shared>> -> memref<128x16xf32, #tpu.memory_space<vmem_shared>>
        %dma_wait3A_135 = arith.constant 0 : i32
        %dma_wait3A_136 = tpu.memref_slice %arg10[%add3A_120, %dma_wait3A_135] : memref<102400x16xf32, #tpu.memory_space<vmem_shared>> -> memref<128x16xf32, #tpu.memory_space<vmem_shared>>
        %dma_wait3A_137 = arith.constant 0 : i32
        %dma_wait3A_138 = arith.constant 0 : i32
        %dma_wait3A_139 = tpu.memref_slice %arg8[%dma_wait3A_137, %dma_wait3A_138] : memref<512x16xf32, #tpu.memory_space<vmem>> -> memref<128x16xf32, #tpu.memory_space<vmem>>
        tpu.wait_dma2 semaphore(%run_scoped3A : memref<!tpu.dma_semaphore, #tpu.memory_space<semaphore_mem>>) src(%dma_wait3A_139 : memref<128x16xf32, #tpu.memory_space<vmem>>) dst(%dma_wait3A_136 : memref<128x16xf32, #tpu.memory_space<vmem_shared>>)
        tpu.yield
      }) : () -> ()
    }
    %scan3A_4 = arith.constant 50 : i32
    %barrier3A = arith.constant 0 : index
    tpu.barrier barrier_id(%barrier3A)
    %scan3A_5 = arith.constant 0 : i32
    %scan3A_6 = arith.constant 196 : i32
    %scan3A_7 = arith.addi %scan3A_5, %scan3A_6 : i32
    %scan3A_8 = arith.constant 1 : i32
    scf.for %scan3A_111 = %scan3A_5 to %scan3A_7 step %scan3A_8  : i32 {
      %mul3A_112 = arith.constant 1 : i32
      %mul3A_113 = arith.muli %scan3A_111, %mul3A_112 : i32
      %add3A_114 = arith.constant 0 : i32
      %add3A_115 = arith.addi %add3A_114, %mul3A_113 : i32
      %jit3A = arith.constant 2 : i32
      %eq3A = arith.constant 0 : i32
      %eq3A_116 = arith.cmpi eq, %jit3A, %eq3A : i32
      %jit3A_117 = arith.constant 1 : i32
      %select_n3A = arith.select %eq3A_116, %jit3A_117, %jit3A : i32
      %rem3A = arith.remsi %add3A_115, %select_n3A : i32
      %ne3A = arith.constant 0 : i32
      %ne3A_118 = arith.cmpi ne, %rem3A, %ne3A : i32
      %lt3A = arith.constant 0 : i32
      %lt3A_119 = arith.cmpi slt, %rem3A, %lt3A : i32
      %lt3A_120 = arith.constant 0 : i32
      %lt3A_121 = arith.cmpi slt, %select_n3A, %lt3A_120 : i32
      %ne3A_122 = arith.xori %lt3A_119, %lt3A_121 : i1
      %and3A = arith.andi %ne3A_122, %ne3A_118 : i1
      %add3A_123 = arith.addi %rem3A, %select_n3A : i32
      %select_n3A_124 = arith.select %and3A, %add3A_123, %rem3A : i32
      %eq3A_125 = arith.constant 0 : i32
      %eq3A_126 = arith.cmpi eq, %select_n3A_124, %eq3A_125 : i32
      %convert_element_type3A = arith.extui %eq3A_126 : i1 to i32
      %cond3A = arith.constant 0 : i32
      %cond3A_127 = arith.cmpi ne, %convert_element_type3A, %cond3A : i32
      scf.if %cond3A_127 {
        %ge3A = arith.constant 2 : i32
        %ge3A_149 = arith.cmpi sge, %add3A_115, %ge3A : i32
        %convert_element_type3A_150 = arith.extui %ge3A_149 : i1 to i32
        %cond3A_151 = arith.constant 0 : i32
        %cond3A_152 = arith.cmpi ne, %convert_element_type3A_150, %cond3A_151 : i32
        scf.if %cond3A_152 {
          %dma_wait3A_272 = arith.constant 0 : i32
          %dma_wait3A_273 = arith.constant 0 : i32
          %dma_wait3A_274 = tpu.memref_slice %arg8[%dma_wait3A_272, %dma_wait3A_273] : memref<512x16xf32, #tpu.memory_space<vmem>> -> memref<128x16xf32, #tpu.memory_space<vmem>>
          %dma_wait3A_275 = arith.constant 0 : i32
          %dma_wait3A_276 = arith.constant 0 : i32
          %dma_wait3A_277 = tpu.memref_slice %arg4[%dma_wait3A_275, %dma_wait3A_276] : memref<102400x16xf32, #tpu.memory_space<hbm>> -> memref<128x16xf32, #tpu.memory_space<hbm>>
          %dma_wait3A_278 = arith.constant 0 : i32
          %dma_wait3A_279 = arith.constant 0 : i32
          %dma_wait3A_280 = tpu.memref_slice %arg8[%dma_wait3A_278, %dma_wait3A_279] : memref<512x16xf32, #tpu.memory_space<vmem>> -> memref<128x16xf32, #tpu.memory_space<vmem>>
          %dma_wait3A_281 = arith.constant 0 : i32
          %dma_wait3A_282 = arith.constant 0 : i32
          %dma_wait3A_283 = tpu.memref_slice %arg4[%dma_wait3A_281, %dma_wait3A_282] : memref<102400x16xf32, #tpu.memory_space<hbm>> -> memref<128x16xf32, #tpu.memory_space<hbm>>
          tpu.wait_dma2 semaphore(%arg13 : memref<!tpu.dma_semaphore, #tpu.memory_space<semaphore_mem>>) src(%dma_wait3A_283 : memref<128x16xf32, #tpu.memory_space<hbm>>) dst(%dma_wait3A_280 : memref<128x16xf32, #tpu.memory_space<vmem>>)
          %dma_wait3A_284 = arith.constant 128 : i32
          %dma_wait3A_285 = arith.constant 0 : i32
          %dma_wait3A_286 = tpu.memref_slice %arg8[%dma_wait3A_284, %dma_wait3A_285] : memref<512x16xf32, #tpu.memory_space<vmem>> -> memref<128x16xf32, #tpu.memory_space<vmem>>
          %dma_wait3A_287 = arith.constant 0 : i32
          %dma_wait3A_288 = arith.constant 0 : i32
          %dma_wait3A_289 = tpu.memref_slice %arg4[%dma_wait3A_287, %dma_wait3A_288] : memref<102400x16xf32, #tpu.memory_space<hbm>> -> memref<128x16xf32, #tpu.memory_space<hbm>>
          %dma_wait3A_290 = arith.constant 128 : i32
          %dma_wait3A_291 = arith.constant 0 : i32
          %dma_wait3A_292 = tpu.memref_slice %arg8[%dma_wait3A_290, %dma_wait3A_291] : memref<512x16xf32, #tpu.memory_space<vmem>> -> memref<128x16xf32, #tpu.memory_space<vmem>>
          %dma_wait3A_293 = arith.constant 0 : i32
          %dma_wait3A_294 = arith.constant 0 : i32
          %dma_wait3A_295 = tpu.memref_slice %arg4[%dma_wait3A_293, %dma_wait3A_294] : memref<102400x16xf32, #tpu.memory_space<hbm>> -> memref<128x16xf32, #tpu.memory_space<hbm>>
          tpu.wait_dma2 semaphore(%arg13 : memref<!tpu.dma_semaphore, #tpu.memory_space<semaphore_mem>>) src(%dma_wait3A_295 : memref<128x16xf32, #tpu.memory_space<hbm>>) dst(%dma_wait3A_292 : memref<128x16xf32, #tpu.memory_space<vmem>>)
          %dma_wait3A_296 = arith.constant 256 : i32
          %dma_wait3A_297 = arith.constant 0 : i32
          %dma_wait3A_298 = tpu.memref_slice %arg8[%dma_wait3A_296, %dma_wait3A_297] : memref<512x16xf32, #tpu.memory_space<vmem>> -> memref<128x16xf32, #tpu.memory_space<vmem>>
          %dma_wait3A_299 = arith.constant 0 : i32
          %dma_wait3A_300 = arith.constant 0 : i32
          %dma_wait3A_301 = tpu.memref_slice %arg4[%dma_wait3A_299, %dma_wait3A_300] : memref<102400x16xf32, #tpu.memory_space<hbm>> -> memref<128x16xf32, #tpu.memory_space<hbm>>
          %dma_wait3A_302 = arith.constant 256 : i32
          %dma_wait3A_303 = arith.constant 0 : i32
          %dma_wait3A_304 = tpu.memref_slice %arg8[%dma_wait3A_302, %dma_wait3A_303] : memref<512x16xf32, #tpu.memory_space<vmem>> -> memref<128x16xf32, #tpu.memory_space<vmem>>
          %dma_wait3A_305 = arith.constant 0 : i32
          %dma_wait3A_306 = arith.constant 0 : i32
          %dma_wait3A_307 = tpu.memref_slice %arg4[%dma_wait3A_305, %dma_wait3A_306] : memref<102400x16xf32, #tpu.memory_space<hbm>> -> memref<128x16xf32, #tpu.memory_space<hbm>>
          tpu.wait_dma2 semaphore(%arg13 : memref<!tpu.dma_semaphore, #tpu.memory_space<semaphore_mem>>) src(%dma_wait3A_307 : memref<128x16xf32, #tpu.memory_space<hbm>>) dst(%dma_wait3A_304 : memref<128x16xf32, #tpu.memory_space<vmem>>)
          %dma_wait3A_308 = arith.constant 384 : i32
          %dma_wait3A_309 = arith.constant 0 : i32
          %dma_wait3A_310 = tpu.memref_slice %arg8[%dma_wait3A_308, %dma_wait3A_309] : memref<512x16xf32, #tpu.memory_space<vmem>> -> memref<128x16xf32, #tpu.memory_space<vmem>>
          %dma_wait3A_311 = arith.constant 0 : i32
          %dma_wait3A_312 = arith.constant 0 : i32
          %dma_wait3A_313 = tpu.memref_slice %arg4[%dma_wait3A_311, %dma_wait3A_312] : memref<102400x16xf32, #tpu.memory_space<hbm>> -> memref<128x16xf32, #tpu.memory_space<hbm>>
          %dma_wait3A_314 = arith.constant 384 : i32
          %dma_wait3A_315 = arith.constant 0 : i32
          %dma_wait3A_316 = tpu.memref_slice %arg8[%dma_wait3A_314, %dma_wait3A_315] : memref<512x16xf32, #tpu.memory_space<vmem>> -> memref<128x16xf32, #tpu.memory_space<vmem>>
          %dma_wait3A_317 = arith.constant 0 : i32
          %dma_wait3A_318 = arith.constant 0 : i32
          %dma_wait3A_319 = tpu.memref_slice %arg4[%dma_wait3A_317, %dma_wait3A_318] : memref<102400x16xf32, #tpu.memory_space<hbm>> -> memref<128x16xf32, #tpu.memory_space<hbm>>
          tpu.wait_dma2 semaphore(%arg13 : memref<!tpu.dma_semaphore, #tpu.memory_space<semaphore_mem>>) src(%dma_wait3A_319 : memref<128x16xf32, #tpu.memory_space<hbm>>) dst(%dma_wait3A_316 : memref<128x16xf32, #tpu.memory_space<vmem>>)
        } else {
        }
        "tpu.region"() ({
          %run_scoped3A = tpu.sem_alloc : memref<!tpu.dma_semaphore, #tpu.memory_space<semaphore_mem>>
          %dma_start3A_272 = arith.constant 0 : i32
          %dma_start3A_273 = arith.constant 0 : i32
          %dma_start3A_274 = tpu.memref_slice %arg2[%add3A, %add3A_115, %dma_start3A_272, %dma_start3A_273] : memref<32x196x8x128xi32, #tpu.memory_space<hbm>> -> memref<1x1x8x128xi32, #tpu.memory_space<hbm>>
          %dma_start3A_275 = tpu.memref_squeeze %dma_start3A_274 : memref<1x1x8x128xi32, #tpu.memory_space<hbm>> -> memref<8x128xi32, #tpu.memory_space<hbm>>
          %dma_start3A_276 = arith.constant 0 : i32
          %dma_start3A_277 = arith.constant 0 : i32
          %dma_start3A_278 = tpu.memref_slice %arg2[%add3A, %add3A_115, %dma_start3A_276, %dma_start3A_277] : memref<32x196x8x128xi32, #tpu.memory_space<hbm>> -> memref<1x1x8x128xi32, #tpu.memory_space<hbm>>
          %dma_start3A_279 = tpu.memref_squeeze %dma_start3A_278 : memref<1x1x8x128xi32, #tpu.memory_space<hbm>> -> memref<8x128xi32, #tpu.memory_space<hbm>>
          tpu.enqueue_dma source(%dma_start3A_279 : memref<8x128xi32, #tpu.memory_space<hbm>>) target(%arg6 : memref<8x128xi32, #tpu.memory_space<vmem>>) target_semaphore(%run_scoped3A : memref<!tpu.dma_semaphore, #tpu.memory_space<semaphore_mem>>)
          %dma_wait3A_280 = arith.constant 0 : i32
          %dma_wait3A_281 = arith.constant 0 : i32
          %dma_wait3A_282 = tpu.memref_slice %arg2[%add3A, %add3A_115, %dma_wait3A_280, %dma_wait3A_281] : memref<32x196x8x128xi32, #tpu.memory_space<hbm>> -> memref<1x1x8x128xi32, #tpu.memory_space<hbm>>
          %dma_wait3A_283 = tpu.memref_squeeze %dma_wait3A_282 : memref<1x1x8x128xi32, #tpu.memory_space<hbm>> -> memref<8x128xi32, #tpu.memory_space<hbm>>
          %dma_wait3A_284 = arith.constant 0 : i32
          %dma_wait3A_285 = arith.constant 0 : i32
          %dma_wait3A_286 = tpu.memref_slice %arg2[%add3A, %add3A_115, %dma_wait3A_284, %dma_wait3A_285] : memref<32x196x8x128xi32, #tpu.memory_space<hbm>> -> memref<1x1x8x128xi32, #tpu.memory_space<hbm>>
          %dma_wait3A_287 = tpu.memref_squeeze %dma_wait3A_286 : memref<1x1x8x128xi32, #tpu.memory_space<hbm>> -> memref<8x128xi32, #tpu.memory_space<hbm>>
          tpu.wait_dma2 semaphore(%run_scoped3A : memref<!tpu.dma_semaphore, #tpu.memory_space<semaphore_mem>>) src(%dma_wait3A_287 : memref<8x128xi32, #tpu.memory_space<hbm>>) dst(%arg6 : memref<8x128xi32, #tpu.memory_space<vmem>>)
          tpu.yield
        }) : () -> ()
        %dma_start3A = arith.constant 0 : i32
        %dma_start3A_153 = arith.constant 0 : i32
        %dma_start3A_154 = arith.constant 0 : i32
        %dma_start3A_155 = tpu.memref_slice %arg8[%dma_start3A_153, %dma_start3A_154] : memref<512x16xf32, #tpu.memory_space<vmem>> -> memref<128x16xf32, #tpu.memory_space<vmem>>
        %dma_start3A_156 = arith.constant 0 : i32
        %dma_start3A_157 = tpu.memref_slice %arg6[%dma_start3A, %dma_start3A_156] : memref<8x128xi32, #tpu.memory_space<vmem>> -> memref<1x128xi32, #tpu.memory_space<vmem>>
        %dma_start3A_158 = tpu.memref_squeeze %dma_start3A_157 : memref<1x128xi32, #tpu.memory_space<vmem>> -> memref<128xi32, #tpu.memory_space<vmem>>
        %dma_start3A_159 = arith.constant 0 : i32
        %dma_start3A_160 = arith.constant 0 : i32
        %dma_start3A_161 = tpu.memref_slice %arg4[%dma_start3A_159, %dma_start3A_160] : memref<102400x16xf32, #tpu.memory_space<hbm>> -> memref<102400x16xf32, #tpu.memory_space<hbm>>
        tpu.enqueue_indirect_dma source(%dma_start3A_161 : memref<102400x16xf32, #tpu.memory_space<hbm>>) target(%dma_start3A_155 : memref<128x16xf32, #tpu.memory_space<vmem>>) offsets(%dma_start3A_158 : memref<128xi32, #tpu.memory_space<vmem>>) semaphore(%arg11 : memref<!tpu.dma_semaphore, #tpu.memory_space<semaphore_mem>>)
        %dma_start3A_162 = arith.constant 1 : i32
        %dma_start3A_163 = arith.constant 128 : i32
        %dma_start3A_164 = arith.constant 0 : i32
        %dma_start3A_165 = tpu.memref_slice %arg8[%dma_start3A_163, %dma_start3A_164] : memref<512x16xf32, #tpu.memory_space<vmem>> -> memref<128x16xf32, #tpu.memory_space<vmem>>
        %dma_start3A_166 = arith.constant 0 : i32
        %dma_start3A_167 = tpu.memref_slice %arg6[%dma_start3A_162, %dma_start3A_166] : memref<8x128xi32, #tpu.memory_space<vmem>> -> memref<1x128xi32, #tpu.memory_space<vmem>>
        %dma_start3A_168 = tpu.memref_squeeze %dma_start3A_167 : memref<1x128xi32, #tpu.memory_space<vmem>> -> memref<128xi32, #tpu.memory_space<vmem>>
        %dma_start3A_169 = arith.constant 0 : i32
        %dma_start3A_170 = arith.constant 0 : i32
        %dma_start3A_171 = tpu.memref_slice %arg4[%dma_start3A_169, %dma_start3A_170] : memref<102400x16xf32, #tpu.memory_space<hbm>> -> memref<102400x16xf32, #tpu.memory_space<hbm>>
        tpu.enqueue_indirect_dma source(%dma_start3A_171 : memref<102400x16xf32, #tpu.memory_space<hbm>>) target(%dma_start3A_165 : memref<128x16xf32, #tpu.memory_space<vmem>>) offsets(%dma_start3A_168 : memref<128xi32, #tpu.memory_space<vmem>>) semaphore(%arg11 : memref<!tpu.dma_semaphore, #tpu.memory_space<semaphore_mem>>)
        %dma_start3A_172 = arith.constant 2 : i32
        %dma_start3A_173 = arith.constant 256 : i32
        %dma_start3A_174 = arith.constant 0 : i32
        %dma_start3A_175 = tpu.memref_slice %arg8[%dma_start3A_173, %dma_start3A_174] : memref<512x16xf32, #tpu.memory_space<vmem>> -> memref<128x16xf32, #tpu.memory_space<vmem>>
        %dma_start3A_176 = arith.constant 0 : i32
        %dma_start3A_177 = tpu.memref_slice %arg6[%dma_start3A_172, %dma_start3A_176] : memref<8x128xi32, #tpu.memory_space<vmem>> -> memref<1x128xi32, #tpu.memory_space<vmem>>
        %dma_start3A_178 = tpu.memref_squeeze %dma_start3A_177 : memref<1x128xi32, #tpu.memory_space<vmem>> -> memref<128xi32, #tpu.memory_space<vmem>>
        %dma_start3A_179 = arith.constant 0 : i32
        %dma_start3A_180 = arith.constant 0 : i32
        %dma_start3A_181 = tpu.memref_slice %arg4[%dma_start3A_179, %dma_start3A_180] : memref<102400x16xf32, #tpu.memory_space<hbm>> -> memref<102400x16xf32, #tpu.memory_space<hbm>>
        tpu.enqueue_indirect_dma source(%dma_start3A_181 : memref<102400x16xf32, #tpu.memory_space<hbm>>) target(%dma_start3A_175 : memref<128x16xf32, #tpu.memory_space<vmem>>) offsets(%dma_start3A_178 : memref<128xi32, #tpu.memory_space<vmem>>) semaphore(%arg11 : memref<!tpu.dma_semaphore, #tpu.memory_space<semaphore_mem>>)
        %dma_start3A_182 = arith.constant 3 : i32
        %dma_start3A_183 = arith.constant 384 : i32
        %dma_start3A_184 = arith.constant 0 : i32
        %dma_start3A_185 = tpu.memref_slice %arg8[%dma_start3A_183, %dma_start3A_184] : memref<512x16xf32, #tpu.memory_space<vmem>> -> memref<128x16xf32, #tpu.memory_space<vmem>>
        %dma_start3A_186 = arith.constant 0 : i32
        %dma_start3A_187 = tpu.memref_slice %arg6[%dma_start3A_182, %dma_start3A_186] : memref<8x128xi32, #tpu.memory_space<vmem>> -> memref<1x128xi32, #tpu.memory_space<vmem>>
        %dma_start3A_188 = tpu.memref_squeeze %dma_start3A_187 : memref<1x128xi32, #tpu.memory_space<vmem>> -> memref<128xi32, #tpu.memory_space<vmem>>
        %dma_start3A_189 = arith.constant 0 : i32
        %dma_start3A_190 = arith.constant 0 : i32
        %dma_start3A_191 = tpu.memref_slice %arg4[%dma_start3A_189, %dma_start3A_190] : memref<102400x16xf32, #tpu.memory_space<hbm>> -> memref<102400x16xf32, #tpu.memory_space<hbm>>
        tpu.enqueue_indirect_dma source(%dma_start3A_191 : memref<102400x16xf32, #tpu.memory_space<hbm>>) target(%dma_start3A_185 : memref<128x16xf32, #tpu.memory_space<vmem>>) offsets(%dma_start3A_188 : memref<128xi32, #tpu.memory_space<vmem>>) semaphore(%arg11 : memref<!tpu.dma_semaphore, #tpu.memory_space<semaphore_mem>>)
        %dma_wait3A_192 = arith.constant 0 : i32
        %dma_wait3A_193 = arith.constant 0 : i32
        %dma_wait3A_194 = arith.constant 0 : i32
        %dma_wait3A_195 = tpu.memref_slice %arg8[%dma_wait3A_193, %dma_wait3A_194] : memref<512x16xf32, #tpu.memory_space<vmem>> -> memref<128x16xf32, #tpu.memory_space<vmem>>
        %dma_wait3A_196 = arith.constant 0 : i32
        %dma_wait3A_197 = tpu.memref_slice %arg6[%dma_wait3A_192, %dma_wait3A_196] : memref<8x128xi32, #tpu.memory_space<vmem>> -> memref<1x128xi32, #tpu.memory_space<vmem>>
        %dma_wait3A_198 = tpu.memref_squeeze %dma_wait3A_197 : memref<1x128xi32, #tpu.memory_space<vmem>> -> memref<128xi32, #tpu.memory_space<vmem>>
        %dma_wait3A_199 = arith.constant 0 : i32
        %dma_wait3A_200 = arith.constant 0 : i32
        %dma_wait3A_201 = tpu.memref_slice %arg4[%dma_wait3A_199, %dma_wait3A_200] : memref<102400x16xf32, #tpu.memory_space<hbm>> -> memref<102400x16xf32, #tpu.memory_space<hbm>>
        tpu.wait_indirect_dma semaphore(%arg11 : memref<!tpu.dma_semaphore, #tpu.memory_space<semaphore_mem>>) src(%dma_wait3A_201 : memref<102400x16xf32, #tpu.memory_space<hbm>>) dst(%dma_wait3A_195 : memref<128x16xf32, #tpu.memory_space<vmem>>)
        %dma_wait3A_202 = arith.constant 1 : i32
        %dma_wait3A_203 = arith.constant 128 : i32
        %dma_wait3A_204 = arith.constant 0 : i32
        %dma_wait3A_205 = tpu.memref_slice %arg8[%dma_wait3A_203, %dma_wait3A_204] : memref<512x16xf32, #tpu.memory_space<vmem>> -> memref<128x16xf32, #tpu.memory_space<vmem>>
        %dma_wait3A_206 = arith.constant 0 : i32
        %dma_wait3A_207 = tpu.memref_slice %arg6[%dma_wait3A_202, %dma_wait3A_206] : memref<8x128xi32, #tpu.memory_space<vmem>> -> memref<1x128xi32, #tpu.memory_space<vmem>>
        %dma_wait3A_208 = tpu.memref_squeeze %dma_wait3A_207 : memref<1x128xi32, #tpu.memory_space<vmem>> -> memref<128xi32, #tpu.memory_space<vmem>>
        %dma_wait3A_209 = arith.constant 0 : i32
        %dma_wait3A_210 = arith.constant 0 : i32
        %dma_wait3A_211 = tpu.memref_slice %arg4[%dma_wait3A_209, %dma_wait3A_210] : memref<102400x16xf32, #tpu.memory_space<hbm>> -> memref<102400x16xf32, #tpu.memory_space<hbm>>
        tpu.wait_indirect_dma semaphore(%arg11 : memref<!tpu.dma_semaphore, #tpu.memory_space<semaphore_mem>>) src(%dma_wait3A_211 : memref<102400x16xf32, #tpu.memory_space<hbm>>) dst(%dma_wait3A_205 : memref<128x16xf32, #tpu.memory_space<vmem>>)
        %dma_wait3A_212 = arith.constant 2 : i32
        %dma_wait3A_213 = arith.constant 256 : i32
        %dma_wait3A_214 = arith.constant 0 : i32
        %dma_wait3A_215 = tpu.memref_slice %arg8[%dma_wait3A_213, %dma_wait3A_214] : memref<512x16xf32, #tpu.memory_space<vmem>> -> memref<128x16xf32, #tpu.memory_space<vmem>>
        %dma_wait3A_216 = arith.constant 0 : i32
        %dma_wait3A_217 = tpu.memref_slice %arg6[%dma_wait3A_212, %dma_wait3A_216] : memref<8x128xi32, #tpu.memory_space<vmem>> -> memref<1x128xi32, #tpu.memory_space<vmem>>
        %dma_wait3A_218 = tpu.memref_squeeze %dma_wait3A_217 : memref<1x128xi32, #tpu.memory_space<vmem>> -> memref<128xi32, #tpu.memory_space<vmem>>
        %dma_wait3A_219 = arith.constant 0 : i32
        %dma_wait3A_220 = arith.constant 0 : i32
        %dma_wait3A_221 = tpu.memref_slice %arg4[%dma_wait3A_219, %dma_wait3A_220] : memref<102400x16xf32, #tpu.memory_space<hbm>> -> memref<102400x16xf32, #tpu.memory_space<hbm>>
        tpu.wait_indirect_dma semaphore(%arg11 : memref<!tpu.dma_semaphore, #tpu.memory_space<semaphore_mem>>) src(%dma_wait3A_221 : memref<102400x16xf32, #tpu.memory_space<hbm>>) dst(%dma_wait3A_215 : memref<128x16xf32, #tpu.memory_space<vmem>>)
        %dma_wait3A_222 = arith.constant 3 : i32
        %dma_wait3A_223 = arith.constant 384 : i32
        %dma_wait3A_224 = arith.constant 0 : i32
        %dma_wait3A_225 = tpu.memref_slice %arg8[%dma_wait3A_223, %dma_wait3A_224] : memref<512x16xf32, #tpu.memory_space<vmem>> -> memref<128x16xf32, #tpu.memory_space<vmem>>
        %dma_wait3A_226 = arith.constant 0 : i32
        %dma_wait3A_227 = tpu.memref_slice %arg6[%dma_wait3A_222, %dma_wait3A_226] : memref<8x128xi32, #tpu.memory_space<vmem>> -> memref<1x128xi32, #tpu.memory_space<vmem>>
        %dma_wait3A_228 = tpu.memref_squeeze %dma_wait3A_227 : memref<1x128xi32, #tpu.memory_space<vmem>> -> memref<128xi32, #tpu.memory_space<vmem>>
        %dma_wait3A_229 = arith.constant 0 : i32
        %dma_wait3A_230 = arith.constant 0 : i32
        %dma_wait3A_231 = tpu.memref_slice %arg4[%dma_wait3A_229, %dma_wait3A_230] : memref<102400x16xf32, #tpu.memory_space<hbm>> -> memref<102400x16xf32, #tpu.memory_space<hbm>>
        tpu.wait_indirect_dma semaphore(%arg11 : memref<!tpu.dma_semaphore, #tpu.memory_space<semaphore_mem>>) src(%dma_wait3A_231 : memref<102400x16xf32, #tpu.memory_space<hbm>>) dst(%dma_wait3A_225 : memref<128x16xf32, #tpu.memory_space<vmem>>)
        %dma_start3A_232 = arith.constant 4 : i32
        %dma_start3A_233 = arith.constant 0 : i32
        %dma_start3A_234 = arith.constant 0 : i32
        %dma_start3A_235 = tpu.memref_slice %arg8[%dma_start3A_233, %dma_start3A_234] : memref<512x16xf32, #tpu.memory_space<vmem>> -> memref<128x16xf32, #tpu.memory_space<vmem>>
        %dma_start3A_236 = arith.constant 0 : i32
        %dma_start3A_237 = tpu.memref_slice %arg6[%dma_start3A_232, %dma_start3A_236] : memref<8x128xi32, #tpu.memory_space<vmem>> -> memref<1x128xi32, #tpu.memory_space<vmem>>
        %dma_start3A_238 = tpu.memref_squeeze %dma_start3A_237 : memref<1x128xi32, #tpu.memory_space<vmem>> -> memref<128xi32, #tpu.memory_space<vmem>>
        %dma_start3A_239 = arith.constant 0 : i32
        %dma_start3A_240 = arith.constant 0 : i32
        %dma_start3A_241 = tpu.memref_slice %arg10[%dma_start3A_239, %dma_start3A_240] : memref<102400x16xf32, #tpu.memory_space<vmem_shared>> -> memref<102400x16xf32, #tpu.memory_space<vmem_shared>>
        tpu.enqueue_indirect_dma source(%dma_start3A_235 : memref<128x16xf32, #tpu.memory_space<vmem>>) target(%dma_start3A_241 : memref<102400x16xf32, #tpu.memory_space<vmem_shared>>) offsets(%dma_start3A_238 : memref<128xi32, #tpu.memory_space<vmem>>) semaphore(%arg13 : memref<!tpu.dma_semaphore, #tpu.memory_space<semaphore_mem>>) {add = true}
        %dma_start3A_242 = arith.constant 5 : i32
        %dma_start3A_243 = arith.constant 128 : i32
        %dma_start3A_244 = arith.constant 0 : i32
        %dma_start3A_245 = tpu.memref_slice %arg8[%dma_start3A_243, %dma_start3A_244] : memref<512x16xf32, #tpu.memory_space<vmem>> -> memref<128x16xf32, #tpu.memory_space<vmem>>
        %dma_start3A_246 = arith.constant 0 : i32
        %dma_start3A_247 = tpu.memref_slice %arg6[%dma_start3A_242, %dma_start3A_246] : memref<8x128xi32, #tpu.memory_space<vmem>> -> memref<1x128xi32, #tpu.memory_space<vmem>>
        %dma_start3A_248 = tpu.memref_squeeze %dma_start3A_247 : memref<1x128xi32, #tpu.memory_space<vmem>> -> memref<128xi32, #tpu.memory_space<vmem>>
        %dma_start3A_249 = arith.constant 0 : i32
        %dma_start3A_250 = arith.constant 0 : i32
        %dma_start3A_251 = tpu.memref_slice %arg10[%dma_start3A_249, %dma_start3A_250] : memref<102400x16xf32, #tpu.memory_space<vmem_shared>> -> memref<102400x16xf32, #tpu.memory_space<vmem_shared>>
        tpu.enqueue_indirect_dma source(%dma_start3A_245 : memref<128x16xf32, #tpu.memory_space<vmem>>) target(%dma_start3A_251 : memref<102400x16xf32, #tpu.memory_space<vmem_shared>>) offsets(%dma_start3A_248 : memref<128xi32, #tpu.memory_space<vmem>>) semaphore(%arg13 : memref<!tpu.dma_semaphore, #tpu.memory_space<semaphore_mem>>) {add = true}
        %dma_start3A_252 = arith.constant 6 : i32
        %dma_start3A_253 = arith.constant 256 : i32
        %dma_start3A_254 = arith.constant 0 : i32
        %dma_start3A_255 = tpu.memref_slice %arg8[%dma_start3A_253, %dma_start3A_254] : memref<512x16xf32, #tpu.memory_space<vmem>> -> memref<128x16xf32, #tpu.memory_space<vmem>>
        %dma_start3A_256 = arith.constant 0 : i32
        %dma_start3A_257 = tpu.memref_slice %arg6[%dma_start3A_252, %dma_start3A_256] : memref<8x128xi32, #tpu.memory_space<vmem>> -> memref<1x128xi32, #tpu.memory_space<vmem>>
        %dma_start3A_258 = tpu.memref_squeeze %dma_start3A_257 : memref<1x128xi32, #tpu.memory_space<vmem>> -> memref<128xi32, #tpu.memory_space<vmem>>
        %dma_start3A_259 = arith.constant 0 : i32
        %dma_start3A_260 = arith.constant 0 : i32
        %dma_start3A_261 = tpu.memref_slice %arg10[%dma_start3A_259, %dma_start3A_260] : memref<102400x16xf32, #tpu.memory_space<vmem_shared>> -> memref<102400x16xf32, #tpu.memory_space<vmem_shared>>
        tpu.enqueue_indirect_dma source(%dma_start3A_255 : memref<128x16xf32, #tpu.memory_space<vmem>>) target(%dma_start3A_261 : memref<102400x16xf32, #tpu.memory_space<vmem_shared>>) offsets(%dma_start3A_258 : memref<128xi32, #tpu.memory_space<vmem>>) semaphore(%arg13 : memref<!tpu.dma_semaphore, #tpu.memory_space<semaphore_mem>>) {add = true}
        %dma_start3A_262 = arith.constant 7 : i32
        %dma_start3A_263 = arith.constant 384 : i32
        %dma_start3A_264 = arith.constant 0 : i32
        %dma_start3A_265 = tpu.memref_slice %arg8[%dma_start3A_263, %dma_start3A_264] : memref<512x16xf32, #tpu.memory_space<vmem>> -> memref<128x16xf32, #tpu.memory_space<vmem>>
        %dma_start3A_266 = arith.constant 0 : i32
        %dma_start3A_267 = tpu.memref_slice %arg6[%dma_start3A_262, %dma_start3A_266] : memref<8x128xi32, #tpu.memory_space<vmem>> -> memref<1x128xi32, #tpu.memory_space<vmem>>
        %dma_start3A_268 = tpu.memref_squeeze %dma_start3A_267 : memref<1x128xi32, #tpu.memory_space<vmem>> -> memref<128xi32, #tpu.memory_space<vmem>>
        %dma_start3A_269 = arith.constant 0 : i32
        %dma_start3A_270 = arith.constant 0 : i32
        %dma_start3A_271 = tpu.memref_slice %arg10[%dma_start3A_269, %dma_start3A_270] : memref<102400x16xf32, #tpu.memory_space<vmem_shared>> -> memref<102400x16xf32, #tpu.memory_space<vmem_shared>>
        tpu.enqueue_indirect_dma source(%dma_start3A_265 : memref<128x16xf32, #tpu.memory_space<vmem>>) target(%dma_start3A_271 : memref<102400x16xf32, #tpu.memory_space<vmem_shared>>) offsets(%dma_start3A_268 : memref<128xi32, #tpu.memory_space<vmem>>) semaphore(%arg13 : memref<!tpu.dma_semaphore, #tpu.memory_space<semaphore_mem>>) {add = true}
      } else {
      }
      %jit3A_128 = arith.constant 2 : i32
      %eq3A_129 = arith.constant 0 : i32
      %eq3A_130 = arith.cmpi eq, %jit3A_128, %eq3A_129 : i32
      %jit3A_131 = arith.constant 1 : i32
      %select_n3A_132 = arith.select %eq3A_130, %jit3A_131, %jit3A_128 : i32
      %rem3A_133 = arith.remsi %add3A_115, %select_n3A_132 : i32
      %ne3A_134 = arith.constant 0 : i32
      %ne3A_135 = arith.cmpi ne, %rem3A_133, %ne3A_134 : i32
      %lt3A_136 = arith.constant 0 : i32
      %lt3A_137 = arith.cmpi slt, %rem3A_133, %lt3A_136 : i32
      %lt3A_138 = arith.constant 0 : i32
      %lt3A_139 = arith.cmpi slt, %select_n3A_132, %lt3A_138 : i32
      %ne3A_140 = arith.xori %lt3A_137, %lt3A_139 : i1
      %and3A_141 = arith.andi %ne3A_140, %ne3A_135 : i1
      %add3A_142 = arith.addi %rem3A_133, %select_n3A_132 : i32
      %select_n3A_143 = arith.select %and3A_141, %add3A_142, %rem3A_133 : i32
      %eq3A_144 = arith.constant 1 : i32
      %eq3A_145 = arith.cmpi eq, %select_n3A_143, %eq3A_144 : i32
      %convert_element_type3A_146 = arith.extui %eq3A_145 : i1 to i32
      %cond3A_147 = arith.constant 0 : i32
      %cond3A_148 = arith.cmpi ne, %convert_element_type3A_146, %cond3A_147 : i32
      scf.if %cond3A_148 {
        %ge3A = arith.constant 2 : i32
        %ge3A_149 = arith.cmpi sge, %add3A_115, %ge3A : i32
        %convert_element_type3A_150 = arith.extui %ge3A_149 : i1 to i32
        %cond3A_151 = arith.constant 0 : i32
        %cond3A_152 = arith.cmpi ne, %convert_element_type3A_150, %cond3A_151 : i32
        scf.if %cond3A_152 {
          %dma_wait3A_272 = arith.constant 0 : i32
          %dma_wait3A_273 = arith.constant 0 : i32
          %dma_wait3A_274 = tpu.memref_slice %arg9[%dma_wait3A_272, %dma_wait3A_273] : memref<512x16xf32, #tpu.memory_space<vmem>> -> memref<128x16xf32, #tpu.memory_space<vmem>>
          %dma_wait3A_275 = arith.constant 0 : i32
          %dma_wait3A_276 = arith.constant 0 : i32
          %dma_wait3A_277 = tpu.memref_slice %arg4[%dma_wait3A_275, %dma_wait3A_276] : memref<102400x16xf32, #tpu.memory_space<hbm>> -> memref<128x16xf32, #tpu.memory_space<hbm>>
          %dma_wait3A_278 = arith.constant 0 : i32
          %dma_wait3A_279 = arith.constant 0 : i32
          %dma_wait3A_280 = tpu.memref_slice %arg9[%dma_wait3A_278, %dma_wait3A_279] : memref<512x16xf32, #tpu.memory_space<vmem>> -> memref<128x16xf32, #tpu.memory_space<vmem>>
          %dma_wait3A_281 = arith.constant 0 : i32
          %dma_wait3A_282 = arith.constant 0 : i32
          %dma_wait3A_283 = tpu.memref_slice %arg4[%dma_wait3A_281, %dma_wait3A_282] : memref<102400x16xf32, #tpu.memory_space<hbm>> -> memref<128x16xf32, #tpu.memory_space<hbm>>
          tpu.wait_dma2 semaphore(%arg14 : memref<!tpu.dma_semaphore, #tpu.memory_space<semaphore_mem>>) src(%dma_wait3A_283 : memref<128x16xf32, #tpu.memory_space<hbm>>) dst(%dma_wait3A_280 : memref<128x16xf32, #tpu.memory_space<vmem>>)
          %dma_wait3A_284 = arith.constant 128 : i32
          %dma_wait3A_285 = arith.constant 0 : i32
          %dma_wait3A_286 = tpu.memref_slice %arg9[%dma_wait3A_284, %dma_wait3A_285] : memref<512x16xf32, #tpu.memory_space<vmem>> -> memref<128x16xf32, #tpu.memory_space<vmem>>
          %dma_wait3A_287 = arith.constant 0 : i32
          %dma_wait3A_288 = arith.constant 0 : i32
          %dma_wait3A_289 = tpu.memref_slice %arg4[%dma_wait3A_287, %dma_wait3A_288] : memref<102400x16xf32, #tpu.memory_space<hbm>> -> memref<128x16xf32, #tpu.memory_space<hbm>>
          %dma_wait3A_290 = arith.constant 128 : i32
          %dma_wait3A_291 = arith.constant 0 : i32
          %dma_wait3A_292 = tpu.memref_slice %arg9[%dma_wait3A_290, %dma_wait3A_291] : memref<512x16xf32, #tpu.memory_space<vmem>> -> memref<128x16xf32, #tpu.memory_space<vmem>>
          %dma_wait3A_293 = arith.constant 0 : i32
          %dma_wait3A_294 = arith.constant 0 : i32
          %dma_wait3A_295 = tpu.memref_slice %arg4[%dma_wait3A_293, %dma_wait3A_294] : memref<102400x16xf32, #tpu.memory_space<hbm>> -> memref<128x16xf32, #tpu.memory_space<hbm>>
          tpu.wait_dma2 semaphore(%arg14 : memref<!tpu.dma_semaphore, #tpu.memory_space<semaphore_mem>>) src(%dma_wait3A_295 : memref<128x16xf32, #tpu.memory_space<hbm>>) dst(%dma_wait3A_292 : memref<128x16xf32, #tpu.memory_space<vmem>>)
          %dma_wait3A_296 = arith.constant 256 : i32
          %dma_wait3A_297 = arith.constant 0 : i32
          %dma_wait3A_298 = tpu.memref_slice %arg9[%dma_wait3A_296, %dma_wait3A_297] : memref<512x16xf32, #tpu.memory_space<vmem>> -> memref<128x16xf32, #tpu.memory_space<vmem>>
          %dma_wait3A_299 = arith.constant 0 : i32
          %dma_wait3A_300 = arith.constant 0 : i32
          %dma_wait3A_301 = tpu.memref_slice %arg4[%dma_wait3A_299, %dma_wait3A_300] : memref<102400x16xf32, #tpu.memory_space<hbm>> -> memref<128x16xf32, #tpu.memory_space<hbm>>
          %dma_wait3A_302 = arith.constant 256 : i32
          %dma_wait3A_303 = arith.constant 0 : i32
          %dma_wait3A_304 = tpu.memref_slice %arg9[%dma_wait3A_302, %dma_wait3A_303] : memref<512x16xf32, #tpu.memory_space<vmem>> -> memref<128x16xf32, #tpu.memory_space<vmem>>
          %dma_wait3A_305 = arith.constant 0 : i32
          %dma_wait3A_306 = arith.constant 0 : i32
          %dma_wait3A_307 = tpu.memref_slice %arg4[%dma_wait3A_305, %dma_wait3A_306] : memref<102400x16xf32, #tpu.memory_space<hbm>> -> memref<128x16xf32, #tpu.memory_space<hbm>>
          tpu.wait_dma2 semaphore(%arg14 : memref<!tpu.dma_semaphore, #tpu.memory_space<semaphore_mem>>) src(%dma_wait3A_307 : memref<128x16xf32, #tpu.memory_space<hbm>>) dst(%dma_wait3A_304 : memref<128x16xf32, #tpu.memory_space<vmem>>)
          %dma_wait3A_308 = arith.constant 384 : i32
          %dma_wait3A_309 = arith.constant 0 : i32
          %dma_wait3A_310 = tpu.memref_slice %arg9[%dma_wait3A_308, %dma_wait3A_309] : memref<512x16xf32, #tpu.memory_space<vmem>> -> memref<128x16xf32, #tpu.memory_space<vmem>>
          %dma_wait3A_311 = arith.constant 0 : i32
          %dma_wait3A_312 = arith.constant 0 : i32
          %dma_wait3A_313 = tpu.memref_slice %arg4[%dma_wait3A_311, %dma_wait3A_312] : memref<102400x16xf32, #tpu.memory_space<hbm>> -> memref<128x16xf32, #tpu.memory_space<hbm>>
          %dma_wait3A_314 = arith.constant 384 : i32
          %dma_wait3A_315 = arith.constant 0 : i32
          %dma_wait3A_316 = tpu.memref_slice %arg9[%dma_wait3A_314, %dma_wait3A_315] : memref<512x16xf32, #tpu.memory_space<vmem>> -> memref<128x16xf32, #tpu.memory_space<vmem>>
          %dma_wait3A_317 = arith.constant 0 : i32
          %dma_wait3A_318 = arith.constant 0 : i32
          %dma_wait3A_319 = tpu.memref_slice %arg4[%dma_wait3A_317, %dma_wait3A_318] : memref<102400x16xf32, #tpu.memory_space<hbm>> -> memref<128x16xf32, #tpu.memory_space<hbm>>
          tpu.wait_dma2 semaphore(%arg14 : memref<!tpu.dma_semaphore, #tpu.memory_space<semaphore_mem>>) src(%dma_wait3A_319 : memref<128x16xf32, #tpu.memory_space<hbm>>) dst(%dma_wait3A_316 : memref<128x16xf32, #tpu.memory_space<vmem>>)
        } else {
        }
        "tpu.region"() ({
          %run_scoped3A = tpu.sem_alloc : memref<!tpu.dma_semaphore, #tpu.memory_space<semaphore_mem>>
          %dma_start3A_272 = arith.constant 0 : i32
          %dma_start3A_273 = arith.constant 0 : i32
          %dma_start3A_274 = tpu.memref_slice %arg2[%add3A, %add3A_115, %dma_start3A_272, %dma_start3A_273] : memref<32x196x8x128xi32, #tpu.memory_space<hbm>> -> memref<1x1x8x128xi32, #tpu.memory_space<hbm>>
          %dma_start3A_275 = tpu.memref_squeeze %dma_start3A_274 : memref<1x1x8x128xi32, #tpu.memory_space<hbm>> -> memref<8x128xi32, #tpu.memory_space<hbm>>
          %dma_start3A_276 = arith.constant 0 : i32
          %dma_start3A_277 = arith.constant 0 : i32
          %dma_start3A_278 = tpu.memref_slice %arg2[%add3A, %add3A_115, %dma_start3A_276, %dma_start3A_277] : memref<32x196x8x128xi32, #tpu.memory_space<hbm>> -> memref<1x1x8x128xi32, #tpu.memory_space<hbm>>
          %dma_start3A_279 = tpu.memref_squeeze %dma_start3A_278 : memref<1x1x8x128xi32, #tpu.memory_space<hbm>> -> memref<8x128xi32, #tpu.memory_space<hbm>>
          tpu.enqueue_dma source(%dma_start3A_279 : memref<8x128xi32, #tpu.memory_space<hbm>>) target(%arg7 : memref<8x128xi32, #tpu.memory_space<vmem>>) target_semaphore(%run_scoped3A : memref<!tpu.dma_semaphore, #tpu.memory_space<semaphore_mem>>)
          %dma_wait3A_280 = arith.constant 0 : i32
          %dma_wait3A_281 = arith.constant 0 : i32
          %dma_wait3A_282 = tpu.memref_slice %arg2[%add3A, %add3A_115, %dma_wait3A_280, %dma_wait3A_281] : memref<32x196x8x128xi32, #tpu.memory_space<hbm>> -> memref<1x1x8x128xi32, #tpu.memory_space<hbm>>
          %dma_wait3A_283 = tpu.memref_squeeze %dma_wait3A_282 : memref<1x1x8x128xi32, #tpu.memory_space<hbm>> -> memref<8x128xi32, #tpu.memory_space<hbm>>
          %dma_wait3A_284 = arith.constant 0 : i32
          %dma_wait3A_285 = arith.constant 0 : i32
          %dma_wait3A_286 = tpu.memref_slice %arg2[%add3A, %add3A_115, %dma_wait3A_284, %dma_wait3A_285] : memref<32x196x8x128xi32, #tpu.memory_space<hbm>> -> memref<1x1x8x128xi32, #tpu.memory_space<hbm>>
          %dma_wait3A_287 = tpu.memref_squeeze %dma_wait3A_286 : memref<1x1x8x128xi32, #tpu.memory_space<hbm>> -> memref<8x128xi32, #tpu.memory_space<hbm>>
          tpu.wait_dma2 semaphore(%run_scoped3A : memref<!tpu.dma_semaphore, #tpu.memory_space<semaphore_mem>>) src(%dma_wait3A_287 : memref<8x128xi32, #tpu.memory_space<hbm>>) dst(%arg7 : memref<8x128xi32, #tpu.memory_space<vmem>>)
          tpu.yield
        }) : () -> ()
        %dma_start3A = arith.constant 0 : i32
        %dma_start3A_153 = arith.constant 0 : i32
        %dma_start3A_154 = arith.constant 0 : i32
        %dma_start3A_155 = tpu.memref_slice %arg9[%dma_start3A_153, %dma_start3A_154] : memref<512x16xf32, #tpu.memory_space<vmem>> -> memref<128x16xf32, #tpu.memory_space<vmem>>
        %dma_start3A_156 = arith.constant 0 : i32
        %dma_start3A_157 = tpu.memref_slice %arg7[%dma_start3A, %dma_start3A_156] : memref<8x128xi32, #tpu.memory_space<vmem>> -> memref<1x128xi32, #tpu.memory_space<vmem>>
        %dma_start3A_158 = tpu.memref_squeeze %dma_start3A_157 : memref<1x128xi32, #tpu.memory_space<vmem>> -> memref<128xi32, #tpu.memory_space<vmem>>
        %dma_start3A_159 = arith.constant 0 : i32
        %dma_start3A_160 = arith.constant 0 : i32
        %dma_start3A_161 = tpu.memref_slice %arg4[%dma_start3A_159, %dma_start3A_160] : memref<102400x16xf32, #tpu.memory_space<hbm>> -> memref<102400x16xf32, #tpu.memory_space<hbm>>
        tpu.enqueue_indirect_dma source(%dma_start3A_161 : memref<102400x16xf32, #tpu.memory_space<hbm>>) target(%dma_start3A_155 : memref<128x16xf32, #tpu.memory_space<vmem>>) offsets(%dma_start3A_158 : memref<128xi32, #tpu.memory_space<vmem>>) semaphore(%arg12 : memref<!tpu.dma_semaphore, #tpu.memory_space<semaphore_mem>>)
        %dma_start3A_162 = arith.constant 1 : i32
        %dma_start3A_163 = arith.constant 128 : i32
        %dma_start3A_164 = arith.constant 0 : i32
        %dma_start3A_165 = tpu.memref_slice %arg9[%dma_start3A_163, %dma_start3A_164] : memref<512x16xf32, #tpu.memory_space<vmem>> -> memref<128x16xf32, #tpu.memory_space<vmem>>
        %dma_start3A_166 = arith.constant 0 : i32
        %dma_start3A_167 = tpu.memref_slice %arg7[%dma_start3A_162, %dma_start3A_166] : memref<8x128xi32, #tpu.memory_space<vmem>> -> memref<1x128xi32, #tpu.memory_space<vmem>>
        %dma_start3A_168 = tpu.memref_squeeze %dma_start3A_167 : memref<1x128xi32, #tpu.memory_space<vmem>> -> memref<128xi32, #tpu.memory_space<vmem>>
        %dma_start3A_169 = arith.constant 0 : i32
        %dma_start3A_170 = arith.constant 0 : i32
        %dma_start3A_171 = tpu.memref_slice %arg4[%dma_start3A_169, %dma_start3A_170] : memref<102400x16xf32, #tpu.memory_space<hbm>> -> memref<102400x16xf32, #tpu.memory_space<hbm>>
        tpu.enqueue_indirect_dma source(%dma_start3A_171 : memref<102400x16xf32, #tpu.memory_space<hbm>>) target(%dma_start3A_165 : memref<128x16xf32, #tpu.memory_space<vmem>>) offsets(%dma_start3A_168 : memref<128xi32, #tpu.memory_space<vmem>>) semaphore(%arg12 : memref<!tpu.dma_semaphore, #tpu.memory_space<semaphore_mem>>)
        %dma_start3A_172 = arith.constant 2 : i32
        %dma_start3A_173 = arith.constant 256 : i32
        %dma_start3A_174 = arith.constant 0 : i32
        %dma_start3A_175 = tpu.memref_slice %arg9[%dma_start3A_173, %dma_start3A_174] : memref<512x16xf32, #tpu.memory_space<vmem>> -> memref<128x16xf32, #tpu.memory_space<vmem>>
        %dma_start3A_176 = arith.constant 0 : i32
        %dma_start3A_177 = tpu.memref_slice %arg7[%dma_start3A_172, %dma_start3A_176] : memref<8x128xi32, #tpu.memory_space<vmem>> -> memref<1x128xi32, #tpu.memory_space<vmem>>
        %dma_start3A_178 = tpu.memref_squeeze %dma_start3A_177 : memref<1x128xi32, #tpu.memory_space<vmem>> -> memref<128xi32, #tpu.memory_space<vmem>>
        %dma_start3A_179 = arith.constant 0 : i32
        %dma_start3A_180 = arith.constant 0 : i32
        %dma_start3A_181 = tpu.memref_slice %arg4[%dma_start3A_179, %dma_start3A_180] : memref<102400x16xf32, #tpu.memory_space<hbm>> -> memref<102400x16xf32, #tpu.memory_space<hbm>>
        tpu.enqueue_indirect_dma source(%dma_start3A_181 : memref<102400x16xf32, #tpu.memory_space<hbm>>) target(%dma_start3A_175 : memref<128x16xf32, #tpu.memory_space<vmem>>) offsets(%dma_start3A_178 : memref<128xi32, #tpu.memory_space<vmem>>) semaphore(%arg12 : memref<!tpu.dma_semaphore, #tpu.memory_space<semaphore_mem>>)
        %dma_start3A_182 = arith.constant 3 : i32
        %dma_start3A_183 = arith.constant 384 : i32
        %dma_start3A_184 = arith.constant 0 : i32
        %dma_start3A_185 = tpu.memref_slice %arg9[%dma_start3A_183, %dma_start3A_184] : memref<512x16xf32, #tpu.memory_space<vmem>> -> memref<128x16xf32, #tpu.memory_space<vmem>>
        %dma_start3A_186 = arith.constant 0 : i32
        %dma_start3A_187 = tpu.memref_slice %arg7[%dma_start3A_182, %dma_start3A_186] : memref<8x128xi32, #tpu.memory_space<vmem>> -> memref<1x128xi32, #tpu.memory_space<vmem>>
        %dma_start3A_188 = tpu.memref_squeeze %dma_start3A_187 : memref<1x128xi32, #tpu.memory_space<vmem>> -> memref<128xi32, #tpu.memory_space<vmem>>
        %dma_start3A_189 = arith.constant 0 : i32
        %dma_start3A_190 = arith.constant 0 : i32
        %dma_start3A_191 = tpu.memref_slice %arg4[%dma_start3A_189, %dma_start3A_190] : memref<102400x16xf32, #tpu.memory_space<hbm>> -> memref<102400x16xf32, #tpu.memory_space<hbm>>
        tpu.enqueue_indirect_dma source(%dma_start3A_191 : memref<102400x16xf32, #tpu.memory_space<hbm>>) target(%dma_start3A_185 : memref<128x16xf32, #tpu.memory_space<vmem>>) offsets(%dma_start3A_188 : memref<128xi32, #tpu.memory_space<vmem>>) semaphore(%arg12 : memref<!tpu.dma_semaphore, #tpu.memory_space<semaphore_mem>>)
        %dma_wait3A_192 = arith.constant 0 : i32
        %dma_wait3A_193 = arith.constant 0 : i32
        %dma_wait3A_194 = arith.constant 0 : i32
        %dma_wait3A_195 = tpu.memref_slice %arg9[%dma_wait3A_193, %dma_wait3A_194] : memref<512x16xf32, #tpu.memory_space<vmem>> -> memref<128x16xf32, #tpu.memory_space<vmem>>
        %dma_wait3A_196 = arith.constant 0 : i32
        %dma_wait3A_197 = tpu.memref_slice %arg7[%dma_wait3A_192, %dma_wait3A_196] : memref<8x128xi32, #tpu.memory_space<vmem>> -> memref<1x128xi32, #tpu.memory_space<vmem>>
        %dma_wait3A_198 = tpu.memref_squeeze %dma_wait3A_197 : memref<1x128xi32, #tpu.memory_space<vmem>> -> memref<128xi32, #tpu.memory_space<vmem>>
        %dma_wait3A_199 = arith.constant 0 : i32
        %dma_wait3A_200 = arith.constant 0 : i32
        %dma_wait3A_201 = tpu.memref_slice %arg4[%dma_wait3A_199, %dma_wait3A_200] : memref<102400x16xf32, #tpu.memory_space<hbm>> -> memref<102400x16xf32, #tpu.memory_space<hbm>>
        tpu.wait_indirect_dma semaphore(%arg12 : memref<!tpu.dma_semaphore, #tpu.memory_space<semaphore_mem>>) src(%dma_wait3A_201 : memref<102400x16xf32, #tpu.memory_space<hbm>>) dst(%dma_wait3A_195 : memref<128x16xf32, #tpu.memory_space<vmem>>)
        %dma_wait3A_202 = arith.constant 1 : i32
        %dma_wait3A_203 = arith.constant 128 : i32
        %dma_wait3A_204 = arith.constant 0 : i32
        %dma_wait3A_205 = tpu.memref_slice %arg9[%dma_wait3A_203, %dma_wait3A_204] : memref<512x16xf32, #tpu.memory_space<vmem>> -> memref<128x16xf32, #tpu.memory_space<vmem>>
        %dma_wait3A_206 = arith.constant 0 : i32
        %dma_wait3A_207 = tpu.memref_slice %arg7[%dma_wait3A_202, %dma_wait3A_206] : memref<8x128xi32, #tpu.memory_space<vmem>> -> memref<1x128xi32, #tpu.memory_space<vmem>>
        %dma_wait3A_208 = tpu.memref_squeeze %dma_wait3A_207 : memref<1x128xi32, #tpu.memory_space<vmem>> -> memref<128xi32, #tpu.memory_space<vmem>>
        %dma_wait3A_209 = arith.constant 0 : i32
        %dma_wait3A_210 = arith.constant 0 : i32
        %dma_wait3A_211 = tpu.memref_slice %arg4[%dma_wait3A_209, %dma_wait3A_210] : memref<102400x16xf32, #tpu.memory_space<hbm>> -> memref<102400x16xf32, #tpu.memory_space<hbm>>
        tpu.wait_indirect_dma semaphore(%arg12 : memref<!tpu.dma_semaphore, #tpu.memory_space<semaphore_mem>>) src(%dma_wait3A_211 : memref<102400x16xf32, #tpu.memory_space<hbm>>) dst(%dma_wait3A_205 : memref<128x16xf32, #tpu.memory_space<vmem>>)
        %dma_wait3A_212 = arith.constant 2 : i32
        %dma_wait3A_213 = arith.constant 256 : i32
        %dma_wait3A_214 = arith.constant 0 : i32
        %dma_wait3A_215 = tpu.memref_slice %arg9[%dma_wait3A_213, %dma_wait3A_214] : memref<512x16xf32, #tpu.memory_space<vmem>> -> memref<128x16xf32, #tpu.memory_space<vmem>>
        %dma_wait3A_216 = arith.constant 0 : i32
        %dma_wait3A_217 = tpu.memref_slice %arg7[%dma_wait3A_212, %dma_wait3A_216] : memref<8x128xi32, #tpu.memory_space<vmem>> -> memref<1x128xi32, #tpu.memory_space<vmem>>
        %dma_wait3A_218 = tpu.memref_squeeze %dma_wait3A_217 : memref<1x128xi32, #tpu.memory_space<vmem>> -> memref<128xi32, #tpu.memory_space<vmem>>
        %dma_wait3A_219 = arith.constant 0 : i32
        %dma_wait3A_220 = arith.constant 0 : i32
        %dma_wait3A_221 = tpu.memref_slice %arg4[%dma_wait3A_219, %dma_wait3A_220] : memref<102400x16xf32, #tpu.memory_space<hbm>> -> memref<102400x16xf32, #tpu.memory_space<hbm>>
        tpu.wait_indirect_dma semaphore(%arg12 : memref<!tpu.dma_semaphore, #tpu.memory_space<semaphore_mem>>) src(%dma_wait3A_221 : memref<102400x16xf32, #tpu.memory_space<hbm>>) dst(%dma_wait3A_215 : memref<128x16xf32, #tpu.memory_space<vmem>>)
        %dma_wait3A_222 = arith.constant 3 : i32
        %dma_wait3A_223 = arith.constant 384 : i32
        %dma_wait3A_224 = arith.constant 0 : i32
        %dma_wait3A_225 = tpu.memref_slice %arg9[%dma_wait3A_223, %dma_wait3A_224] : memref<512x16xf32, #tpu.memory_space<vmem>> -> memref<128x16xf32, #tpu.memory_space<vmem>>
        %dma_wait3A_226 = arith.constant 0 : i32
        %dma_wait3A_227 = tpu.memref_slice %arg7[%dma_wait3A_222, %dma_wait3A_226] : memref<8x128xi32, #tpu.memory_space<vmem>> -> memref<1x128xi32, #tpu.memory_space<vmem>>
        %dma_wait3A_228 = tpu.memref_squeeze %dma_wait3A_227 : memref<1x128xi32, #tpu.memory_space<vmem>> -> memref<128xi32, #tpu.memory_space<vmem>>
        %dma_wait3A_229 = arith.constant 0 : i32
        %dma_wait3A_230 = arith.constant 0 : i32
        %dma_wait3A_231 = tpu.memref_slice %arg4[%dma_wait3A_229, %dma_wait3A_230] : memref<102400x16xf32, #tpu.memory_space<hbm>> -> memref<102400x16xf32, #tpu.memory_space<hbm>>
        tpu.wait_indirect_dma semaphore(%arg12 : memref<!tpu.dma_semaphore, #tpu.memory_space<semaphore_mem>>) src(%dma_wait3A_231 : memref<102400x16xf32, #tpu.memory_space<hbm>>) dst(%dma_wait3A_225 : memref<128x16xf32, #tpu.memory_space<vmem>>)
        %dma_start3A_232 = arith.constant 4 : i32
        %dma_start3A_233 = arith.constant 0 : i32
        %dma_start3A_234 = arith.constant 0 : i32
        %dma_start3A_235 = tpu.memref_slice %arg9[%dma_start3A_233, %dma_start3A_234] : memref<512x16xf32, #tpu.memory_space<vmem>> -> memref<128x16xf32, #tpu.memory_space<vmem>>
        %dma_start3A_236 = arith.constant 0 : i32
        %dma_start3A_237 = tpu.memref_slice %arg7[%dma_start3A_232, %dma_start3A_236] : memref<8x128xi32, #tpu.memory_space<vmem>> -> memref<1x128xi32, #tpu.memory_space<vmem>>
        %dma_start3A_238 = tpu.memref_squeeze %dma_start3A_237 : memref<1x128xi32, #tpu.memory_space<vmem>> -> memref<128xi32, #tpu.memory_space<vmem>>
        %dma_start3A_239 = arith.constant 0 : i32
        %dma_start3A_240 = arith.constant 0 : i32
        %dma_start3A_241 = tpu.memref_slice %arg10[%dma_start3A_239, %dma_start3A_240] : memref<102400x16xf32, #tpu.memory_space<vmem_shared>> -> memref<102400x16xf32, #tpu.memory_space<vmem_shared>>
        tpu.enqueue_indirect_dma source(%dma_start3A_235 : memref<128x16xf32, #tpu.memory_space<vmem>>) target(%dma_start3A_241 : memref<102400x16xf32, #tpu.memory_space<vmem_shared>>) offsets(%dma_start3A_238 : memref<128xi32, #tpu.memory_space<vmem>>) semaphore(%arg14 : memref<!tpu.dma_semaphore, #tpu.memory_space<semaphore_mem>>) {add = true}
        %dma_start3A_242 = arith.constant 5 : i32
        %dma_start3A_243 = arith.constant 128 : i32
        %dma_start3A_244 = arith.constant 0 : i32
        %dma_start3A_245 = tpu.memref_slice %arg9[%dma_start3A_243, %dma_start3A_244] : memref<512x16xf32, #tpu.memory_space<vmem>> -> memref<128x16xf32, #tpu.memory_space<vmem>>
        %dma_start3A_246 = arith.constant 0 : i32
        %dma_start3A_247 = tpu.memref_slice %arg7[%dma_start3A_242, %dma_start3A_246] : memref<8x128xi32, #tpu.memory_space<vmem>> -> memref<1x128xi32, #tpu.memory_space<vmem>>
        %dma_start3A_248 = tpu.memref_squeeze %dma_start3A_247 : memref<1x128xi32, #tpu.memory_space<vmem>> -> memref<128xi32, #tpu.memory_space<vmem>>
        %dma_start3A_249 = arith.constant 0 : i32
        %dma_start3A_250 = arith.constant 0 : i32
        %dma_start3A_251 = tpu.memref_slice %arg10[%dma_start3A_249, %dma_start3A_250] : memref<102400x16xf32, #tpu.memory_space<vmem_shared>> -> memref<102400x16xf32, #tpu.memory_space<vmem_shared>>
        tpu.enqueue_indirect_dma source(%dma_start3A_245 : memref<128x16xf32, #tpu.memory_space<vmem>>) target(%dma_start3A_251 : memref<102400x16xf32, #tpu.memory_space<vmem_shared>>) offsets(%dma_start3A_248 : memref<128xi32, #tpu.memory_space<vmem>>) semaphore(%arg14 : memref<!tpu.dma_semaphore, #tpu.memory_space<semaphore_mem>>) {add = true}
        %dma_start3A_252 = arith.constant 6 : i32
        %dma_start3A_253 = arith.constant 256 : i32
        %dma_start3A_254 = arith.constant 0 : i32
        %dma_start3A_255 = tpu.memref_slice %arg9[%dma_start3A_253, %dma_start3A_254] : memref<512x16xf32, #tpu.memory_space<vmem>> -> memref<128x16xf32, #tpu.memory_space<vmem>>
        %dma_start3A_256 = arith.constant 0 : i32
        %dma_start3A_257 = tpu.memref_slice %arg7[%dma_start3A_252, %dma_start3A_256] : memref<8x128xi32, #tpu.memory_space<vmem>> -> memref<1x128xi32, #tpu.memory_space<vmem>>
        %dma_start3A_258 = tpu.memref_squeeze %dma_start3A_257 : memref<1x128xi32, #tpu.memory_space<vmem>> -> memref<128xi32, #tpu.memory_space<vmem>>
        %dma_start3A_259 = arith.constant 0 : i32
        %dma_start3A_260 = arith.constant 0 : i32
        %dma_start3A_261 = tpu.memref_slice %arg10[%dma_start3A_259, %dma_start3A_260] : memref<102400x16xf32, #tpu.memory_space<vmem_shared>> -> memref<102400x16xf32, #tpu.memory_space<vmem_shared>>
        tpu.enqueue_indirect_dma source(%dma_start3A_255 : memref<128x16xf32, #tpu.memory_space<vmem>>) target(%dma_start3A_261 : memref<102400x16xf32, #tpu.memory_space<vmem_shared>>) offsets(%dma_start3A_258 : memref<128xi32, #tpu.memory_space<vmem>>) semaphore(%arg14 : memref<!tpu.dma_semaphore, #tpu.memory_space<semaphore_mem>>) {add = true}
        %dma_start3A_262 = arith.constant 7 : i32
        %dma_start3A_263 = arith.constant 384 : i32
        %dma_start3A_264 = arith.constant 0 : i32
        %dma_start3A_265 = tpu.memref_slice %arg9[%dma_start3A_263, %dma_start3A_264] : memref<512x16xf32, #tpu.memory_space<vmem>> -> memref<128x16xf32, #tpu.memory_space<vmem>>
        %dma_start3A_266 = arith.constant 0 : i32
        %dma_start3A_267 = tpu.memref_slice %arg7[%dma_start3A_262, %dma_start3A_266] : memref<8x128xi32, #tpu.memory_space<vmem>> -> memref<1x128xi32, #tpu.memory_space<vmem>>
        %dma_start3A_268 = tpu.memref_squeeze %dma_start3A_267 : memref<1x128xi32, #tpu.memory_space<vmem>> -> memref<128xi32, #tpu.memory_space<vmem>>
        %dma_start3A_269 = arith.constant 0 : i32
        %dma_start3A_270 = arith.constant 0 : i32
        %dma_start3A_271 = tpu.memref_slice %arg10[%dma_start3A_269, %dma_start3A_270] : memref<102400x16xf32, #tpu.memory_space<vmem_shared>> -> memref<102400x16xf32, #tpu.memory_space<vmem_shared>>
        tpu.enqueue_indirect_dma source(%dma_start3A_265 : memref<128x16xf32, #tpu.memory_space<vmem>>) target(%dma_start3A_271 : memref<102400x16xf32, #tpu.memory_space<vmem_shared>>) offsets(%dma_start3A_268 : memref<128xi32, #tpu.memory_space<vmem>>) semaphore(%arg14 : memref<!tpu.dma_semaphore, #tpu.memory_space<semaphore_mem>>) {add = true}
      } else {
      }
    }
    %scan3A_9 = arith.constant 196 : i32
    %dma_wait3A = arith.constant 0 : i32
    %dma_wait3A_10 = arith.constant 0 : i32
    %dma_wait3A_11 = tpu.memref_slice %arg8[%dma_wait3A, %dma_wait3A_10] : memref<512x16xf32, #tpu.memory_space<vmem>> -> memref<128x16xf32, #tpu.memory_space<vmem>>
    %dma_wait3A_12 = arith.constant 0 : i32
    %dma_wait3A_13 = arith.constant 0 : i32
    %dma_wait3A_14 = tpu.memref_slice %arg4[%dma_wait3A_12, %dma_wait3A_13] : memref<102400x16xf32, #tpu.memory_space<hbm>> -> memref<128x16xf32, #tpu.memory_space<hbm>>
    %dma_wait3A_15 = arith.constant 0 : i32
    %dma_wait3A_16 = arith.constant 0 : i32
    %dma_wait3A_17 = tpu.memref_slice %arg8[%dma_wait3A_15, %dma_wait3A_16] : memref<512x16xf32, #tpu.memory_space<vmem>> -> memref<128x16xf32, #tpu.memory_space<vmem>>
    %dma_wait3A_18 = arith.constant 0 : i32
    %dma_wait3A_19 = arith.constant 0 : i32
    %dma_wait3A_20 = tpu.memref_slice %arg4[%dma_wait3A_18, %dma_wait3A_19] : memref<102400x16xf32, #tpu.memory_space<hbm>> -> memref<128x16xf32, #tpu.memory_space<hbm>>
    tpu.wait_dma2 semaphore(%arg13 : memref<!tpu.dma_semaphore, #tpu.memory_space<semaphore_mem>>) src(%dma_wait3A_20 : memref<128x16xf32, #tpu.memory_space<hbm>>) dst(%dma_wait3A_17 : memref<128x16xf32, #tpu.memory_space<vmem>>)
    %dma_wait3A_21 = arith.constant 128 : i32
    %dma_wait3A_22 = arith.constant 0 : i32
    %dma_wait3A_23 = tpu.memref_slice %arg8[%dma_wait3A_21, %dma_wait3A_22] : memref<512x16xf32, #tpu.memory_space<vmem>> -> memref<128x16xf32, #tpu.memory_space<vmem>>
    %dma_wait3A_24 = arith.constant 0 : i32
    %dma_wait3A_25 = arith.constant 0 : i32
    %dma_wait3A_26 = tpu.memref_slice %arg4[%dma_wait3A_24, %dma_wait3A_25] : memref<102400x16xf32, #tpu.memory_space<hbm>> -> memref<128x16xf32, #tpu.memory_space<hbm>>
    %dma_wait3A_27 = arith.constant 128 : i32
    %dma_wait3A_28 = arith.constant 0 : i32
    %dma_wait3A_29 = tpu.memref_slice %arg8[%dma_wait3A_27, %dma_wait3A_28] : memref<512x16xf32, #tpu.memory_space<vmem>> -> memref<128x16xf32, #tpu.memory_space<vmem>>
    %dma_wait3A_30 = arith.constant 0 : i32
    %dma_wait3A_31 = arith.constant 0 : i32
    %dma_wait3A_32 = tpu.memref_slice %arg4[%dma_wait3A_30, %dma_wait3A_31] : memref<102400x16xf32, #tpu.memory_space<hbm>> -> memref<128x16xf32, #tpu.memory_space<hbm>>
    tpu.wait_dma2 semaphore(%arg13 : memref<!tpu.dma_semaphore, #tpu.memory_space<semaphore_mem>>) src(%dma_wait3A_32 : memref<128x16xf32, #tpu.memory_space<hbm>>) dst(%dma_wait3A_29 : memref<128x16xf32, #tpu.memory_space<vmem>>)
    %dma_wait3A_33 = arith.constant 256 : i32
    %dma_wait3A_34 = arith.constant 0 : i32
    %dma_wait3A_35 = tpu.memref_slice %arg8[%dma_wait3A_33, %dma_wait3A_34] : memref<512x16xf32, #tpu.memory_space<vmem>> -> memref<128x16xf32, #tpu.memory_space<vmem>>
    %dma_wait3A_36 = arith.constant 0 : i32
    %dma_wait3A_37 = arith.constant 0 : i32
    %dma_wait3A_38 = tpu.memref_slice %arg4[%dma_wait3A_36, %dma_wait3A_37] : memref<102400x16xf32, #tpu.memory_space<hbm>> -> memref<128x16xf32, #tpu.memory_space<hbm>>
    %dma_wait3A_39 = arith.constant 256 : i32
    %dma_wait3A_40 = arith.constant 0 : i32
    %dma_wait3A_41 = tpu.memref_slice %arg8[%dma_wait3A_39, %dma_wait3A_40] : memref<512x16xf32, #tpu.memory_space<vmem>> -> memref<128x16xf32, #tpu.memory_space<vmem>>
    %dma_wait3A_42 = arith.constant 0 : i32
    %dma_wait3A_43 = arith.constant 0 : i32
    %dma_wait3A_44 = tpu.memref_slice %arg4[%dma_wait3A_42, %dma_wait3A_43] : memref<102400x16xf32, #tpu.memory_space<hbm>> -> memref<128x16xf32, #tpu.memory_space<hbm>>
    tpu.wait_dma2 semaphore(%arg13 : memref<!tpu.dma_semaphore, #tpu.memory_space<semaphore_mem>>) src(%dma_wait3A_44 : memref<128x16xf32, #tpu.memory_space<hbm>>) dst(%dma_wait3A_41 : memref<128x16xf32, #tpu.memory_space<vmem>>)
    %dma_wait3A_45 = arith.constant 384 : i32
    %dma_wait3A_46 = arith.constant 0 : i32
    %dma_wait3A_47 = tpu.memref_slice %arg8[%dma_wait3A_45, %dma_wait3A_46] : memref<512x16xf32, #tpu.memory_space<vmem>> -> memref<128x16xf32, #tpu.memory_space<vmem>>
    %dma_wait3A_48 = arith.constant 0 : i32
    %dma_wait3A_49 = arith.constant 0 : i32
    %dma_wait3A_50 = tpu.memref_slice %arg4[%dma_wait3A_48, %dma_wait3A_49] : memref<102400x16xf32, #tpu.memory_space<hbm>> -> memref<128x16xf32, #tpu.memory_space<hbm>>
    %dma_wait3A_51 = arith.constant 384 : i32
    %dma_wait3A_52 = arith.constant 0 : i32
    %dma_wait3A_53 = tpu.memref_slice %arg8[%dma_wait3A_51, %dma_wait3A_52] : memref<512x16xf32, #tpu.memory_space<vmem>> -> memref<128x16xf32, #tpu.memory_space<vmem>>
    %dma_wait3A_54 = arith.constant 0 : i32
    %dma_wait3A_55 = arith.constant 0 : i32
    %dma_wait3A_56 = tpu.memref_slice %arg4[%dma_wait3A_54, %dma_wait3A_55] : memref<102400x16xf32, #tpu.memory_space<hbm>> -> memref<128x16xf32, #tpu.memory_space<hbm>>
    tpu.wait_dma2 semaphore(%arg13 : memref<!tpu.dma_semaphore, #tpu.memory_space<semaphore_mem>>) src(%dma_wait3A_56 : memref<128x16xf32, #tpu.memory_space<hbm>>) dst(%dma_wait3A_53 : memref<128x16xf32, #tpu.memory_space<vmem>>)
    %dma_wait3A_57 = arith.constant 0 : i32
    %dma_wait3A_58 = arith.constant 0 : i32
    %dma_wait3A_59 = tpu.memref_slice %arg9[%dma_wait3A_57, %dma_wait3A_58] : memref<512x16xf32, #tpu.memory_space<vmem>> -> memref<128x16xf32, #tpu.memory_space<vmem>>
    %dma_wait3A_60 = arith.constant 0 : i32
    %dma_wait3A_61 = arith.constant 0 : i32
    %dma_wait3A_62 = tpu.memref_slice %arg4[%dma_wait3A_60, %dma_wait3A_61] : memref<102400x16xf32, #tpu.memory_space<hbm>> -> memref<128x16xf32, #tpu.memory_space<hbm>>
    %dma_wait3A_63 = arith.constant 0 : i32
    %dma_wait3A_64 = arith.constant 0 : i32
    %dma_wait3A_65 = tpu.memref_slice %arg9[%dma_wait3A_63, %dma_wait3A_64] : memref<512x16xf32, #tpu.memory_space<vmem>> -> memref<128x16xf32, #tpu.memory_space<vmem>>
    %dma_wait3A_66 = arith.constant 0 : i32
    %dma_wait3A_67 = arith.constant 0 : i32
    %dma_wait3A_68 = tpu.memref_slice %arg4[%dma_wait3A_66, %dma_wait3A_67] : memref<102400x16xf32, #tpu.memory_space<hbm>> -> memref<128x16xf32, #tpu.memory_space<hbm>>
    tpu.wait_dma2 semaphore(%arg14 : memref<!tpu.dma_semaphore, #tpu.memory_space<semaphore_mem>>) src(%dma_wait3A_68 : memref<128x16xf32, #tpu.memory_space<hbm>>) dst(%dma_wait3A_65 : memref<128x16xf32, #tpu.memory_space<vmem>>)
    %dma_wait3A_69 = arith.constant 128 : i32
    %dma_wait3A_70 = arith.constant 0 : i32
    %dma_wait3A_71 = tpu.memref_slice %arg9[%dma_wait3A_69, %dma_wait3A_70] : memref<512x16xf32, #tpu.memory_space<vmem>> -> memref<128x16xf32, #tpu.memory_space<vmem>>
    %dma_wait3A_72 = arith.constant 0 : i32
    %dma_wait3A_73 = arith.constant 0 : i32
    %dma_wait3A_74 = tpu.memref_slice %arg4[%dma_wait3A_72, %dma_wait3A_73] : memref<102400x16xf32, #tpu.memory_space<hbm>> -> memref<128x16xf32, #tpu.memory_space<hbm>>
    %dma_wait3A_75 = arith.constant 128 : i32
    %dma_wait3A_76 = arith.constant 0 : i32
    %dma_wait3A_77 = tpu.memref_slice %arg9[%dma_wait3A_75, %dma_wait3A_76] : memref<512x16xf32, #tpu.memory_space<vmem>> -> memref<128x16xf32, #tpu.memory_space<vmem>>
    %dma_wait3A_78 = arith.constant 0 : i32
    %dma_wait3A_79 = arith.constant 0 : i32
    %dma_wait3A_80 = tpu.memref_slice %arg4[%dma_wait3A_78, %dma_wait3A_79] : memref<102400x16xf32, #tpu.memory_space<hbm>> -> memref<128x16xf32, #tpu.memory_space<hbm>>
    tpu.wait_dma2 semaphore(%arg14 : memref<!tpu.dma_semaphore, #tpu.memory_space<semaphore_mem>>) src(%dma_wait3A_80 : memref<128x16xf32, #tpu.memory_space<hbm>>) dst(%dma_wait3A_77 : memref<128x16xf32, #tpu.memory_space<vmem>>)
    %dma_wait3A_81 = arith.constant 256 : i32
    %dma_wait3A_82 = arith.constant 0 : i32
    %dma_wait3A_83 = tpu.memref_slice %arg9[%dma_wait3A_81, %dma_wait3A_82] : memref<512x16xf32, #tpu.memory_space<vmem>> -> memref<128x16xf32, #tpu.memory_space<vmem>>
    %dma_wait3A_84 = arith.constant 0 : i32
    %dma_wait3A_85 = arith.constant 0 : i32
    %dma_wait3A_86 = tpu.memref_slice %arg4[%dma_wait3A_84, %dma_wait3A_85] : memref<102400x16xf32, #tpu.memory_space<hbm>> -> memref<128x16xf32, #tpu.memory_space<hbm>>
    %dma_wait3A_87 = arith.constant 256 : i32
    %dma_wait3A_88 = arith.constant 0 : i32
    %dma_wait3A_89 = tpu.memref_slice %arg9[%dma_wait3A_87, %dma_wait3A_88] : memref<512x16xf32, #tpu.memory_space<vmem>> -> memref<128x16xf32, #tpu.memory_space<vmem>>
    %dma_wait3A_90 = arith.constant 0 : i32
    %dma_wait3A_91 = arith.constant 0 : i32
    %dma_wait3A_92 = tpu.memref_slice %arg4[%dma_wait3A_90, %dma_wait3A_91] : memref<102400x16xf32, #tpu.memory_space<hbm>> -> memref<128x16xf32, #tpu.memory_space<hbm>>
    tpu.wait_dma2 semaphore(%arg14 : memref<!tpu.dma_semaphore, #tpu.memory_space<semaphore_mem>>) src(%dma_wait3A_92 : memref<128x16xf32, #tpu.memory_space<hbm>>) dst(%dma_wait3A_89 : memref<128x16xf32, #tpu.memory_space<vmem>>)
    %dma_wait3A_93 = arith.constant 384 : i32
    %dma_wait3A_94 = arith.constant 0 : i32
    %dma_wait3A_95 = tpu.memref_slice %arg9[%dma_wait3A_93, %dma_wait3A_94] : memref<512x16xf32, #tpu.memory_space<vmem>> -> memref<128x16xf32, #tpu.memory_space<vmem>>
    %dma_wait3A_96 = arith.constant 0 : i32
    %dma_wait3A_97 = arith.constant 0 : i32
    %dma_wait3A_98 = tpu.memref_slice %arg4[%dma_wait3A_96, %dma_wait3A_97] : memref<102400x16xf32, #tpu.memory_space<hbm>> -> memref<128x16xf32, #tpu.memory_space<hbm>>
    %dma_wait3A_99 = arith.constant 384 : i32
    %dma_wait3A_100 = arith.constant 0 : i32
    %dma_wait3A_101 = tpu.memref_slice %arg9[%dma_wait3A_99, %dma_wait3A_100] : memref<512x16xf32, #tpu.memory_space<vmem>> -> memref<128x16xf32, #tpu.memory_space<vmem>>
    %dma_wait3A_102 = arith.constant 0 : i32
    %dma_wait3A_103 = arith.constant 0 : i32
    %dma_wait3A_104 = tpu.memref_slice %arg4[%dma_wait3A_102, %dma_wait3A_103] : memref<102400x16xf32, #tpu.memory_space<hbm>> -> memref<128x16xf32, #tpu.memory_space<hbm>>
    tpu.wait_dma2 semaphore(%arg14 : memref<!tpu.dma_semaphore, #tpu.memory_space<semaphore_mem>>) src(%dma_wait3A_104 : memref<128x16xf32, #tpu.memory_space<hbm>>) dst(%dma_wait3A_101 : memref<128x16xf32, #tpu.memory_space<vmem>>)
    %barrier3A_105 = arith.constant 0 : index
    tpu.barrier barrier_id(%barrier3A_105)
    %scan3A_106 = arith.constant 0 : i32
    %scan3A_107 = arith.constant 8 : i32
    %scan3A_108 = arith.addi %scan3A_106, %scan3A_107 : i32
    %scan3A_109 = arith.constant 1 : i32
    scf.for %scan3A_111 = %scan3A_106 to %scan3A_108 step %scan3A_109  : i32 {
      %mul3A_112 = arith.constant 1 : i32
      %mul3A_113 = arith.muli %scan3A_111, %mul3A_112 : i32
      %add3A_114 = arith.constant 0 : i32
      %add3A_115 = arith.addi %add3A_114, %mul3A_113 : i32
      %mul3A_116 = arith.constant 6400 : i32
      %mul3A_117 = arith.muli %arg1, %mul3A_116 : i32
      %mul3A_118 = arith.constant 800 : i32
      %mul3A_119 = arith.muli %add3A_115, %mul3A_118 : i32
      %add3A_120 = arith.addi %mul3A_117, %mul3A_119 : i32
      "tpu.region"() ({
        %run_scoped3A = tpu.sem_alloc : memref<!tpu.dma_semaphore, #tpu.memory_space<semaphore_mem>>
        %dma_start3A = arith.constant 0 : i32
        %dma_start3A_121 = arith.constant 0 : i32
        %dma_start3A_122 = tpu.memref_slice %arg8[%dma_start3A, %dma_start3A_121] : memref<512x16xf32, #tpu.memory_space<vmem>> -> memref<800x16xf32, #tpu.memory_space<vmem>>
        %dma_start3A_123 = arith.constant 0 : i32
        %dma_start3A_124 = tpu.memref_slice %arg10[%add3A_120, %dma_start3A_123] : memref<102400x16xf32, #tpu.memory_space<vmem_shared>> -> memref<800x16xf32, #tpu.memory_space<vmem_shared>>
        %dma_start3A_125 = arith.constant 0 : i32
        %dma_start3A_126 = arith.constant 0 : i32
        %dma_start3A_127 = tpu.memref_slice %arg8[%dma_start3A_125, %dma_start3A_126] : memref<512x16xf32, #tpu.memory_space<vmem>> -> memref<800x16xf32, #tpu.memory_space<vmem>>
        %dma_start3A_128 = arith.constant 0 : i32
        %dma_start3A_129 = tpu.memref_slice %arg10[%add3A_120, %dma_start3A_128] : memref<102400x16xf32, #tpu.memory_space<vmem_shared>> -> memref<800x16xf32, #tpu.memory_space<vmem_shared>>
        tpu.enqueue_dma source(%dma_start3A_129 : memref<800x16xf32, #tpu.memory_space<vmem_shared>>) target(%dma_start3A_127 : memref<800x16xf32, #tpu.memory_space<vmem>>) target_semaphore(%run_scoped3A : memref<!tpu.dma_semaphore, #tpu.memory_space<semaphore_mem>>)
        %dma_wait3A_130 = arith.constant 0 : i32
        %dma_wait3A_131 = arith.constant 0 : i32
        %dma_wait3A_132 = tpu.memref_slice %arg8[%dma_wait3A_130, %dma_wait3A_131] : memref<512x16xf32, #tpu.memory_space<vmem>> -> memref<800x16xf32, #tpu.memory_space<vmem>>
        %dma_wait3A_133 = arith.constant 0 : i32
        %dma_wait3A_134 = tpu.memref_slice %arg10[%add3A_120, %dma_wait3A_133] : memref<102400x16xf32, #tpu.memory_space<vmem_shared>> -> memref<800x16xf32, #tpu.memory_space<vmem_shared>>
        %dma_wait3A_135 = arith.constant 0 : i32
        %dma_wait3A_136 = arith.constant 0 : i32
        %dma_wait3A_137 = tpu.memref_slice %arg8[%dma_wait3A_135, %dma_wait3A_136] : memref<512x16xf32, #tpu.memory_space<vmem>> -> memref<800x16xf32, #tpu.memory_space<vmem>>
        %dma_wait3A_138 = arith.constant 0 : i32
        %dma_wait3A_139 = tpu.memref_slice %arg10[%add3A_120, %dma_wait3A_138] : memref<102400x16xf32, #tpu.memory_space<vmem_shared>> -> memref<800x16xf32, #tpu.memory_space<vmem_shared>>
        tpu.wait_dma2 semaphore(%run_scoped3A : memref<!tpu.dma_semaphore, #tpu.memory_space<semaphore_mem>>) src(%dma_wait3A_139 : memref<800x16xf32, #tpu.memory_space<vmem_shared>>) dst(%dma_wait3A_137 : memref<800x16xf32, #tpu.memory_space<vmem>>)
        tpu.yield
      }) : () -> ()
      "tpu.region"() ({
        %run_scoped3A = tpu.sem_alloc : memref<!tpu.dma_semaphore, #tpu.memory_space<semaphore_mem>>
        %dma_start3A = arith.constant 0 : i32
        %dma_start3A_121 = arith.constant 0 : i32
        %dma_start3A_122 = tpu.memref_slice %arg8[%dma_start3A, %dma_start3A_121] : memref<512x16xf32, #tpu.memory_space<vmem>> -> memref<800x16xf32, #tpu.memory_space<vmem>>
        %dma_start3A_123 = arith.constant 0 : i32
        %dma_start3A_124 = tpu.memref_slice %arg5[%arg0, %add3A_120, %dma_start3A_123] : memref<2x102400x16xf32, #tpu.memory_space<hbm>> -> memref<1x800x16xf32, #tpu.memory_space<hbm>>
        %dma_start3A_125 = tpu.memref_squeeze %dma_start3A_124 : memref<1x800x16xf32, #tpu.memory_space<hbm>> -> memref<800x16xf32, #tpu.memory_space<hbm>>
        %dma_start3A_126 = arith.constant 0 : i32
        %dma_start3A_127 = tpu.memref_slice %arg5[%arg0, %add3A_120, %dma_start3A_126] : memref<2x102400x16xf32, #tpu.memory_space<hbm>> -> memref<1x800x16xf32, #tpu.memory_space<hbm>>
        %dma_start3A_128 = tpu.memref_squeeze %dma_start3A_127 : memref<1x800x16xf32, #tpu.memory_space<hbm>> -> memref<800x16xf32, #tpu.memory_space<hbm>>
        %dma_start3A_129 = arith.constant 0 : i32
        %dma_start3A_130 = arith.constant 0 : i32
        %dma_start3A_131 = tpu.memref_slice %arg8[%dma_start3A_129, %dma_start3A_130] : memref<512x16xf32, #tpu.memory_space<vmem>> -> memref<800x16xf32, #tpu.memory_space<vmem>>
        tpu.enqueue_dma source(%dma_start3A_131 : memref<800x16xf32, #tpu.memory_space<vmem>>) target(%dma_start3A_128 : memref<800x16xf32, #tpu.memory_space<hbm>>) target_semaphore(%run_scoped3A : memref<!tpu.dma_semaphore, #tpu.memory_space<semaphore_mem>>)
        %dma_wait3A_132 = arith.constant 0 : i32
        %dma_wait3A_133 = arith.constant 0 : i32
        %dma_wait3A_134 = tpu.memref_slice %arg8[%dma_wait3A_132, %dma_wait3A_133] : memref<512x16xf32, #tpu.memory_space<vmem>> -> memref<800x16xf32, #tpu.memory_space<vmem>>
        %dma_wait3A_135 = arith.constant 0 : i32
        %dma_wait3A_136 = tpu.memref_slice %arg5[%arg0, %add3A_120, %dma_wait3A_135] : memref<2x102400x16xf32, #tpu.memory_space<hbm>> -> memref<1x800x16xf32, #tpu.memory_space<hbm>>
        %dma_wait3A_137 = tpu.memref_squeeze %dma_wait3A_136 : memref<1x800x16xf32, #tpu.memory_space<hbm>> -> memref<800x16xf32, #tpu.memory_space<hbm>>
        %dma_wait3A_138 = arith.constant 0 : i32
        %dma_wait3A_139 = tpu.memref_slice %arg5[%arg0, %add3A_120, %dma_wait3A_138] : memref<2x102400x16xf32, #tpu.memory_space<hbm>> -> memref<1x800x16xf32, #tpu.memory_space<hbm>>
        %dma_wait3A_140 = tpu.memref_squeeze %dma_wait3A_139 : memref<1x800x16xf32, #tpu.memory_space<hbm>> -> memref<800x16xf32, #tpu.memory_space<hbm>>
        %dma_wait3A_141 = arith.constant 0 : i32
        %dma_wait3A_142 = arith.constant 0 : i32
        %dma_wait3A_143 = tpu.memref_slice %arg8[%dma_wait3A_141, %dma_wait3A_142] : memref<512x16xf32, #tpu.memory_space<vmem>> -> memref<800x16xf32, #tpu.memory_space<vmem>>
        tpu.wait_dma2 semaphore(%run_scoped3A : memref<!tpu.dma_semaphore, #tpu.memory_space<semaphore_mem>>) src(%dma_wait3A_143 : memref<800x16xf32, #tpu.memory_space<vmem>>) dst(%dma_wait3A_140 : memref<800x16xf32, #tpu.memory_space<hbm>>)
        tpu.yield
      }) : () -> ()
    }
    %scan3A_110 = arith.constant 8 : i32
    return
  }
}

#map = affine_map<(d0, d1) -> (0, 0)>
module attributes {stable_mosaic.version = 14 : i64} {
  func.func @_k1b_body(%arg0: i32, %arg1: i32, %arg2: memref<2x102400xf32, #tpu.memory_space<hbm>>, %arg3: memref<102400x16xf32, #tpu.memory_space<hbm>>, %arg4: memref<102400x16xf32, #tpu.memory_space<hbm>>, %arg5: memref<102400x16xf32, #tpu.memory_space<hbm>>, %arg6: memref<3200xf32, #tpu.memory_space<vmem>>, %arg7: memref<3200xf32, #tpu.memory_space<vmem>>, %arg8: memref<16xf32, #tpu.memory_space<vmem>>, %arg9: memref<800x16xf32, #tpu.memory_space<vmem>>, %arg10: memref<800x16xf32, #tpu.memory_space<vmem>>, %arg11: memref<800x16xf32, #tpu.memory_space<vmem>>) attributes {dimension_semantics = [#tpu.dimension_semantics<core_parallel>, #tpu.dimension_semantics<subcore_parallel>], iteration_bounds = array<i64: 2, 16>, scalar_prefetch = 0 : i64, scratch_operands = 6 : i64, tpu.core_type = #tpu.core_type<sc_vector_subcore>, window_params = [{transform_indices = #map}, {transform_indices = #map}, {transform_indices = #map}, {transform_indices = #map}]} {
    %mul3A = arith.constant 16 : i32
    %mul3A_0 = arith.muli %arg0, %mul3A : i32
    %add3A = arith.addi %mul3A_0, %arg1 : i32
    %mul3A_1 = arith.constant 3200 : i32
    %mul3A_2 = arith.muli %add3A, %mul3A_1 : i32
    %run_scoped3A = arith.constant 0 : i32
    "tpu.region"() ({
      %run_scoped3A_10 = tpu.sem_alloc : memref<!tpu.dma_semaphore, #tpu.memory_space<semaphore_mem>>
      %dma_start3A = tpu.memref_slice %arg2[%run_scoped3A, %mul3A_2] : memref<2x102400xf32, #tpu.memory_space<hbm>> -> memref<1x3200xf32, #tpu.memory_space<hbm>>
      %dma_start3A_11 = tpu.memref_squeeze %dma_start3A : memref<1x3200xf32, #tpu.memory_space<hbm>> -> memref<3200xf32, #tpu.memory_space<hbm>>
      %dma_start3A_12 = tpu.memref_slice %arg2[%run_scoped3A, %mul3A_2] : memref<2x102400xf32, #tpu.memory_space<hbm>> -> memref<1x3200xf32, #tpu.memory_space<hbm>>
      %dma_start3A_13 = tpu.memref_squeeze %dma_start3A_12 : memref<1x3200xf32, #tpu.memory_space<hbm>> -> memref<3200xf32, #tpu.memory_space<hbm>>
      tpu.enqueue_dma source(%dma_start3A_13 : memref<3200xf32, #tpu.memory_space<hbm>>) target(%arg6 : memref<3200xf32, #tpu.memory_space<vmem>>) target_semaphore(%run_scoped3A_10 : memref<!tpu.dma_semaphore, #tpu.memory_space<semaphore_mem>>)
      %dma_wait3A = tpu.memref_slice %arg2[%run_scoped3A, %mul3A_2] : memref<2x102400xf32, #tpu.memory_space<hbm>> -> memref<1x3200xf32, #tpu.memory_space<hbm>>
      %dma_wait3A_14 = tpu.memref_squeeze %dma_wait3A : memref<1x3200xf32, #tpu.memory_space<hbm>> -> memref<3200xf32, #tpu.memory_space<hbm>>
      %dma_wait3A_15 = tpu.memref_slice %arg2[%run_scoped3A, %mul3A_2] : memref<2x102400xf32, #tpu.memory_space<hbm>> -> memref<1x3200xf32, #tpu.memory_space<hbm>>
      %dma_wait3A_16 = tpu.memref_squeeze %dma_wait3A_15 : memref<1x3200xf32, #tpu.memory_space<hbm>> -> memref<3200xf32, #tpu.memory_space<hbm>>
      tpu.wait_dma2 semaphore(%run_scoped3A_10 : memref<!tpu.dma_semaphore, #tpu.memory_space<semaphore_mem>>) src(%dma_wait3A_16 : memref<3200xf32, #tpu.memory_space<hbm>>) dst(%arg6 : memref<3200xf32, #tpu.memory_space<vmem>>)
      tpu.yield
    }) : () -> ()
    %mul3A_3 = arith.constant 3200 : i32
    %mul3A_4 = arith.muli %add3A, %mul3A_3 : i32
    %run_scoped3A_5 = arith.constant 1 : i32
    "tpu.region"() ({
      %run_scoped3A_10 = tpu.sem_alloc : memref<!tpu.dma_semaphore, #tpu.memory_space<semaphore_mem>>
      %dma_start3A = tpu.memref_slice %arg2[%run_scoped3A_5, %mul3A_4] : memref<2x102400xf32, #tpu.memory_space<hbm>> -> memref<1x3200xf32, #tpu.memory_space<hbm>>
      %dma_start3A_11 = tpu.memref_squeeze %dma_start3A : memref<1x3200xf32, #tpu.memory_space<hbm>> -> memref<3200xf32, #tpu.memory_space<hbm>>
      %dma_start3A_12 = tpu.memref_slice %arg2[%run_scoped3A_5, %mul3A_4] : memref<2x102400xf32, #tpu.memory_space<hbm>> -> memref<1x3200xf32, #tpu.memory_space<hbm>>
      %dma_start3A_13 = tpu.memref_squeeze %dma_start3A_12 : memref<1x3200xf32, #tpu.memory_space<hbm>> -> memref<3200xf32, #tpu.memory_space<hbm>>
      tpu.enqueue_dma source(%dma_start3A_13 : memref<3200xf32, #tpu.memory_space<hbm>>) target(%arg7 : memref<3200xf32, #tpu.memory_space<vmem>>) target_semaphore(%run_scoped3A_10 : memref<!tpu.dma_semaphore, #tpu.memory_space<semaphore_mem>>)
      %dma_wait3A = tpu.memref_slice %arg2[%run_scoped3A_5, %mul3A_4] : memref<2x102400xf32, #tpu.memory_space<hbm>> -> memref<1x3200xf32, #tpu.memory_space<hbm>>
      %dma_wait3A_14 = tpu.memref_squeeze %dma_wait3A : memref<1x3200xf32, #tpu.memory_space<hbm>> -> memref<3200xf32, #tpu.memory_space<hbm>>
      %dma_wait3A_15 = tpu.memref_slice %arg2[%run_scoped3A_5, %mul3A_4] : memref<2x102400xf32, #tpu.memory_space<hbm>> -> memref<1x3200xf32, #tpu.memory_space<hbm>>
      %dma_wait3A_16 = tpu.memref_squeeze %dma_wait3A_15 : memref<1x3200xf32, #tpu.memory_space<hbm>> -> memref<3200xf32, #tpu.memory_space<hbm>>
      tpu.wait_dma2 semaphore(%run_scoped3A_10 : memref<!tpu.dma_semaphore, #tpu.memory_space<semaphore_mem>>) src(%dma_wait3A_16 : memref<3200xf32, #tpu.memory_space<hbm>>) dst(%arg7 : memref<3200xf32, #tpu.memory_space<vmem>>)
      tpu.yield
    }) : () -> ()
    %scan3A = arith.constant 0 : i32
    %scan3A_6 = arith.constant 4 : i32
    %scan3A_7 = arith.addi %scan3A, %scan3A_6 : i32
    %scan3A_8 = arith.constant 1 : i32
    scf.for %scan3A_10 = %scan3A to %scan3A_7 step %scan3A_8  : i32 {
      %mul3A_11 = arith.constant 1 : i32
      %mul3A_12 = arith.muli %scan3A_10, %mul3A_11 : i32
      %add3A_13 = arith.constant 0 : i32
      %add3A_14 = arith.addi %add3A_13, %mul3A_12 : i32
      %mul3A_15 = arith.constant 3200 : i32
      %mul3A_16 = arith.muli %add3A, %mul3A_15 : i32
      %mul3A_17 = arith.constant 800 : i32
      %mul3A_18 = arith.muli %add3A_14, %mul3A_17 : i32
      %add3A_19 = arith.addi %mul3A_16, %mul3A_18 : i32
      "tpu.region"() ({
        %run_scoped3A_35 = tpu.sem_alloc : memref<!tpu.dma_semaphore, #tpu.memory_space<semaphore_mem>>
        %dma_start3A = arith.constant 0 : i32
        %dma_start3A_36 = tpu.memref_slice %arg3[%add3A_19, %dma_start3A] : memref<102400x16xf32, #tpu.memory_space<hbm>> -> memref<800x16xf32, #tpu.memory_space<hbm>>
        %dma_start3A_37 = arith.constant 0 : i32
        %dma_start3A_38 = tpu.memref_slice %arg3[%add3A_19, %dma_start3A_37] : memref<102400x16xf32, #tpu.memory_space<hbm>> -> memref<800x16xf32, #tpu.memory_space<hbm>>
        tpu.enqueue_dma source(%dma_start3A_38 : memref<800x16xf32, #tpu.memory_space<hbm>>) target(%arg9 : memref<800x16xf32, #tpu.memory_space<vmem>>) target_semaphore(%run_scoped3A_35 : memref<!tpu.dma_semaphore, #tpu.memory_space<semaphore_mem>>)
        %dma_wait3A = arith.constant 0 : i32
        %dma_wait3A_39 = tpu.memref_slice %arg3[%add3A_19, %dma_wait3A] : memref<102400x16xf32, #tpu.memory_space<hbm>> -> memref<800x16xf32, #tpu.memory_space<hbm>>
        %dma_wait3A_40 = arith.constant 0 : i32
        %dma_wait3A_41 = tpu.memref_slice %arg3[%add3A_19, %dma_wait3A_40] : memref<102400x16xf32, #tpu.memory_space<hbm>> -> memref<800x16xf32, #tpu.memory_space<hbm>>
        tpu.wait_dma2 semaphore(%run_scoped3A_35 : memref<!tpu.dma_semaphore, #tpu.memory_space<semaphore_mem>>) src(%dma_wait3A_41 : memref<800x16xf32, #tpu.memory_space<hbm>>) dst(%arg9 : memref<800x16xf32, #tpu.memory_space<vmem>>)
        tpu.yield
      }) : () -> ()
      %scan3A_20 = arith.constant 0 : i32
      %scan3A_21 = arith.constant 50 : i32
      %scan3A_22 = arith.addi %scan3A_20, %scan3A_21 : i32
      %scan3A_23 = arith.constant 1 : i32
      scf.for %scan3A_35 = %scan3A_20 to %scan3A_22 step %scan3A_23  : i32 {
        %mul3A_36 = arith.constant 1 : i32
        %mul3A_37 = arith.muli %scan3A_35, %mul3A_36 : i32
        %add3A_38 = arith.constant 0 : i32
        %add3A_39 = arith.addi %add3A_38, %mul3A_37 : i32
        %mul3A_40 = arith.constant 800 : i32
        %mul3A_41 = arith.muli %add3A_14, %mul3A_40 : i32
        %mul3A_42 = arith.constant 16 : i32
        %mul3A_43 = arith.muli %add3A_39, %mul3A_42 : i32
        %add3A_44 = arith.addi %mul3A_41, %mul3A_43 : i32
        %get3A = arith.index_cast %add3A_44 : i32 to index
        %get3A_45 = tpu.vector_load %arg6[%get3A] {strides = array<i32>} : memref<3200xf32, #tpu.memory_space<vmem>>, vector<16xf32>,
        %get3A_46 = arith.index_cast %add3A_44 : i32 to index
        %get3A_47 = tpu.vector_load %arg7[%get3A_46] {strides = array<i32>} : memref<3200xf32, #tpu.memory_space<vmem>>, vector<16xf32>,
        %add3A_48 = arith.addf %get3A_45, %get3A_47 : vector<16xf32>
        %add3A_49 = arith.constant 1.000000e+00 : f32
        %add3A_50 = vector.broadcast %add3A_49 : f32 to vector<16xf32>
        %add3A_51 = arith.addf %add3A_48, %add3A_50 : vector<16xf32>
        %bitcast3A = vector.bitcast %add3A_51 : vector<16xf32> to vector<16xi32>
        %shift_right_arithmetic3A = arith.constant 1 : i32
        %shift_right_arithmetic3A_52 = vector.broadcast %shift_right_arithmetic3A : i32 to vector<16xi32>
        %shift_right_arithmetic3A_53 = arith.shrsi %bitcast3A, %shift_right_arithmetic3A_52 : vector<16xi32>
        %sub3A = arith.constant 1597463007 : i32
        %sub3A_54 = vector.broadcast %sub3A : i32 to vector<16xi32>
        %sub3A_55 = arith.subi %sub3A_54, %shift_right_arithmetic3A_53 : vector<16xi32>
        %bitcast3A_56 = vector.bitcast %sub3A_55 : vector<16xi32> to vector<16xf32>
        %mul3A_57 = arith.constant 5.000000e-01 : f32
        %mul3A_58 = vector.broadcast %mul3A_57 : f32 to vector<16xf32>
        %mul3A_59 = arith.mulf %mul3A_58, %add3A_51 : vector<16xf32>
        %mul3A_60 = arith.mulf %mul3A_59, %bitcast3A_56 : vector<16xf32>
        %mul3A_61 = arith.mulf %mul3A_60, %bitcast3A_56 : vector<16xf32>
        %sub3A_62 = arith.constant 1.500000e+00 : f32
        %sub3A_63 = vector.broadcast %sub3A_62 : f32 to vector<16xf32>
        %sub3A_64 = arith.subf %sub3A_63, %mul3A_61 : vector<16xf32>
        %mul3A_65 = arith.mulf %bitcast3A_56, %sub3A_64 : vector<16xf32>
        %mul3A_66 = arith.constant 5.000000e-01 : f32
        %mul3A_67 = vector.broadcast %mul3A_66 : f32 to vector<16xf32>
        %mul3A_68 = arith.mulf %mul3A_67, %add3A_51 : vector<16xf32>
        %mul3A_69 = arith.mulf %mul3A_68, %mul3A_65 : vector<16xf32>
        %mul3A_70 = arith.mulf %mul3A_69, %mul3A_65 : vector<16xf32>
        %sub3A_71 = arith.constant 1.500000e+00 : f32
        %sub3A_72 = vector.broadcast %sub3A_71 : f32 to vector<16xf32>
        %sub3A_73 = arith.subf %sub3A_72, %mul3A_70 : vector<16xf32>
        %mul3A_74 = arith.mulf %mul3A_65, %sub3A_73 : vector<16xf32>
        %mul3A_75 = arith.constant 5.000000e-01 : f32
        %mul3A_76 = vector.broadcast %mul3A_75 : f32 to vector<16xf32>
        %mul3A_77 = arith.mulf %mul3A_76, %add3A_51 : vector<16xf32>
        %mul3A_78 = arith.mulf %mul3A_77, %mul3A_74 : vector<16xf32>
        %mul3A_79 = arith.mulf %mul3A_78, %mul3A_74 : vector<16xf32>
        %sub3A_80 = arith.constant 1.500000e+00 : f32
        %sub3A_81 = vector.broadcast %sub3A_80 : f32 to vector<16xf32>
        %sub3A_82 = arith.subf %sub3A_81, %mul3A_79 : vector<16xf32>
        %mul3A_83 = arith.mulf %mul3A_74, %sub3A_82 : vector<16xf32>
        %swap3A = arith.constant 0 : index
        %swap3A_84 = tpu.vector_load %arg8[%swap3A] {strides = array<i32>} : memref<16xf32, #tpu.memory_space<vmem>>, vector<16xf32>,
        tpu.vector_store %arg8[%swap3A], %mul3A_83 {strides = array<i32>} : memref<16xf32, #tpu.memory_space<vmem>>, vector<16xf32>,
        %broadcast_in_dim3A = arith.constant 0 : i32
        %broadcast_in_dim3A_85 = vector.broadcast %broadcast_in_dim3A : i32 to vector<16xi32>
        %gather3A = tpu.vector_load_idx %arg8[%broadcast_in_dim3A_85] : memref<16xf32, #tpu.memory_space<vmem>>[vector<16xi32>], vector<16xf32>,
        %mul3A_86 = arith.constant 16 : i32
        %mul3A_87 = arith.muli %add3A_39, %mul3A_86 : i32
        %add3A_88 = arith.constant 0 : i32
        %add3A_89 = arith.addi %mul3A_87, %add3A_88 : i32
        %swap3A_90 = arith.index_cast %add3A_89 : i32 to index
        %swap3A_91 = arith.constant 0 : index
        %swap3A_92 = tpu.vector_load %arg10[%swap3A_90, %swap3A_91] {strides = array<i32>} : memref<800x16xf32, #tpu.memory_space<vmem>>, vector<16xf32>,
        tpu.vector_store %arg10[%swap3A_90, %swap3A_91], %gather3A {strides = array<i32>} : memref<800x16xf32, #tpu.memory_space<vmem>>, vector<16xf32>,
        %mul3A_93 = arith.constant 16 : i32
        %mul3A_94 = arith.muli %add3A_39, %mul3A_93 : i32
        %add3A_95 = arith.constant 0 : i32
        %add3A_96 = arith.addi %mul3A_94, %add3A_95 : i32
        %get3A_97 = arith.index_cast %add3A_96 : i32 to index
        %get3A_98 = arith.constant 0 : index
        %get3A_99 = tpu.vector_load %arg9[%get3A_97, %get3A_98] {strides = array<i32>} : memref<800x16xf32, #tpu.memory_space<vmem>>, vector<16xf32>,
        %mul3A_100 = arith.mulf %gather3A, %get3A_99 : vector<16xf32>
        %mul3A_101 = arith.constant 16 : i32
        %mul3A_102 = arith.muli %add3A_39, %mul3A_101 : i32
        %add3A_103 = arith.constant 0 : i32
        %add3A_104 = arith.addi %mul3A_102, %add3A_103 : i32
        %swap3A_105 = arith.index_cast %add3A_104 : i32 to index
        %swap3A_106 = arith.constant 0 : index
        %swap3A_107 = tpu.vector_load %arg11[%swap3A_105, %swap3A_106] {strides = array<i32>} : memref<800x16xf32, #tpu.memory_space<vmem>>, vector<16xf32>,
        tpu.vector_store %arg11[%swap3A_105, %swap3A_106], %mul3A_100 {strides = array<i32>} : memref<800x16xf32, #tpu.memory_space<vmem>>, vector<16xf32>,
        %broadcast_in_dim3A_108 = arith.constant 1 : i32
        %broadcast_in_dim3A_109 = vector.broadcast %broadcast_in_dim3A_108 : i32 to vector<16xi32>
        %gather3A_110 = tpu.vector_load_idx %arg8[%broadcast_in_dim3A_109] : memref<16xf32, #tpu.memory_space<vmem>>[vector<16xi32>], vector<16xf32>,
        %mul3A_111 = arith.constant 16 : i32
        %mul3A_112 = arith.muli %add3A_39, %mul3A_111 : i32
        %add3A_113 = arith.constant 1 : i32
        %add3A_114 = arith.addi %mul3A_112, %add3A_113 : i32
        %swap3A_115 = arith.index_cast %add3A_114 : i32 to index
        %swap3A_116 = arith.constant 0 : index
        %swap3A_117 = tpu.vector_load %arg10[%swap3A_115, %swap3A_116] {strides = array<i32>} : memref<800x16xf32, #tpu.memory_space<vmem>>, vector<16xf32>,
        tpu.vector_store %arg10[%swap3A_115, %swap3A_116], %gather3A_110 {strides = array<i32>} : memref<800x16xf32, #tpu.memory_space<vmem>>, vector<16xf32>,
        %mul3A_118 = arith.constant 16 : i32
        %mul3A_119 = arith.muli %add3A_39, %mul3A_118 : i32
        %add3A_120 = arith.constant 1 : i32
        %add3A_121 = arith.addi %mul3A_119, %add3A_120 : i32
        %get3A_122 = arith.index_cast %add3A_121 : i32 to index
        %get3A_123 = arith.constant 0 : index
        %get3A_124 = tpu.vector_load %arg9[%get3A_122, %get3A_123] {strides = array<i32>} : memref<800x16xf32, #tpu.memory_space<vmem>>, vector<16xf32>,
        %mul3A_125 = arith.mulf %gather3A_110, %get3A_124 : vector<16xf32>
        %mul3A_126 = arith.constant 16 : i32
        %mul3A_127 = arith.muli %add3A_39, %mul3A_126 : i32
        %add3A_128 = arith.constant 1 : i32
        %add3A_129 = arith.addi %mul3A_127, %add3A_128 : i32
        %swap3A_130 = arith.index_cast %add3A_129 : i32 to index
        %swap3A_131 = arith.constant 0 : index
        %swap3A_132 = tpu.vector_load %arg11[%swap3A_130, %swap3A_131] {strides = array<i32>} : memref<800x16xf32, #tpu.memory_space<vmem>>, vector<16xf32>,
        tpu.vector_store %arg11[%swap3A_130, %swap3A_131], %mul3A_125 {strides = array<i32>} : memref<800x16xf32, #tpu.memory_space<vmem>>, vector<16xf32>,
        %broadcast_in_dim3A_133 = arith.constant 2 : i32
        %broadcast_in_dim3A_134 = vector.broadcast %broadcast_in_dim3A_133 : i32 to vector<16xi32>
        %gather3A_135 = tpu.vector_load_idx %arg8[%broadcast_in_dim3A_134] : memref<16xf32, #tpu.memory_space<vmem>>[vector<16xi32>], vector<16xf32>,
        %mul3A_136 = arith.constant 16 : i32
        %mul3A_137 = arith.muli %add3A_39, %mul3A_136 : i32
        %add3A_138 = arith.constant 2 : i32
        %add3A_139 = arith.addi %mul3A_137, %add3A_138 : i32
        %swap3A_140 = arith.index_cast %add3A_139 : i32 to index
        %swap3A_141 = arith.constant 0 : index
        %swap3A_142 = tpu.vector_load %arg10[%swap3A_140, %swap3A_141] {strides = array<i32>} : memref<800x16xf32, #tpu.memory_space<vmem>>, vector<16xf32>,
        tpu.vector_store %arg10[%swap3A_140, %swap3A_141], %gather3A_135 {strides = array<i32>} : memref<800x16xf32, #tpu.memory_space<vmem>>, vector<16xf32>,
        %mul3A_143 = arith.constant 16 : i32
        %mul3A_144 = arith.muli %add3A_39, %mul3A_143 : i32
        %add3A_145 = arith.constant 2 : i32
        %add3A_146 = arith.addi %mul3A_144, %add3A_145 : i32
        %get3A_147 = arith.index_cast %add3A_146 : i32 to index
        %get3A_148 = arith.constant 0 : index
        %get3A_149 = tpu.vector_load %arg9[%get3A_147, %get3A_148] {strides = array<i32>} : memref<800x16xf32, #tpu.memory_space<vmem>>, vector<16xf32>,
        %mul3A_150 = arith.mulf %gather3A_135, %get3A_149 : vector<16xf32>
        %mul3A_151 = arith.constant 16 : i32
        %mul3A_152 = arith.muli %add3A_39, %mul3A_151 : i32
        %add3A_153 = arith.constant 2 : i32
        %add3A_154 = arith.addi %mul3A_152, %add3A_153 : i32
        %swap3A_155 = arith.index_cast %add3A_154 : i32 to index
        %swap3A_156 = arith.constant 0 : index
        %swap3A_157 = tpu.vector_load %arg11[%swap3A_155, %swap3A_156] {strides = array<i32>} : memref<800x16xf32, #tpu.memory_space<vmem>>, vector<16xf32>,
        tpu.vector_store %arg11[%swap3A_155, %swap3A_156], %mul3A_150 {strides = array<i32>} : memref<800x16xf32, #tpu.memory_space<vmem>>, vector<16xf32>,
        %broadcast_in_dim3A_158 = arith.constant 3 : i32
        %broadcast_in_dim3A_159 = vector.broadcast %broadcast_in_dim3A_158 : i32 to vector<16xi32>
        %gather3A_160 = tpu.vector_load_idx %arg8[%broadcast_in_dim3A_159] : memref<16xf32, #tpu.memory_space<vmem>>[vector<16xi32>], vector<16xf32>,
        %mul3A_161 = arith.constant 16 : i32
        %mul3A_162 = arith.muli %add3A_39, %mul3A_161 : i32
        %add3A_163 = arith.constant 3 : i32
        %add3A_164 = arith.addi %mul3A_162, %add3A_163 : i32
        %swap3A_165 = arith.index_cast %add3A_164 : i32 to index
        %swap3A_166 = arith.constant 0 : index
        %swap3A_167 = tpu.vector_load %arg10[%swap3A_165, %swap3A_166] {strides = array<i32>} : memref<800x16xf32, #tpu.memory_space<vmem>>, vector<16xf32>,
        tpu.vector_store %arg10[%swap3A_165, %swap3A_166], %gather3A_160 {strides = array<i32>} : memref<800x16xf32, #tpu.memory_space<vmem>>, vector<16xf32>,
        %mul3A_168 = arith.constant 16 : i32
        %mul3A_169 = arith.muli %add3A_39, %mul3A_168 : i32
        %add3A_170 = arith.constant 3 : i32
        %add3A_171 = arith.addi %mul3A_169, %add3A_170 : i32
        %get3A_172 = arith.index_cast %add3A_171 : i32 to index
        %get3A_173 = arith.constant 0 : index
        %get3A_174 = tpu.vector_load %arg9[%get3A_172, %get3A_173] {strides = array<i32>} : memref<800x16xf32, #tpu.memory_space<vmem>>, vector<16xf32>,
        %mul3A_175 = arith.mulf %gather3A_160, %get3A_174 : vector<16xf32>
        %mul3A_176 = arith.constant 16 : i32
        %mul3A_177 = arith.muli %add3A_39, %mul3A_176 : i32
        %add3A_178 = arith.constant 3 : i32
        %add3A_179 = arith.addi %mul3A_177, %add3A_178 : i32
        %swap3A_180 = arith.index_cast %add3A_179 : i32 to index
        %swap3A_181 = arith.constant 0 : index
        %swap3A_182 = tpu.vector_load %arg11[%swap3A_180, %swap3A_181] {strides = array<i32>} : memref<800x16xf32, #tpu.memory_space<vmem>>, vector<16xf32>,
        tpu.vector_store %arg11[%swap3A_180, %swap3A_181], %mul3A_175 {strides = array<i32>} : memref<800x16xf32, #tpu.memory_space<vmem>>, vector<16xf32>,
        %broadcast_in_dim3A_183 = arith.constant 4 : i32
        %broadcast_in_dim3A_184 = vector.broadcast %broadcast_in_dim3A_183 : i32 to vector<16xi32>
        %gather3A_185 = tpu.vector_load_idx %arg8[%broadcast_in_dim3A_184] : memref<16xf32, #tpu.memory_space<vmem>>[vector<16xi32>], vector<16xf32>,
        %mul3A_186 = arith.constant 16 : i32
        %mul3A_187 = arith.muli %add3A_39, %mul3A_186 : i32
        %add3A_188 = arith.constant 4 : i32
        %add3A_189 = arith.addi %mul3A_187, %add3A_188 : i32
        %swap3A_190 = arith.index_cast %add3A_189 : i32 to index
        %swap3A_191 = arith.constant 0 : index
        %swap3A_192 = tpu.vector_load %arg10[%swap3A_190, %swap3A_191] {strides = array<i32>} : memref<800x16xf32, #tpu.memory_space<vmem>>, vector<16xf32>,
        tpu.vector_store %arg10[%swap3A_190, %swap3A_191], %gather3A_185 {strides = array<i32>} : memref<800x16xf32, #tpu.memory_space<vmem>>, vector<16xf32>,
        %mul3A_193 = arith.constant 16 : i32
        %mul3A_194 = arith.muli %add3A_39, %mul3A_193 : i32
        %add3A_195 = arith.constant 4 : i32
        %add3A_196 = arith.addi %mul3A_194, %add3A_195 : i32
        %get3A_197 = arith.index_cast %add3A_196 : i32 to index
        %get3A_198 = arith.constant 0 : index
        %get3A_199 = tpu.vector_load %arg9[%get3A_197, %get3A_198] {strides = array<i32>} : memref<800x16xf32, #tpu.memory_space<vmem>>, vector<16xf32>,
        %mul3A_200 = arith.mulf %gather3A_185, %get3A_199 : vector<16xf32>
        %mul3A_201 = arith.constant 16 : i32
        %mul3A_202 = arith.muli %add3A_39, %mul3A_201 : i32
        %add3A_203 = arith.constant 4 : i32
        %add3A_204 = arith.addi %mul3A_202, %add3A_203 : i32
        %swap3A_205 = arith.index_cast %add3A_204 : i32 to index
        %swap3A_206 = arith.constant 0 : index
        %swap3A_207 = tpu.vector_load %arg11[%swap3A_205, %swap3A_206] {strides = array<i32>} : memref<800x16xf32, #tpu.memory_space<vmem>>, vector<16xf32>,
        tpu.vector_store %arg11[%swap3A_205, %swap3A_206], %mul3A_200 {strides = array<i32>} : memref<800x16xf32, #tpu.memory_space<vmem>>, vector<16xf32>,
        %broadcast_in_dim3A_208 = arith.constant 5 : i32
        %broadcast_in_dim3A_209 = vector.broadcast %broadcast_in_dim3A_208 : i32 to vector<16xi32>
        %gather3A_210 = tpu.vector_load_idx %arg8[%broadcast_in_dim3A_209] : memref<16xf32, #tpu.memory_space<vmem>>[vector<16xi32>], vector<16xf32>,
        %mul3A_211 = arith.constant 16 : i32
        %mul3A_212 = arith.muli %add3A_39, %mul3A_211 : i32
        %add3A_213 = arith.constant 5 : i32
        %add3A_214 = arith.addi %mul3A_212, %add3A_213 : i32
        %swap3A_215 = arith.index_cast %add3A_214 : i32 to index
        %swap3A_216 = arith.constant 0 : index
        %swap3A_217 = tpu.vector_load %arg10[%swap3A_215, %swap3A_216] {strides = array<i32>} : memref<800x16xf32, #tpu.memory_space<vmem>>, vector<16xf32>,
        tpu.vector_store %arg10[%swap3A_215, %swap3A_216], %gather3A_210 {strides = array<i32>} : memref<800x16xf32, #tpu.memory_space<vmem>>, vector<16xf32>,
        %mul3A_218 = arith.constant 16 : i32
        %mul3A_219 = arith.muli %add3A_39, %mul3A_218 : i32
        %add3A_220 = arith.constant 5 : i32
        %add3A_221 = arith.addi %mul3A_219, %add3A_220 : i32
        %get3A_222 = arith.index_cast %add3A_221 : i32 to index
        %get3A_223 = arith.constant 0 : index
        %get3A_224 = tpu.vector_load %arg9[%get3A_222, %get3A_223] {strides = array<i32>} : memref<800x16xf32, #tpu.memory_space<vmem>>, vector<16xf32>,
        %mul3A_225 = arith.mulf %gather3A_210, %get3A_224 : vector<16xf32>
        %mul3A_226 = arith.constant 16 : i32
        %mul3A_227 = arith.muli %add3A_39, %mul3A_226 : i32
        %add3A_228 = arith.constant 5 : i32
        %add3A_229 = arith.addi %mul3A_227, %add3A_228 : i32
        %swap3A_230 = arith.index_cast %add3A_229 : i32 to index
        %swap3A_231 = arith.constant 0 : index
        %swap3A_232 = tpu.vector_load %arg11[%swap3A_230, %swap3A_231] {strides = array<i32>} : memref<800x16xf32, #tpu.memory_space<vmem>>, vector<16xf32>,
        tpu.vector_store %arg11[%swap3A_230, %swap3A_231], %mul3A_225 {strides = array<i32>} : memref<800x16xf32, #tpu.memory_space<vmem>>, vector<16xf32>,
        %broadcast_in_dim3A_233 = arith.constant 6 : i32
        %broadcast_in_dim3A_234 = vector.broadcast %broadcast_in_dim3A_233 : i32 to vector<16xi32>
        %gather3A_235 = tpu.vector_load_idx %arg8[%broadcast_in_dim3A_234] : memref<16xf32, #tpu.memory_space<vmem>>[vector<16xi32>], vector<16xf32>,
        %mul3A_236 = arith.constant 16 : i32
        %mul3A_237 = arith.muli %add3A_39, %mul3A_236 : i32
        %add3A_238 = arith.constant 6 : i32
        %add3A_239 = arith.addi %mul3A_237, %add3A_238 : i32
        %swap3A_240 = arith.index_cast %add3A_239 : i32 to index
        %swap3A_241 = arith.constant 0 : index
        %swap3A_242 = tpu.vector_load %arg10[%swap3A_240, %swap3A_241] {strides = array<i32>} : memref<800x16xf32, #tpu.memory_space<vmem>>, vector<16xf32>,
        tpu.vector_store %arg10[%swap3A_240, %swap3A_241], %gather3A_235 {strides = array<i32>} : memref<800x16xf32, #tpu.memory_space<vmem>>, vector<16xf32>,
        %mul3A_243 = arith.constant 16 : i32
        %mul3A_244 = arith.muli %add3A_39, %mul3A_243 : i32
        %add3A_245 = arith.constant 6 : i32
        %add3A_246 = arith.addi %mul3A_244, %add3A_245 : i32
        %get3A_247 = arith.index_cast %add3A_246 : i32 to index
        %get3A_248 = arith.constant 0 : index
        %get3A_249 = tpu.vector_load %arg9[%get3A_247, %get3A_248] {strides = array<i32>} : memref<800x16xf32, #tpu.memory_space<vmem>>, vector<16xf32>,
        %mul3A_250 = arith.mulf %gather3A_235, %get3A_249 : vector<16xf32>
        %mul3A_251 = arith.constant 16 : i32
        %mul3A_252 = arith.muli %add3A_39, %mul3A_251 : i32
        %add3A_253 = arith.constant 6 : i32
        %add3A_254 = arith.addi %mul3A_252, %add3A_253 : i32
        %swap3A_255 = arith.index_cast %add3A_254 : i32 to index
        %swap3A_256 = arith.constant 0 : index
        %swap3A_257 = tpu.vector_load %arg11[%swap3A_255, %swap3A_256] {strides = array<i32>} : memref<800x16xf32, #tpu.memory_space<vmem>>, vector<16xf32>,
        tpu.vector_store %arg11[%swap3A_255, %swap3A_256], %mul3A_250 {strides = array<i32>} : memref<800x16xf32, #tpu.memory_space<vmem>>, vector<16xf32>,
        %broadcast_in_dim3A_258 = arith.constant 7 : i32
        %broadcast_in_dim3A_259 = vector.broadcast %broadcast_in_dim3A_258 : i32 to vector<16xi32>
        %gather3A_260 = tpu.vector_load_idx %arg8[%broadcast_in_dim3A_259] : memref<16xf32, #tpu.memory_space<vmem>>[vector<16xi32>], vector<16xf32>,
        %mul3A_261 = arith.constant 16 : i32
        %mul3A_262 = arith.muli %add3A_39, %mul3A_261 : i32
        %add3A_263 = arith.constant 7 : i32
        %add3A_264 = arith.addi %mul3A_262, %add3A_263 : i32
        %swap3A_265 = arith.index_cast %add3A_264 : i32 to index
        %swap3A_266 = arith.constant 0 : index
        %swap3A_267 = tpu.vector_load %arg10[%swap3A_265, %swap3A_266] {strides = array<i32>} : memref<800x16xf32, #tpu.memory_space<vmem>>, vector<16xf32>,
        tpu.vector_store %arg10[%swap3A_265, %swap3A_266], %gather3A_260 {strides = array<i32>} : memref<800x16xf32, #tpu.memory_space<vmem>>, vector<16xf32>,
        %mul3A_268 = arith.constant 16 : i32
        %mul3A_269 = arith.muli %add3A_39, %mul3A_268 : i32
        %add3A_270 = arith.constant 7 : i32
        %add3A_271 = arith.addi %mul3A_269, %add3A_270 : i32
        %get3A_272 = arith.index_cast %add3A_271 : i32 to index
        %get3A_273 = arith.constant 0 : index
        %get3A_274 = tpu.vector_load %arg9[%get3A_272, %get3A_273] {strides = array<i32>} : memref<800x16xf32, #tpu.memory_space<vmem>>, vector<16xf32>,
        %mul3A_275 = arith.mulf %gather3A_260, %get3A_274 : vector<16xf32>
        %mul3A_276 = arith.constant 16 : i32
        %mul3A_277 = arith.muli %add3A_39, %mul3A_276 : i32
        %add3A_278 = arith.constant 7 : i32
        %add3A_279 = arith.addi %mul3A_277, %add3A_278 : i32
        %swap3A_280 = arith.index_cast %add3A_279 : i32 to index
        %swap3A_281 = arith.constant 0 : index
        %swap3A_282 = tpu.vector_load %arg11[%swap3A_280, %swap3A_281] {strides = array<i32>} : memref<800x16xf32, #tpu.memory_space<vmem>>, vector<16xf32>,
        tpu.vector_store %arg11[%swap3A_280, %swap3A_281], %mul3A_275 {strides = array<i32>} : memref<800x16xf32, #tpu.memory_space<vmem>>, vector<16xf32>,
        %broadcast_in_dim3A_283 = arith.constant 8 : i32
        %broadcast_in_dim3A_284 = vector.broadcast %broadcast_in_dim3A_283 : i32 to vector<16xi32>
        %gather3A_285 = tpu.vector_load_idx %arg8[%broadcast_in_dim3A_284] : memref<16xf32, #tpu.memory_space<vmem>>[vector<16xi32>], vector<16xf32>,
        %mul3A_286 = arith.constant 16 : i32
        %mul3A_287 = arith.muli %add3A_39, %mul3A_286 : i32
        %add3A_288 = arith.constant 8 : i32
        %add3A_289 = arith.addi %mul3A_287, %add3A_288 : i32
        %swap3A_290 = arith.index_cast %add3A_289 : i32 to index
        %swap3A_291 = arith.constant 0 : index
        %swap3A_292 = tpu.vector_load %arg10[%swap3A_290, %swap3A_291] {strides = array<i32>} : memref<800x16xf32, #tpu.memory_space<vmem>>, vector<16xf32>,
        tpu.vector_store %arg10[%swap3A_290, %swap3A_291], %gather3A_285 {strides = array<i32>} : memref<800x16xf32, #tpu.memory_space<vmem>>, vector<16xf32>,
        %mul3A_293 = arith.constant 16 : i32
        %mul3A_294 = arith.muli %add3A_39, %mul3A_293 : i32
        %add3A_295 = arith.constant 8 : i32
        %add3A_296 = arith.addi %mul3A_294, %add3A_295 : i32
        %get3A_297 = arith.index_cast %add3A_296 : i32 to index
        %get3A_298 = arith.constant 0 : index
        %get3A_299 = tpu.vector_load %arg9[%get3A_297, %get3A_298] {strides = array<i32>} : memref<800x16xf32, #tpu.memory_space<vmem>>, vector<16xf32>,
        %mul3A_300 = arith.mulf %gather3A_285, %get3A_299 : vector<16xf32>
        %mul3A_301 = arith.constant 16 : i32
        %mul3A_302 = arith.muli %add3A_39, %mul3A_301 : i32
        %add3A_303 = arith.constant 8 : i32
        %add3A_304 = arith.addi %mul3A_302, %add3A_303 : i32
        %swap3A_305 = arith.index_cast %add3A_304 : i32 to index
        %swap3A_306 = arith.constant 0 : index
        %swap3A_307 = tpu.vector_load %arg11[%swap3A_305, %swap3A_306] {strides = array<i32>} : memref<800x16xf32, #tpu.memory_space<vmem>>, vector<16xf32>,
        tpu.vector_store %arg11[%swap3A_305, %swap3A_306], %mul3A_300 {strides = array<i32>} : memref<800x16xf32, #tpu.memory_space<vmem>>, vector<16xf32>,
        %broadcast_in_dim3A_308 = arith.constant 9 : i32
        %broadcast_in_dim3A_309 = vector.broadcast %broadcast_in_dim3A_308 : i32 to vector<16xi32>
        %gather3A_310 = tpu.vector_load_idx %arg8[%broadcast_in_dim3A_309] : memref<16xf32, #tpu.memory_space<vmem>>[vector<16xi32>], vector<16xf32>,
        %mul3A_311 = arith.constant 16 : i32
        %mul3A_312 = arith.muli %add3A_39, %mul3A_311 : i32
        %add3A_313 = arith.constant 9 : i32
        %add3A_314 = arith.addi %mul3A_312, %add3A_313 : i32
        %swap3A_315 = arith.index_cast %add3A_314 : i32 to index
        %swap3A_316 = arith.constant 0 : index
        %swap3A_317 = tpu.vector_load %arg10[%swap3A_315, %swap3A_316] {strides = array<i32>} : memref<800x16xf32, #tpu.memory_space<vmem>>, vector<16xf32>,
        tpu.vector_store %arg10[%swap3A_315, %swap3A_316], %gather3A_310 {strides = array<i32>} : memref<800x16xf32, #tpu.memory_space<vmem>>, vector<16xf32>,
        %mul3A_318 = arith.constant 16 : i32
        %mul3A_319 = arith.muli %add3A_39, %mul3A_318 : i32
        %add3A_320 = arith.constant 9 : i32
        %add3A_321 = arith.addi %mul3A_319, %add3A_320 : i32
        %get3A_322 = arith.index_cast %add3A_321 : i32 to index
        %get3A_323 = arith.constant 0 : index
        %get3A_324 = tpu.vector_load %arg9[%get3A_322, %get3A_323] {strides = array<i32>} : memref<800x16xf32, #tpu.memory_space<vmem>>, vector<16xf32>,
        %mul3A_325 = arith.mulf %gather3A_310, %get3A_324 : vector<16xf32>
        %mul3A_326 = arith.constant 16 : i32
        %mul3A_327 = arith.muli %add3A_39, %mul3A_326 : i32
        %add3A_328 = arith.constant 9 : i32
        %add3A_329 = arith.addi %mul3A_327, %add3A_328 : i32
        %swap3A_330 = arith.index_cast %add3A_329 : i32 to index
        %swap3A_331 = arith.constant 0 : index
        %swap3A_332 = tpu.vector_load %arg11[%swap3A_330, %swap3A_331] {strides = array<i32>} : memref<800x16xf32, #tpu.memory_space<vmem>>, vector<16xf32>,
        tpu.vector_store %arg11[%swap3A_330, %swap3A_331], %mul3A_325 {strides = array<i32>} : memref<800x16xf32, #tpu.memory_space<vmem>>, vector<16xf32>,
        %broadcast_in_dim3A_333 = arith.constant 10 : i32
        %broadcast_in_dim3A_334 = vector.broadcast %broadcast_in_dim3A_333 : i32 to vector<16xi32>
        %gather3A_335 = tpu.vector_load_idx %arg8[%broadcast_in_dim3A_334] : memref<16xf32, #tpu.memory_space<vmem>>[vector<16xi32>], vector<16xf32>,
        %mul3A_336 = arith.constant 16 : i32
        %mul3A_337 = arith.muli %add3A_39, %mul3A_336 : i32
        %add3A_338 = arith.constant 10 : i32
        %add3A_339 = arith.addi %mul3A_337, %add3A_338 : i32
        %swap3A_340 = arith.index_cast %add3A_339 : i32 to index
        %swap3A_341 = arith.constant 0 : index
        %swap3A_342 = tpu.vector_load %arg10[%swap3A_340, %swap3A_341] {strides = array<i32>} : memref<800x16xf32, #tpu.memory_space<vmem>>, vector<16xf32>,
        tpu.vector_store %arg10[%swap3A_340, %swap3A_341], %gather3A_335 {strides = array<i32>} : memref<800x16xf32, #tpu.memory_space<vmem>>, vector<16xf32>,
        %mul3A_343 = arith.constant 16 : i32
        %mul3A_344 = arith.muli %add3A_39, %mul3A_343 : i32
        %add3A_345 = arith.constant 10 : i32
        %add3A_346 = arith.addi %mul3A_344, %add3A_345 : i32
        %get3A_347 = arith.index_cast %add3A_346 : i32 to index
        %get3A_348 = arith.constant 0 : index
        %get3A_349 = tpu.vector_load %arg9[%get3A_347, %get3A_348] {strides = array<i32>} : memref<800x16xf32, #tpu.memory_space<vmem>>, vector<16xf32>,
        %mul3A_350 = arith.mulf %gather3A_335, %get3A_349 : vector<16xf32>
        %mul3A_351 = arith.constant 16 : i32
        %mul3A_352 = arith.muli %add3A_39, %mul3A_351 : i32
        %add3A_353 = arith.constant 10 : i32
        %add3A_354 = arith.addi %mul3A_352, %add3A_353 : i32
        %swap3A_355 = arith.index_cast %add3A_354 : i32 to index
        %swap3A_356 = arith.constant 0 : index
        %swap3A_357 = tpu.vector_load %arg11[%swap3A_355, %swap3A_356] {strides = array<i32>} : memref<800x16xf32, #tpu.memory_space<vmem>>, vector<16xf32>,
        tpu.vector_store %arg11[%swap3A_355, %swap3A_356], %mul3A_350 {strides = array<i32>} : memref<800x16xf32, #tpu.memory_space<vmem>>, vector<16xf32>,
        %broadcast_in_dim3A_358 = arith.constant 11 : i32
        %broadcast_in_dim3A_359 = vector.broadcast %broadcast_in_dim3A_358 : i32 to vector<16xi32>
        %gather3A_360 = tpu.vector_load_idx %arg8[%broadcast_in_dim3A_359] : memref<16xf32, #tpu.memory_space<vmem>>[vector<16xi32>], vector<16xf32>,
        %mul3A_361 = arith.constant 16 : i32
        %mul3A_362 = arith.muli %add3A_39, %mul3A_361 : i32
        %add3A_363 = arith.constant 11 : i32
        %add3A_364 = arith.addi %mul3A_362, %add3A_363 : i32
        %swap3A_365 = arith.index_cast %add3A_364 : i32 to index
        %swap3A_366 = arith.constant 0 : index
        %swap3A_367 = tpu.vector_load %arg10[%swap3A_365, %swap3A_366] {strides = array<i32>} : memref<800x16xf32, #tpu.memory_space<vmem>>, vector<16xf32>,
        tpu.vector_store %arg10[%swap3A_365, %swap3A_366], %gather3A_360 {strides = array<i32>} : memref<800x16xf32, #tpu.memory_space<vmem>>, vector<16xf32>,
        %mul3A_368 = arith.constant 16 : i32
        %mul3A_369 = arith.muli %add3A_39, %mul3A_368 : i32
        %add3A_370 = arith.constant 11 : i32
        %add3A_371 = arith.addi %mul3A_369, %add3A_370 : i32
        %get3A_372 = arith.index_cast %add3A_371 : i32 to index
        %get3A_373 = arith.constant 0 : index
        %get3A_374 = tpu.vector_load %arg9[%get3A_372, %get3A_373] {strides = array<i32>} : memref<800x16xf32, #tpu.memory_space<vmem>>, vector<16xf32>,
        %mul3A_375 = arith.mulf %gather3A_360, %get3A_374 : vector<16xf32>
        %mul3A_376 = arith.constant 16 : i32
        %mul3A_377 = arith.muli %add3A_39, %mul3A_376 : i32
        %add3A_378 = arith.constant 11 : i32
        %add3A_379 = arith.addi %mul3A_377, %add3A_378 : i32
        %swap3A_380 = arith.index_cast %add3A_379 : i32 to index
        %swap3A_381 = arith.constant 0 : index
        %swap3A_382 = tpu.vector_load %arg11[%swap3A_380, %swap3A_381] {strides = array<i32>} : memref<800x16xf32, #tpu.memory_space<vmem>>, vector<16xf32>,
        tpu.vector_store %arg11[%swap3A_380, %swap3A_381], %mul3A_375 {strides = array<i32>} : memref<800x16xf32, #tpu.memory_space<vmem>>, vector<16xf32>,
        %broadcast_in_dim3A_383 = arith.constant 12 : i32
        %broadcast_in_dim3A_384 = vector.broadcast %broadcast_in_dim3A_383 : i32 to vector<16xi32>
        %gather3A_385 = tpu.vector_load_idx %arg8[%broadcast_in_dim3A_384] : memref<16xf32, #tpu.memory_space<vmem>>[vector<16xi32>], vector<16xf32>,
        %mul3A_386 = arith.constant 16 : i32
        %mul3A_387 = arith.muli %add3A_39, %mul3A_386 : i32
        %add3A_388 = arith.constant 12 : i32
        %add3A_389 = arith.addi %mul3A_387, %add3A_388 : i32
        %swap3A_390 = arith.index_cast %add3A_389 : i32 to index
        %swap3A_391 = arith.constant 0 : index
        %swap3A_392 = tpu.vector_load %arg10[%swap3A_390, %swap3A_391] {strides = array<i32>} : memref<800x16xf32, #tpu.memory_space<vmem>>, vector<16xf32>,
        tpu.vector_store %arg10[%swap3A_390, %swap3A_391], %gather3A_385 {strides = array<i32>} : memref<800x16xf32, #tpu.memory_space<vmem>>, vector<16xf32>,
        %mul3A_393 = arith.constant 16 : i32
        %mul3A_394 = arith.muli %add3A_39, %mul3A_393 : i32
        %add3A_395 = arith.constant 12 : i32
        %add3A_396 = arith.addi %mul3A_394, %add3A_395 : i32
        %get3A_397 = arith.index_cast %add3A_396 : i32 to index
        %get3A_398 = arith.constant 0 : index
        %get3A_399 = tpu.vector_load %arg9[%get3A_397, %get3A_398] {strides = array<i32>} : memref<800x16xf32, #tpu.memory_space<vmem>>, vector<16xf32>,
        %mul3A_400 = arith.mulf %gather3A_385, %get3A_399 : vector<16xf32>
        %mul3A_401 = arith.constant 16 : i32
        %mul3A_402 = arith.muli %add3A_39, %mul3A_401 : i32
        %add3A_403 = arith.constant 12 : i32
        %add3A_404 = arith.addi %mul3A_402, %add3A_403 : i32
        %swap3A_405 = arith.index_cast %add3A_404 : i32 to index
        %swap3A_406 = arith.constant 0 : index
        %swap3A_407 = tpu.vector_load %arg11[%swap3A_405, %swap3A_406] {strides = array<i32>} : memref<800x16xf32, #tpu.memory_space<vmem>>, vector<16xf32>,
        tpu.vector_store %arg11[%swap3A_405, %swap3A_406], %mul3A_400 {strides = array<i32>} : memref<800x16xf32, #tpu.memory_space<vmem>>, vector<16xf32>,
        %broadcast_in_dim3A_408 = arith.constant 13 : i32
        %broadcast_in_dim3A_409 = vector.broadcast %broadcast_in_dim3A_408 : i32 to vector<16xi32>
        %gather3A_410 = tpu.vector_load_idx %arg8[%broadcast_in_dim3A_409] : memref<16xf32, #tpu.memory_space<vmem>>[vector<16xi32>], vector<16xf32>,
        %mul3A_411 = arith.constant 16 : i32
        %mul3A_412 = arith.muli %add3A_39, %mul3A_411 : i32
        %add3A_413 = arith.constant 13 : i32
        %add3A_414 = arith.addi %mul3A_412, %add3A_413 : i32
        %swap3A_415 = arith.index_cast %add3A_414 : i32 to index
        %swap3A_416 = arith.constant 0 : index
        %swap3A_417 = tpu.vector_load %arg10[%swap3A_415, %swap3A_416] {strides = array<i32>} : memref<800x16xf32, #tpu.memory_space<vmem>>, vector<16xf32>,
        tpu.vector_store %arg10[%swap3A_415, %swap3A_416], %gather3A_410 {strides = array<i32>} : memref<800x16xf32, #tpu.memory_space<vmem>>, vector<16xf32>,
        %mul3A_418 = arith.constant 16 : i32
        %mul3A_419 = arith.muli %add3A_39, %mul3A_418 : i32
        %add3A_420 = arith.constant 13 : i32
        %add3A_421 = arith.addi %mul3A_419, %add3A_420 : i32
        %get3A_422 = arith.index_cast %add3A_421 : i32 to index
        %get3A_423 = arith.constant 0 : index
        %get3A_424 = tpu.vector_load %arg9[%get3A_422, %get3A_423] {strides = array<i32>} : memref<800x16xf32, #tpu.memory_space<vmem>>, vector<16xf32>,
        %mul3A_425 = arith.mulf %gather3A_410, %get3A_424 : vector<16xf32>
        %mul3A_426 = arith.constant 16 : i32
        %mul3A_427 = arith.muli %add3A_39, %mul3A_426 : i32
        %add3A_428 = arith.constant 13 : i32
        %add3A_429 = arith.addi %mul3A_427, %add3A_428 : i32
        %swap3A_430 = arith.index_cast %add3A_429 : i32 to index
        %swap3A_431 = arith.constant 0 : index
        %swap3A_432 = tpu.vector_load %arg11[%swap3A_430, %swap3A_431] {strides = array<i32>} : memref<800x16xf32, #tpu.memory_space<vmem>>, vector<16xf32>,
        tpu.vector_store %arg11[%swap3A_430, %swap3A_431], %mul3A_425 {strides = array<i32>} : memref<800x16xf32, #tpu.memory_space<vmem>>, vector<16xf32>,
        %broadcast_in_dim3A_433 = arith.constant 14 : i32
        %broadcast_in_dim3A_434 = vector.broadcast %broadcast_in_dim3A_433 : i32 to vector<16xi32>
        %gather3A_435 = tpu.vector_load_idx %arg8[%broadcast_in_dim3A_434] : memref<16xf32, #tpu.memory_space<vmem>>[vector<16xi32>], vector<16xf32>,
        %mul3A_436 = arith.constant 16 : i32
        %mul3A_437 = arith.muli %add3A_39, %mul3A_436 : i32
        %add3A_438 = arith.constant 14 : i32
        %add3A_439 = arith.addi %mul3A_437, %add3A_438 : i32
        %swap3A_440 = arith.index_cast %add3A_439 : i32 to index
        %swap3A_441 = arith.constant 0 : index
        %swap3A_442 = tpu.vector_load %arg10[%swap3A_440, %swap3A_441] {strides = array<i32>} : memref<800x16xf32, #tpu.memory_space<vmem>>, vector<16xf32>,
        tpu.vector_store %arg10[%swap3A_440, %swap3A_441], %gather3A_435 {strides = array<i32>} : memref<800x16xf32, #tpu.memory_space<vmem>>, vector<16xf32>,
        %mul3A_443 = arith.constant 16 : i32
        %mul3A_444 = arith.muli %add3A_39, %mul3A_443 : i32
        %add3A_445 = arith.constant 14 : i32
        %add3A_446 = arith.addi %mul3A_444, %add3A_445 : i32
        %get3A_447 = arith.index_cast %add3A_446 : i32 to index
        %get3A_448 = arith.constant 0 : index
        %get3A_449 = tpu.vector_load %arg9[%get3A_447, %get3A_448] {strides = array<i32>} : memref<800x16xf32, #tpu.memory_space<vmem>>, vector<16xf32>,
        %mul3A_450 = arith.mulf %gather3A_435, %get3A_449 : vector<16xf32>
        %mul3A_451 = arith.constant 16 : i32
        %mul3A_452 = arith.muli %add3A_39, %mul3A_451 : i32
        %add3A_453 = arith.constant 14 : i32
        %add3A_454 = arith.addi %mul3A_452, %add3A_453 : i32
        %swap3A_455 = arith.index_cast %add3A_454 : i32 to index
        %swap3A_456 = arith.constant 0 : index
        %swap3A_457 = tpu.vector_load %arg11[%swap3A_455, %swap3A_456] {strides = array<i32>} : memref<800x16xf32, #tpu.memory_space<vmem>>, vector<16xf32>,
        tpu.vector_store %arg11[%swap3A_455, %swap3A_456], %mul3A_450 {strides = array<i32>} : memref<800x16xf32, #tpu.memory_space<vmem>>, vector<16xf32>,
        %broadcast_in_dim3A_458 = arith.constant 15 : i32
        %broadcast_in_dim3A_459 = vector.broadcast %broadcast_in_dim3A_458 : i32 to vector<16xi32>
        %gather3A_460 = tpu.vector_load_idx %arg8[%broadcast_in_dim3A_459] : memref<16xf32, #tpu.memory_space<vmem>>[vector<16xi32>], vector<16xf32>,
        %mul3A_461 = arith.constant 16 : i32
        %mul3A_462 = arith.muli %add3A_39, %mul3A_461 : i32
        %add3A_463 = arith.constant 15 : i32
        %add3A_464 = arith.addi %mul3A_462, %add3A_463 : i32
        %swap3A_465 = arith.index_cast %add3A_464 : i32 to index
        %swap3A_466 = arith.constant 0 : index
        %swap3A_467 = tpu.vector_load %arg10[%swap3A_465, %swap3A_466] {strides = array<i32>} : memref<800x16xf32, #tpu.memory_space<vmem>>, vector<16xf32>,
        tpu.vector_store %arg10[%swap3A_465, %swap3A_466], %gather3A_460 {strides = array<i32>} : memref<800x16xf32, #tpu.memory_space<vmem>>, vector<16xf32>,
        %mul3A_468 = arith.constant 16 : i32
        %mul3A_469 = arith.muli %add3A_39, %mul3A_468 : i32
        %add3A_470 = arith.constant 15 : i32
        %add3A_471 = arith.addi %mul3A_469, %add3A_470 : i32
        %get3A_472 = arith.index_cast %add3A_471 : i32 to index
        %get3A_473 = arith.constant 0 : index
        %get3A_474 = tpu.vector_load %arg9[%get3A_472, %get3A_473] {strides = array<i32>} : memref<800x16xf32, #tpu.memory_space<vmem>>, vector<16xf32>,
        %mul3A_475 = arith.mulf %gather3A_460, %get3A_474 : vector<16xf32>
        %mul3A_476 = arith.constant 16 : i32
        %mul3A_477 = arith.muli %add3A_39, %mul3A_476 : i32
        %add3A_478 = arith.constant 15 : i32
        %add3A_479 = arith.addi %mul3A_477, %add3A_478 : i32
        %swap3A_480 = arith.index_cast %add3A_479 : i32 to index
        %swap3A_481 = arith.constant 0 : index
        %swap3A_482 = tpu.vector_load %arg11[%swap3A_480, %swap3A_481] {strides = array<i32>} : memref<800x16xf32, #tpu.memory_space<vmem>>, vector<16xf32>,
        tpu.vector_store %arg11[%swap3A_480, %swap3A_481], %mul3A_475 {strides = array<i32>} : memref<800x16xf32, #tpu.memory_space<vmem>>, vector<16xf32>,
      }
      %scan3A_24 = arith.constant 50 : i32
      %mul3A_25 = arith.constant 3200 : i32
      %mul3A_26 = arith.muli %add3A, %mul3A_25 : i32
      %mul3A_27 = arith.constant 800 : i32
      %mul3A_28 = arith.muli %add3A_14, %mul3A_27 : i32
      %add3A_29 = arith.addi %mul3A_26, %mul3A_28 : i32
      "tpu.region"() ({
        %run_scoped3A_35 = tpu.sem_alloc : memref<!tpu.dma_semaphore, #tpu.memory_space<semaphore_mem>>
        %dma_start3A = arith.constant 0 : i32
        %dma_start3A_36 = tpu.memref_slice %arg4[%add3A_29, %dma_start3A] : memref<102400x16xf32, #tpu.memory_space<hbm>> -> memref<800x16xf32, #tpu.memory_space<hbm>>
        %dma_start3A_37 = arith.constant 0 : i32
        %dma_start3A_38 = tpu.memref_slice %arg4[%add3A_29, %dma_start3A_37] : memref<102400x16xf32, #tpu.memory_space<hbm>> -> memref<800x16xf32, #tpu.memory_space<hbm>>
        tpu.enqueue_dma source(%arg10 : memref<800x16xf32, #tpu.memory_space<vmem>>) target(%dma_start3A_38 : memref<800x16xf32, #tpu.memory_space<hbm>>) target_semaphore(%run_scoped3A_35 : memref<!tpu.dma_semaphore, #tpu.memory_space<semaphore_mem>>)
        %dma_wait3A = arith.constant 0 : i32
        %dma_wait3A_39 = tpu.memref_slice %arg4[%add3A_29, %dma_wait3A] : memref<102400x16xf32, #tpu.memory_space<hbm>> -> memref<800x16xf32, #tpu.memory_space<hbm>>
        %dma_wait3A_40 = arith.constant 0 : i32
        %dma_wait3A_41 = tpu.memref_slice %arg4[%add3A_29, %dma_wait3A_40] : memref<102400x16xf32, #tpu.memory_space<hbm>> -> memref<800x16xf32, #tpu.memory_space<hbm>>
        tpu.wait_dma2 semaphore(%run_scoped3A_35 : memref<!tpu.dma_semaphore, #tpu.memory_space<semaphore_mem>>) src(%arg10 : memref<800x16xf32, #tpu.memory_space<vmem>>) dst(%dma_wait3A_41 : memref<800x16xf32, #tpu.memory_space<hbm>>)
        tpu.yield
      }) : () -> ()
      %mul3A_30 = arith.constant 3200 : i32
      %mul3A_31 = arith.muli %add3A, %mul3A_30 : i32
      %mul3A_32 = arith.constant 800 : i32
      %mul3A_33 = arith.muli %add3A_14, %mul3A_32 : i32
      %add3A_34 = arith.addi %mul3A_31, %mul3A_33 : i32
      "tpu.region"() ({
        %run_scoped3A_35 = tpu.sem_alloc : memref<!tpu.dma_semaphore, #tpu.memory_space<semaphore_mem>>
        %dma_start3A = arith.constant 0 : i32
        %dma_start3A_36 = tpu.memref_slice %arg5[%add3A_34, %dma_start3A] : memref<102400x16xf32, #tpu.memory_space<hbm>> -> memref<800x16xf32, #tpu.memory_space<hbm>>
        %dma_start3A_37 = arith.constant 0 : i32
        %dma_start3A_38 = tpu.memref_slice %arg5[%add3A_34, %dma_start3A_37] : memref<102400x16xf32, #tpu.memory_space<hbm>> -> memref<800x16xf32, #tpu.memory_space<hbm>>
        tpu.enqueue_dma source(%arg11 : memref<800x16xf32, #tpu.memory_space<vmem>>) target(%dma_start3A_38 : memref<800x16xf32, #tpu.memory_space<hbm>>) target_semaphore(%run_scoped3A_35 : memref<!tpu.dma_semaphore, #tpu.memory_space<semaphore_mem>>)
        %dma_wait3A = arith.constant 0 : i32
        %dma_wait3A_39 = tpu.memref_slice %arg5[%add3A_34, %dma_wait3A] : memref<102400x16xf32, #tpu.memory_space<hbm>> -> memref<800x16xf32, #tpu.memory_space<hbm>>
        %dma_wait3A_40 = arith.constant 0 : i32
        %dma_wait3A_41 = tpu.memref_slice %arg5[%add3A_34, %dma_wait3A_40] : memref<102400x16xf32, #tpu.memory_space<hbm>> -> memref<800x16xf32, #tpu.memory_space<hbm>>
        tpu.wait_dma2 semaphore(%run_scoped3A_35 : memref<!tpu.dma_semaphore, #tpu.memory_space<semaphore_mem>>) src(%arg11 : memref<800x16xf32, #tpu.memory_space<vmem>>) dst(%dma_wait3A_41 : memref<800x16xf32, #tpu.memory_space<hbm>>)
        tpu.yield
      }) : () -> ()
    }
    %scan3A_9 = arith.constant 4 : i32
    return
  }
}

module attributes {stable_mosaic.version = 14 : i64} {
  func.func @_k2_body(%arg0: i32, %arg1: memref<4096x20xf32, #tpu.memory_space<vmem>>, %arg2: memref<20x16xf32, #tpu.memory_space<vmem>>, %arg3: memref<4096x16xf32, #tpu.memory_space<vmem>>) attributes {dimension_semantics = [#tpu.dimension_semantics<arbitrary>], iteration_bounds = array<i64: 25>, scalar_prefetch = 0 : i64, scratch_operands = 0 : i64, tpu.core_type = #tpu.core_type<tc>, window_params = [{transform_indices = @transform_0, window_bounds = array<i64: 4096, 20>}, {pipeline_mode = #tpu.pipeline_mode<synchronous>, transform_indices = @transform_1, window_bounds = array<i64: 20, 16>}, {transform_indices = @transform_2, window_bounds = array<i64: 4096, 16>}]} {
    %get3A = arith.constant 0 : index
    %get3A_0 = arith.constant 0 : index
    %get3A_1 = vector.load %arg1[%get3A, %get3A_0] : memref<4096x20xf32, #tpu.memory_space<vmem>>, vector<4096x20xf32>
    %get3A_2 = arith.constant 0 : index
    %get3A_3 = arith.constant 0 : index
    %get3A_4 = vector.load %arg2[%get3A_2, %get3A_3] : memref<20x16xf32, #tpu.memory_space<vmem>>, vector<20x16xf32>
    %dot_general3A = arith.constant dense<0.000000e+00> : vector<4096x16xf32>
    %dot_general3A_5 = tpu.matmul %get3A_1, %get3A_4, %dot_general3A {dimension_numbers = #tpu.dot_dimension_numbers<[1], [0], [0], [1], [0, 0, 1, 1], [], []>, transpose_lhs_hint = false} : vector<4096x20xf32>, vector<20x16xf32>, vector<4096x16xf32> -> vector<4096x16xf32>
    %swap3A = arith.constant 0 : index
    %swap3A_6 = arith.constant 0 : index
    %swap3A_7 = vector.load %arg3[%swap3A, %swap3A_6] : memref<4096x16xf32, #tpu.memory_space<vmem>>, vector<4096x16xf32>
    tpu.vector_store %arg3[%swap3A, %swap3A_6], %dot_general3A_5 {strides = array<i32>} : memref<4096x16xf32, #tpu.memory_space<vmem>>, vector<4096x16xf32>,
    return
  }
  func.func @transform_0(%arg0: i32) -> (i32, i32) {
    %c0_i32 = arith.constant 0 : i32
    %c0_i32_0 = arith.constant 0 : i32
    return %arg0, %c0_i32 : i32, i32
  }
  func.func @transform_1(%arg0: i32) -> (i32, i32) {
    %c0_i32 = arith.constant 0 : i32
    %c0_i32_0 = arith.constant 0 : i32
    %c0_i32_1 = arith.constant 0 : i32
    return %c0_i32, %c0_i32_0 : i32, i32
  }
  func.func @transform_2(%arg0: i32) -> (i32, i32) {
    %c0_i32 = arith.constant 0 : i32
    %c0_i32_0 = arith.constant 0 : i32
    return %arg0, %c0_i32 : i32, i32
  }
}

module attributes {stable_mosaic.version = 14 : i64} {
  func.func @_k4_body(%arg0: i32, %arg1: memref<2x4096x16xf32, #tpu.memory_space<vmem>>, %arg2: memref<4096x16xf32, #tpu.memory_space<vmem>>, %arg3: memref<4096x16xf32, #tpu.memory_space<vmem>>, %arg4: memref<1x16xf32, #tpu.memory_space<vmem>>, %arg5: memref<16x2xf32, #tpu.memory_space<vmem>>, %arg6: memref<4096x16xf32, #tpu.memory_space<vmem>>) attributes {dimension_semantics = [#tpu.dimension_semantics<arbitrary>], iteration_bounds = array<i64: 25>, scalar_prefetch = 0 : i64, scratch_operands = 0 : i64, tpu.core_type = #tpu.core_type<tc>, window_params = [{transform_indices = @transform_0, window_bounds = array<i64: 2, 4096, 16>}, {transform_indices = @transform_1, window_bounds = array<i64: 4096, 16>}, {transform_indices = @transform_2, window_bounds = array<i64: 4096, 16>}, {pipeline_mode = #tpu.pipeline_mode<synchronous>, transform_indices = @transform_3, window_bounds = array<i64: 1, 16>}, {pipeline_mode = #tpu.pipeline_mode<synchronous>, transform_indices = @transform_4, window_bounds = array<i64: 16, 2>}, {transform_indices = @transform_5, window_bounds = array<i64: 4096, 16>}]} {
    %get3A = arith.constant 0 : index
    %get3A_0 = arith.constant 0 : index
    %get3A_1 = vector.load %arg3[%get3A, %get3A_0] : memref<4096x16xf32, #tpu.memory_space<vmem>>, vector<4096x16xf32>
    %get3A_2 = arith.constant 0 : index
    %get3A_3 = arith.constant 0 : index
    %get3A_4 = arith.constant 0 : index
    %get3A_5 = vector.load %arg1[%get3A_2, %get3A_3, %get3A_4] : memref<2x4096x16xf32, #tpu.memory_space<vmem>>, vector<1x4096x16xf32>
    %get3A_6 = vector.shape_cast %get3A_5 : vector<1x4096x16xf32> to vector<4096x16xf32>
    %get3A_7 = arith.constant 1 : index
    %get3A_8 = arith.constant 0 : index
    %get3A_9 = arith.constant 0 : index
    %get3A_10 = vector.load %arg1[%get3A_7, %get3A_8, %get3A_9] : memref<2x4096x16xf32, #tpu.memory_space<vmem>>, vector<1x4096x16xf32>
    %get3A_11 = vector.shape_cast %get3A_10 : vector<1x4096x16xf32> to vector<4096x16xf32>
    %add3A = arith.addf %get3A_6, %get3A_11 : vector<4096x16xf32>
    %get3A_12 = arith.constant 0 : index
    %get3A_13 = arith.constant 0 : index
    %get3A_14 = vector.load %arg2[%get3A_12, %get3A_13] : memref<4096x16xf32, #tpu.memory_space<vmem>>, vector<4096x16xf32>
    %add3A_15 = arith.addf %add3A, %get3A_14 : vector<4096x16xf32>
    %mul3A = arith.mulf %get3A_1, %add3A_15 : vector<4096x16xf32>
    %get3A_16 = arith.constant 0 : index
    %get3A_17 = arith.constant 0 : index
    %get3A_18 = vector.load %arg4[%get3A_16, %get3A_17] : memref<1x16xf32, #tpu.memory_space<vmem>>, vector<1x16xf32>
    %add3A_19 = vector.broadcast %get3A_18 : vector<1x16xf32> to vector<4096x16xf32>
    %add3A_20 = arith.addf %mul3A, %add3A_19 : vector<4096x16xf32>
    %max3A = arith.constant 0.000000e+00 : f32
    %max3A_21 = vector.broadcast %max3A : f32 to vector<4096x16xf32>
    %max3A_22 = arith.maximumf %add3A_20, %max3A_21 : vector<4096x16xf32>
    %get3A_23 = arith.constant 0 : index
    %get3A_24 = arith.constant 0 : index
    %get3A_25 = vector.load %arg5[%get3A_23, %get3A_24] : memref<16x2xf32, #tpu.memory_space<vmem>>, vector<16x2xf32>
    %dot_general3A = arith.constant dense<0.000000e+00> : vector<4096x2xf32>
    %dot_general3A_26 = tpu.matmul %max3A_22, %get3A_25, %dot_general3A {dimension_numbers = #tpu.dot_dimension_numbers<[1], [0], [0], [1], [0, 0, 1, 1], [], []>, transpose_lhs_hint = false} : vector<4096x16xf32>, vector<16x2xf32>, vector<4096x2xf32> -> vector<4096x2xf32>
    %slice3A = vector.extract_strided_slice %get3A_1 {offsets = [0, 0], sizes = [4096, 2], strides = [1, 1]} : vector<4096x16xf32> to vector<4096x2xf32>
    %mul3A_27 = arith.mulf %slice3A, %dot_general3A_26 : vector<4096x2xf32>
    %broadcast_in_dim3A = arith.constant 0.000000e+00 : f32
    %broadcast_in_dim3A_28 = vector.broadcast %broadcast_in_dim3A : f32 to vector<4096x14xf32>
    %concatenate3A = tpu.concatenate %mul3A_27, %broadcast_in_dim3A_28 in 1 : vector<4096x2xf32>, vector<4096x14xf32> -> vector<4096x16xf32>
    %swap3A = arith.constant 0 : index
    %swap3A_29 = arith.constant 0 : index
    %swap3A_30 = vector.load %arg6[%swap3A, %swap3A_29] : memref<4096x16xf32, #tpu.memory_space<vmem>>, vector<4096x16xf32>
    tpu.vector_store %arg6[%swap3A, %swap3A_29], %concatenate3A {strides = array<i32>} : memref<4096x16xf32, #tpu.memory_space<vmem>>, vector<4096x16xf32>,
    return
  }
  func.func @transform_0(%arg0: i32) -> (i32, i32, i32) {
    %c0_i32 = arith.constant 0 : i32
    %c0_i32_0 = arith.constant 0 : i32
    %c0_i32_1 = arith.constant 0 : i32
    return %c0_i32, %arg0, %c0_i32_0 : i32, i32, i32
  }
  func.func @transform_1(%arg0: i32) -> (i32, i32) {
    %c0_i32 = arith.constant 0 : i32
    %c0_i32_0 = arith.constant 0 : i32
    return %arg0, %c0_i32 : i32, i32
  }
  func.func @transform_2(%arg0: i32) -> (i32, i32) {
    %c0_i32 = arith.constant 0 : i32
    %c0_i32_0 = arith.constant 0 : i32
    return %arg0, %c0_i32 : i32, i32
  }
  func.func @transform_3(%arg0: i32) -> (i32, i32) {
    %c0_i32 = arith.constant 0 : i32
    %c0_i32_0 = arith.constant 0 : i32
    %c0_i32_1 = arith.constant 0 : i32
    return %c0_i32, %c0_i32_0 : i32, i32
  }
  func.func @transform_4(%arg0: i32) -> (i32, i32) {
    %c0_i32 = arith.constant 0 : i32
    %c0_i32_0 = arith.constant 0 : i32
    %c0_i32_1 = arith.constant 0 : i32
    return %c0_i32, %c0_i32_0 : i32, i32
  }
  func.func @transform_5(%arg0: i32) -> (i32, i32) {
    %c0_i32 = arith.constant 0 : i32
    %c0_i32_0 = arith.constant 0 : i32
    return %arg0, %c0_i32 : i32, i32
  }
}

module attributes {stable_mosaic.version = 14 : i64} {
  func.func @_k6_body(%arg0: i32, %arg1: memref<2x4096x16xf32, #tpu.memory_space<vmem>>, %arg2: memref<4096x16xf32, #tpu.memory_space<vmem>>, %arg3: memref<4096x16xf32, #tpu.memory_space<vmem>>, %arg4: memref<1x2xf32, #tpu.memory_space<vmem>>, %arg5: memref<4096x2xf32, #tpu.memory_space<vmem>>) attributes {dimension_semantics = [#tpu.dimension_semantics<arbitrary>], iteration_bounds = array<i64: 25>, scalar_prefetch = 0 : i64, scratch_operands = 0 : i64, tpu.core_type = #tpu.core_type<tc>, window_params = [{transform_indices = @transform_0, window_bounds = array<i64: 2, 4096, 16>}, {transform_indices = @transform_1, window_bounds = array<i64: 4096, 16>}, {transform_indices = @transform_2, window_bounds = array<i64: 4096, 16>}, {pipeline_mode = #tpu.pipeline_mode<synchronous>, transform_indices = @transform_3, window_bounds = array<i64: 1, 2>}, {transform_indices = @transform_4, window_bounds = array<i64: 4096, 2>}]} {
    %get3A = arith.constant 0 : index
    %get3A_0 = arith.constant 0 : index
    %get3A_1 = vector.load %arg3[%get3A, %get3A_0] : memref<4096x16xf32, #tpu.memory_space<vmem>>, vector<4096x16xf32>
    %slice3A = vector.extract_strided_slice %get3A_1 {offsets = [0, 0], sizes = [4096, 2], strides = [1, 1]} : vector<4096x16xf32> to vector<4096x2xf32>
    %get3A_2 = arith.constant 0 : index
    %get3A_3 = arith.constant 0 : index
    %get3A_4 = arith.constant 0 : index
    %get3A_5 = vector.load %arg1[%get3A_2, %get3A_3, %get3A_4] : memref<2x4096x16xf32, #tpu.memory_space<vmem>>, vector<1x4096x16xf32>
    %get3A_6 = vector.shape_cast %get3A_5 : vector<1x4096x16xf32> to vector<4096x16xf32>
    %slice3A_7 = vector.extract_strided_slice %get3A_6 {offsets = [0, 0], sizes = [4096, 2], strides = [1, 1]} : vector<4096x16xf32> to vector<4096x2xf32>
    %get3A_8 = arith.constant 1 : index
    %get3A_9 = arith.constant 0 : index
    %get3A_10 = arith.constant 0 : index
    %get3A_11 = vector.load %arg1[%get3A_8, %get3A_9, %get3A_10] : memref<2x4096x16xf32, #tpu.memory_space<vmem>>, vector<1x4096x16xf32>
    %get3A_12 = vector.shape_cast %get3A_11 : vector<1x4096x16xf32> to vector<4096x16xf32>
    %slice3A_13 = vector.extract_strided_slice %get3A_12 {offsets = [0, 0], sizes = [4096, 2], strides = [1, 1]} : vector<4096x16xf32> to vector<4096x2xf32>
    %add3A = arith.addf %slice3A_7, %slice3A_13 : vector<4096x2xf32>
    %get3A_14 = arith.constant 0 : index
    %get3A_15 = arith.constant 0 : index
    %get3A_16 = vector.load %arg2[%get3A_14, %get3A_15] : memref<4096x16xf32, #tpu.memory_space<vmem>>, vector<4096x16xf32>
    %slice3A_17 = vector.extract_strided_slice %get3A_16 {offsets = [0, 0], sizes = [4096, 2], strides = [1, 1]} : vector<4096x16xf32> to vector<4096x2xf32>
    %add3A_18 = arith.addf %add3A, %slice3A_17 : vector<4096x2xf32>
    %mul3A = arith.mulf %slice3A, %add3A_18 : vector<4096x2xf32>
    %get3A_19 = arith.constant 0 : index
    %get3A_20 = arith.constant 0 : index
    %get3A_21 = vector.load %arg4[%get3A_19, %get3A_20] : memref<1x2xf32, #tpu.memory_space<vmem>>, vector<1x2xf32>
    %add3A_22 = vector.broadcast %get3A_21 : vector<1x2xf32> to vector<4096x2xf32>
    %add3A_23 = arith.addf %mul3A, %add3A_22 : vector<4096x2xf32>
    %reduce_max3A = arith.constant dense<0xFF800000> : vector<4096xf32>
    %reduce_max3A_24 = vector.multi_reduction <maximumf>, %add3A_23, %reduce_max3A [1] : vector<4096x2xf32> to vector<4096xf32>
    %broadcast_in_dim3A = vector.shape_cast %reduce_max3A_24 : vector<4096xf32> to vector<4096x1xf32>
    %sub3A = vector.broadcast %broadcast_in_dim3A : vector<4096x1xf32> to vector<4096x2xf32>
    %sub3A_25 = arith.subf %add3A_23, %sub3A : vector<4096x2xf32>
    %exp3A = math.exp %sub3A_25 : vector<4096x2xf32>
    %reduce_sum3A = arith.constant dense<0.000000e+00> : vector<4096xf32>
    %reduce_sum3A_26 = vector.multi_reduction <add>, %exp3A, %reduce_sum3A [1] : vector<4096x2xf32> to vector<4096xf32>
    %broadcast_in_dim3A_27 = vector.shape_cast %reduce_sum3A_26 : vector<4096xf32> to vector<4096x1xf32>
    %sub3A_28 = vector.broadcast %broadcast_in_dim3A : vector<4096x1xf32> to vector<4096x2xf32>
    %sub3A_29 = arith.subf %add3A_23, %sub3A_28 : vector<4096x2xf32>
    %log3A = math.log %broadcast_in_dim3A_27 : vector<4096x1xf32>
    %sub3A_30 = vector.broadcast %log3A : vector<4096x1xf32> to vector<4096x2xf32>
    %sub3A_31 = arith.subf %sub3A_29, %sub3A_30 : vector<4096x2xf32>
    %swap3A = arith.constant 0 : index
    %swap3A_32 = arith.constant 0 : index
    %swap3A_33 = vector.load %arg5[%swap3A, %swap3A_32] : memref<4096x2xf32, #tpu.memory_space<vmem>>, vector<4096x2xf32>
    tpu.vector_store %arg5[%swap3A, %swap3A_32], %sub3A_31 {strides = array<i32>} : memref<4096x2xf32, #tpu.memory_space<vmem>>, vector<4096x2xf32>,
    return
  }
  func.func @transform_0(%arg0: i32) -> (i32, i32, i32) {
    %c0_i32 = arith.constant 0 : i32
    %c0_i32_0 = arith.constant 0 : i32
    %c0_i32_1 = arith.constant 0 : i32
    return %c0_i32, %arg0, %c0_i32_0 : i32, i32, i32
  }
  func.func @transform_1(%arg0: i32) -> (i32, i32) {
    %c0_i32 = arith.constant 0 : i32
    %c0_i32_0 = arith.constant 0 : i32
    return %arg0, %c0_i32 : i32, i32
  }
  func.func @transform_2(%arg0: i32) -> (i32, i32) {
    %c0_i32 = arith.constant 0 : i32
    %c0_i32_0 = arith.constant 0 : i32
    return %arg0, %c0_i32 : i32, i32
  }
  func.func @transform_3(%arg0: i32) -> (i32, i32) {
    %c0_i32 = arith.constant 0 : i32
    %c0_i32_0 = arith.constant 0 : i32
    %c0_i32_1 = arith.constant 0 : i32
    return %c0_i32, %c0_i32_0 : i32, i32
  }
  func.func @transform_4(%arg0: i32) -> (i32, i32) {
    %c0_i32 = arith.constant 0 : i32
    %c0_i32_0 = arith.constant 0 : i32
    return %arg0, %c0_i32 : i32, i32
  }
}

</mosaic_0001>

<sc_bundles>
// kernel: kernel.12.cloned.1.call-start
scs
__scs_entry_jumppad:
0x0: {  	(pc) =	sbr.rel $0x88, $3  }
0x1: {  	(tag) =	ssettag $0x0;
	lr =	simm.s32 $0x1  }
0x2: {  	[smem:$0x3F9B] =	sst lr;
	_ =	strace $0xD0000000  }
0x3: {  	_ = 	snop  }
0x4: {  	_ = 	snop  }
0x5: {  	_ = 	snop  }
0x6: {  	_ = 	snop  }
0x7: {  	_ = 	snop  }
__scs_overlays_trampoline_lowered:
0x8: {  	[smem:$0x3FAA] =	sst s0  }
0x9: {  	[smem:$0x3FAB] =	sst s1  }
0xa: {  	[smem:$0x3FAC] =	sst s2  }
0xb: {  	[smem:$0x3FAD] =	sst s3  }
0xc: {  	[smem:$0x3FAE] =	sst s4  }
0xd: {  	[smem:$0x3FAF] =	sst s5  }
0xe: {  	[smem:$0x3FB0] =	sst s6  }
0xf: {  	[smem:$0x3FB1] =	sst s7  }
0x10: {  	[smem:$0x3FB2] =	sst s8  }
0x11: {  	[smem:$0x3FB3] =	sst s9;
	s0 =	simm.s32 @!p0 $0x0  }
0x12: {  	s1 =	sld [smem:$0x3F99];
	s0 =	simm.s32 @p0 $0x1  }
0x13: {  	[smem:$0x3FB4] =	sst s0;
	s0 =	simm.s32 @!p1 $0x0  }
0x14: {  	s2 =	sld [smem:$0x3F98];
	s0 =	simm.s32 @p1 $0x1  }
0x15: {  	[smem:$0x3FB5] =	sst s0;
	s0 =	simm.s32 @!p2 $0x0  }
0x16: {  	s3 =	sld [smem:$0x3FDB];
	s0 =	simm.s32 @p2 $0x1  }
0x17: {  	s4 =	simm.s32 $0x1BF5;
	[smem:$0x3FB7] =	sst s0  }
0x18: {  	s0 =	sld [smem:$0x3F9A];
	_ =	swait.ge [sflag:s4], $0x0  }
0x19: {  	s7 =	sld [smem:$0x3F9B]  }
0x1a: {  	s8 =	sadd.s32 $0xFFFFE003, lr  }
0x1b: {  	s9 =	sadd.s32 $0xFFFFFEF7, lr;
	s5 =	simm.s32 $0xFFFFFFFF;
	p2 =	slt.u32 s8, $0xFFFFF086  }
0x1c: {  	p1 =	slt.u32 s9, $0xF7A;
	s5 =	simm.s32 @!p2 $0x0  }
0x1d: {  	s5 =	simm.s32 @p1 $0x1;
	p0 =	seq.s32 s7, s2  }
0x1e: {  	s7 =	smul.u32 @!p0 $0xF7A, s2;
	p2 =	seq.s32 @!p0 s5, $0x0  }
0x1f: {  	s9 =	smul.u32 $0xF7A, s1;
	s8 =	simm.s32 @!p0 $0x1BF5;
	p2 =	por !p2, p0  }
0x20: {  	[sflag:s8] =	ssyncset.s32 @!p0 $0xFFFFF086;
	s6 =	sadd.s32 @!p0 s3, s7;
	s7 =	simm.s32 @!p0 $0x108  }
0x21: {  	s3 =	sadd.s32 s3, s9;
	s6 =	sadd.s32 @!p0 $0x88, s6;
	s7 =	simm.s32 @p2 $0x1082  }
0x22: {  	[simem:s7], [sflag:s8] =	dma.local @!p0 [hbm:s6], $0xF7A  }
0x23: {  	s9 =	sor.u32 $0xD0000000, s2;
	s6 =	simm.s32 $0x108;
	_ =	swait.ge @!p0 [sflag:s8], $0x0  }
0x24: {  	s3 =	sadd.s32 $0x88, s3;
	s6 =	simm.s32 @!p1 $0x1082;
	[sflag:s4] =	ssyncset.s32 $0xFFFFF086  }
0x25: {  	[simem:s6], [sflag:s4] =	dma.local [hbm:s3], $0xF7A  }
0x26: {  	[smem:$0x3F9B] =	sst s1;
	(tag) =	ssettag s2;
	_ =	strace s9  }
0x27: {  	s1 =	sld [smem:$0x3FAB]  }
0x28: {  	s2 =	sld [smem:$0x3FAC]  }
0x29: {  	s4 =	sld [smem:$0x3FAE]  }
0x2a: {  	p0 =	seq.s32 s5, $0x0;
	s5 =	sld [smem:$0x3FAF]  }
0x2b: {  	s6 =	sld [smem:$0x3FB0]  }
0x2c: {  	s7 =	sld [smem:$0x3FB1]  }
0x2d: {  	s3 =	simm.s32 $0x108;
	s8 =	sld [smem:$0x3FB2]  }
0x2e: {  	s3 =	simm.s32 @!p0 $0x1082;
	s9 =	sld [smem:$0x3FB3]  }
0x2f: {  	lr =	sadd.s32 s0, s3;
	s0 =	sld [smem:$0x3FAA]  }
0x30: {  	s3 =	sld [smem:$0x3FAD]  }
0x31: {  	[smem:$0x3FB6] =	sst s10  }
0x32: {  	s10 =	sld [smem:$0x3FB4];
	_ =	sdelay $0x3  }
0x33: {  	p0 =	seq.s32 s10, $0x1;
	s10 =	sld [smem:$0x3FB6];
	_ =	sdelay $0x3  }
0x34: {  	[smem:$0x3FB6] =	sst s10  }
0x35: {  	s10 =	sld [smem:$0x3FB5];
	_ =	sdelay $0x3  }
0x36: {  	p1 =	seq.s32 s10, $0x1;
	s10 =	sld [smem:$0x3FB6];
	_ =	sdelay $0x3  }
0x37: {  	[smem:$0x3FB6] =	sst s10  }
0x38: {  	s10 =	sld [smem:$0x3FB7]  }
0x39: {  	_ = 	snop;
	(pc) =	sbr.ind lr, $3  }
0x3a: {  	_ = 	snop  }
0x3b: {  	_ = 	snop  }
0x3c: {  	p2 =	seq.s32 s10, $0x1;
	s10 =	sld [smem:$0x3FB6]  }
0x3d: {  	_ =	shalt  }
0x3e: {  	_ =	shalt  }
0x3f: {  	_ =	shalt  }
0x40: {  	_ =	shalt  }
0x41: {  	_ =	shalt  }
0x42: {  	_ =	shalt  }
0x43: {  	_ =	shalt  }
0x44: {  	_ =	shalt  }
0x45: {  	_ =	shalt  }
0x46: {  	_ =	shalt  }
0x47: {  	_ =	shalt  }
0x48: {  	_ =	shalt  }
0x49: {  	_ =	shalt  }
0x4a: {  	_ =	shalt  }
0x4b: {  	_ =	shalt  }
0x4c: {  	_ =	shalt  }
0x4d: {  	_ =	shalt  }
0x4e: {  	_ =	shalt  }
0x4f: {  	_ =	shalt  }
0x50: {  	_ =	shalt  }
0x51: {  	_ =	shalt  }
0x52: {  	_ =	shalt  }
0x53: {  	_ =	shalt  }
0x54: {  	_ =	shalt  }
0x55: {  	_ =	shalt  }
0x56: {  	_ =	shalt  }
0x57: {  	_ =	shalt  }
0x58: {  	_ =	shalt  }
0x59: {  	_ =	shalt  }
0x5a: {  	_ =	shalt  }
0x5b: {  	_ =	shalt  }
0x5c: {  	_ =	shalt  }
0x5d: {  	_ =	shalt  }
0x5e: {  	_ =	shalt  }
0x5f: {  	_ =	shalt  }
0x60: {  	_ =	shalt  }
0x61: {  	_ =	shalt  }
0x62: {  	_ =	shalt  }
0x63: {  	_ =	shalt  }
0x64: {  	_ =	shalt  }
0x65: {  	_ =	shalt  }
0x66: {  	_ =	shalt  }
0x67: {  	_ =	shalt  }
0x68: {  	_ =	shalt  }
0x69: {  	_ =	shalt  }
0x6a: {  	_ =	shalt  }
0x6b: {  	_ =	shalt  }
0x6c: {  	_ =	shalt  }
0x6d: {  	_ =	shalt  }
0x6e: {  	_ =	shalt  }
0x6f: {  	_ =	shalt  }
0x70: {  	_ =	shalt  }
0x71: {  	_ =	shalt  }
0x72: {  	_ =	shalt  }
0x73: {  	_ =	shalt  }
0x74: {  	_ =	shalt  }
0x75: {  	_ =	shalt  }
0x76: {  	_ =	shalt  }
0x77: {  	_ =	shalt  }
0x78: {  	_ =	shalt  }
0x79: {  	_ =	shalt  }
0x7a: {  	_ =	shalt  }
0x7b: {  	_ =	shalt  }
0x7c: {  	_ =	shalt  }
0x7d: {  	_ =	shalt  }
0x7e: {  	_ =	shalt  }
0x7f: {  	_ =	shalt  }
0x80: {  	_ =	shalt  }
0x81: {  	_ =	shalt  }
0x82: {  	_ =	shalt  }
0x83: {  	_ =	shalt  }
0x84: {  	_ =	shalt  }
0x85: {  	_ =	shalt  }
0x86: {  	_ =	shalt  }
0x87: {  	_ =	shalt  }
.Lfunc_end0:
.L_simem_size_0:
called_computation.1_lowered:
.L_overlay_start_0:
0x88: {  	s2 =	sld [smem:$0x3FD9]  }
0x89: {  	s3 =	sld [smem:$0x3FFE];
	_ =	sdelay $0x1  }
0x8a: {  	s1 =	srdreg.scid  }
0x8b: {  	s0 =	sand.u32 $0x1, s1  }
0x8c: {  	s16 =	sshll.u32 s0, $0xA;
	s2 =	sadd.s32 s3, s2  }
0x8d: {  	s2 =	sadd.s32 s2, s16  }
0x8e: {  	[smem:$0x3FC2] =	sst s2  }
0x8f: {  	_ = 	snop  }
0x90: {  	(tm) =	ssettm $0x1  }
0x91: {  	s17 =	sld [smem:$0x3FFB];
	_ =	sdelay $0x3  }
0x92: {  	_ =	strace s17  }
0x93: {  	s2 =	sld [smem:$0x3FFC];
	_ =	sdelay $0x3  }
0x94: {  	_ =	strace s2  }
0x95: {  	s2 =	sld [smem:$0x3FFD];
	_ =	sdelay $0x3  }
0x96: {  	_ =	strace s2  }
0x97: {  	_ =	strace $0x8FFFFFFF  }
0x98: {  	s18 =	sld [smem:$0x3FDB];
	_ =	sdelay $0x1  }
0x99: {  	s19 =	simm.s32 $_scs_section_size  }
0x9a: {  	s4 =	simm.s32 $_size__tile_overlayer_lowered;
	s5 =	simm.s32 $_tile_overlayer_lowered  }
0x9b: {  	s22 =	simm.s32 $0x1BFF;
	s21 =	sshll.u32 s5, $0x1;
	s2 =	sadd.s32 s19, s18  }
0x9c: {  	s6 =	simm.s32 $0x0;
	s20 =	sshll.u32 s4, $0x1;
	s4 =	sadd.s32 s21, s2  }
0x9d: {  	[timem:s6], [sflag:s22] =	dma.local [hbm:s4], s20  }
0x9e: {  	_ =	swait.ge [sflag:s22], s20  }
0x9f: {  	s3 =	ssub.s32 $0x0, s20;
	[sflag:s22] =	ssyncset.done $0x0  }
0xa0: {  	[sflag:s22] =	ssyncadd.s32 s3;
	_ =	sdelay $0x1  }
0xa1: {  	s23 =	simm.s32 $0x1B8B  }
0xa2: {  	_ =	swait.ge [sflag:s23], $0x1  }
0xa3: {  	[sflag:s23] =	ssyncset.done $0x0  }
0xa4: {  	s25 =	simm.s32 $0x1B8E;
	s24 =	sld [smem:$0x3FFE];
	[sflag:s23] =	ssyncadd.s32 $0xFFFFFFFF  }
0xa5: {  	s26 =	simm.s32 $execute0_lowered;
	[smem:$0x3FD2] =	sst s25  }
0xa6: {  	s4 =	sshll.u32 s26, $0x1;
	_ =	strace $0x80000049;
	[dreg:$0x1] =	wrdreg $0xFFFFFFFF  }
0xa7: {  	s28 =	simm.s32 $_size_execute0_lowered;
	s2 =	sadd.s32 s2, s4;
	[dreg:$0x0] =	wrdreg $0x0  }
0xa8: {  	s4 =	sshll.u32 s28, $0x1;
	[dreg:$0x2] =	wrdreg s2  }
0xa9: {  	[dreg:$0x3] =	wrdreg s4  }
0xaa: {  	[dreg:$0x4] =	wrdreg $0xC0  }
0xab: {  	_ =	task [dreg:s6], $0x5FFFF  }
0xac: {  	[dreg:$0x1] =	wrdreg $0xFFFFFFFF  }
0xad: {  	[dreg:$0x0] =	wrdreg $0x60  }
0xae: {  	[dreg:$0x2] =	wrdreg s24  }
0xaf: {  	[dreg:$0x3] =	wrdreg $0x9  }
0xb0: {  	_ =	task.clear_ibuf [dreg:s6], $0x4FFFF;
	_ =	strace $0x90000049  }
0xb1: {  	s29 =	simm.s32 $0x9;
	_ =	strace $0x8000004B  }
0xb2: {  	_ =	swait.ge [sflag:s29], $0x1  }
0xb3: {  	[sflag:s29] =	ssyncadd.s32 $0xFFFFFFFF  }
0xb4: {  	_ =	strace $0x9000004B  }
0xb5: {  	_ =	sfence  }
0xb6: {  	s30 =	sld [smem:$0x0];
	_ =	sdelay $0x2  }
0xb7: {  	s31 =	sshll.u32 s1, $0xD;
	s1 =	sshrl.u32 s1, $0x2  }
0xb8: {  	s3 =	sand.u32 $0x4000, s31;
	s1 =	sadd.s32 s1, s30  }
0xb9: {  	s0 =	sor.u32 s3, s0;
	s1 =	sshll.u32 s1, $0x11  }
0xba: {  	s0 =	sor.u32 s1, s0  }
0xbb: {  	s0 =	sadd.s32 $0x8F2B, s0  }
0xbc: {  	[sflag:s0] =	ssyncadd.remote.s32 $0x1  }
0xbd: {  	_ =	sfence.sel $0xFFFF  }
0xbe: {  	[dreg:$0x0] =	wrdreg $0xFFFFFFFF;
	(pc) =	sbr.abs _section_cstart, $3  }
0xbf: {  	[dreg:$0x1] =	wrdreg $0xFFFFFFFF  }
0xc0: {  	_ =	task.clear_ibuf [dreg:s6], $0x2FFFF;
	_ =	strace $0x9FFFFFFF  }
0xc1: {  	(tm) =	ssettm $0x7FFFFFFF  }
tec
execute0_lowered:
.L_overlay_start_1:
0x0: {  	(tag) =	ssettag $0x1  }
0x1: {  	s0 =	srdreg.scid  }
0x2: {  	s6 =	rddreg [dreg:$0x0];
	s2 =	simm.s32 $0x0;
	s10 =	simm.s32 $0x1  }
0x3: {  	s11 =	simm.s32 $0x1910;
	s12 =	simm.s32 $0x1900;
	s4 =	sand.u32 $0x1, s0  }
0x4: {  	s13 =	simm.s32 $0x4B10;
	s0 =	stileid.u32;
	s1 =	sshll.u32 s4, $0x4  }
0x5: {  	s14 =	simm.s32 $0x7D10;
	s15 =	simm.s32 $0x0;
	s3 =	sor.u32 s0, s1  }
0x6: {  	v0 =	vimm.s32 $0x1;
	v1 =	vimm.s32 $0x2;
	v2 =	vimm.s32 $0x3;
	[smem:$0x7FF] =	sst s2;
	s7 =	ssub.s32 $0x2, s4;
	s3 =	smul.u32 $0xC80, s3  }
0x7: {  	v3 =	vimm.s32 $0x4;
	v4 =	vimm.s32 $0x5;
	v5 =	vimm.s32 $0x6;
	s4 =	sadd.s32 $0xCD400, s6;
	s1 =	rddreg [dreg:$0x1];
	s9 =	sshrl.u32 s7, $0x1  }
0x8: {  	v6 =	vimm.s32 $0x7;
	v8 =	vimm.s32 $0x9;
	v9 =	vimm.s32 $0xA;
	_ =	strace $0x8000004A;
	s9 =	ssub.s32 s7, s9;
	s5 =	sshrl.u32 s3, $0x3  }
0x9: {  	v10 =	vimm.s32 $0xB;
	v11 =	vimm.s32 $0xC;
	v12 =	vimm.s32 $0xD;
	s9 =	smax.u32 s9, $0x1;
	s8 =	sadd.s32 s5, s6;
	s5 =	sadd.s32 $0xFF400, s6  }
0xa: {  	v7 =	vimm.s32 $0x8;
	v13 =	vimm.s32 $0xE;
	v14 =	vimm.s32 $0xF;
	s6 =	sadd.s32 $0x131400, s6;
	s7 =	sadd.s32 $0xC7000, s8;
	s8 =	sadd.s32 $0xCA200, s8  }
.LBB2_1:
0xb: {  	[tilespmem:s2], [sflag:$0x1] =	stream.linear.gather [hbm4b:s7+s2], $0xC80, $0x38;
	[tilespmem:$0xAF10] =	vst v63  }
0xc: {  	_ =	swait.ge [sflag:s10], $0xC80  }
0xd: {  	[sflag:s10] =	ssyncset.done $0x0  }
0xe: {  	s16 =	simm.s32 $0xC80;
	[sflag:s10] =	ssyncadd.s32 $0xFFFFF380  }
0xf: {  	[tilespmem:s16], [sflag:$0x1] =	stream.linear.gather [hbm4b:s8+s2], $0xC80, $0x38;
	[tilespmem:$0xAF10] =	vst v63  }
0x10: {  	_ =	swait.ge [sflag:s10], $0xC80  }
0x11: {  	[sflag:s10] =	ssyncset.done $0x0  }
0x12: {  	s17 =	simm.s32 $0x0;
	s18 =	simm.s32 $0x0;
	[sflag:s10] =	ssyncadd.s32 $0xFFFFF380  }
.LBB2_2:
0x13: {  	s19 =	smul.u32 $0x320, s18;
	_ =	sdelay $0x1  }
0x14: {  	s19 =	sadd.s32 s3, s19  }
0x15: {  	s19 =	sshll.u32 s19, $0x1  }
0x16: {  	s21 =	simm.s32 $0x0;
	s20 =	sadd.s32 s4, s19  }
0x17: {  	[tilespmem:s11], [sflag:$0x1] =	stream.linear.gather [hbm4b:s20+s21], $0x3200, $0x38;
	[tilespmem:$0xAF10] =	vst v63  }
0x18: {  	_ =	swait.ge [sflag:s10], $0x3200  }
0x19: {  	[sflag:s10] =	ssyncset.done $0x0  }
0x1a: {  	[sflag:s10] =	ssyncadd.s32 $0xFFFFCE00  }
0x1b: {  	v15 =	vld [tilespmem:s17+$0x0]  }
0x1c: {  	v16 =	vld [tilespmem:s16+$0x0];
	_ =	sdelay $0x4  }
0x1d: {  	v15 =	vadd.f32 v16, v15;
	_ =	sdelay $0x1  }
0x1e: {  	v15 =	vadd.f32 $1.000000000e+00, v15;
	_ =	sdelay $0x1  }
0x1f: {  	v16 =	vshra.s32 v15, $0x1;
	v15 =	vmul.f32 $5.000000000e-01, v15  }
0x20: {  	v16 =	vsub.s32 $0x5F3759DF, v16  }
0x21: {  	v17 =	vmul.f32 v16, v15;
	_ =	sdelay $0x1  }
0x22: {  	v17 =	vmul.f32 v16, v17;
	_ =	sdelay $0x1  }
0x23: {  	v17 =	vsub.f32 $1.500000000e+00, v17;
	_ =	sdelay $0x1  }
0x24: {  	v16 =	vmul.f32 v16, v17;
	_ =	sdelay $0x1  }
0x25: {  	v17 =	vmul.f32 v16, v15;
	_ =	sdelay $0x1  }
0x26: {  	v17 =	vmul.f32 v17, v16;
	_ =	sdelay $0x1  }
0x27: {  	v17 =	vsub.f32 $1.500000000e+00, v17;
	_ =	sdelay $0x1  }
0x28: {  	v16 =	vmul.f32 v17, v16;
	_ =	sdelay $0x1  }
0x29: {  	v15 =	vmul.f32 v16, v15;
	_ =	sdelay $0x1  }
0x2a: {  	v15 =	vmul.f32 v15, v16;
	_ =	sdelay $0x1  }
0x2b: {  	v15 =	vsub.f32 $1.500000000e+00, v15;
	_ =	sdelay $0x1  }
0x2c: {  	v15 =	vmul.f32 v15, v16;
	_ =	sdelay $0x1  }
0x2d: {  	s20 =	simm.s32 $0x0;
	[tilespmem:$0x1900] =	vst v15  }
0x2e: {  	v15 =	vld [tilespmem:s20+$0x1910]  }
0x2f: {  	v16 =	vld.msk [tilespmem:s12+$0x0], $0xffff;
	_ =	sdelay $0x4  }
0x30: {  	v15 =	vmul.f32 v15, v16  }
0x31: {  	[tilespmem:s20+$0x4B10] =	vst v16  }
0x32: {  	[tilespmem:s20+$0x7D10] =	vst v15;
	v15 =	vld [tilespmem:s20+$0x1920]  }
0x33: {  	v22 =	vld.idx.msk [tilespmem:v0+s12+$0x0], $0xffff;
	_ =	sdelay $0x4  }
0x34: {  	v15 =	vmul.f32 v15, v22  }
0x35: {  	[tilespmem:s20+$0x4B20] =	vst v22  }
0x36: {  	[tilespmem:s20+$0x7D20] =	vst v15;
	v15 =	vld [tilespmem:s20+$0x1930]  }
0x37: {  	v22 =	vld.idx.msk [tilespmem:v1+s12+$0x0], $0xffff;
	_ =	sdelay $0x4  }
0x38: {  	v15 =	vmul.f32 v15, v22  }
0x39: {  	[tilespmem:s20+$0x4B30] =	vst v22  }
0x3a: {  	[tilespmem:s20+$0x7D30] =	vst v15;
	v15 =	vld [tilespmem:s20+$0x1940]  }
0x3b: {  	v22 =	vld.idx.msk [tilespmem:v2+s12+$0x0], $0xffff;
	_ =	sdelay $0x4  }
0x3c: {  	v15 =	vmul.f32 v15, v22  }
0x3d: {  	[tilespmem:s20+$0x4B40] =	vst v22  }
0x3e: {  	[tilespmem:s20+$0x7D40] =	vst v15;
	v15 =	vld [tilespmem:s20+$0x1950]  }
0x3f: {  	v22 =	vld.idx.msk [tilespmem:v3+s12+$0x0], $0xffff;
	_ =	sdelay $0x4  }
0x40: {  	v15 =	vmul.f32 v15, v22  }
0x41: {  	[tilespmem:s20+$0x4B50] =	vst v22  }
0x42: {  	v17 =	vld [tilespmem:s20+$0x1960];
	[tilespmem:s20+$0x7D50] =	vst v15  }
0x43: {  	v15 =	vld.idx.msk [tilespmem:v4+s12+$0x0], $0xffff;
	_ =	sdelay $0x4  }
0x44: {  	v17 =	vmul.f32 v17, v15  }
0x45: {  	[tilespmem:s20+$0x4B60] =	vst v15  }
0x46: {  	v18 =	vld [tilespmem:s20+$0x1970];
	[tilespmem:s20+$0x7D60] =	vst v17  }
0x47: {  	v15 =	vld.idx.msk [tilespmem:v5+s12+$0x0], $0xffff;
	_ =	sdelay $0x4  }
0x48: {  	v17 =	vmul.f32 v18, v15  }
0x49: {  	[tilespmem:s20+$0x4B70] =	vst v15  }
0x4a: {  	v19 =	vld [tilespmem:s20+$0x1980];
	[tilespmem:s20+$0x7D70] =	vst v17  }
0x4b: {  	v15 =	vld.idx.msk [tilespmem:v6+s12+$0x0], $0xffff;
	_ =	sdelay $0x4  }
0x4c: {  	v17 =	vmul.f32 v19, v15  }
0x4d: {  	[tilespmem:s20+$0x4B80] =	vst v15  }
0x4e: {  	v20 =	vld [tilespmem:s20+$0x1990];
	[tilespmem:s20+$0x7D80] =	vst v17  }
0x4f: {  	v15 =	vld.idx.msk [tilespmem:v7+s12+$0x0], $0xffff;
	_ =	sdelay $0x4  }
0x50: {  	v17 =	vmul.f32 v20, v15  }
0x51: {  	[tilespmem:s20+$0x4B90] =	vst v15  }
0x52: {  	v21 =	vld [tilespmem:s20+$0x19A0];
	[tilespmem:s20+$0x7D90] =	vst v17  }
0x53: {  	v15 =	vld.idx.msk [tilespmem:v8+s12+$0x0], $0xffff;
	_ =	sdelay $0x4  }
0x54: {  	v17 =	vmul.f32 v21, v15  }
0x55: {  	[tilespmem:s20+$0x4BA0] =	vst v15  }
0x56: {  	v16 =	vld [tilespmem:s20+$0x19B0];
	[tilespmem:s20+$0x7DA0] =	vst v17  }
0x57: {  	v15 =	vld.idx.msk [tilespmem:v9+s12+$0x0], $0xffff;
	_ =	sdelay $0x4  }
0x58: {  	v16 =	vmul.f32 v16, v15  }
0x59: {  	[tilespmem:s20+$0x4BB0] =	vst v15  }
0x5a: {  	v23 =	vld [tilespmem:s20+$0x19C0];
	[tilespmem:s20+$0x7DB0] =	vst v16  }
0x5b: {  	v15 =	vld.idx.msk [tilespmem:v10+s12+$0x0], $0xffff;
	_ =	sdelay $0x4  }
0x5c: {  	v16 =	vmul.f32 v23, v15  }
0x5d: {  	[tilespmem:s20+$0x4BC0] =	vst v15  }
0x5e: {  	v24 =	vld [tilespmem:s20+$0x19D0];
	[tilespmem:s20+$0x7DC0] =	vst v16  }
0x5f: {  	v15 =	vld.idx.msk [tilespmem:v11+s12+$0x0], $0xffff;
	_ =	sdelay $0x4  }
0x60: {  	v16 =	vmul.f32 v24, v15  }
0x61: {  	[tilespmem:s20+$0x4BD0] =	vst v15  }
0x62: {  	v25 =	vld [tilespmem:s20+$0x19E0];
	[tilespmem:s20+$0x7DD0] =	vst v16  }
0x63: {  	v15 =	vld.idx.msk [tilespmem:v12+s12+$0x0], $0xffff;
	_ =	sdelay $0x4  }
0x64: {  	v16 =	vmul.f32 v25, v15  }
0x65: {  	[tilespmem:s20+$0x4BE0] =	vst v15  }
0x66: {  	v26 =	vld [tilespmem:s20+$0x19F0];
	[tilespmem:s20+$0x7DE0] =	vst v16  }
0x67: {  	v15 =	vld.idx.msk [tilespmem:v13+s12+$0x0], $0xffff;
	_ =	sdelay $0x4  }
0x68: {  	v16 =	vmul.f32 v26, v15  }
0x69: {  	[tilespmem:s20+$0x4BF0] =	vst v15  }
0x6a: {  	v27 =	vld [tilespmem:s20+$0x1A00];
	[tilespmem:s20+$0x7DF0] =	vst v16  }
0x6b: {  	v15 =	vld.idx.msk [tilespmem:v14+s12+$0x0], $0xffff;
	_ =	sdelay $0x4  }
0x6c: {  	s22 =	smov.u32 s16;
	s23 =	smov.u32 s17;
	s21 =	simm.s32 $0x400;
	[tilespmem:s20+$0x4C00] =	vst v15;
	v15 =	vmul.f32 v27, v15  }
.LBB2_3:
0x6d: {  	p0 =	sne.s32 s21, $0xC400;
	s22 =	sadd.s32 $0x10, s22;
	s23 =	sadd.s32 $0x10, s23  }
0x6e: {  	[tilespmem:s20+$0x7E00] =	vst v15;
	s20 =	smov.u32 s21;
	s21 =	sadd.s32 $0x400, s21  }
0x6f: {  	v15 =	vld [tilespmem:s23+$0x0]  }
0x70: {  	v16 =	vld [tilespmem:s22+$0x0];
	_ =	sdelay $0x4  }
0x71: {  	v15 =	vadd.f32 v16, v15;
	_ =	sdelay $0x1  }
0x72: {  	v15 =	vadd.f32 $1.000000000e+00, v15;
	_ =	sdelay $0x1  }
0x73: {  	v16 =	vshra.s32 v15, $0x1;
	v15 =	vmul.f32 $5.000000000e-01, v15  }
0x74: {  	v16 =	vsub.s32 $0x5F3759DF, v16  }
0x75: {  	v17 =	vmul.f32 v16, v15;
	_ =	sdelay $0x1  }
0x76: {  	v17 =	vmul.f32 v16, v17;
	_ =	sdelay $0x1  }
0x77: {  	v17 =	vsub.f32 $1.500000000e+00, v17;
	_ =	sdelay $0x1  }
0x78: {  	v16 =	vmul.f32 v16, v17;
	_ =	sdelay $0x1  }
0x79: {  	v17 =	vmul.f32 v16, v15;
	_ =	sdelay $0x1  }
0x7a: {  	v17 =	vmul.f32 v17, v16;
	_ =	sdelay $0x1  }
0x7b: {  	v17 =	vsub.f32 $1.500000000e+00, v17;
	_ =	sdelay $0x1  }
0x7c: {  	v16 =	vmul.f32 v17, v16;
	_ =	sdelay $0x1  }
0x7d: {  	v15 =	vmul.f32 v16, v15;
	_ =	sdelay $0x1  }
0x7e: {  	v15 =	vmul.f32 v15, v16;
	_ =	sdelay $0x1  }
0x7f: {  	v15 =	vsub.f32 $1.500000000e+00, v15;
	_ =	sdelay $0x1  }
0x80: {  	v15 =	vmul.f32 v15, v16;
	_ =	sdelay $0x1  }
0x81: {  	s20 =	sshra.s32 s20, $0x2;
	[tilespmem:$0x1900] =	vst v15  }
0x82: {  	v15 =	vld [tilespmem:s20+$0x1910]  }
0x83: {  	v16 =	vld.msk [tilespmem:s12+$0x0], $0xffff  }
0x84: {  	v21 =	vld [tilespmem:s20+$0x1960]  }
0x85: {  	v22 =	vld [tilespmem:s20+$0x1970]  }
0x86: {  	v23 =	vld [tilespmem:s20+$0x1980]  }
0x87: {  	v24 =	vld [tilespmem:s20+$0x1990]  }
0x88: {  	v15 =	vmul.f32 v15, v16;
	v25 =	vld [tilespmem:s20+$0x19A0]  }
0x89: {  	[tilespmem:s20+$0x4B10] =	vst v16;
	v20 =	vld [tilespmem:s20+$0x19B0]  }
0x8a: {  	[tilespmem:s20+$0x7D10] =	vst v15;
	v26 =	vld [tilespmem:s20+$0x1920]  }
0x8b: {  	v27 =	vld.idx.msk [tilespmem:v0+s12+$0x0], $0xffff  }
0x8c: {  	v19 =	vld [tilespmem:s20+$0x19C0]  }
0x8d: {  	v18 =	vld [tilespmem:s20+$0x19D0]  }
0x8e: {  	v17 =	vld [tilespmem:s20+$0x19E0]  }
0x8f: {  	v16 =	vld [tilespmem:s20+$0x19F0]  }
0x90: {  	v15 =	vld [tilespmem:s20+$0x1A00]  }
0x91: {  	v26 =	vmul.f32 v26, v27  }
0x92: {  	[tilespmem:s20+$0x4B20] =	vst v27  }
0x93: {  	[tilespmem:s20+$0x7D20] =	vst v26;
	v26 =	vld [tilespmem:s20+$0x1930]  }
0x94: {  	v27 =	vld.idx.msk [tilespmem:v1+s12+$0x0], $0xffff;
	_ =	sdelay $0x5  }
0x95: {  	v26 =	vmul.f32 v26, v27  }
0x96: {  	[tilespmem:s20+$0x4B30] =	vst v27  }
0x97: {  	[tilespmem:s20+$0x7D30] =	vst v26;
	v26 =	vld [tilespmem:s20+$0x1940]  }
0x98: {  	v27 =	vld.idx.msk [tilespmem:v2+s12+$0x0], $0xffff;
	_ =	sdelay $0x5  }
0x99: {  	v26 =	vmul.f32 v26, v27  }
0x9a: {  	[tilespmem:s20+$0x4B40] =	vst v27  }
0x9b: {  	[tilespmem:s20+$0x7D40] =	vst v26;
	v26 =	vld [tilespmem:s20+$0x1950]  }
0x9c: {  	v27 =	vld.idx.msk [tilespmem:v3+s12+$0x0], $0xffff;
	_ =	sdelay $0x5  }
0x9d: {  	v26 =	vmul.f32 v26, v27  }
0x9e: {  	[tilespmem:s20+$0x4B50] =	vst v27  }
0x9f: {  	[tilespmem:s20+$0x7D50] =	vst v26  }
0xa0: {  	v26 =	vld.idx.msk [tilespmem:v4+s12+$0x0], $0xffff;
	_ =	sdelay $0x5  }
0xa1: {  	v21 =	vmul.f32 v21, v26  }
0xa2: {  	[tilespmem:s20+$0x4B60] =	vst v26  }
0xa3: {  	[tilespmem:s20+$0x7D60] =	vst v21  }
0xa4: {  	v21 =	vld.idx.msk [tilespmem:v5+s12+$0x0], $0xffff;
	_ =	sdelay $0x5  }
0xa5: {  	[tilespmem:s20+$0x4B70] =	vst v21;
	v21 =	vmul.f32 v22, v21;
	_ =	sdelay $0x1  }
0xa6: {  	[tilespmem:s20+$0x7D70] =	vst v21  }
0xa7: {  	v21 =	vld.idx.msk [tilespmem:v6+s12+$0x0], $0xffff;
	_ =	sdelay $0x5  }
0xa8: {  	[tilespmem:s20+$0x4B80] =	vst v21;
	v21 =	vmul.f32 v23, v21;
	_ =	sdelay $0x1  }
0xa9: {  	[tilespmem:s20+$0x7D80] =	vst v21  }
0xaa: {  	v21 =	vld.idx.msk [tilespmem:v7+s12+$0x0], $0xffff;
	_ =	sdelay $0x5  }
0xab: {  	[tilespmem:s20+$0x4B90] =	vst v21;
	v21 =	vmul.f32 v24, v21;
	_ =	sdelay $0x1  }
0xac: {  	[tilespmem:s20+$0x7D90] =	vst v21  }
0xad: {  	v21 =	vld.idx.msk [tilespmem:v8+s12+$0x0], $0xffff;
	_ =	sdelay $0x5  }
0xae: {  	[tilespmem:s20+$0x4BA0] =	vst v21;
	v21 =	vmul.f32 v25, v21;
	_ =	sdelay $0x1  }
0xaf: {  	[tilespmem:s20+$0x7DA0] =	vst v21  }
0xb0: {  	v21 =	vld.idx.msk [tilespmem:v9+s12+$0x0], $0xffff;
	_ =	sdelay $0x5  }
0xb1: {  	v20 =	vmul.f32 v20, v21;
	[tilespmem:s20+$0x4BB0] =	vst v21;
	_ =	sdelay $0x1  }
0xb2: {  	[tilespmem:s20+$0x7DB0] =	vst v20  }
0xb3: {  	v20 =	vld.idx.msk [tilespmem:v10+s12+$0x0], $0xffff;
	_ =	sdelay $0x5  }
0xb4: {  	v19 =	vmul.f32 v19, v20;
	[tilespmem:s20+$0x4BC0] =	vst v20;
	_ =	sdelay $0x1  }
0xb5: {  	[tilespmem:s20+$0x7DC0] =	vst v19  }
0xb6: {  	v19 =	vld.idx.msk [tilespmem:v11+s12+$0x0], $0xffff;
	_ =	sdelay $0x5  }
0xb7: {  	v18 =	vmul.f32 v18, v19;
	[tilespmem:s20+$0x4BD0] =	vst v19;
	_ =	sdelay $0x1  }
0xb8: {  	[tilespmem:s20+$0x7DD0] =	vst v18  }
0xb9: {  	v18 =	vld.idx.msk [tilespmem:v12+s12+$0x0], $0xffff;
	_ =	sdelay $0x5  }
0xba: {  	v17 =	vmul.f32 v17, v18;
	[tilespmem:s20+$0x4BE0] =	vst v18;
	_ =	sdelay $0x1  }
0xbb: {  	[tilespmem:s20+$0x7DE0] =	vst v17  }
0xbc: {  	v17 =	vld.idx.msk [tilespmem:v13+s12+$0x0], $0xffff;
	_ =	sdelay $0x5  }
0xbd: {  	v16 =	vmul.f32 v16, v17;
	[tilespmem:s20+$0x4BF0] =	vst v17;
	_ =	sdelay $0x1  }
0xbe: {  	[tilespmem:s20+$0x7DF0] =	vst v16  }
0xbf: {  	v16 =	vld.idx.msk [tilespmem:v14+s12+$0x0], $0xffff;
	_ =	sdelay $0x1  }
.Ltmp0:
0xc0: {  	(pc) =	sbr.rel @p0 .LBB2_3-.Ltmp0, $2  }
0xc1: {  	_ =	sdelay $0x2  }
0xc2: {  	v15 =	vmul.f32 v15, v16;
	[tilespmem:s20+$0x4C00] =	vst v16  }
0xc3: {  	_ = 	snop  }
0xc4: {  	s30 =	sadd.s32 s5, s19;
	[tilespmem:s20+$0x7E00] =	vst v15  }
0xc5: {  	[hbm4b:s30+s2] =	stream.linear.scatter [tilespmem:s13], [sflag:$0x1], $0x3200, $0x38;
	[tilespmem:$0xAF10] =	vst v63  }
0xc6: {  	s18 =	sadd.s32 $0x1, s18;
	_ =	swait.ge [sflag:s10], $0x3200  }
0xc7: {  	p0 =	sne.s32 s18, $0x4;
	[sflag:s10] =	ssyncset.done $0x0  }
.Ltmp1:
0xc8: {  	s31 =	sadd.s32 s6, s19;
	[sflag:s10] =	ssyncadd.s32 $0xFFFFCE00;
	(pc) =	sbr.rel @p0 .LBB2_2-.Ltmp1, $4  }
0xc9: {  	[hbm4b:s31+s2] =	stream.linear.scatter [tilespmem:s14], [sflag:$0x1], $0x3200, $0x38;
	[tilespmem:$0xAF10] =	vst v63  }
0xca: {  	_ =	swait.ge [sflag:s10], $0x3200  }
0xcb: {  	[sflag:s10] =	ssyncset.done $0x0  }
0xcc: {  	s16 =	sadd.s32 $0x320, s16;
	s17 =	sadd.s32 $0x320, s17;
	[sflag:s10] =	ssyncadd.s32 $0xFFFFCE00  }
0xcd: {  	s15 =	sadd.s32 $0x1, s15  }
0xce: {  	p0 =	sne.s32 s15, s9  }
.Ltmp2:
0xcf: {  	_ = 	snop;
	(pc) =	sbr.rel @p0 .LBB2_1-.Ltmp2, $1  }
0xd0: {  	_ =	sdelay $0x3  }
0xd1: {  	_ =	sfence.sel $0x180000  }
0xd2: {  	[bflag:$0x0] =	sbarrier.arrive $0xFFFF  }
0xd3: {  	p0 =	sne.s32 s0, $0x0;
	_ =	strace $0x9000004A  }
0xd4: {  	s0 =	sadd.s32 @!p0 $0x100000, s1;
	[bflag:$0x2] =	sbarrier.arrive $0xFFFF  }
0xd5: {  	[sflag:s0] =	ssyncadd.tile.s32 @!p0 $0x1;
	_ =	shalt  }
.Lfunc_end2:
_tile_overlayer_lowered:
.L_overlay_start_2:
0xd6: {  	(tag) =	ssettag $0x2  }
0xd7: {  	s0 =	rddreg [dreg:$0x0];
	s2 =	stileid.u32  }
0xd8: {  	s1 =	rddreg [dreg:$0x1];
	p0 =	sne.s32 s2, $0x0  }
0xd9: {  	s3 =	rddreg [dreg:$0x2];
	[bflag:$0x3] =	sbarrier.arrive $0xFFFF;
	s2 =	simm.s32 @!p0 $0x1C01  }
0xda: {  	[timem:s3], [sflag:s2] =	dma.local @!p0 [hbm:s0], s1  }
0xdb: {  	s0 =	simm.s32 @!p0 $0x1  }
0xdc: {  	_ =	swait.ge @!p0 [sflag:s0], s1  }
0xdd: {  	s1 =	ssub.s32 @!p0 $0x0, s1;
	[sflag:s0] =	ssyncset.done @!p0 $0x0  }
0xde: {  	[sflag:s0] =	ssyncadd.s32 @!p0 s1  }
0xdf: {  	[bflag:$0x3] =	sbarrier.arrive $0xFFFF  }
0xe0: {  	_ =	shalt  }

// kernel: kernel.15.cloned.1.call-start
scs
__scs_entry_jumppad:
0x0: {  	(pc) =	sbr.rel $0x88, $3  }
0x1: {  	(tag) =	ssettag $0x0;
	lr =	simm.s32 $0x1  }
0x2: {  	[smem:$0x3F9B] =	sst lr;
	_ =	strace $0xD0000000  }
0x3: {  	_ = 	snop  }
0x4: {  	_ = 	snop  }
0x5: {  	_ = 	snop  }
0x6: {  	_ = 	snop  }
0x7: {  	_ = 	snop  }
__scs_overlays_trampoline_lowered:
0x8: {  	[smem:$0x3FAA] =	sst s0  }
0x9: {  	[smem:$0x3FAB] =	sst s1  }
0xa: {  	[smem:$0x3FAC] =	sst s2  }
0xb: {  	[smem:$0x3FAD] =	sst s3  }
0xc: {  	[smem:$0x3FAE] =	sst s4  }
0xd: {  	[smem:$0x3FAF] =	sst s5  }
0xe: {  	[smem:$0x3FB0] =	sst s6  }
0xf: {  	[smem:$0x3FB1] =	sst s7  }
0x10: {  	[smem:$0x3FB2] =	sst s8  }
0x11: {  	[smem:$0x3FB3] =	sst s9;
	s0 =	simm.s32 @!p0 $0x0  }
0x12: {  	s1 =	sld [smem:$0x3F99];
	s0 =	simm.s32 @p0 $0x1  }
0x13: {  	[smem:$0x3FB4] =	sst s0;
	s0 =	simm.s32 @!p1 $0x0  }
0x14: {  	s2 =	sld [smem:$0x3F98];
	s0 =	simm.s32 @p1 $0x1  }
0x15: {  	[smem:$0x3FB5] =	sst s0;
	s0 =	simm.s32 @!p2 $0x0  }
0x16: {  	s3 =	sld [smem:$0x3FDB];
	s0 =	simm.s32 @p2 $0x1  }
0x17: {  	s4 =	simm.s32 $0x1BF5;
	[smem:$0x3FB7] =	sst s0  }
0x18: {  	s0 =	sld [smem:$0x3F9A];
	_ =	swait.ge [sflag:s4], $0x0  }
0x19: {  	s7 =	sld [smem:$0x3F9B]  }
0x1a: {  	s8 =	sadd.s32 $0xFFFFE003, lr  }
0x1b: {  	s9 =	sadd.s32 $0xFFFFFEF7, lr;
	s5 =	simm.s32 $0xFFFFFFFF;
	p2 =	slt.u32 s8, $0xFFFFF086  }
0x1c: {  	p1 =	slt.u32 s9, $0xF7A;
	s5 =	simm.s32 @!p2 $0x0  }
0x1d: {  	s5 =	simm.s32 @p1 $0x1;
	p0 =	seq.s32 s7, s2  }
0x1e: {  	s7 =	smul.u32 @!p0 $0xF7A, s2;
	p2 =	seq.s32 @!p0 s5, $0x0  }
0x1f: {  	s9 =	smul.u32 $0xF7A, s1;
	s8 =	simm.s32 @!p0 $0x1BF5;
	p2 =	por !p2, p0  }
0x20: {  	[sflag:s8] =	ssyncset.s32 @!p0 $0xFFFFF086;
	s6 =	sadd.s32 @!p0 s3, s7;
	s7 =	simm.s32 @!p0 $0x108  }
0x21: {  	s3 =	sadd.s32 s3, s9;
	s6 =	sadd.s32 @!p0 $0x88, s6;
	s7 =	simm.s32 @p2 $0x1082  }
0x22: {  	[simem:s7], [sflag:s8] =	dma.local @!p0 [hbm:s6], $0xF7A  }
0x23: {  	s9 =	sor.u32 $0xD0000000, s2;
	s6 =	simm.s32 $0x108;
	_ =	swait.ge @!p0 [sflag:s8], $0x0  }
0x24: {  	s3 =	sadd.s32 $0x88, s3;
	s6 =	simm.s32 @!p1 $0x1082;
	[sflag:s4] =	ssyncset.s32 $0xFFFFF086  }
0x25: {  	[simem:s6], [sflag:s4] =	dma.local [hbm:s3], $0xF7A  }
0x26: {  	[smem:$0x3F9B] =	sst s1;
	(tag) =	ssettag s2;
	_ =	strace s9  }
0x27: {  	s1 =	sld [smem:$0x3FAB]  }
0x28: {  	s2 =	sld [smem:$0x3FAC]  }
0x29: {  	s4 =	sld [smem:$0x3FAE]  }
0x2a: {  	p0 =	seq.s32 s5, $0x0;
	s5 =	sld [smem:$0x3FAF]  }
0x2b: {  	s6 =	sld [smem:$0x3FB0]  }
0x2c: {  	s7 =	sld [smem:$0x3FB1]  }
0x2d: {  	s3 =	simm.s32 $0x108;
	s8 =	sld [smem:$0x3FB2]  }
0x2e: {  	s3 =	simm.s32 @!p0 $0x1082;
	s9 =	sld [smem:$0x3FB3]  }
0x2f: {  	lr =	sadd.s32 s0, s3;
	s0 =	sld [smem:$0x3FAA]  }
0x30: {  	s3 =	sld [smem:$0x3FAD]  }
0x31: {  	[smem:$0x3FB6] =	sst s10  }
0x32: {  	s10 =	sld [smem:$0x3FB4];
	_ =	sdelay $0x3  }
0x33: {  	p0 =	seq.s32 s10, $0x1;
	s10 =	sld [smem:$0x3FB6];
	_ =	sdelay $0x3  }
0x34: {  	[smem:$0x3FB6] =	sst s10  }
0x35: {  	s10 =	sld [smem:$0x3FB5];
	_ =	sdelay $0x3  }
0x36: {  	p1 =	seq.s32 s10, $0x1;
	s10 =	sld [smem:$0x3FB6];
	_ =	sdelay $0x3  }
0x37: {  	[smem:$0x3FB6] =	sst s10  }
0x38: {  	s10 =	sld [smem:$0x3FB7]  }
0x39: {  	_ = 	snop;
	(pc) =	sbr.ind lr, $3  }
0x3a: {  	_ = 	snop  }
0x3b: {  	_ = 	snop  }
0x3c: {  	p2 =	seq.s32 s10, $0x1;
	s10 =	sld [smem:$0x3FB6]  }
0x3d: {  	_ =	shalt  }
0x3e: {  	_ =	shalt  }
0x3f: {  	_ =	shalt  }
0x40: {  	_ =	shalt  }
0x41: {  	_ =	shalt  }
0x42: {  	_ =	shalt  }
0x43: {  	_ =	shalt  }
0x44: {  	_ =	shalt  }
0x45: {  	_ =	shalt  }
0x46: {  	_ =	shalt  }
0x47: {  	_ =	shalt  }
0x48: {  	_ =	shalt  }
0x49: {  	_ =	shalt  }
0x4a: {  	_ =	shalt  }
0x4b: {  	_ =	shalt  }
0x4c: {  	_ =	shalt  }
0x4d: {  	_ =	shalt  }
0x4e: {  	_ =	shalt  }
0x4f: {  	_ =	shalt  }
0x50: {  	_ =	shalt  }
0x51: {  	_ =	shalt  }
0x52: {  	_ =	shalt  }
0x53: {  	_ =	shalt  }
0x54: {  	_ =	shalt  }
0x55: {  	_ =	shalt  }
0x56: {  	_ =	shalt  }
0x57: {  	_ =	shalt  }
0x58: {  	_ =	shalt  }
0x59: {  	_ =	shalt  }
0x5a: {  	_ =	shalt  }
0x5b: {  	_ =	shalt  }
0x5c: {  	_ =	shalt  }
0x5d: {  	_ =	shalt  }
0x5e: {  	_ =	shalt  }
0x5f: {  	_ =	shalt  }
0x60: {  	_ =	shalt  }
0x61: {  	_ =	shalt  }
0x62: {  	_ =	shalt  }
0x63: {  	_ =	shalt  }
0x64: {  	_ =	shalt  }
0x65: {  	_ =	shalt  }
0x66: {  	_ =	shalt  }
0x67: {  	_ =	shalt  }
0x68: {  	_ =	shalt  }
0x69: {  	_ =	shalt  }
0x6a: {  	_ =	shalt  }
0x6b: {  	_ =	shalt  }
0x6c: {  	_ =	shalt  }
0x6d: {  	_ =	shalt  }
0x6e: {  	_ =	shalt  }
0x6f: {  	_ =	shalt  }
0x70: {  	_ =	shalt  }
0x71: {  	_ =	shalt  }
0x72: {  	_ =	shalt  }
0x73: {  	_ =	shalt  }
0x74: {  	_ =	shalt  }
0x75: {  	_ =	shalt  }
0x76: {  	_ =	shalt  }
0x77: {  	_ =	shalt  }
0x78: {  	_ =	shalt  }
0x79: {  	_ =	shalt  }
0x7a: {  	_ =	shalt  }
0x7b: {  	_ =	shalt  }
0x7c: {  	_ =	shalt  }
0x7d: {  	_ =	shalt  }
0x7e: {  	_ =	shalt  }
0x7f: {  	_ =	shalt  }
0x80: {  	_ =	shalt  }
0x81: {  	_ =	shalt  }
0x82: {  	_ =	shalt  }
0x83: {  	_ =	shalt  }
0x84: {  	_ =	shalt  }
0x85: {  	_ =	shalt  }
0x86: {  	_ =	shalt  }
0x87: {  	_ =	shalt  }
.Lfunc_end0:
.L_simem_size_0:
called_computation.2_lowered:
.L_overlay_start_0:
0x88: {  	s2 =	sld [smem:$0x3FD9]  }
0x89: {  	s3 =	sld [smem:$0x3FFE];
	_ =	sdelay $0x1  }
0x8a: {  	s1 =	srdreg.scid  }
0x8b: {  	s0 =	sand.u32 $0x1, s1  }
0x8c: {  	s16 =	sshll.u32 s0, $0xA;
	s2 =	sadd.s32 s3, s2  }
0x8d: {  	s2 =	sadd.s32 s2, s16  }
0x8e: {  	[smem:$0x3FC2] =	sst s2  }
0x8f: {  	_ = 	snop  }
0x90: {  	(tm) =	ssettm $0x1  }
0x91: {  	s17 =	sld [smem:$0x3FFB];
	_ =	sdelay $0x3  }
0x92: {  	_ =	strace s17  }
0x93: {  	s2 =	sld [smem:$0x3FFC];
	_ =	sdelay $0x3  }
0x94: {  	_ =	strace s2  }
0x95: {  	s2 =	sld [smem:$0x3FFD];
	_ =	sdelay $0x3  }
0x96: {  	_ =	strace s2  }
0x97: {  	_ =	strace $0x8FFFFFFF  }
0x98: {  	s18 =	sld [smem:$0x3FDB];
	_ =	sdelay $0x1  }
0x99: {  	s19 =	simm.s32 $_scs_section_size  }
0x9a: {  	s4 =	simm.s32 $_size__tile_overlayer_lowered;
	s5 =	simm.s32 $_tile_overlayer_lowered  }
0x9b: {  	s22 =	simm.s32 $0x1BFF;
	s21 =	sshll.u32 s5, $0x1;
	s2 =	sadd.s32 s19, s18  }
0x9c: {  	s6 =	simm.s32 $0x0;
	s20 =	sshll.u32 s4, $0x1;
	s4 =	sadd.s32 s21, s2  }
0x9d: {  	[timem:s6], [sflag:s22] =	dma.local [hbm:s4], s20  }
0x9e: {  	_ =	swait.ge [sflag:s22], s20  }
0x9f: {  	s3 =	ssub.s32 $0x0, s20;
	[sflag:s22] =	ssyncset.done $0x0  }
0xa0: {  	[sflag:s22] =	ssyncadd.s32 s3;
	_ =	sdelay $0x1  }
0xa1: {  	s23 =	simm.s32 $0x1B8B  }
0xa2: {  	_ =	swait.ge [sflag:s23], $0x1  }
0xa3: {  	[sflag:s23] =	ssyncset.done $0x0  }
0xa4: {  	s25 =	simm.s32 $0x1B8E;
	s24 =	sld [smem:$0x3FFE];
	[sflag:s23] =	ssyncadd.s32 $0xFFFFFFFF  }
0xa5: {  	s26 =	simm.s32 $execute0_lowered;
	[smem:$0x3FD2] =	sst s25  }
0xa6: {  	s4 =	sshll.u32 s26, $0x1;
	_ =	strace $0x8000004C;
	[dreg:$0x1] =	wrdreg $0xFFFFFFFF  }
0xa7: {  	s28 =	simm.s32 $_size_execute0_lowered;
	s2 =	sadd.s32 s2, s4;
	[dreg:$0x0] =	wrdreg $0x0  }
0xa8: {  	s4 =	sshll.u32 s28, $0x1;
	[dreg:$0x2] =	wrdreg s2  }
0xa9: {  	[dreg:$0x3] =	wrdreg s4  }
0xaa: {  	[dreg:$0x4] =	wrdreg $0xC0  }
0xab: {  	_ =	task [dreg:s6], $0x5FFFF  }
0xac: {  	[dreg:$0x1] =	wrdreg $0xFFFFFFFF  }
0xad: {  	[dreg:$0x0] =	wrdreg $0x60  }
0xae: {  	[dreg:$0x2] =	wrdreg s24  }
0xaf: {  	[dreg:$0x3] =	wrdreg $0x48000  }
0xb0: {  	[dreg:$0x4] =	wrdreg $0x9  }
0xb1: {  	_ =	task.clear_ibuf [dreg:s6], $0x5FFFF;
	_ =	strace $0x9000004C  }
0xb2: {  	s29 =	simm.s32 $0x9;
	_ =	strace $0x8000004E  }
0xb3: {  	_ =	swait.ge [sflag:s29], $0x1  }
0xb4: {  	[sflag:s29] =	ssyncadd.s32 $0xFFFFFFFF  }
0xb5: {  	_ =	strace $0x9000004E  }
0xb6: {  	_ =	sfence  }
0xb7: {  	s30 =	sld [smem:$0x0];
	_ =	sdelay $0x2  }
0xb8: {  	s31 =	sshll.u32 s1, $0xD;
	s1 =	sshrl.u32 s1, $0x2  }
0xb9: {  	s3 =	sand.u32 $0x4000, s31;
	s1 =	sadd.s32 s1, s30  }
0xba: {  	s0 =	sor.u32 s3, s0;
	s1 =	sshll.u32 s1, $0x11  }
0xbb: {  	s0 =	sor.u32 s1, s0  }
0xbc: {  	s0 =	sadd.s32 $0x8F2B, s0  }
0xbd: {  	[sflag:s0] =	ssyncadd.remote.s32 $0x1  }
0xbe: {  	_ =	sfence.sel $0xFFFF  }
0xbf: {  	[dreg:$0x0] =	wrdreg $0xFFFFFFFF;
	(pc) =	sbr.abs _section_cstart, $3  }
0xc0: {  	[dreg:$0x1] =	wrdreg $0xFFFFFFFF  }
0xc1: {  	_ =	task.clear_ibuf [dreg:s6], $0x2FFFF;
	_ =	strace $0x9FFFFFFF  }
0xc2: {  	(tm) =	ssettm $0x7FFFFFFF  }
0xc3: {  	_ =	shalt  }
tec
execute0_lowered:
.L_overlay_start_1:
0x0: {  	(tag) =	ssettag $0x1  }
0x1: {  	s0 =	srdreg.scid;
	s1 =	rddreg [dreg:$0x0]  }
0x2: {  	s9 =	stileid.u32;
	s2 =	rddreg [dreg:$0x1]  }
0x3: {  	s3 =	simm.s32 $0x0;
	s29 =	simm.s32 $0x4;
	s5 =	smul.u32 $0x31000, s9  }
0x4: {  	s30 =	simm.s32 $0x400;
	s31 =	simm.s32 $0x80;
	s6 =	smul.u32 $0x64000, s9  }
0x5: {  	s0 =	sand.u32 $0x1, s0;
	[smem:$0x7FF] =	sst s3;
	s9 =	smul.u32 $0x19000, s9  }
0x6: {  	s8 =	sadd.s32 $0xC7000, s1;
	s4 =	smul.u32 $0x310000, s0;
	_ =	strace $0x8000004D  }
0x7: {  	[dreg:$0x3] =	wrdreg s8;
	s7 =	ssub.s32 $0x2, s0;
	s0 =	smul.u32 $0x190000, s0  }
0x8: {  	s8 =	sshrl.u32 s7, $0x1;
	s6 =	sshrl.u32 s6, $0x2;
	s10 =	sadd.s32 s9, s2  }
0x9: {  	s15 =	sadd.s32 $0x6400, s9;
	s17 =	sadd.s32 $0x9600, s9;
	s19 =	sadd.s32 $0xC800, s9  }
0xa: {  	s22 =	sadd.s32 $0xFA00, s9;
	s24 =	sadd.s32 $0x12C00, s9;
	s4 =	sadd.s32 s5, s4  }
0xb: {  	s5 =	sadd.s32 $0x131400, s1;
	s7 =	ssub.s32 s7, s8;
	s6 =	sadd.s32 s6, s2  }
0xc: {  	[dreg:$0x4] =	wrdreg s10;
	s11 =	sadd.s32 s0, s9;
	s10 =	sadd.s32 $0x3200, s9  }
0xd: {  	s16 =	sadd.s32 s0, s15;
	s8 =	sadd.s32 s15, s2;
	s18 =	sadd.s32 s0, s17  }
0xe: {  	s20 =	sadd.s32 s0, s19;
	s23 =	sadd.s32 s0, s22;
	s25 =	sadd.s32 s0, s24  }
0xf: {  	s9 =	sadd.s32 $0x15E00, s9;
	s15 =	simm.s32 $0x780;
	s4 =	sshrl.u32 s4, $0x3  }
0x10: {  	s7 =	smax.u32 s7, $0x1;
	s12 =	sshrl.u32 s11, $0x3;
	s13 =	sadd.s32 s0, s10  }
0x11: {  	s10 =	sadd.s32 s10, s2;
	[dreg:$0x9] =	wrdreg s8;
	s8 =	sadd.s32 s17, s2  }
0x12: {  	s21 =	sshrl.u32 s20, $0x3;
	s0 =	sadd.s32 s0, s9;
	[dreg:$0x5] =	wrdreg s7  }
0x13: {  	s26 =	sadd.s32 s9, s2;
	s9 =	simm.s32 $0x580;
	[dreg:$0x7] =	wrdreg s10  }
0x14: {  	s11 =	simm.s32 $0x2;
	s4 =	sadd.s32 s4, s1;
	[dreg:$0xb] =	wrdreg s8  }
0x15: {  	s1 =	sadd.s32 $0x163400, s1;
	s10 =	sadd.s32 s19, s2;
	[dreg:$0x13] =	wrdreg s26  }
0x16: {  	s14 =	sshrl.u32 s13, $0x3;
	s8 =	sadd.s32 s22, s2;
	[dreg:$0xd] =	wrdreg s10  }
0x17: {  	s0 =	sshrl.u32 s0, $0x3;
	s7 =	sadd.s32 s1, s12;
	[dreg:$0xf] =	wrdreg s8  }
0x18: {  	s26 =	simm.s32 $0x5;
	s8 =	sadd.s32 s24, s2;
	[dreg:$0x6] =	wrdreg s7  }
0x19: {  	s13 =	simm.s32 $0x680;
	s7 =	sadd.s32 s1, s14;
	[dreg:$0x11] =	wrdreg s8  }
0x1a: {  	s0 =	sadd.s32 s1, s0;
	[dreg:$0x8] =	wrdreg s7;
	s7 =	sshrl.u32 s16, $0x3  }
0x1b: {  	s28 =	sadd.s32 $0x3000, s4;
	[dreg:$0x14] =	wrdreg s0;
	s7 =	sadd.s32 s1, s7  }
0x1c: {  	s4 =	simm.s32 $0x3000;
	[dreg:$0xa] =	wrdreg s7;
	s7 =	sshrl.u32 s18, $0x3  }
0x1d: {  	s10 =	simm.s32 $0x4000;
	[dreg:$0x15] =	wrdreg s28;
	s7 =	sadd.s32 s1, s7  }
0x1e: {  	s12 =	simm.s32 $0x600;
	[dreg:$0xc] =	wrdreg s7;
	s7 =	sadd.s32 s1, s21  }
.Ltmp0:
0x1f: {  	[dreg:$0xe] =	wrdreg s7;
	s7 =	sshrl.u32 s23, $0x3;
	(pc) =	sbr.rel .LBB2_1-.Ltmp0, $4  }
0x20: {  	s0 =	simm.s32 $0x480;
	s8 =	simm.s32 $0x3800;
	s7 =	sadd.s32 s1, s7  }
0x21: {  	s14 =	simm.s32 $0x700;
	[dreg:$0x10] =	wrdreg s7;
	s7 =	sshrl.u32 s25, $0x3  }
0x22: {  	s16 =	simm.s32 $0x0;
	s25 =	simm.s32 $0x800;
	s7 =	sadd.s32 s1, s7  }
0x23: {  	s1 =	simm.s32 $0x2800;
	[dreg:$0x12] =	wrdreg s7;
	s7 =	simm.s32 $0x500  }
.LBB2_7:
0x24: {  	s17 =	simm.s32 $0x3  }
0x25: {  	_ =	swait.ge [sflag:s17], $0x800  }
0x26: {  	[sflag:s17] =	ssyncset.done $0x0  }
0x27: {  	[sflag:s17] =	ssyncadd.s32 $0xFFFFF800  }
0x28: {  	_ =	swait.ge [sflag:s17], $0x800  }
0x29: {  	[sflag:s17] =	ssyncset.done $0x0  }
0x2a: {  	[sflag:s17] =	ssyncadd.s32 $0xFFFFF800  }
0x2b: {  	_ =	swait.ge [sflag:s17], $0x800  }
0x2c: {  	[sflag:s17] =	ssyncset.done $0x0  }
0x2d: {  	[sflag:s17] =	ssyncadd.s32 $0xFFFFF800  }
0x2e: {  	_ =	swait.ge [sflag:s17], $0x800  }
0x2f: {  	[sflag:s17] =	ssyncset.done $0x0  }
0x30: {  	[sflag:s17] =	ssyncadd.s32 $0xFFFFF800  }
0x31: {  	_ =	swait.ge [sflag:s29], $0x800  }
0x32: {  	[sflag:s29] =	ssyncset.done $0x0  }
0x33: {  	[sflag:s29] =	ssyncadd.s32 $0xFFFFF800  }
0x34: {  	_ =	swait.ge [sflag:s29], $0x800  }
0x35: {  	[sflag:s29] =	ssyncset.done $0x0  }
0x36: {  	[sflag:s29] =	ssyncadd.s32 $0xFFFFF800  }
0x37: {  	_ =	swait.ge [sflag:s29], $0x800  }
0x38: {  	[sflag:s29] =	ssyncset.done $0x0  }
0x39: {  	[sflag:s29] =	ssyncadd.s32 $0xFFFFF800  }
0x3a: {  	_ =	swait.ge [sflag:s29], $0x800  }
0x3b: {  	[sflag:s29] =	ssyncset.done $0x0  }
0x3c: {  	[sflag:s29] =	ssyncadd.s32 $0xFFFFF800  }
0x3d: {  	[bflag:$0x0] =	sbarrier.arrive $0xFFFF  }
0x3e: {  	s28 =	rddreg [dreg:$0x4]  }
0x3f: {  	[tilespmem:s25], [sflag:$0x5] =	stream.linear.gather [spmem:s28], $0x3200, $0x38;
	[tilespmem:$0x1D800] =	vst v63  }
0x40: {  	_ =	swait.ge [sflag:s26], $0x3200  }
0x41: {  	[sflag:s26] =	ssyncset.done $0x0  }
0x42: {  	s18 =	rddreg [dreg:$0x6];
	[sflag:s26] =	ssyncadd.s32 $0xFFFFCE00  }
0x43: {  	[hbm4b:s18+s3] =	stream.linear.scatter [tilespmem:s25], [sflag:$0x5], $0x3200, $0x38;
	[tilespmem:$0x1D800] =	vst v63  }
0x44: {  	_ =	swait.ge [sflag:s26], $0x3200  }
0x45: {  	[sflag:s26] =	ssyncset.done $0x0  }
0x46: {  	s19 =	rddreg [dreg:$0x7];
	[sflag:s26] =	ssyncadd.s32 $0xFFFFCE00  }
0x47: {  	[tilespmem:s25], [sflag:$0x5] =	stream.linear.gather [spmem:s19], $0x3200, $0x38;
	[tilespmem:$0x1D800] =	vst v63  }
0x48: {  	_ =	swait.ge [sflag:s26], $0x3200  }
0x49: {  	[sflag:s26] =	ssyncset.done $0x0  }
0x4a: {  	s20 =	rddreg [dreg:$0x8];
	[sflag:s26] =	ssyncadd.s32 $0xFFFFCE00  }
0x4b: {  	[hbm4b:s20+s3] =	stream.linear.scatter [tilespmem:s25], [sflag:$0x5], $0x3200, $0x38;
	[tilespmem:$0x1D800] =	vst v63  }
0x4c: {  	_ =	swait.ge [sflag:s26], $0x3200  }
0x4d: {  	[sflag:s26] =	ssyncset.done $0x0  }
0x4e: {  	s21 =	rddreg [dreg:$0x9];
	[sflag:s26] =	ssyncadd.s32 $0xFFFFCE00  }
0x4f: {  	[tilespmem:s25], [sflag:$0x5] =	stream.linear.gather [spmem:s21], $0x3200, $0x38;
	[tilespmem:$0x1D800] =	vst v63  }
0x50: {  	_ =	swait.ge [sflag:s26], $0x3200  }
0x51: {  	[sflag:s26] =	ssyncset.done $0x0  }
0x52: {  	s22 =	rddreg [dreg:$0xa];
	[sflag:s26] =	ssyncadd.s32 $0xFFFFCE00  }
0x53: {  	[hbm4b:s22+s3] =	stream.linear.scatter [tilespmem:s25], [sflag:$0x5], $0x3200, $0x38;
	[tilespmem:$0x1D800] =	vst v63  }
0x54: {  	_ =	swait.ge [sflag:s26], $0x3200  }
0x55: {  	[sflag:s26] =	ssyncset.done $0x0  }
0x56: {  	s23 =	rddreg [dreg:$0xb];
	[sflag:s26] =	ssyncadd.s32 $0xFFFFCE00  }
0x57: {  	[tilespmem:s25], [sflag:$0x5] =	stream.linear.gather [spmem:s23], $0x3200, $0x38;
	[tilespmem:$0x1D800] =	vst v63  }
0x58: {  	_ =	swait.ge [sflag:s26], $0x3200  }
0x59: {  	[sflag:s26] =	ssyncset.done $0x0  }
0x5a: {  	s24 =	rddreg [dreg:$0xc];
	[sflag:s26] =	ssyncadd.s32 $0xFFFFCE00  }
0x5b: {  	[hbm4b:s24+s3] =	stream.linear.scatter [tilespmem:s25], [sflag:$0x5], $0x3200, $0x38;
	[tilespmem:$0x1D800] =	vst v63  }
0x5c: {  	_ =	swait.ge [sflag:s26], $0x3200  }
0x5d: {  	[sflag:s26] =	ssyncset.done $0x0  }
0x5e: {  	s28 =	rddreg [dreg:$0xd];
	[sflag:s26] =	ssyncadd.s32 $0xFFFFCE00  }
0x5f: {  	[tilespmem:s25], [sflag:$0x5] =	stream.linear.gather [spmem:s28], $0x3200, $0x38;
	[tilespmem:$0x1D800] =	vst v63  }
0x60: {  	_ =	swait.ge [sflag:s26], $0x3200  }
0x61: {  	[sflag:s26] =	ssyncset.done $0x0  }
0x62: {  	s18 =	rddreg [dreg:$0xe];
	[sflag:s26] =	ssyncadd.s32 $0xFFFFCE00  }
0x63: {  	[hbm4b:s18+s3] =	stream.linear.scatter [tilespmem:s25], [sflag:$0x5], $0x3200, $0x38;
	[tilespmem:$0x1D800] =	vst v63  }
0x64: {  	_ =	swait.ge [sflag:s26], $0x3200  }
0x65: {  	[sflag:s26] =	ssyncset.done $0x0  }
0x66: {  	s19 =	rddreg [dreg:$0xf];
	[sflag:s26] =	ssyncadd.s32 $0xFFFFCE00  }
0x67: {  	[tilespmem:s25], [sflag:$0x5] =	stream.linear.gather [spmem:s19], $0x3200, $0x38;
	[tilespmem:$0x1D800] =	vst v63  }
0x68: {  	_ =	swait.ge [sflag:s26], $0x3200  }
0x69: {  	[sflag:s26] =	ssyncset.done $0x0  }
0x6a: {  	s20 =	rddreg [dreg:$0x10];
	[sflag:s26] =	ssyncadd.s32 $0xFFFFCE00  }
0x6b: {  	[hbm4b:s20+s3] =	stream.linear.scatter [tilespmem:s25], [sflag:$0x5], $0x3200, $0x38;
	[tilespmem:$0x1D800] =	vst v63  }
0x6c: {  	_ =	swait.ge [sflag:s26], $0x3200  }
0x6d: {  	[sflag:s26] =	ssyncset.done $0x0  }
0x6e: {  	s21 =	rddreg [dreg:$0x11];
	[sflag:s26] =	ssyncadd.s32 $0xFFFFCE00  }
0x6f: {  	[tilespmem:s25], [sflag:$0x5] =	stream.linear.gather [spmem:s21], $0x3200, $0x38;
	[tilespmem:$0x1D800] =	vst v63  }
0x70: {  	_ =	swait.ge [sflag:s26], $0x3200  }
0x71: {  	[sflag:s26] =	ssyncset.done $0x0  }
0x72: {  	s22 =	rddreg [dreg:$0x12];
	[sflag:s26] =	ssyncadd.s32 $0xFFFFCE00  }
0x73: {  	[hbm4b:s22+s3] =	stream.linear.scatter [tilespmem:s25], [sflag:$0x5], $0x3200, $0x38;
	[tilespmem:$0x1D800] =	vst v63  }
0x74: {  	_ =	swait.ge [sflag:s26], $0x3200  }
0x75: {  	[sflag:s26] =	ssyncset.done $0x0  }
0x76: {  	s23 =	rddreg [dreg:$0x13];
	[sflag:s26] =	ssyncadd.s32 $0xFFFFCE00  }
0x77: {  	[tilespmem:s25], [sflag:$0x5] =	stream.linear.gather [spmem:s23], $0x3200, $0x38;
	[tilespmem:$0x1D800] =	vst v63  }
0x78: {  	_ =	swait.ge [sflag:s26], $0x3200  }
0x79: {  	[sflag:s26] =	ssyncset.done $0x0  }
0x7a: {  	s24 =	rddreg [dreg:$0x14];
	[sflag:s26] =	ssyncadd.s32 $0xFFFFCE00  }
0x7b: {  	[hbm4b:s24+s3] =	stream.linear.scatter [tilespmem:s25], [sflag:$0x5], $0x3200, $0x38;
	[tilespmem:$0x1D800] =	vst v63  }
0x7c: {  	_ =	swait.ge [sflag:s26], $0x3200  }
0x7d: {  	s16 =	sadd.s32 $0x1, s16;
	s28 =	rddreg [dreg:$0x5]  }
0x7e: {  	p0 =	sne.s32 s16, s28  }
.Ltmp1:
0x7f: {  	_ = 	snop;
	(pc) =	sbr.rel @!p0 .LBB2_8-.Ltmp1, $3  }
0x80: {  	_ =	sdelay $0x1  }
0x81: {  	[sflag:s26] =	ssyncset.done $0x0  }
0x82: {  	[sflag:s26] =	ssyncadd.s32 $0xFFFFCE00  }
.LBB2_1:
0x83: {  	s17 =	rddreg [dreg:$0x3]  }
0x84: {  	[tilespmem:s25], [sflag:$0x5] =	stream.linear.gather [hbm4b:s17+s3], $0x800, $0x38;
	[tilespmem:$0x1D800] =	vst v63  }
0x85: {  	_ =	swait.ge [sflag:s26], $0x800  }
0x86: {  	[sflag:s26] =	ssyncset.done $0x0  }
0x87: {  	s28 =	sadd.s32 $0x0, s6;
	[sflag:s26] =	ssyncadd.s32 $0xFFFFF800  }
0x88: {  	[spmem:s28] =	stream.linear.scatter [tilespmem:s25], [sflag:$0x5], $0x800, $0x38;
	[tilespmem:$0x1D800] =	vst v63  }
0x89: {  	s17 =	simm.s32 $0x2000;
	_ =	swait.ge [sflag:s26], $0x800  }
.LBB2_2:
0x8a: {  	s24 =	sshra.s32 s17, $0x2;
	[sflag:s26] =	ssyncset.done $0x0;
	p0 =	sne.s32 s17, $0x62000  }
.Ltmp2:
0x8b: {  	s24 =	sadd.s32 s24, s6;
	[sflag:s26] =	ssyncadd.s32 $0xFFFFF800;
	(pc) =	sbr.rel @p0 .LBB2_2-.Ltmp2, $3  }
0x8c: {  	[spmem:s24] =	stream.linear.scatter [tilespmem:s25], [sflag:$0x5], $0x800, $0x38;
	[tilespmem:$0x1D800] =	vst v63  }
0x8d: {  	s17 =	sadd.s32 $0x2000, s17;
	_ =	sdelay $0x1  }
0x8e: {  	_ =	swait.ge [sflag:s26], $0x800  }
.Ltmp3:
0x8f: {  	(pc) =	sbr.rel .LBB2_4-.Ltmp3, $4  }
0x90: {  	[sflag:s26] =	ssyncset.done $0x0  }
0x91: {  	[sflag:s26] =	ssyncadd.s32 $0xFFFFF800  }
0x92: {  	[bflag:$0x0] =	sbarrier.arrive $0xFFFF  }
0x93: {  	s17 =	simm.s32 $0x0;
	s24 =	rddreg [dreg:$0x15]  }
.LBB2_6:
0x94: {  	s17 =	sadd.s32 $0x1, s17  }
0x95: {  	p0 =	sne.s32 s17, $0xC4  }
.Ltmp4:
0x96: {  	_ = 	snop;
	(pc) =	sbr.rel @!p0 .LBB2_7-.Ltmp4, $2  }
0x97: {  	_ =	sdelay $0x2  }
0x98: {  	s24 =	sadd.s32 $0x80, s24  }
.LBB2_4:
0x99: {  	s19 =	sand.u32 $0x1, s17  }
0x9a: {  	p0 =	seq.s32 s19, $0x1  }
0x9b: {  	p1 =	slt.u32 @!p0 s17, $0x2  }
0x9c: {  	p1 =	por p1, p0  }
0x9d: {  	s20 =	simm.s32 @!p1 $0x3  }
0x9e: {  	_ =	swait.ge @!p1 [sflag:s20], $0x800  }
0x9f: {  	[sflag:s20] =	ssyncset.done @!p1 $0x0  }
0xa0: {  	[sflag:s20] =	ssyncadd.s32 @!p1 $0xFFFFF800  }
0xa1: {  	_ =	swait.ge @!p1 [sflag:s20], $0x800  }
0xa2: {  	[sflag:s20] =	ssyncset.done @!p1 $0x0  }
0xa3: {  	[sflag:s20] =	ssyncadd.s32 @!p1 $0xFFFFF800  }
0xa4: {  	_ =	swait.ge @!p1 [sflag:s20], $0x800  }
0xa5: {  	[sflag:s20] =	ssyncset.done @!p1 $0x0  }
0xa6: {  	[sflag:s20] =	ssyncadd.s32 @!p1 $0xFFFFF800  }
0xa7: {  	_ =	swait.ge @!p1 [sflag:s20], $0x800  }
0xa8: {  	[sflag:s20] =	ssyncset.done @!p1 $0x0  }
0xa9: {  	s21 =	simm.s32 @!p0 $0x5;
	[sflag:s20] =	ssyncadd.s32 @!p1 $0xFFFFF800;
	s20 =	simm.s32 @!p0 $0x0  }
0xaa: {  	[tilespmem:s20], [sflag:$0x5] =	stream.linear.gather @!p0 [hbm4b:s24+s20], $0x400, $0x38;
	[tilespmem:$0x1D800] =	vst v63  }
0xab: {  	_ =	swait.ge @!p0 [sflag:s21], $0x400  }
0xac: {  	[sflag:s21] =	ssyncset.done @!p0 $0x0  }
0xad: {  	s22 =	simm.s32 @!p0 $0x800;
	[sflag:s21] =	ssyncadd.s32 @!p0 $0xFFFFFC00;
	s21 =	simm.s32 @!p0 $0x80  }
0xae: {  	[tilespmem:s22], [sflag:$0x1] =	stream.indirect.gather @!p0 [hbm4b:s5+s21], $0x10, s20, s21, $0xb8;
	[tilespmem:$0x1D800] =	vst v63  }
0xaf: {  	s20 =	simm.s32 @!p0 $0x1000  }
0xb0: {  	[tilespmem:s20], [sflag:$0x1] =	stream.indirect.gather @!p0 [hbm4b:s5+s21], $0x10, s21, s21, $0xb8;
	[tilespmem:$0x1D800] =	vst v63  }
0xb1: {  	s23 =	simm.s32 @!p0 $0x100;
	s18 =	simm.s32 @!p0 $0x1800  }
0xb2: {  	[tilespmem:s18], [sflag:$0x1] =	stream.indirect.gather @!p0 [hbm4b:s5+s21], $0x10, s23, s21, $0xb8;
	[tilespmem:$0x1D800] =	vst v63  }
0xb3: {  	s28 =	simm.s32 @!p0 $0x2000;
	s23 =	simm.s32 @!p0 $0x180  }
0xb4: {  	[tilespmem:s28], [sflag:$0x1] =	stream.indirect.gather @!p0 [hbm4b:s5+s21], $0x10, s23, s21, $0xb8;
	[tilespmem:$0x1D800] =	vst v63  }
0xb5: {  	s23 =	simm.s32 @!p0 $0x1  }
0xb6: {  	_ =	swait.ge @!p0 [sflag:s23], $0x800  }
0xb7: {  	[sflag:s23] =	ssyncset.done @!p0 $0x0  }
0xb8: {  	[sflag:s23] =	ssyncadd.s32 @!p0 $0xFFFFF800  }
0xb9: {  	_ =	swait.ge @!p0 [sflag:s23], $0x800  }
0xba: {  	[sflag:s23] =	ssyncset.done @!p0 $0x0  }
0xbb: {  	[sflag:s23] =	ssyncadd.s32 @!p0 $0xFFFFF800  }
0xbc: {  	_ =	swait.ge @!p0 [sflag:s23], $0x800  }
0xbd: {  	[sflag:s23] =	ssyncset.done @!p0 $0x0  }
0xbe: {  	[sflag:s23] =	ssyncadd.s32 @!p0 $0xFFFFF800  }
0xbf: {  	_ =	swait.ge @!p0 [sflag:s23], $0x800  }
0xc0: {  	[sflag:s23] =	ssyncset.done @!p0 $0x0  }
0xc1: {  	[sflag:s23] =	ssyncadd.s32 @!p0 $0xFFFFF800;
	s23 =	simm.s32 @!p0 $0x200  }
0xc2: {  	[spmem:s2] =	stream.indirect.scatter.add.f32 @!p0 [tilespmem:s22], [sflag:$0x3], $0x10, s23, s21, $0xb8;
	[tilespmem:$0x1D800] =	vst v63  }
0xc3: {  	s22 =	simm.s32 @!p0 $0x280  }
0xc4: {  	[spmem:s2] =	stream.indirect.scatter.add.f32 @!p0 [tilespmem:s20], [sflag:$0x3], $0x10, s22, s21, $0xb8;
	[tilespmem:$0x1D800] =	vst v63  }
0xc5: {  	s20 =	simm.s32 @!p0 $0x300  }
0xc6: {  	[spmem:s2] =	stream.indirect.scatter.add.f32 @!p0 [tilespmem:s18], [sflag:$0x3], $0x10, s20, s21, $0xb8;
	[tilespmem:$0x1D800] =	vst v63  }
0xc7: {  	p1 =	seq.s32 @!p0 s19, $0x0;
	s18 =	simm.s32 @!p0 $0x380  }
0xc8: {  	[spmem:s2] =	stream.indirect.scatter.add.f32 @!p0 [tilespmem:s28], [sflag:$0x3], $0x10, s18, s21, $0xb8;
	[tilespmem:$0x1D800] =	vst v63  }
0xc9: {  	p0 =	por p0, !p1  }
.Ltmp5:
0xca: {  	_ = 	snop;
	(pc) =	sbr.rel @!p0 .LBB2_6-.Ltmp5, $1  }
0xcb: {  	_ =	sdelay $0x3  }
0xcc: {  	p0 =	slt.u32 s17, $0x2  }
0xcd: {  	s18 =	simm.s32 @!p0 $0x4  }
0xce: {  	_ =	swait.ge @!p0 [sflag:s18], $0x800  }
0xcf: {  	[sflag:s18] =	ssyncset.done @!p0 $0x0  }
0xd0: {  	[sflag:s18] =	ssyncadd.s32 @!p0 $0xFFFFF800  }
0xd1: {  	_ =	swait.ge @!p0 [sflag:s18], $0x800  }
0xd2: {  	[sflag:s18] =	ssyncset.done @!p0 $0x0  }
0xd3: {  	[sflag:s18] =	ssyncadd.s32 @!p0 $0xFFFFF800  }
0xd4: {  	_ =	swait.ge @!p0 [sflag:s18], $0x800  }
0xd5: {  	[sflag:s18] =	ssyncset.done @!p0 $0x0  }
0xd6: {  	[sflag:s18] =	ssyncadd.s32 @!p0 $0xFFFFF800  }
0xd7: {  	_ =	swait.ge @!p0 [sflag:s18], $0x800  }
0xd8: {  	[sflag:s18] =	ssyncset.done @!p0 $0x0  }
0xd9: {  	[sflag:s18] =	ssyncadd.s32 @!p0 $0xFFFFF800  }
0xda: {  	[tilespmem:s30], [sflag:$0x5] =	stream.linear.gather [hbm4b:s24+s3], $0x400, $0x38;
	[tilespmem:$0x1D800] =	vst v63  }
0xdb: {  	_ =	swait.ge [sflag:s26], $0x400  }
0xdc: {  	[sflag:s26] =	ssyncset.done $0x0  }
0xdd: {  	[sflag:s26] =	ssyncadd.s32 $0xFFFFFC00  }
0xde: {  	[tilespmem:s1], [sflag:$0x2] =	stream.indirect.gather [hbm4b:s5+s31], $0x10, s30, s31, $0xb8;
	[tilespmem:$0x1D800] =	vst v63  }
0xdf: {  	_ = 	snop  }
0xe0: {  	[tilespmem:s4], [sflag:$0x2] =	stream.indirect.gather [hbm4b:s5+s31], $0x10, s0, s31, $0xb8;
	[tilespmem:$0x1D800] =	vst v63  }
0xe1: {  	_ = 	snop  }
0xe2: {  	[tilespmem:s8], [sflag:$0x2] =	stream.indirect.gather [hbm4b:s5+s31], $0x10, s7, s31, $0xb8;
	[tilespmem:$0x1D800] =	vst v63  }
0xe3: {  	_ = 	snop  }
0xe4: {  	[tilespmem:s10], [sflag:$0x2] =	stream.indirect.gather [hbm4b:s5+s31], $0x10, s9, s31, $0xb8;
	[tilespmem:$0x1D800] =	vst v63  }
0xe5: {  	_ =	swait.ge [sflag:s11], $0x800  }
0xe6: {  	[sflag:s11] =	ssyncset.done $0x0  }
0xe7: {  	[sflag:s11] =	ssyncadd.s32 $0xFFFFF800  }
0xe8: {  	_ =	swait.ge [sflag:s11], $0x800  }
0xe9: {  	[sflag:s11] =	ssyncset.done $0x0  }
0xea: {  	[sflag:s11] =	ssyncadd.s32 $0xFFFFF800  }
0xeb: {  	_ =	swait.ge [sflag:s11], $0x800  }
0xec: {  	[sflag:s11] =	ssyncset.done $0x0  }
0xed: {  	[sflag:s11] =	ssyncadd.s32 $0xFFFFF800  }
0xee: {  	_ =	swait.ge [sflag:s11], $0x800  }
0xef: {  	[sflag:s11] =	ssyncset.done $0x0  }
0xf0: {  	[sflag:s11] =	ssyncadd.s32 $0xFFFFF800  }
0xf1: {  	[spmem:s2] =	stream.indirect.scatter.add.f32 [tilespmem:s1], [sflag:$0x4], $0x10, s12, s31, $0xb8;
	[tilespmem:$0x1D800] =	vst v63  }
0xf2: {  	_ = 	snop  }
0xf3: {  	[spmem:s2] =	stream.indirect.scatter.add.f32 [tilespmem:s4], [sflag:$0x4], $0x10, s13, s31, $0xb8;
	[tilespmem:$0x1D800] =	vst v63  }
.Ltmp6:
0xf4: {  	_ = 	snop;
	(pc) =	sbr.rel .LBB2_6-.Ltmp6, $4  }
0xf5: {  	_ = 	snop  }
0xf6: {  	[spmem:s2] =	stream.indirect.scatter.add.f32 [tilespmem:s8], [sflag:$0x4], $0x10, s14, s31, $0xb8;
	[tilespmem:$0x1D800] =	vst v63  }
0xf7: {  	_ = 	snop  }
0xf8: {  	[spmem:s2] =	stream.indirect.scatter.add.f32 [tilespmem:s10], [sflag:$0x4], $0x10, s15, s31, $0xb8;
	[tilespmem:$0x1D800] =	vst v63  }
.LBB2_8:
0xf9: {  	_ =	sfence.sel $0x180000  }
0xfa: {  	[bflag:$0x0] =	sbarrier.arrive $0xFFFF  }
0xfb: {  	_ =	strace $0x9000004D  }
0xfc: {  	s0 =	stileid.u32;
	[bflag:$0x2] =	sbarrier.arrive $0xFFFF  }
0xfd: {  	p0 =	sne.s32 s0, $0x0;
	s0 =	rddreg [dreg:$0x2]  }
0xfe: {  	s0 =	sadd.s32 @!p0 $0x100000, s0  }
0xff: {  	[sflag:s0] =	ssyncadd.tile.s32 @!p0 $0x1;
	_ =	shalt  }
.Lfunc_end2:
_tile_overlayer_lowered:
.L_overlay_start_2:
0x100: {  	(tag) =	ssettag $0x2  }
0x101: {  	s0 =	rddreg [dreg:$0x0];
	s2 =	stileid.u32  }
0x102: {  	s1 =	rddreg [dreg:$0x1];
	p0 =	sne.s32 s2, $0x0  }
0x103: {  	s3 =	rddreg [dreg:$0x2];
	[bflag:$0x3] =	sbarrier.arrive $0xFFFF;
	s2 =	simm.s32 @!p0 $0x1C05  }
0x104: {  	[timem:s3], [sflag:s2] =	dma.local @!p0 [hbm:s0], s1  }
0x105: {  	s0 =	simm.s32 @!p0 $0x5  }
0x106: {  	_ =	swait.ge @!p0 [sflag:s0], s1  }
0x107: {  	s1 =	ssub.s32 @!p0 $0x0, s1;
	[sflag:s0] =	ssyncset.done @!p0 $0x0  }
0x108: {  	[sflag:s0] =	ssyncadd.s32 @!p0 s1  }
0x109: {  	[bflag:$0x3] =	sbarrier.arrive $0xFFFF  }
0x10a: {  	_ =	shalt  }

// kernel: kernel.18.cloned.1.call-start
scs
__scs_entry_jumppad:
0x0: {  	(pc) =	sbr.rel $0x88, $3  }
0x1: {  	(tag) =	ssettag $0x0;
	lr =	simm.s32 $0x1  }
0x2: {  	[smem:$0x3F9B] =	sst lr;
	_ =	strace $0xD0000000  }
0x3: {  	_ = 	snop  }
0x4: {  	_ = 	snop  }
0x5: {  	_ = 	snop  }
0x6: {  	_ = 	snop  }
0x7: {  	_ = 	snop  }
__scs_overlays_trampoline_lowered:
0x8: {  	[smem:$0x3FAA] =	sst s0  }
0x9: {  	[smem:$0x3FAB] =	sst s1  }
0xa: {  	[smem:$0x3FAC] =	sst s2  }
0xb: {  	[smem:$0x3FAD] =	sst s3  }
0xc: {  	[smem:$0x3FAE] =	sst s4  }
0xd: {  	[smem:$0x3FAF] =	sst s5  }
0xe: {  	[smem:$0x3FB0] =	sst s6  }
0xf: {  	[smem:$0x3FB1] =	sst s7  }
0x10: {  	[smem:$0x3FB2] =	sst s8  }
0x11: {  	[smem:$0x3FB3] =	sst s9;
	s0 =	simm.s32 @!p0 $0x0  }
0x12: {  	s1 =	sld [smem:$0x3F99];
	s0 =	simm.s32 @p0 $0x1  }
0x13: {  	[smem:$0x3FB4] =	sst s0;
	s0 =	simm.s32 @!p1 $0x0  }
0x14: {  	s2 =	sld [smem:$0x3F98];
	s0 =	simm.s32 @p1 $0x1  }
0x15: {  	[smem:$0x3FB5] =	sst s0;
	s0 =	simm.s32 @!p2 $0x0  }
0x16: {  	s3 =	sld [smem:$0x3FDB];
	s0 =	simm.s32 @p2 $0x1  }
0x17: {  	s4 =	simm.s32 $0x1BF5;
	[smem:$0x3FB7] =	sst s0  }
0x18: {  	s0 =	sld [smem:$0x3F9A];
	_ =	swait.ge [sflag:s4], $0x0  }
0x19: {  	s7 =	sld [smem:$0x3F9B]  }
0x1a: {  	s8 =	sadd.s32 $0xFFFFE003, lr  }
0x1b: {  	s9 =	sadd.s32 $0xFFFFFEF7, lr;
	s5 =	simm.s32 $0xFFFFFFFF;
	p2 =	slt.u32 s8, $0xFFFFF086  }
0x1c: {  	p1 =	slt.u32 s9, $0xF7A;
	s5 =	simm.s32 @!p2 $0x0  }
0x1d: {  	s5 =	simm.s32 @p1 $0x1;
	p0 =	seq.s32 s7, s2  }
0x1e: {  	s7 =	smul.u32 @!p0 $0xF7A, s2;
	p2 =	seq.s32 @!p0 s5, $0x0  }
0x1f: {  	s9 =	smul.u32 $0xF7A, s1;
	s8 =	simm.s32 @!p0 $0x1BF5;
	p2 =	por !p2, p0  }
0x20: {  	[sflag:s8] =	ssyncset.s32 @!p0 $0xFFFFF086;
	s6 =	sadd.s32 @!p0 s3, s7;
	s7 =	simm.s32 @!p0 $0x108  }
0x21: {  	s3 =	sadd.s32 s3, s9;
	s6 =	sadd.s32 @!p0 $0x88, s6;
	s7 =	simm.s32 @p2 $0x1082  }
0x22: {  	[simem:s7], [sflag:s8] =	dma.local @!p0 [hbm:s6], $0xF7A  }
0x23: {  	s9 =	sor.u32 $0xD0000000, s2;
	s6 =	simm.s32 $0x108;
	_ =	swait.ge @!p0 [sflag:s8], $0x0  }
0x24: {  	s3 =	sadd.s32 $0x88, s3;
	s6 =	simm.s32 @!p1 $0x1082;
	[sflag:s4] =	ssyncset.s32 $0xFFFFF086  }
0x25: {  	[simem:s6], [sflag:s4] =	dma.local [hbm:s3], $0xF7A  }
0x26: {  	[smem:$0x3F9B] =	sst s1;
	(tag) =	ssettag s2;
	_ =	strace s9  }
0x27: {  	s1 =	sld [smem:$0x3FAB]  }
0x28: {  	s2 =	sld [smem:$0x3FAC]  }
0x29: {  	s4 =	sld [smem:$0x3FAE]  }
0x2a: {  	p0 =	seq.s32 s5, $0x0;
	s5 =	sld [smem:$0x3FAF]  }
0x2b: {  	s6 =	sld [smem:$0x3FB0]  }
0x2c: {  	s7 =	sld [smem:$0x3FB1]  }
0x2d: {  	s3 =	simm.s32 $0x108;
	s8 =	sld [smem:$0x3FB2]  }
0x2e: {  	s3 =	simm.s32 @!p0 $0x1082;
	s9 =	sld [smem:$0x3FB3]  }
0x2f: {  	lr =	sadd.s32 s0, s3;
	s0 =	sld [smem:$0x3FAA]  }
0x30: {  	s3 =	sld [smem:$0x3FAD]  }
0x31: {  	[smem:$0x3FB6] =	sst s10  }
0x32: {  	s10 =	sld [smem:$0x3FB4];
	_ =	sdelay $0x3  }
0x33: {  	p0 =	seq.s32 s10, $0x1;
	s10 =	sld [smem:$0x3FB6];
	_ =	sdelay $0x3  }
0x34: {  	[smem:$0x3FB6] =	sst s10  }
0x35: {  	s10 =	sld [smem:$0x3FB5];
	_ =	sdelay $0x3  }
0x36: {  	p1 =	seq.s32 s10, $0x1;
	s10 =	sld [smem:$0x3FB6];
	_ =	sdelay $0x3  }
0x37: {  	[smem:$0x3FB6] =	sst s10  }
0x38: {  	s10 =	sld [smem:$0x3FB7]  }
0x39: {  	_ = 	snop;
	(pc) =	sbr.ind lr, $3  }
0x3a: {  	_ = 	snop  }
0x3b: {  	_ = 	snop  }
0x3c: {  	p2 =	seq.s32 s10, $0x1;
	s10 =	sld [smem:$0x3FB6]  }
0x3d: {  	_ =	shalt  }
0x3e: {  	_ =	shalt  }
0x3f: {  	_ =	shalt  }
0x40: {  	_ =	shalt  }
0x41: {  	_ =	shalt  }
0x42: {  	_ =	shalt  }
0x43: {  	_ =	shalt  }
0x44: {  	_ =	shalt  }
0x45: {  	_ =	shalt  }
0x46: {  	_ =	shalt  }
0x47: {  	_ =	shalt  }
0x48: {  	_ =	shalt  }
0x49: {  	_ =	shalt  }
0x4a: {  	_ =	shalt  }
0x4b: {  	_ =	shalt  }
0x4c: {  	_ =	shalt  }
0x4d: {  	_ =	shalt  }
0x4e: {  	_ =	shalt  }
0x4f: {  	_ =	shalt  }
0x50: {  	_ =	shalt  }
0x51: {  	_ =	shalt  }
0x52: {  	_ =	shalt  }
0x53: {  	_ =	shalt  }
0x54: {  	_ =	shalt  }
0x55: {  	_ =	shalt  }
0x56: {  	_ =	shalt  }
0x57: {  	_ =	shalt  }
0x58: {  	_ =	shalt  }
0x59: {  	_ =	shalt  }
0x5a: {  	_ =	shalt  }
0x5b: {  	_ =	shalt  }
0x5c: {  	_ =	shalt  }
0x5d: {  	_ =	shalt  }
0x5e: {  	_ =	shalt  }
0x5f: {  	_ =	shalt  }
0x60: {  	_ =	shalt  }
0x61: {  	_ =	shalt  }
0x62: {  	_ =	shalt  }
0x63: {  	_ =	shalt  }
0x64: {  	_ =	shalt  }
0x65: {  	_ =	shalt  }
0x66: {  	_ =	shalt  }
0x67: {  	_ =	shalt  }
0x68: {  	_ =	shalt  }
0x69: {  	_ =	shalt  }
0x6a: {  	_ =	shalt  }
0x6b: {  	_ =	shalt  }
0x6c: {  	_ =	shalt  }
0x6d: {  	_ =	shalt  }
0x6e: {  	_ =	shalt  }
0x6f: {  	_ =	shalt  }
0x70: {  	_ =	shalt  }
0x71: {  	_ =	shalt  }
0x72: {  	_ =	shalt  }
0x73: {  	_ =	shalt  }
0x74: {  	_ =	shalt  }
0x75: {  	_ =	shalt  }
0x76: {  	_ =	shalt  }
0x77: {  	_ =	shalt  }
0x78: {  	_ =	shalt  }
0x79: {  	_ =	shalt  }
0x7a: {  	_ =	shalt  }
0x7b: {  	_ =	shalt  }
0x7c: {  	_ =	shalt  }
0x7d: {  	_ =	shalt  }
0x7e: {  	_ =	shalt  }
0x7f: {  	_ =	shalt  }
0x80: {  	_ =	shalt  }
0x81: {  	_ =	shalt  }
0x82: {  	_ =	shalt  }
0x83: {  	_ =	shalt  }
0x84: {  	_ =	shalt  }
0x85: {  	_ =	shalt  }
0x86: {  	_ =	shalt  }
0x87: {  	_ =	shalt  }
.Lfunc_end0:
.L_simem_size_0:
called_computation.3_lowered:
.L_overlay_start_0:
0x88: {  	s2 =	sld [smem:$0x3FD9]  }
0x89: {  	s3 =	sld [smem:$0x3FFE];
	_ =	sdelay $0x1  }
0x8a: {  	s1 =	srdreg.scid  }
0x8b: {  	s0 =	sand.u32 $0x1, s1  }
0x8c: {  	s16 =	sshll.u32 s0, $0xA;
	s2 =	sadd.s32 s3, s2  }
0x8d: {  	s2 =	sadd.s32 s2, s16  }
0x8e: {  	[smem:$0x3FC2] =	sst s2  }
0x8f: {  	_ = 	snop  }
0x90: {  	(tm) =	ssettm $0x1  }
0x91: {  	s17 =	sld [smem:$0x3FFB];
	_ =	sdelay $0x3  }
0x92: {  	_ =	strace s17  }
0x93: {  	s2 =	sld [smem:$0x3FFC];
	_ =	sdelay $0x3  }
0x94: {  	_ =	strace s2  }
0x95: {  	s2 =	sld [smem:$0x3FFD];
	_ =	sdelay $0x3  }
0x96: {  	_ =	strace s2  }
0x97: {  	_ =	strace $0x8FFFFFFF  }
0x98: {  	s18 =	sld [smem:$0x3FDB];
	_ =	sdelay $0x1  }
0x99: {  	s19 =	simm.s32 $_scs_section_size  }
0x9a: {  	s4 =	simm.s32 $_size__tile_overlayer_lowered;
	s5 =	simm.s32 $_tile_overlayer_lowered  }
0x9b: {  	s22 =	simm.s32 $0x1BFF;
	s21 =	sshll.u32 s5, $0x1;
	s2 =	sadd.s32 s19, s18  }
0x9c: {  	s6 =	simm.s32 $0x0;
	s20 =	sshll.u32 s4, $0x1;
	s4 =	sadd.s32 s21, s2  }
0x9d: {  	[timem:s6], [sflag:s22] =	dma.local [hbm:s4], s20  }
0x9e: {  	_ =	swait.ge [sflag:s22], s20  }
0x9f: {  	s3 =	ssub.s32 $0x0, s20;
	[sflag:s22] =	ssyncset.done $0x0  }
0xa0: {  	[sflag:s22] =	ssyncadd.s32 s3;
	_ =	sdelay $0x1  }
0xa1: {  	s23 =	simm.s32 $0x1B8B  }
0xa2: {  	_ =	swait.ge [sflag:s23], $0x1  }
0xa3: {  	[sflag:s23] =	ssyncset.done $0x0  }
0xa4: {  	s25 =	simm.s32 $0x1B8E;
	s24 =	sld [smem:$0x3FFE];
	[sflag:s23] =	ssyncadd.s32 $0xFFFFFFFF  }
0xa5: {  	s26 =	simm.s32 $execute0_lowered;
	[smem:$0x3FD2] =	sst s25  }
0xa6: {  	s4 =	sshll.u32 s26, $0x1;
	_ =	strace $0x8000004F;
	[dreg:$0x1] =	wrdreg $0xFFFFFFFF  }
0xa7: {  	s28 =	simm.s32 $_size_execute0_lowered;
	s2 =	sadd.s32 s2, s4;
	[dreg:$0x0] =	wrdreg $0x0  }
0xa8: {  	s4 =	sshll.u32 s28, $0x1;
	[dreg:$0x2] =	wrdreg s2  }
0xa9: {  	[dreg:$0x3] =	wrdreg s4  }
0xaa: {  	[dreg:$0x4] =	wrdreg $0xC0  }
0xab: {  	_ =	task [dreg:s6], $0x5FFFF  }
0xac: {  	[dreg:$0x1] =	wrdreg $0xFFFFFFFF  }
0xad: {  	[dreg:$0x0] =	wrdreg $0x60  }
0xae: {  	[dreg:$0x2] =	wrdreg s24  }
0xaf: {  	[dreg:$0x3] =	wrdreg $0x48000  }
0xb0: {  	[dreg:$0x4] =	wrdreg $0x9  }
0xb1: {  	_ =	task.clear_ibuf [dreg:s6], $0x5FFFF;
	_ =	strace $0x9000004F  }
0xb2: {  	s29 =	simm.s32 $0x9;
	_ =	strace $0x80000051  }
0xb3: {  	_ =	swait.ge [sflag:s29], $0x1  }
0xb4: {  	[sflag:s29] =	ssyncadd.s32 $0xFFFFFFFF  }
0xb5: {  	_ =	strace $0x90000051  }
0xb6: {  	_ =	sfence  }
0xb7: {  	s30 =	sld [smem:$0x0];
	_ =	sdelay $0x2  }
0xb8: {  	s31 =	sshll.u32 s1, $0xD;
	s1 =	sshrl.u32 s1, $0x2  }
0xb9: {  	s3 =	sand.u32 $0x4000, s31;
	s1 =	sadd.s32 s1, s30  }
0xba: {  	s0 =	sor.u32 s3, s0;
	s1 =	sshll.u32 s1, $0x11  }
0xbb: {  	s0 =	sor.u32 s1, s0  }
0xbc: {  	s0 =	sadd.s32 $0x8F2B, s0  }
0xbd: {  	[sflag:s0] =	ssyncadd.remote.s32 $0x1  }
0xbe: {  	_ =	sfence.sel $0xFFFF  }
0xbf: {  	[dreg:$0x0] =	wrdreg $0xFFFFFFFF;
	(pc) =	sbr.abs _section_cstart, $3  }
0xc0: {  	[dreg:$0x1] =	wrdreg $0xFFFFFFFF  }
0xc1: {  	_ =	task.clear_ibuf [dreg:s6], $0x2FFFF;
	_ =	strace $0x9FFFFFFF  }
0xc2: {  	(tm) =	ssettm $0x7FFFFFFF  }
0xc3: {  	_ =	shalt  }
tec
execute0_lowered:
.L_overlay_start_1:
0x0: {  	(tag) =	ssettag $0x1  }
0x1: {  	s0 =	srdreg.scid;
	s1 =	rddreg [dreg:$0x0]  }
0x2: {  	s9 =	stileid.u32;
	s2 =	rddreg [dreg:$0x1]  }
0x3: {  	s3 =	simm.s32 $0x0;
	s29 =	simm.s32 $0x4;
	s5 =	smul.u32 $0x31000, s9  }
0x4: {  	s30 =	simm.s32 $0x400;
	s31 =	simm.s32 $0x80;
	s6 =	smul.u32 $0x64000, s9  }
0x5: {  	s0 =	sand.u32 $0x1, s0;
	[smem:$0x7FF] =	sst s3;
	s9 =	smul.u32 $0x19000, s9  }
0x6: {  	s8 =	sadd.s32 $0xC7000, s1;
	s4 =	smul.u32 $0x310000, s0;
	_ =	strace $0x80000050  }
0x7: {  	[dreg:$0x3] =	wrdreg s8;
	s7 =	ssub.s32 $0x2, s0;
	s0 =	smul.u32 $0x190000, s0  }
0x8: {  	s8 =	sshrl.u32 s7, $0x1;
	s6 =	sshrl.u32 s6, $0x2;
	s10 =	sadd.s32 s9, s2  }
0x9: {  	s15 =	sadd.s32 $0x6400, s9;
	s17 =	sadd.s32 $0x9600, s9;
	s19 =	sadd.s32 $0xC800, s9  }
0xa: {  	s22 =	sadd.s32 $0xFA00, s9;
	s24 =	sadd.s32 $0x12C00, s9;
	s4 =	sadd.s32 s5, s4  }
0xb: {  	s5 =	sadd.s32 $0xF9000, s1;
	s7 =	ssub.s32 s7, s8;
	s6 =	sadd.s32 s6, s2  }
0xc: {  	[dreg:$0x4] =	wrdreg s10;
	s11 =	sadd.s32 s0, s9;
	s10 =	sadd.s32 $0x3200, s9  }
0xd: {  	s16 =	sadd.s32 s0, s15;
	s8 =	sadd.s32 s15, s2;
	s18 =	sadd.s32 s0, s17  }
0xe: {  	s20 =	sadd.s32 s0, s19;
	s23 =	sadd.s32 s0, s22;
	s25 =	sadd.s32 s0, s24  }
0xf: {  	s9 =	sadd.s32 $0x15E00, s9;
	s15 =	simm.s32 $0x780;
	s4 =	sshrl.u32 s4, $0x3  }
0x10: {  	s7 =	smax.u32 s7, $0x1;
	s12 =	sshrl.u32 s11, $0x3;
	s13 =	sadd.s32 s0, s10  }
0x11: {  	s10 =	sadd.s32 s10, s2;
	[dreg:$0x9] =	wrdreg s8;
	s8 =	sadd.s32 s17, s2  }
0x12: {  	s21 =	sshrl.u32 s20, $0x3;
	s0 =	sadd.s32 s0, s9;
	[dreg:$0x5] =	wrdreg s7  }
0x13: {  	s26 =	sadd.s32 s9, s2;
	s9 =	simm.s32 $0x580;
	[dreg:$0x7] =	wrdreg s10  }
0x14: {  	s11 =	simm.s32 $0x2;
	s4 =	sadd.s32 s4, s1;
	[dreg:$0xb] =	wrdreg s8  }
0x15: {  	s1 =	sadd.s32 $0x12B000, s1;
	s10 =	sadd.s32 s19, s2;
	[dreg:$0x13] =	wrdreg s26  }
0x16: {  	s14 =	sshrl.u32 s13, $0x3;
	s8 =	sadd.s32 s22, s2;
	[dreg:$0xd] =	wrdreg s10  }
0x17: {  	s0 =	sshrl.u32 s0, $0x3;
	s7 =	sadd.s32 s1, s12;
	[dreg:$0xf] =	wrdreg s8  }
0x18: {  	s26 =	simm.s32 $0x5;
	s8 =	sadd.s32 s24, s2;
	[dreg:$0x6] =	wrdreg s7  }
0x19: {  	s13 =	simm.s32 $0x680;
	s7 =	sadd.s32 s1, s14;
	[dreg:$0x11] =	wrdreg s8  }
0x1a: {  	s0 =	sadd.s32 s1, s0;
	[dreg:$0x8] =	wrdreg s7;
	s7 =	sshrl.u32 s16, $0x3  }
0x1b: {  	s28 =	sadd.s32 $0x3000, s4;
	[dreg:$0x14] =	wrdreg s0;
	s7 =	sadd.s32 s1, s7  }
0x1c: {  	s4 =	simm.s32 $0x3000;
	[dreg:$0xa] =	wrdreg s7;
	s7 =	sshrl.u32 s18, $0x3  }
0x1d: {  	s10 =	simm.s32 $0x4000;
	[dreg:$0x15] =	wrdreg s28;
	s7 =	sadd.s32 s1, s7  }
0x1e: {  	s12 =	simm.s32 $0x600;
	[dreg:$0xc] =	wrdreg s7;
	s7 =	sadd.s32 s1, s21  }
.Ltmp0:
0x1f: {  	[dreg:$0xe] =	wrdreg s7;
	s7 =	sshrl.u32 s23, $0x3;
	(pc) =	sbr.rel .LBB2_1-.Ltmp0, $4  }
0x20: {  	s0 =	simm.s32 $0x480;
	s8 =	simm.s32 $0x3800;
	s7 =	sadd.s32 s1, s7  }
0x21: {  	s14 =	simm.s32 $0x700;
	[dreg:$0x10] =	wrdreg s7;
	s7 =	sshrl.u32 s25, $0x3  }
0x22: {  	s16 =	simm.s32 $0x0;
	s25 =	simm.s32 $0x800;
	s7 =	sadd.s32 s1, s7  }
0x23: {  	s1 =	simm.s32 $0x2800;
	[dreg:$0x12] =	wrdreg s7;
	s7 =	simm.s32 $0x500  }
.LBB2_7:
0x24: {  	s17 =	simm.s32 $0x3  }
0x25: {  	_ =	swait.ge [sflag:s17], $0x800  }
0x26: {  	[sflag:s17] =	ssyncset.done $0x0  }
0x27: {  	[sflag:s17] =	ssyncadd.s32 $0xFFFFF800  }
0x28: {  	_ =	swait.ge [sflag:s17], $0x800  }
0x29: {  	[sflag:s17] =	ssyncset.done $0x0  }
0x2a: {  	[sflag:s17] =	ssyncadd.s32 $0xFFFFF800  }
0x2b: {  	_ =	swait.ge [sflag:s17], $0x800  }
0x2c: {  	[sflag:s17] =	ssyncset.done $0x0  }
0x2d: {  	[sflag:s17] =	ssyncadd.s32 $0xFFFFF800  }
0x2e: {  	_ =	swait.ge [sflag:s17], $0x800  }
0x2f: {  	[sflag:s17] =	ssyncset.done $0x0  }
0x30: {  	[sflag:s17] =	ssyncadd.s32 $0xFFFFF800  }
0x31: {  	_ =	swait.ge [sflag:s29], $0x800  }
0x32: {  	[sflag:s29] =	ssyncset.done $0x0  }
0x33: {  	[sflag:s29] =	ssyncadd.s32 $0xFFFFF800  }
0x34: {  	_ =	swait.ge [sflag:s29], $0x800  }
0x35: {  	[sflag:s29] =	ssyncset.done $0x0  }
0x36: {  	[sflag:s29] =	ssyncadd.s32 $0xFFFFF800  }
0x37: {  	_ =	swait.ge [sflag:s29], $0x800  }
0x38: {  	[sflag:s29] =	ssyncset.done $0x0  }
0x39: {  	[sflag:s29] =	ssyncadd.s32 $0xFFFFF800  }
0x3a: {  	_ =	swait.ge [sflag:s29], $0x800  }
0x3b: {  	[sflag:s29] =	ssyncset.done $0x0  }
0x3c: {  	[sflag:s29] =	ssyncadd.s32 $0xFFFFF800  }
0x3d: {  	[bflag:$0x0] =	sbarrier.arrive $0xFFFF  }
0x3e: {  	s28 =	rddreg [dreg:$0x4]  }
0x3f: {  	[tilespmem:s25], [sflag:$0x5] =	stream.linear.gather [spmem:s28], $0x3200, $0x38;
	[tilespmem:$0x1D800] =	vst v63  }
0x40: {  	_ =	swait.ge [sflag:s26], $0x3200  }
0x41: {  	[sflag:s26] =	ssyncset.done $0x0  }
0x42: {  	s18 =	rddreg [dreg:$0x6];
	[sflag:s26] =	ssyncadd.s32 $0xFFFFCE00  }
0x43: {  	[hbm4b:s18+s3] =	stream.linear.scatter [tilespmem:s25], [sflag:$0x5], $0x3200, $0x38;
	[tilespmem:$0x1D800] =	vst v63  }
0x44: {  	_ =	swait.ge [sflag:s26], $0x3200  }
0x45: {  	[sflag:s26] =	ssyncset.done $0x0  }
0x46: {  	s19 =	rddreg [dreg:$0x7];
	[sflag:s26] =	ssyncadd.s32 $0xFFFFCE00  }
0x47: {  	[tilespmem:s25], [sflag:$0x5] =	stream.linear.gather [spmem:s19], $0x3200, $0x38;
	[tilespmem:$0x1D800] =	vst v63  }
0x48: {  	_ =	swait.ge [sflag:s26], $0x3200  }
0x49: {  	[sflag:s26] =	ssyncset.done $0x0  }
0x4a: {  	s20 =	rddreg [dreg:$0x8];
	[sflag:s26] =	ssyncadd.s32 $0xFFFFCE00  }
0x4b: {  	[hbm4b:s20+s3] =	stream.linear.scatter [tilespmem:s25], [sflag:$0x5], $0x3200, $0x38;
	[tilespmem:$0x1D800] =	vst v63  }
0x4c: {  	_ =	swait.ge [sflag:s26], $0x3200  }
0x4d: {  	[sflag:s26] =	ssyncset.done $0x0  }
0x4e: {  	s21 =	rddreg [dreg:$0x9];
	[sflag:s26] =	ssyncadd.s32 $0xFFFFCE00  }
0x4f: {  	[tilespmem:s25], [sflag:$0x5] =	stream.linear.gather [spmem:s21], $0x3200, $0x38;
	[tilespmem:$0x1D800] =	vst v63  }
0x50: {  	_ =	swait.ge [sflag:s26], $0x3200  }
0x51: {  	[sflag:s26] =	ssyncset.done $0x0  }
0x52: {  	s22 =	rddreg [dreg:$0xa];
	[sflag:s26] =	ssyncadd.s32 $0xFFFFCE00  }
0x53: {  	[hbm4b:s22+s3] =	stream.linear.scatter [tilespmem:s25], [sflag:$0x5], $0x3200, $0x38;
	[tilespmem:$0x1D800] =	vst v63  }
0x54: {  	_ =	swait.ge [sflag:s26], $0x3200  }
0x55: {  	[sflag:s26] =	ssyncset.done $0x0  }
0x56: {  	s23 =	rddreg [dreg:$0xb];
	[sflag:s26] =	ssyncadd.s32 $0xFFFFCE00  }
0x57: {  	[tilespmem:s25], [sflag:$0x5] =	stream.linear.gather [spmem:s23], $0x3200, $0x38;
	[tilespmem:$0x1D800] =	vst v63  }
0x58: {  	_ =	swait.ge [sflag:s26], $0x3200  }
0x59: {  	[sflag:s26] =	ssyncset.done $0x0  }
0x5a: {  	s24 =	rddreg [dreg:$0xc];
	[sflag:s26] =	ssyncadd.s32 $0xFFFFCE00  }
0x5b: {  	[hbm4b:s24+s3] =	stream.linear.scatter [tilespmem:s25], [sflag:$0x5], $0x3200, $0x38;
	[tilespmem:$0x1D800] =	vst v63  }
0x5c: {  	_ =	swait.ge [sflag:s26], $0x3200  }
0x5d: {  	[sflag:s26] =	ssyncset.done $0x0  }
0x5e: {  	s28 =	rddreg [dreg:$0xd];
	[sflag:s26] =	ssyncadd.s32 $0xFFFFCE00  }
0x5f: {  	[tilespmem:s25], [sflag:$0x5] =	stream.linear.gather [spmem:s28], $0x3200, $0x38;
	[tilespmem:$0x1D800] =	vst v63  }
0x60: {  	_ =	swait.ge [sflag:s26], $0x3200  }
0x61: {  	[sflag:s26] =	ssyncset.done $0x0  }
0x62: {  	s18 =	rddreg [dreg:$0xe];
	[sflag:s26] =	ssyncadd.s32 $0xFFFFCE00  }
0x63: {  	[hbm4b:s18+s3] =	stream.linear.scatter [tilespmem:s25], [sflag:$0x5], $0x3200, $0x38;
	[tilespmem:$0x1D800] =	vst v63  }
0x64: {  	_ =	swait.ge [sflag:s26], $0x3200  }
0x65: {  	[sflag:s26] =	ssyncset.done $0x0  }
0x66: {  	s19 =	rddreg [dreg:$0xf];
	[sflag:s26] =	ssyncadd.s32 $0xFFFFCE00  }
0x67: {  	[tilespmem:s25], [sflag:$0x5] =	stream.linear.gather [spmem:s19], $0x3200, $0x38;
	[tilespmem:$0x1D800] =	vst v63  }
0x68: {  	_ =	swait.ge [sflag:s26], $0x3200  }
0x69: {  	[sflag:s26] =	ssyncset.done $0x0  }
0x6a: {  	s20 =	rddreg [dreg:$0x10];
	[sflag:s26] =	ssyncadd.s32 $0xFFFFCE00  }
0x6b: {  	[hbm4b:s20+s3] =	stream.linear.scatter [tilespmem:s25], [sflag:$0x5], $0x3200, $0x38;
	[tilespmem:$0x1D800] =	vst v63  }
0x6c: {  	_ =	swait.ge [sflag:s26], $0x3200  }
0x6d: {  	[sflag:s26] =	ssyncset.done $0x0  }
0x6e: {  	s21 =	rddreg [dreg:$0x11];
	[sflag:s26] =	ssyncadd.s32 $0xFFFFCE00  }
0x6f: {  	[tilespmem:s25], [sflag:$0x5] =	stream.linear.gather [spmem:s21], $0x3200, $0x38;
	[tilespmem:$0x1D800] =	vst v63  }
0x70: {  	_ =	swait.ge [sflag:s26], $0x3200  }
0x71: {  	[sflag:s26] =	ssyncset.done $0x0  }
0x72: {  	s22 =	rddreg [dreg:$0x12];
	[sflag:s26] =	ssyncadd.s32 $0xFFFFCE00  }
0x73: {  	[hbm4b:s22+s3] =	stream.linear.scatter [tilespmem:s25], [sflag:$0x5], $0x3200, $0x38;
	[tilespmem:$0x1D800] =	vst v63  }
0x74: {  	_ =	swait.ge [sflag:s26], $0x3200  }
0x75: {  	[sflag:s26] =	ssyncset.done $0x0  }
0x76: {  	s23 =	rddreg [dreg:$0x13];
	[sflag:s26] =	ssyncadd.s32 $0xFFFFCE00  }
0x77: {  	[tilespmem:s25], [sflag:$0x5] =	stream.linear.gather [spmem:s23], $0x3200, $0x38;
	[tilespmem:$0x1D800] =	vst v63  }
0x78: {  	_ =	swait.ge [sflag:s26], $0x3200  }
0x79: {  	[sflag:s26] =	ssyncset.done $0x0  }
0x7a: {  	s24 =	rddreg [dreg:$0x14];
	[sflag:s26] =	ssyncadd.s32 $0xFFFFCE00  }
0x7b: {  	[hbm4b:s24+s3] =	stream.linear.scatter [tilespmem:s25], [sflag:$0x5], $0x3200, $0x38;
	[tilespmem:$0x1D800] =	vst v63  }
0x7c: {  	_ =	swait.ge [sflag:s26], $0x3200  }
0x7d: {  	s16 =	sadd.s32 $0x1, s16;
	s28 =	rddreg [dreg:$0x5]  }
0x7e: {  	p0 =	sne.s32 s16, s28  }
.Ltmp1:
0x7f: {  	_ = 	snop;
	(pc) =	sbr.rel @!p0 .LBB2_8-.Ltmp1, $3  }
0x80: {  	_ =	sdelay $0x1  }
0x81: {  	[sflag:s26] =	ssyncset.done $0x0  }
0x82: {  	[sflag:s26] =	ssyncadd.s32 $0xFFFFCE00  }
.LBB2_1:
0x83: {  	s17 =	rddreg [dreg:$0x3]  }
0x84: {  	[tilespmem:s25], [sflag:$0x5] =	stream.linear.gather [hbm4b:s17+s3], $0x800, $0x38;
	[tilespmem:$0x1D800] =	vst v63  }
0x85: {  	_ =	swait.ge [sflag:s26], $0x800  }
0x86: {  	[sflag:s26] =	ssyncset.done $0x0  }
0x87: {  	s28 =	sadd.s32 $0x0, s6;
	[sflag:s26] =	ssyncadd.s32 $0xFFFFF800  }
0x88: {  	[spmem:s28] =	stream.linear.scatter [tilespmem:s25], [sflag:$0x5], $0x800, $0x38;
	[tilespmem:$0x1D800] =	vst v63  }
0x89: {  	s17 =	simm.s32 $0x2000;
	_ =	swait.ge [sflag:s26], $0x800  }
.LBB2_2:
0x8a: {  	s24 =	sshra.s32 s17, $0x2;
	[sflag:s26] =	ssyncset.done $0x0;
	p0 =	sne.s32 s17, $0x62000  }
.Ltmp2:
0x8b: {  	s24 =	sadd.s32 s24, s6;
	[sflag:s26] =	ssyncadd.s32 $0xFFFFF800;
	(pc) =	sbr.rel @p0 .LBB2_2-.Ltmp2, $3  }
0x8c: {  	[spmem:s24] =	stream.linear.scatter [tilespmem:s25], [sflag:$0x5], $0x800, $0x38;
	[tilespmem:$0x1D800] =	vst v63  }
0x8d: {  	s17 =	sadd.s32 $0x2000, s17;
	_ =	sdelay $0x1  }
0x8e: {  	_ =	swait.ge [sflag:s26], $0x800  }
.Ltmp3:
0x8f: {  	(pc) =	sbr.rel .LBB2_4-.Ltmp3, $4  }
0x90: {  	[sflag:s26] =	ssyncset.done $0x0  }
0x91: {  	[sflag:s26] =	ssyncadd.s32 $0xFFFFF800  }
0x92: {  	[bflag:$0x0] =	sbarrier.arrive $0xFFFF  }
0x93: {  	s17 =	simm.s32 $0x0;
	s24 =	rddreg [dreg:$0x15]  }
.LBB2_6:
0x94: {  	s17 =	sadd.s32 $0x1, s17  }
0x95: {  	p0 =	sne.s32 s17, $0xC4  }
.Ltmp4:
0x96: {  	_ = 	snop;
	(pc) =	sbr.rel @!p0 .LBB2_7-.Ltmp4, $2  }
0x97: {  	_ =	sdelay $0x2  }
0x98: {  	s24 =	sadd.s32 $0x80, s24  }
.LBB2_4:
0x99: {  	s19 =	sand.u32 $0x1, s17  }
0x9a: {  	p0 =	seq.s32 s19, $0x1  }
0x9b: {  	p1 =	slt.u32 @!p0 s17, $0x2  }
0x9c: {  	p1 =	por p1, p0  }
0x9d: {  	s20 =	simm.s32 @!p1 $0x3  }
0x9e: {  	_ =	swait.ge @!p1 [sflag:s20], $0x800  }
0x9f: {  	[sflag:s20] =	ssyncset.done @!p1 $0x0  }
0xa0: {  	[sflag:s20] =	ssyncadd.s32 @!p1 $0xFFFFF800  }
0xa1: {  	_ =	swait.ge @!p1 [sflag:s20], $0x800  }
0xa2: {  	[sflag:s20] =	ssyncset.done @!p1 $0x0  }
0xa3: {  	[sflag:s20] =	ssyncadd.s32 @!p1 $0xFFFFF800  }
0xa4: {  	_ =	swait.ge @!p1 [sflag:s20], $0x800  }
0xa5: {  	[sflag:s20] =	ssyncset.done @!p1 $0x0  }
0xa6: {  	[sflag:s20] =	ssyncadd.s32 @!p1 $0xFFFFF800  }
0xa7: {  	_ =	swait.ge @!p1 [sflag:s20], $0x800  }
0xa8: {  	[sflag:s20] =	ssyncset.done @!p1 $0x0  }
0xa9: {  	s21 =	simm.s32 @!p0 $0x5;
	[sflag:s20] =	ssyncadd.s32 @!p1 $0xFFFFF800;
	s20 =	simm.s32 @!p0 $0x0  }
0xaa: {  	[tilespmem:s20], [sflag:$0x5] =	stream.linear.gather @!p0 [hbm4b:s24+s20], $0x400, $0x38;
	[tilespmem:$0x1D800] =	vst v63  }
0xab: {  	_ =	swait.ge @!p0 [sflag:s21], $0x400  }
0xac: {  	[sflag:s21] =	ssyncset.done @!p0 $0x0  }
0xad: {  	s22 =	simm.s32 @!p0 $0x800;
	[sflag:s21] =	ssyncadd.s32 @!p0 $0xFFFFFC00;
	s21 =	simm.s32 @!p0 $0x80  }
0xae: {  	[tilespmem:s22], [sflag:$0x1] =	stream.indirect.gather @!p0 [hbm4b:s5+s21], $0x10, s20, s21, $0xb8;
	[tilespmem:$0x1D800] =	vst v63  }
0xaf: {  	s20 =	simm.s32 @!p0 $0x1000  }
0xb0: {  	[tilespmem:s20], [sflag:$0x1] =	stream.indirect.gather @!p0 [hbm4b:s5+s21], $0x10, s21, s21, $0xb8;
	[tilespmem:$0x1D800] =	vst v63  }
0xb1: {  	s23 =	simm.s32 @!p0 $0x100;
	s18 =	simm.s32 @!p0 $0x1800  }
0xb2: {  	[tilespmem:s18], [sflag:$0x1] =	stream.indirect.gather @!p0 [hbm4b:s5+s21], $0x10, s23, s21, $0xb8;
	[tilespmem:$0x1D800] =	vst v63  }
0xb3: {  	s28 =	simm.s32 @!p0 $0x2000;
	s23 =	simm.s32 @!p0 $0x180  }
0xb4: {  	[tilespmem:s28], [sflag:$0x1] =	stream.indirect.gather @!p0 [hbm4b:s5+s21], $0x10, s23, s21, $0xb8;
	[tilespmem:$0x1D800] =	vst v63  }
0xb5: {  	s23 =	simm.s32 @!p0 $0x1  }
0xb6: {  	_ =	swait.ge @!p0 [sflag:s23], $0x800  }
0xb7: {  	[sflag:s23] =	ssyncset.done @!p0 $0x0  }
0xb8: {  	[sflag:s23] =	ssyncadd.s32 @!p0 $0xFFFFF800  }
0xb9: {  	_ =	swait.ge @!p0 [sflag:s23], $0x800  }
0xba: {  	[sflag:s23] =	ssyncset.done @!p0 $0x0  }
0xbb: {  	[sflag:s23] =	ssyncadd.s32 @!p0 $0xFFFFF800  }
0xbc: {  	_ =	swait.ge @!p0 [sflag:s23], $0x800  }
0xbd: {  	[sflag:s23] =	ssyncset.done @!p0 $0x0  }
0xbe: {  	[sflag:s23] =	ssyncadd.s32 @!p0 $0xFFFFF800  }
0xbf: {  	_ =	swait.ge @!p0 [sflag:s23], $0x800  }
0xc0: {  	[sflag:s23] =	ssyncset.done @!p0 $0x0  }
0xc1: {  	[sflag:s23] =	ssyncadd.s32 @!p0 $0xFFFFF800;
	s23 =	simm.s32 @!p0 $0x200  }
0xc2: {  	[spmem:s2] =	stream.indirect.scatter.add.f32 @!p0 [tilespmem:s22], [sflag:$0x3], $0x10, s23, s21, $0xb8;
	[tilespmem:$0x1D800] =	vst v63  }
0xc3: {  	s22 =	simm.s32 @!p0 $0x280  }
0xc4: {  	[spmem:s2] =	stream.indirect.scatter.add.f32 @!p0 [tilespmem:s20], [sflag:$0x3], $0x10, s22, s21, $0xb8;
	[tilespmem:$0x1D800] =	vst v63  }
0xc5: {  	s20 =	simm.s32 @!p0 $0x300  }
0xc6: {  	[spmem:s2] =	stream.indirect.scatter.add.f32 @!p0 [tilespmem:s18], [sflag:$0x3], $0x10, s20, s21, $0xb8;
	[tilespmem:$0x1D800] =	vst v63  }
0xc7: {  	p1 =	seq.s32 @!p0 s19, $0x0;
	s18 =	simm.s32 @!p0 $0x380  }
0xc8: {  	[spmem:s2] =	stream.indirect.scatter.add.f32 @!p0 [tilespmem:s28], [sflag:$0x3], $0x10, s18, s21, $0xb8;
	[tilespmem:$0x1D800] =	vst v63  }
0xc9: {  	p0 =	por p0, !p1  }
.Ltmp5:
0xca: {  	_ = 	snop;
	(pc) =	sbr.rel @!p0 .LBB2_6-.Ltmp5, $1  }
0xcb: {  	_ =	sdelay $0x3  }
0xcc: {  	p0 =	slt.u32 s17, $0x2  }
0xcd: {  	s18 =	simm.s32 @!p0 $0x4  }
0xce: {  	_ =	swait.ge @!p0 [sflag:s18], $0x800  }
0xcf: {  	[sflag:s18] =	ssyncset.done @!p0 $0x0  }
0xd0: {  	[sflag:s18] =	ssyncadd.s32 @!p0 $0xFFFFF800  }
0xd1: {  	_ =	swait.ge @!p0 [sflag:s18], $0x800  }
0xd2: {  	[sflag:s18] =	ssyncset.done @!p0 $0x0  }
0xd3: {  	[sflag:s18] =	ssyncadd.s32 @!p0 $0xFFFFF800  }
0xd4: {  	_ =	swait.ge @!p0 [sflag:s18], $0x800  }
0xd5: {  	[sflag:s18] =	ssyncset.done @!p0 $0x0  }
0xd6: {  	[sflag:s18] =	ssyncadd.s32 @!p0 $0xFFFFF800  }
0xd7: {  	_ =	swait.ge @!p0 [sflag:s18], $0x800  }
0xd8: {  	[sflag:s18] =	ssyncset.done @!p0 $0x0  }
0xd9: {  	[sflag:s18] =	ssyncadd.s32 @!p0 $0xFFFFF800  }
0xda: {  	[tilespmem:s30], [sflag:$0x5] =	stream.linear.gather [hbm4b:s24+s3], $0x400, $0x38;
	[tilespmem:$0x1D800] =	vst v63  }
0xdb: {  	_ =	swait.ge [sflag:s26], $0x400  }
0xdc: {  	[sflag:s26] =	ssyncset.done $0x0  }
0xdd: {  	[sflag:s26] =	ssyncadd.s32 $0xFFFFFC00  }
0xde: {  	[tilespmem:s1], [sflag:$0x2] =	stream.indirect.gather [hbm4b:s5+s31], $0x10, s30, s31, $0xb8;
	[tilespmem:$0x1D800] =	vst v63  }
0xdf: {  	_ = 	snop  }
0xe0: {  	[tilespmem:s4], [sflag:$0x2] =	stream.indirect.gather [hbm4b:s5+s31], $0x10, s0, s31, $0xb8;
	[tilespmem:$0x1D800] =	vst v63  }
0xe1: {  	_ = 	snop  }
0xe2: {  	[tilespmem:s8], [sflag:$0x2] =	stream.indirect.gather [hbm4b:s5+s31], $0x10, s7, s31, $0xb8;
	[tilespmem:$0x1D800] =	vst v63  }
0xe3: {  	_ = 	snop  }
0xe4: {  	[tilespmem:s10], [sflag:$0x2] =	stream.indirect.gather [hbm4b:s5+s31], $0x10, s9, s31, $0xb8;
	[tilespmem:$0x1D800] =	vst v63  }
0xe5: {  	_ =	swait.ge [sflag:s11], $0x800  }
0xe6: {  	[sflag:s11] =	ssyncset.done $0x0  }
0xe7: {  	[sflag:s11] =	ssyncadd.s32 $0xFFFFF800  }
0xe8: {  	_ =	swait.ge [sflag:s11], $0x800  }
0xe9: {  	[sflag:s11] =	ssyncset.done $0x0  }
0xea: {  	[sflag:s11] =	ssyncadd.s32 $0xFFFFF800  }
0xeb: {  	_ =	swait.ge [sflag:s11], $0x800  }
0xec: {  	[sflag:s11] =	ssyncset.done $0x0  }
0xed: {  	[sflag:s11] =	ssyncadd.s32 $0xFFFFF800  }
0xee: {  	_ =	swait.ge [sflag:s11], $0x800  }
0xef: {  	[sflag:s11] =	ssyncset.done $0x0  }
0xf0: {  	[sflag:s11] =	ssyncadd.s32 $0xFFFFF800  }
0xf1: {  	[spmem:s2] =	stream.indirect.scatter.add.f32 [tilespmem:s1], [sflag:$0x4], $0x10, s12, s31, $0xb8;
	[tilespmem:$0x1D800] =	vst v63  }
0xf2: {  	_ = 	snop  }
0xf3: {  	[spmem:s2] =	stream.indirect.scatter.add.f32 [tilespmem:s4], [sflag:$0x4], $0x10, s13, s31, $0xb8;
	[tilespmem:$0x1D800] =	vst v63  }
.Ltmp6:
0xf4: {  	_ = 	snop;
	(pc) =	sbr.rel .LBB2_6-.Ltmp6, $4  }
0xf5: {  	_ = 	snop  }
0xf6: {  	[spmem:s2] =	stream.indirect.scatter.add.f32 [tilespmem:s8], [sflag:$0x4], $0x10, s14, s31, $0xb8;
	[tilespmem:$0x1D800] =	vst v63  }
0xf7: {  	_ = 	snop  }
0xf8: {  	[spmem:s2] =	stream.indirect.scatter.add.f32 [tilespmem:s10], [sflag:$0x4], $0x10, s15, s31, $0xb8;
	[tilespmem:$0x1D800] =	vst v63  }
.LBB2_8:
0xf9: {  	_ =	sfence.sel $0x180000  }
0xfa: {  	[bflag:$0x0] =	sbarrier.arrive $0xFFFF  }
0xfb: {  	_ =	strace $0x90000050  }
0xfc: {  	s0 =	stileid.u32;
	[bflag:$0x2] =	sbarrier.arrive $0xFFFF  }
0xfd: {  	p0 =	sne.s32 s0, $0x0;
	s0 =	rddreg [dreg:$0x2]  }
0xfe: {  	s0 =	sadd.s32 @!p0 $0x100000, s0  }
0xff: {  	[sflag:s0] =	ssyncadd.tile.s32 @!p0 $0x1;
	_ =	shalt  }
.Lfunc_end2:
_tile_overlayer_lowered:
.L_overlay_start_2:
0x100: {  	(tag) =	ssettag $0x2  }
0x101: {  	s0 =	rddreg [dreg:$0x0];
	s2 =	stileid.u32  }
0x102: {  	s1 =	rddreg [dreg:$0x1];
	p0 =	sne.s32 s2, $0x0  }
0x103: {  	s3 =	rddreg [dreg:$0x2];
	[bflag:$0x3] =	sbarrier.arrive $0xFFFF;
	s2 =	simm.s32 @!p0 $0x1C05  }
0x104: {  	[timem:s3], [sflag:s2] =	dma.local @!p0 [hbm:s0], s1  }
0x105: {  	s0 =	simm.s32 @!p0 $0x5  }
0x106: {  	_ =	swait.ge @!p0 [sflag:s0], s1  }
0x107: {  	s1 =	ssub.s32 @!p0 $0x0, s1;
	[sflag:s0] =	ssyncset.done @!p0 $0x0  }
0x108: {  	[sflag:s0] =	ssyncadd.s32 @!p0 s1  }
0x109: {  	[bflag:$0x3] =	sbarrier.arrive $0xFFFF  }
0x10a: {  	_ =	shalt  }

// kernel: kernel.9.cloned.1.call-start
scs
__scs_entry_jumppad:
0x0: {  	(pc) =	sbr.rel $0x88, $3  }
0x1: {  	(tag) =	ssettag $0x0;
	lr =	simm.s32 $0x1  }
0x2: {  	[smem:$0x3F9B] =	sst lr;
	_ =	strace $0xD0000000  }
0x3: {  	_ = 	snop  }
0x4: {  	_ = 	snop  }
0x5: {  	_ = 	snop  }
0x6: {  	_ = 	snop  }
0x7: {  	_ = 	snop  }
__scs_overlays_trampoline_lowered:
0x8: {  	[smem:$0x3FAA] =	sst s0  }
0x9: {  	[smem:$0x3FAB] =	sst s1  }
0xa: {  	[smem:$0x3FAC] =	sst s2  }
0xb: {  	[smem:$0x3FAD] =	sst s3  }
0xc: {  	[smem:$0x3FAE] =	sst s4  }
0xd: {  	[smem:$0x3FAF] =	sst s5  }
0xe: {  	[smem:$0x3FB0] =	sst s6  }
0xf: {  	[smem:$0x3FB1] =	sst s7  }
0x10: {  	[smem:$0x3FB2] =	sst s8  }
0x11: {  	[smem:$0x3FB3] =	sst s9;
	s0 =	simm.s32 @!p0 $0x0  }
0x12: {  	s1 =	sld [smem:$0x3F99];
	s0 =	simm.s32 @p0 $0x1  }
0x13: {  	[smem:$0x3FB4] =	sst s0;
	s0 =	simm.s32 @!p1 $0x0  }
0x14: {  	s2 =	sld [smem:$0x3F98];
	s0 =	simm.s32 @p1 $0x1  }
0x15: {  	[smem:$0x3FB5] =	sst s0;
	s0 =	simm.s32 @!p2 $0x0  }
0x16: {  	s3 =	sld [smem:$0x3FDB];
	s0 =	simm.s32 @p2 $0x1  }
0x17: {  	s4 =	simm.s32 $0x1BF5;
	[smem:$0x3FB7] =	sst s0  }
0x18: {  	s0 =	sld [smem:$0x3F9A];
	_ =	swait.ge [sflag:s4], $0x0  }
0x19: {  	s7 =	sld [smem:$0x3F9B]  }
0x1a: {  	s8 =	sadd.s32 $0xFFFFE003, lr  }
0x1b: {  	s9 =	sadd.s32 $0xFFFFFEF7, lr;
	s5 =	simm.s32 $0xFFFFFFFF;
	p2 =	slt.u32 s8, $0xFFFFF086  }
0x1c: {  	p1 =	slt.u32 s9, $0xF7A;
	s5 =	simm.s32 @!p2 $0x0  }
0x1d: {  	s5 =	simm.s32 @p1 $0x1;
	p0 =	seq.s32 s7, s2  }
0x1e: {  	s7 =	smul.u32 @!p0 $0xF7A, s2;
	p2 =	seq.s32 @!p0 s5, $0x0  }
0x1f: {  	s9 =	smul.u32 $0xF7A, s1;
	s8 =	simm.s32 @!p0 $0x1BF5;
	p2 =	por !p2, p0  }
0x20: {  	[sflag:s8] =	ssyncset.s32 @!p0 $0xFFFFF086;
	s6 =	sadd.s32 @!p0 s3, s7;
	s7 =	simm.s32 @!p0 $0x108  }
0x21: {  	s3 =	sadd.s32 s3, s9;
	s6 =	sadd.s32 @!p0 $0x88, s6;
	s7 =	simm.s32 @p2 $0x1082  }
0x22: {  	[simem:s7], [sflag:s8] =	dma.local @!p0 [hbm:s6], $0xF7A  }
0x23: {  	s9 =	sor.u32 $0xD0000000, s2;
	s6 =	simm.s32 $0x108;
	_ =	swait.ge @!p0 [sflag:s8], $0x0  }
0x24: {  	s3 =	sadd.s32 $0x88, s3;
	s6 =	simm.s32 @!p1 $0x1082;
	[sflag:s4] =	ssyncset.s32 $0xFFFFF086  }
0x25: {  	[simem:s6], [sflag:s4] =	dma.local [hbm:s3], $0xF7A  }
0x26: {  	[smem:$0x3F9B] =	sst s1;
	(tag) =	ssettag s2;
	_ =	strace s9  }
0x27: {  	s1 =	sld [smem:$0x3FAB]  }
0x28: {  	s2 =	sld [smem:$0x3FAC]  }
0x29: {  	s4 =	sld [smem:$0x3FAE]  }
0x2a: {  	p0 =	seq.s32 s5, $0x0;
	s5 =	sld [smem:$0x3FAF]  }
0x2b: {  	s6 =	sld [smem:$0x3FB0]  }
0x2c: {  	s7 =	sld [smem:$0x3FB1]  }
0x2d: {  	s3 =	simm.s32 $0x108;
	s8 =	sld [smem:$0x3FB2]  }
0x2e: {  	s3 =	simm.s32 @!p0 $0x1082;
	s9 =	sld [smem:$0x3FB3]  }
0x2f: {  	lr =	sadd.s32 s0, s3;
	s0 =	sld [smem:$0x3FAA]  }
0x30: {  	s3 =	sld [smem:$0x3FAD]  }
0x31: {  	[smem:$0x3FB6] =	sst s10  }
0x32: {  	s10 =	sld [smem:$0x3FB4];
	_ =	sdelay $0x3  }
0x33: {  	p0 =	seq.s32 s10, $0x1;
	s10 =	sld [smem:$0x3FB6];
	_ =	sdelay $0x3  }
0x34: {  	[smem:$0x3FB6] =	sst s10  }
0x35: {  	s10 =	sld [smem:$0x3FB5];
	_ =	sdelay $0x3  }
0x36: {  	p1 =	seq.s32 s10, $0x1;
	s10 =	sld [smem:$0x3FB6];
	_ =	sdelay $0x3  }
0x37: {  	[smem:$0x3FB6] =	sst s10  }
0x38: {  	s10 =	sld [smem:$0x3FB7]  }
0x39: {  	_ = 	snop;
	(pc) =	sbr.ind lr, $3  }
0x3a: {  	_ = 	snop  }
0x3b: {  	_ = 	snop  }
0x3c: {  	p2 =	seq.s32 s10, $0x1;
	s10 =	sld [smem:$0x3FB6]  }
0x3d: {  	_ =	shalt  }
0x3e: {  	_ =	shalt  }
0x3f: {  	_ =	shalt  }
0x40: {  	_ =	shalt  }
0x41: {  	_ =	shalt  }
0x42: {  	_ =	shalt  }
0x43: {  	_ =	shalt  }
0x44: {  	_ =	shalt  }
0x45: {  	_ =	shalt  }
0x46: {  	_ =	shalt  }
0x47: {  	_ =	shalt  }
0x48: {  	_ =	shalt  }
0x49: {  	_ =	shalt  }
0x4a: {  	_ =	shalt  }
0x4b: {  	_ =	shalt  }
0x4c: {  	_ =	shalt  }
0x4d: {  	_ =	shalt  }
0x4e: {  	_ =	shalt  }
0x4f: {  	_ =	shalt  }
0x50: {  	_ =	shalt  }
0x51: {  	_ =	shalt  }
0x52: {  	_ =	shalt  }
0x53: {  	_ =	shalt  }
0x54: {  	_ =	shalt  }
0x55: {  	_ =	shalt  }
0x56: {  	_ =	shalt  }
0x57: {  	_ =	shalt  }
0x58: {  	_ =	shalt  }
0x59: {  	_ =	shalt  }
0x5a: {  	_ =	shalt  }
0x5b: {  	_ =	shalt  }
0x5c: {  	_ =	shalt  }
0x5d: {  	_ =	shalt  }
0x5e: {  	_ =	shalt  }
0x5f: {  	_ =	shalt  }
0x60: {  	_ =	shalt  }
0x61: {  	_ =	shalt  }
0x62: {  	_ =	shalt  }
0x63: {  	_ =	shalt  }
0x64: {  	_ =	shalt  }
0x65: {  	_ =	shalt  }
0x66: {  	_ =	shalt  }
0x67: {  	_ =	shalt  }
0x68: {  	_ =	shalt  }
0x69: {  	_ =	shalt  }
0x6a: {  	_ =	shalt  }
0x6b: {  	_ =	shalt  }
0x6c: {  	_ =	shalt  }
0x6d: {  	_ =	shalt  }
0x6e: {  	_ =	shalt  }
0x6f: {  	_ =	shalt  }
0x70: {  	_ =	shalt  }
0x71: {  	_ =	shalt  }
0x72: {  	_ =	shalt  }
0x73: {  	_ =	shalt  }
0x74: {  	_ =	shalt  }
0x75: {  	_ =	shalt  }
0x76: {  	_ =	shalt  }
0x77: {  	_ =	shalt  }
0x78: {  	_ =	shalt  }
0x79: {  	_ =	shalt  }
0x7a: {  	_ =	shalt  }
0x7b: {  	_ =	shalt  }
0x7c: {  	_ =	shalt  }
0x7d: {  	_ =	shalt  }
0x7e: {  	_ =	shalt  }
0x7f: {  	_ =	shalt  }
0x80: {  	_ =	shalt  }
0x81: {  	_ =	shalt  }
0x82: {  	_ =	shalt  }
0x83: {  	_ =	shalt  }
0x84: {  	_ =	shalt  }
0x85: {  	_ =	shalt  }
0x86: {  	_ =	shalt  }
0x87: {  	_ =	shalt  }
.Lfunc_end0:
.L_simem_size_0:
called_computation_lowered:
.L_overlay_start_0:
0x88: {  	s2 =	sld [smem:$0x3FD9]  }
0x89: {  	s3 =	sld [smem:$0x3FFE];
	_ =	sdelay $0x1  }
0x8a: {  	s1 =	srdreg.scid  }
0x8b: {  	s0 =	sand.u32 $0x1, s1  }
0x8c: {  	s16 =	sshll.u32 s0, $0xA;
	s2 =	sadd.s32 s3, s2  }
0x8d: {  	s2 =	sadd.s32 s2, s16  }
0x8e: {  	[smem:$0x3FC2] =	sst s2  }
0x8f: {  	_ = 	snop  }
0x90: {  	(tm) =	ssettm $0x1  }
0x91: {  	s17 =	sld [smem:$0x3FFB];
	_ =	sdelay $0x3  }
0x92: {  	_ =	strace s17  }
0x93: {  	s2 =	sld [smem:$0x3FFC];
	_ =	sdelay $0x3  }
0x94: {  	_ =	strace s2  }
0x95: {  	s2 =	sld [smem:$0x3FFD];
	_ =	sdelay $0x3  }
0x96: {  	_ =	strace s2  }
0x97: {  	_ =	strace $0x8FFFFFFF  }
0x98: {  	s18 =	sld [smem:$0x3FDB];
	_ =	sdelay $0x1  }
0x99: {  	s19 =	simm.s32 $_scs_section_size  }
0x9a: {  	s4 =	simm.s32 $_size__tile_overlayer_lowered;
	s5 =	simm.s32 $_tile_overlayer_lowered  }
0x9b: {  	s22 =	simm.s32 $0x1BFF;
	s21 =	sshll.u32 s5, $0x1;
	s2 =	sadd.s32 s19, s18  }
0x9c: {  	s6 =	simm.s32 $0x0;
	s20 =	sshll.u32 s4, $0x1;
	s4 =	sadd.s32 s21, s2  }
0x9d: {  	[timem:s6], [sflag:s22] =	dma.local [hbm:s4], s20  }
0x9e: {  	_ =	swait.ge [sflag:s22], s20  }
0x9f: {  	s3 =	ssub.s32 $0x0, s20;
	[sflag:s22] =	ssyncset.done $0x0  }
0xa0: {  	[sflag:s22] =	ssyncadd.s32 s3;
	_ =	sdelay $0x1  }
0xa1: {  	s23 =	simm.s32 $0x1B8B  }
0xa2: {  	_ =	swait.ge [sflag:s23], $0x1  }
0xa3: {  	[sflag:s23] =	ssyncset.done $0x0  }
0xa4: {  	s25 =	simm.s32 $0x1B8E;
	s24 =	sld [smem:$0x3FFE];
	[sflag:s23] =	ssyncadd.s32 $0xFFFFFFFF  }
0xa5: {  	s26 =	simm.s32 $execute0_lowered;
	[smem:$0x3FD2] =	sst s25  }
0xa6: {  	s4 =	sshll.u32 s26, $0x1;
	_ =	strace $0x80000046;
	[dreg:$0x1] =	wrdreg $0xFFFFFFFF  }
0xa7: {  	s28 =	simm.s32 $_size_execute0_lowered;
	s2 =	sadd.s32 s2, s4;
	[dreg:$0x0] =	wrdreg $0x0  }
0xa8: {  	s4 =	sshll.u32 s28, $0x1;
	[dreg:$0x2] =	wrdreg s2  }
0xa9: {  	[dreg:$0x3] =	wrdreg s4  }
0xaa: {  	[dreg:$0x4] =	wrdreg $0xC0  }
0xab: {  	_ =	task [dreg:s6], $0x5FFFF  }
0xac: {  	[dreg:$0x1] =	wrdreg $0xFFFFFFFF  }
0xad: {  	[dreg:$0x0] =	wrdreg $0x60  }
0xae: {  	[dreg:$0x2] =	wrdreg s24  }
0xaf: {  	[dreg:$0x3] =	wrdreg $0xBA00  }
0xb0: {  	[dreg:$0x4] =	wrdreg $0x9  }
0xb1: {  	_ =	task.clear_ibuf [dreg:s6], $0x5FFFF;
	_ =	strace $0x90000046  }
0xb2: {  	s29 =	simm.s32 $0x9;
	_ =	strace $0x80000048  }
0xb3: {  	_ =	swait.ge [sflag:s29], $0x1  }
0xb4: {  	[sflag:s29] =	ssyncadd.s32 $0xFFFFFFFF  }
0xb5: {  	_ =	strace $0x90000048  }
0xb6: {  	_ =	sfence  }
0xb7: {  	s30 =	sld [smem:$0x0];
	_ =	sdelay $0x2  }
0xb8: {  	s31 =	sshll.u32 s1, $0xD;
	s1 =	sshrl.u32 s1, $0x2  }
0xb9: {  	s3 =	sand.u32 $0x4000, s31;
	s1 =	sadd.s32 s1, s30  }
0xba: {  	s0 =	sor.u32 s3, s0;
	s1 =	sshll.u32 s1, $0x11  }
0xbb: {  	s0 =	sor.u32 s1, s0  }
0xbc: {  	s0 =	sadd.s32 $0x8F2B, s0  }
0xbd: {  	[sflag:s0] =	ssyncadd.remote.s32 $0x1  }
0xbe: {  	_ =	sfence.sel $0xFFFF  }
0xbf: {  	[dreg:$0x0] =	wrdreg $0xFFFFFFFF;
	(pc) =	sbr.abs _section_cstart, $3  }
0xc0: {  	[dreg:$0x1] =	wrdreg $0xFFFFFFFF  }
0xc1: {  	_ =	task.clear_ibuf [dreg:s6], $0x2FFFF;
	_ =	strace $0x9FFFFFFF  }
0xc2: {  	(tm) =	ssettm $0x7FFFFFFF  }
0xc3: {  	_ =	shalt  }
tec
execute0_lowered:
.L_overlay_start_1:
0x0: {  	(tag) =	ssettag $0x1  }
0x1: {  	s0 =	srdreg.scid  }
0x2: {  	s1 =	rddreg [dreg:$0x0];
	s8 =	stileid.u32  }
0x3: {  	s2 =	rddreg [dreg:$0x1];
	s5 =	smul.u32 $0x31000, s8  }
0x4: {  	s3 =	simm.s32 $0x0;
	s31 =	simm.s32 $0x880;
	s22 =	smul.u32 $0x6400, s8  }
0x5: {  	s0 =	sand.u32 $0x1, s0;
	[smem:$0x7FF] =	sst s3;
	s8 =	smul.u32 $0x1900, s8  }
0x6: {  	s4 =	smul.u32 $0x310000, s0;
	_ =	strace $0x80000047;
	s23 =	ssub.s32 $0x2, s0  }
0x7: {  	s0 =	smul.u32 $0x19000, s0;
	s7 =	sshrl.u32 s23, $0x1;
	s24 =	sadd.s32 s8, s2  }
0x8: {  	s26 =	sadd.s32 $0x320, s8;
	s20 =	sadd.s32 $0x640, s8;
	s11 =	sadd.s32 $0xC80, s8  }
0x9: {  	s4 =	sadd.s32 s5, s4;
	s5 =	sshrl.u32 s22, $0x2;
	s7 =	ssub.s32 s23, s7  }
0xa: {  	[dreg:$0x3] =	wrdreg s24;
	s18 =	sadd.s32 s0, s8;
	s9 =	sadd.s32 s0, s26  }
0xb: {  	s21 =	sadd.s32 s0, s20;
	s22 =	sadd.s32 $0x960, s8;
	s13 =	sadd.s32 s0, s11  }
0xc: {  	s4 =	sshrl.u32 s4, $0x3;
	s25 =	smax.u32 s7, $0x1;
	s7 =	sshrl.u32 s18, $0x3  }
0xd: {  	s9 =	sshrl.u32 s9, $0x3;
	s12 =	sadd.s32 s0, s22;
	s15 =	sshrl.u32 s13, $0x3  }
0xe: {  	s13 =	simm.s32 $0x0;
	s6 =	sadd.s32 s4, s1;
	s1 =	sadd.s32 $0xC7000, s1  }
0xf: {  	s4 =	sadd.s32 s5, s2;
	[dreg:$0x4] =	wrdreg s25;
	s14 =	sshrl.u32 s12, $0x3  }
0x10: {  	s25 =	sadd.s32 s26, s2;
	s26 =	sadd.s32 s20, s2;
	s20 =	sadd.s32 s22, s2  }
0x11: {  	s5 =	simm.s32 $0x2;
	s17 =	sadd.s32 $0x320, s4;
	s10 =	sadd.s32 $0x640, s4  }
0x12: {  	s7 =	sadd.s32 s1, s7;
	s19 =	sadd.s32 s1, s9;
	[dreg:$0x10] =	wrdreg s25  }
0x13: {  	s9 =	sshrl.u32 s21, $0x3;
	s16 =	sadd.s32 s1, s15;
	[dreg:$0x11] =	wrdreg s26  }
0x14: {  	s24 =	sadd.s32 $0x960, s4;
	s21 =	sadd.s32 s11, s2;
	[dreg:$0x5] =	wrdreg s17  }
0x15: {  	s15 =	sadd.s32 $0x3000, s6;
	s26 =	sadd.s32 $0xC80, s4;
	[dreg:$0x6] =	wrdreg s10  }
0x16: {  	s28 =	sadd.s32 $0xFA0, s4;
	s29 =	sadd.s32 $0x12C0, s4;
	[dreg:$0x7] =	wrdreg s7  }
0x17: {  	s30 =	sadd.s32 $0x15E0, s4;
	s6 =	simm.s32 $0x400;
	[dreg:$0x8] =	wrdreg s19  }
0x18: {  	s11 =	simm.s32 $0x700;
	s9 =	sadd.s32 s1, s9;
	[dreg:$0xb] =	wrdreg s16  }
0x19: {  	s17 =	sadd.s32 $0xFA0, s8;
	s19 =	sadd.s32 $0x12C0, s8;
	s8 =	sadd.s32 $0x15E0, s8  }
0x1a: {  	[dreg:$0xf] =	wrdreg s24;
	s7 =	simm.s32 $0x80;
	s10 =	simm.s32 $0x680  }
0x1b: {  	[dreg:$0x9] =	wrdreg s9;
	s9 =	sadd.s32 s1, s14;
	s18 =	sadd.s32 s0, s17  }
0x1c: {  	s14 =	sadd.s32 s0, s19;
	s0 =	sadd.s32 s0, s8;
	s22 =	sadd.s32 s17, s2  }
0x1d: {  	s24 =	sadd.s32 s8, s2;
	s8 =	simm.s32 $0x600;
	[dreg:$0xa] =	wrdreg s9  }
.Ltmp0:
0x1e: {  	s12 =	sshrl.u32 s18, $0x3;
	s23 =	sshrl.u32 s14, $0x3;
	(pc) =	sbr.rel .LBB2_1-.Ltmp0, $4  }
0x1f: {  	s0 =	sshrl.u32 s0, $0x3;
	s9 =	simm.s32 $0x800;
	s12 =	sadd.s32 s1, s12  }
0x20: {  	s0 =	sadd.s32 s1, s0;
	[dreg:$0xc] =	wrdreg s12;
	s12 =	sadd.s32 s1, s23  }
0x21: {  	[dreg:$0xe] =	wrdreg s0;
	s23 =	sadd.s32 s19, s2;
	s1 =	simm.s32 $0x3  }
0x22: {  	v0 =	vimm.f32 $1.000000000e+00;
	v1 =	vimm.f32 $0.0e+00;
	s0 =	simm.s32 $0x1;
	[dreg:$0xd] =	wrdreg s12;
	s12 =	simm.s32 $0x780  }
.LBB2_7:
0x23: {  	_ =	swait.ge [sflag:s0], $0x80  }
0x24: {  	[sflag:s0] =	ssyncset.done $0x0  }
0x25: {  	[sflag:s0] =	ssyncadd.s32 $0xFFFFFF80  }
0x26: {  	_ =	swait.ge [sflag:s0], $0x80  }
0x27: {  	[sflag:s0] =	ssyncset.done $0x0  }
0x28: {  	[sflag:s0] =	ssyncadd.s32 $0xFFFFFF80  }
0x29: {  	_ =	swait.ge [sflag:s0], $0x80  }
0x2a: {  	[sflag:s0] =	ssyncset.done $0x0  }
0x2b: {  	[sflag:s0] =	ssyncadd.s32 $0xFFFFFF80  }
0x2c: {  	_ =	swait.ge [sflag:s0], $0x80  }
0x2d: {  	[sflag:s0] =	ssyncset.done $0x0  }
0x2e: {  	[sflag:s0] =	ssyncadd.s32 $0xFFFFFF80  }
0x2f: {  	_ =	swait.ge [sflag:s5], $0x80  }
0x30: {  	[sflag:s5] =	ssyncset.done $0x0  }
0x31: {  	[sflag:s5] =	ssyncadd.s32 $0xFFFFFF80  }
0x32: {  	_ =	swait.ge [sflag:s5], $0x80  }
0x33: {  	[sflag:s5] =	ssyncset.done $0x0  }
0x34: {  	[sflag:s5] =	ssyncadd.s32 $0xFFFFFF80  }
0x35: {  	_ =	swait.ge [sflag:s5], $0x80  }
0x36: {  	[sflag:s5] =	ssyncset.done $0x0  }
0x37: {  	[sflag:s5] =	ssyncadd.s32 $0xFFFFFF80  }
0x38: {  	_ =	swait.ge [sflag:s5], $0x80  }
0x39: {  	[sflag:s5] =	ssyncset.done $0x0  }
0x3a: {  	[sflag:s5] =	ssyncadd.s32 $0xFFFFFF80  }
0x3b: {  	[bflag:$0x0] =	sbarrier.arrive $0xFFFF  }
0x3c: {  	s14 =	rddreg [dreg:$0x3]  }
0x3d: {  	[tilespmem:s31], [sflag:$0x3] =	stream.linear.gather [spmem:s14], $0x320, $0x38;
	[tilespmem:$0x24A0] =	vst v63  }
0x3e: {  	_ =	swait.ge [sflag:s1], $0x320  }
0x3f: {  	[sflag:s1] =	ssyncset.done $0x0  }
0x40: {  	s25 =	rddreg [dreg:$0x7];
	[sflag:s1] =	ssyncadd.s32 $0xFFFFFCE0  }
0x41: {  	[hbm4b:s25+s3] =	stream.linear.scatter [tilespmem:s31], [sflag:$0x3], $0x320, $0x38;
	[tilespmem:$0x24A0] =	vst v63  }
0x42: {  	_ =	swait.ge [sflag:s1], $0x320  }
0x43: {  	[sflag:s1] =	ssyncset.done $0x0  }
0x44: {  	s16 =	rddreg [dreg:$0x10];
	[sflag:s1] =	ssyncadd.s32 $0xFFFFFCE0  }
0x45: {  	[tilespmem:s31], [sflag:$0x3] =	stream.linear.gather [spmem:s16], $0x320, $0x38;
	[tilespmem:$0x24A0] =	vst v63  }
0x46: {  	_ =	swait.ge [sflag:s1], $0x320  }
0x47: {  	[sflag:s1] =	ssyncset.done $0x0  }
0x48: {  	s17 =	rddreg [dreg:$0x8];
	[sflag:s1] =	ssyncadd.s32 $0xFFFFFCE0  }
0x49: {  	[hbm4b:s17+s3] =	stream.linear.scatter [tilespmem:s31], [sflag:$0x3], $0x320, $0x38;
	[tilespmem:$0x24A0] =	vst v63  }
0x4a: {  	_ =	swait.ge [sflag:s1], $0x320  }
0x4b: {  	[sflag:s1] =	ssyncset.done $0x0  }
0x4c: {  	s18 =	rddreg [dreg:$0x11];
	[sflag:s1] =	ssyncadd.s32 $0xFFFFFCE0  }
0x4d: {  	[tilespmem:s31], [sflag:$0x3] =	stream.linear.gather [spmem:s18], $0x320, $0x38;
	[tilespmem:$0x24A0] =	vst v63  }
0x4e: {  	_ =	swait.ge [sflag:s1], $0x320  }
0x4f: {  	[sflag:s1] =	ssyncset.done $0x0  }
0x50: {  	s19 =	rddreg [dreg:$0x9];
	[sflag:s1] =	ssyncadd.s32 $0xFFFFFCE0  }
0x51: {  	[hbm4b:s19+s3] =	stream.linear.scatter [tilespmem:s31], [sflag:$0x3], $0x320, $0x38;
	[tilespmem:$0x24A0] =	vst v63  }
0x52: {  	_ =	swait.ge [sflag:s1], $0x320  }
0x53: {  	[sflag:s1] =	ssyncset.done $0x0  }
0x54: {  	[sflag:s1] =	ssyncadd.s32 $0xFFFFFCE0  }
0x55: {  	[tilespmem:s31], [sflag:$0x3] =	stream.linear.gather [spmem:s20], $0x320, $0x38;
	[tilespmem:$0x24A0] =	vst v63  }
0x56: {  	_ =	swait.ge [sflag:s1], $0x320  }
0x57: {  	[sflag:s1] =	ssyncset.done $0x0  }
0x58: {  	s25 =	rddreg [dreg:$0xa];
	[sflag:s1] =	ssyncadd.s32 $0xFFFFFCE0  }
0x59: {  	[hbm4b:s25+s3] =	stream.linear.scatter [tilespmem:s31], [sflag:$0x3], $0x320, $0x38;
	[tilespmem:$0x24A0] =	vst v63  }
0x5a: {  	_ =	swait.ge [sflag:s1], $0x320  }
0x5b: {  	[sflag:s1] =	ssyncset.done $0x0  }
0x5c: {  	[sflag:s1] =	ssyncadd.s32 $0xFFFFFCE0  }
0x5d: {  	[tilespmem:s31], [sflag:$0x3] =	stream.linear.gather [spmem:s21], $0x320, $0x38;
	[tilespmem:$0x24A0] =	vst v63  }
0x5e: {  	_ =	swait.ge [sflag:s1], $0x320  }
0x5f: {  	[sflag:s1] =	ssyncset.done $0x0  }
0x60: {  	s16 =	rddreg [dreg:$0xb];
	[sflag:s1] =	ssyncadd.s32 $0xFFFFFCE0  }
0x61: {  	[hbm4b:s16+s3] =	stream.linear.scatter [tilespmem:s31], [sflag:$0x3], $0x320, $0x38;
	[tilespmem:$0x24A0] =	vst v63  }
0x62: {  	_ =	swait.ge [sflag:s1], $0x320  }
0x63: {  	[sflag:s1] =	ssyncset.done $0x0  }
0x64: {  	[sflag:s1] =	ssyncadd.s32 $0xFFFFFCE0  }
0x65: {  	[tilespmem:s31], [sflag:$0x3] =	stream.linear.gather [spmem:s22], $0x320, $0x38;
	[tilespmem:$0x24A0] =	vst v63  }
0x66: {  	_ =	swait.ge [sflag:s1], $0x320  }
0x67: {  	[sflag:s1] =	ssyncset.done $0x0  }
0x68: {  	s17 =	rddreg [dreg:$0xc];
	[sflag:s1] =	ssyncadd.s32 $0xFFFFFCE0  }
0x69: {  	[hbm4b:s17+s3] =	stream.linear.scatter [tilespmem:s31], [sflag:$0x3], $0x320, $0x38;
	[tilespmem:$0x24A0] =	vst v63  }
0x6a: {  	_ =	swait.ge [sflag:s1], $0x320  }
0x6b: {  	[sflag:s1] =	ssyncset.done $0x0  }
0x6c: {  	[sflag:s1] =	ssyncadd.s32 $0xFFFFFCE0  }
0x6d: {  	[tilespmem:s31], [sflag:$0x3] =	stream.linear.gather [spmem:s23], $0x320, $0x38;
	[tilespmem:$0x24A0] =	vst v63  }
0x6e: {  	_ =	swait.ge [sflag:s1], $0x320  }
0x6f: {  	[sflag:s1] =	ssyncset.done $0x0  }
0x70: {  	s18 =	rddreg [dreg:$0xd];
	[sflag:s1] =	ssyncadd.s32 $0xFFFFFCE0  }
0x71: {  	[hbm4b:s18+s3] =	stream.linear.scatter [tilespmem:s31], [sflag:$0x3], $0x320, $0x38;
	[tilespmem:$0x24A0] =	vst v63  }
0x72: {  	_ =	swait.ge [sflag:s1], $0x320  }
0x73: {  	[sflag:s1] =	ssyncset.done $0x0  }
0x74: {  	[sflag:s1] =	ssyncadd.s32 $0xFFFFFCE0  }
0x75: {  	[tilespmem:s31], [sflag:$0x3] =	stream.linear.gather [spmem:s24], $0x320, $0x38;
	[tilespmem:$0x24A0] =	vst v63  }
0x76: {  	_ =	swait.ge [sflag:s1], $0x320  }
0x77: {  	[sflag:s1] =	ssyncset.done $0x0  }
0x78: {  	s19 =	rddreg [dreg:$0xe];
	[sflag:s1] =	ssyncadd.s32 $0xFFFFFCE0  }
0x79: {  	[hbm4b:s19+s3] =	stream.linear.scatter [tilespmem:s31], [sflag:$0x3], $0x320, $0x38;
	[tilespmem:$0x24A0] =	vst v63  }
0x7a: {  	_ =	swait.ge [sflag:s1], $0x320  }
0x7b: {  	s13 =	sadd.s32 $0x1, s13;
	s25 =	rddreg [dreg:$0x4]  }
0x7c: {  	p0 =	sne.s32 s13, s25  }
.Ltmp1:
0x7d: {  	_ = 	snop;
	(pc) =	sbr.rel @!p0 .LBB2_8-.Ltmp1, $3  }
0x7e: {  	_ =	sdelay $0x1  }
0x7f: {  	[sflag:s1] =	ssyncset.done $0x0  }
0x80: {  	[sflag:s1] =	ssyncadd.s32 $0xFFFFFCE0  }
.LBB2_1:
0x81: {  	[tilespmem:$0x800] =	vst v0  }
0x82: {  	[tilespmem:$0x810] =	vst v0  }
0x83: {  	[tilespmem:$0x820] =	vst v0  }
0x84: {  	[tilespmem:$0x830] =	vst v0  }
0x85: {  	[tilespmem:$0x840] =	vst v0  }
0x86: {  	[tilespmem:$0x850] =	vst v0  }
0x87: {  	[tilespmem:$0x860] =	vst v0  }
0x88: {  	[tilespmem:$0x870] =	vst v0;
	s14 =	simm.s32 $0x40;
	s25 =	simm.s32 $0x0  }
.LBB2_2:
0x89: {  	p0 =	sne.s32 s14, $0xC40;
	[tilespmem:s25+$0x880] =	vst v1;
	s25 =	smov.u32 s14;
	s14 =	sadd.s32 $0x40, s14  }
.Ltmp2:
0x8a: {  	(pc) =	sbr.rel @p0 .LBB2_2-.Ltmp2, $2  }
0x8b: {  	_ =	sdelay $0x2  }
0x8c: {  	s25 =	sshra.s32 s25, $0x2  }
0x8d: {  	[tilespmem:s25+$0x880] =	vst v1  }
0x8e: {  	[spmem:s4] =	stream.linear.scatter [tilespmem:s31], [sflag:$0x3], $0x320, $0x38;
	[tilespmem:$0x24A0] =	vst v63  }
0x8f: {  	_ =	swait.ge [sflag:s1], $0x320  }
0x90: {  	[sflag:s1] =	ssyncset.done $0x0  }
0x91: {  	s14 =	rddreg [dreg:$0x5];
	[sflag:s1] =	ssyncadd.s32 $0xFFFFFCE0  }
0x92: {  	[spmem:s14] =	stream.linear.scatter [tilespmem:s31], [sflag:$0x3], $0x320, $0x38;
	[tilespmem:$0x24A0] =	vst v63  }
0x93: {  	_ =	swait.ge [sflag:s1], $0x320  }
0x94: {  	[sflag:s1] =	ssyncset.done $0x0  }
0x95: {  	s19 =	rddreg [dreg:$0x6];
	[sflag:s1] =	ssyncadd.s32 $0xFFFFFCE0  }
0x96: {  	[spmem:s19] =	stream.linear.scatter [tilespmem:s31], [sflag:$0x3], $0x320, $0x38;
	[tilespmem:$0x24A0] =	vst v63  }
0x97: {  	_ =	swait.ge [sflag:s1], $0x320  }
0x98: {  	[sflag:s1] =	ssyncset.done $0x0  }
0x99: {  	s25 =	rddreg [dreg:$0xf];
	[sflag:s1] =	ssyncadd.s32 $0xFFFFFCE0  }
0x9a: {  	[spmem:s25] =	stream.linear.scatter [tilespmem:s31], [sflag:$0x3], $0x320, $0x38;
	[tilespmem:$0x24A0] =	vst v63  }
0x9b: {  	_ =	swait.ge [sflag:s1], $0x320  }
0x9c: {  	[sflag:s1] =	ssyncset.done $0x0  }
0x9d: {  	[sflag:s1] =	ssyncadd.s32 $0xFFFFFCE0  }
0x9e: {  	[spmem:s26] =	stream.linear.scatter [tilespmem:s31], [sflag:$0x3], $0x320, $0x38;
	[tilespmem:$0x24A0] =	vst v63  }
0x9f: {  	_ =	swait.ge [sflag:s1], $0x320  }
0xa0: {  	[sflag:s1] =	ssyncset.done $0x0  }
0xa1: {  	[sflag:s1] =	ssyncadd.s32 $0xFFFFFCE0  }
0xa2: {  	[spmem:s28] =	stream.linear.scatter [tilespmem:s31], [sflag:$0x3], $0x320, $0x38;
	[tilespmem:$0x24A0] =	vst v63  }
0xa3: {  	_ =	swait.ge [sflag:s1], $0x320  }
0xa4: {  	[sflag:s1] =	ssyncset.done $0x0  }
0xa5: {  	[sflag:s1] =	ssyncadd.s32 $0xFFFFFCE0  }
0xa6: {  	[spmem:s29] =	stream.linear.scatter [tilespmem:s31], [sflag:$0x3], $0x320, $0x38;
	[tilespmem:$0x24A0] =	vst v63  }
0xa7: {  	_ =	swait.ge [sflag:s1], $0x320  }
0xa8: {  	[sflag:s1] =	ssyncset.done $0x0  }
0xa9: {  	[sflag:s1] =	ssyncadd.s32 $0xFFFFFCE0  }
0xaa: {  	[spmem:s30] =	stream.linear.scatter [tilespmem:s31], [sflag:$0x3], $0x320, $0x38;
	[tilespmem:$0x24A0] =	vst v63  }
.Ltmp3:
0xab: {  	_ =	swait.ge [sflag:s1], $0x320;
	(pc) =	sbr.rel .LBB2_4-.Ltmp3, $4  }
0xac: {  	[sflag:s1] =	ssyncset.done $0x0  }
0xad: {  	[sflag:s1] =	ssyncadd.s32 $0xFFFFFCE0  }
0xae: {  	[bflag:$0x0] =	sbarrier.arrive $0xFFFF  }
0xaf: {  	s14 =	simm.s32 $0x0;
	s25 =	smov.u32 s15  }
.LBB2_6:
0xb0: {  	s14 =	sadd.s32 $0x1, s14  }
0xb1: {  	p0 =	sne.s32 s14, $0xC4  }
.Ltmp4:
0xb2: {  	_ = 	snop;
	(pc) =	sbr.rel @!p0 .LBB2_7-.Ltmp4, $2  }
0xb3: {  	_ =	sdelay $0x2  }
0xb4: {  	s25 =	sadd.s32 $0x80, s25  }
.LBB2_4:
0xb5: {  	s16 =	sand.u32 $0x1, s14  }
0xb6: {  	p0 =	seq.s32 s16, $0x1  }
0xb7: {  	p1 =	slt.u32 @!p0 s14, $0x2  }
0xb8: {  	p1 =	por p1, p0  }
0xb9: {  	s17 =	simm.s32 @!p1 $0x1  }
0xba: {  	_ =	swait.ge @!p1 [sflag:s17], $0x80  }
0xbb: {  	[sflag:s17] =	ssyncset.done @!p1 $0x0  }
0xbc: {  	[sflag:s17] =	ssyncadd.s32 @!p1 $0xFFFFFF80  }
0xbd: {  	_ =	swait.ge @!p1 [sflag:s17], $0x80  }
0xbe: {  	[sflag:s17] =	ssyncset.done @!p1 $0x0  }
0xbf: {  	[sflag:s17] =	ssyncadd.s32 @!p1 $0xFFFFFF80  }
0xc0: {  	_ =	swait.ge @!p1 [sflag:s17], $0x80  }
0xc1: {  	[sflag:s17] =	ssyncset.done @!p1 $0x0  }
0xc2: {  	[sflag:s17] =	ssyncadd.s32 @!p1 $0xFFFFFF80  }
0xc3: {  	_ =	swait.ge @!p1 [sflag:s17], $0x80  }
0xc4: {  	[sflag:s17] =	ssyncset.done @!p1 $0x0  }
0xc5: {  	[sflag:s17] =	ssyncadd.s32 @!p1 $0xFFFFFF80;
	s17 =	simm.s32 @!p0 $0x0  }
0xc6: {  	[tilespmem:s17], [sflag:$0x3] =	stream.linear.gather @!p0 [hbm4b:s25+s17], $0x400, $0x38;
	[tilespmem:$0x24A0] =	vst v63  }
0xc7: {  	s17 =	simm.s32 @!p0 $0x3  }
0xc8: {  	_ =	swait.ge @!p0 [sflag:s17], $0x400  }
0xc9: {  	s18 =	simm.s32 @!p0 $0x200;
	[sflag:s17] =	ssyncset.done @!p0 $0x0  }
0xca: {  	s19 =	simm.s32 @!p0 $0x800;
	[sflag:s17] =	ssyncadd.s32 @!p0 $0xFFFFFC00;
	s17 =	simm.s32 @!p0 $0x80  }
0xcb: {  	[spmem:s2] =	stream.indirect.scatter.add.f32 @!p0 [tilespmem:s19], [sflag:$0x1], $0x1, s18, s17, $0xb8;
	[tilespmem:$0x24A0] =	vst v63  }
0xcc: {  	s18 =	simm.s32 @!p0 $0x280  }
0xcd: {  	[spmem:s2] =	stream.indirect.scatter.add.f32 @!p0 [tilespmem:s19], [sflag:$0x1], $0x1, s18, s17, $0xb8;
	[tilespmem:$0x24A0] =	vst v63  }
0xce: {  	s18 =	simm.s32 @!p0 $0x300  }
0xcf: {  	[spmem:s2] =	stream.indirect.scatter.add.f32 @!p0 [tilespmem:s19], [sflag:$0x1], $0x1, s18, s17, $0xb8;
	[tilespmem:$0x24A0] =	vst v63  }
0xd0: {  	p1 =	seq.s32 @!p0 s16, $0x0;
	s18 =	simm.s32 @!p0 $0x380  }
0xd1: {  	[spmem:s2] =	stream.indirect.scatter.add.f32 @!p0 [tilespmem:s19], [sflag:$0x1], $0x1, s18, s17, $0xb8;
	[tilespmem:$0x24A0] =	vst v63  }
0xd2: {  	p0 =	por p0, !p1  }
.Ltmp5:
0xd3: {  	_ = 	snop;
	(pc) =	sbr.rel @!p0 .LBB2_6-.Ltmp5, $1  }
0xd4: {  	_ =	sdelay $0x3  }
0xd5: {  	p0 =	slt.u32 s14, $0x2  }
0xd6: {  	s16 =	simm.s32 @!p0 $0x2  }
0xd7: {  	_ =	swait.ge @!p0 [sflag:s16], $0x80  }
0xd8: {  	[sflag:s16] =	ssyncset.done @!p0 $0x0  }
0xd9: {  	[sflag:s16] =	ssyncadd.s32 @!p0 $0xFFFFFF80  }
0xda: {  	_ =	swait.ge @!p0 [sflag:s16], $0x80  }
0xdb: {  	[sflag:s16] =	ssyncset.done @!p0 $0x0  }
0xdc: {  	[sflag:s16] =	ssyncadd.s32 @!p0 $0xFFFFFF80  }
0xdd: {  	_ =	swait.ge @!p0 [sflag:s16], $0x80  }
0xde: {  	[sflag:s16] =	ssyncset.done @!p0 $0x0  }
0xdf: {  	[sflag:s16] =	ssyncadd.s32 @!p0 $0xFFFFFF80  }
0xe0: {  	_ =	swait.ge @!p0 [sflag:s16], $0x80  }
0xe1: {  	[sflag:s16] =	ssyncset.done @!p0 $0x0  }
0xe2: {  	[sflag:s16] =	ssyncadd.s32 @!p0 $0xFFFFFF80  }
0xe3: {  	[tilespmem:s6], [sflag:$0x3] =	stream.linear.gather [hbm4b:s25+s3], $0x400, $0x38;
	[tilespmem:$0x24A0] =	vst v63  }
0xe4: {  	_ =	swait.ge [sflag:s1], $0x400  }
0xe5: {  	[sflag:s1] =	ssyncset.done $0x0  }
0xe6: {  	[sflag:s1] =	ssyncadd.s32 $0xFFFFFC00  }
0xe7: {  	[spmem:s2] =	stream.indirect.scatter.add.f32 [tilespmem:s9], [sflag:$0x2], $0x1, s8, s7, $0xb8;
	[tilespmem:$0x24A0] =	vst v63  }
0xe8: {  	_ = 	snop  }
0xe9: {  	[spmem:s2] =	stream.indirect.scatter.add.f32 [tilespmem:s9], [sflag:$0x2], $0x1, s10, s7, $0xb8;
	[tilespmem:$0x24A0] =	vst v63  }
.Ltmp6:
0xea: {  	_ = 	snop;
	(pc) =	sbr.rel .LBB2_6-.Ltmp6, $4  }
0xeb: {  	_ = 	snop  }
0xec: {  	[spmem:s2] =	stream.indirect.scatter.add.f32 [tilespmem:s9], [sflag:$0x2], $0x1, s11, s7, $0xb8;
	[tilespmem:$0x24A0] =	vst v63  }
0xed: {  	_ = 	snop  }
0xee: {  	[spmem:s2] =	stream.indirect.scatter.add.f32 [tilespmem:s9], [sflag:$0x2], $0x1, s12, s7, $0xb8;
	[tilespmem:$0x24A0] =	vst v63  }
.LBB2_8:
0xef: {  	_ =	sfence.sel $0x180000  }
0xf0: {  	[bflag:$0x0] =	sbarrier.arrive $0xFFFF  }
0xf1: {  	_ =	strace $0x90000047  }
0xf2: {  	s0 =	stileid.u32;
	[bflag:$0x2] =	sbarrier.arrive $0xFFFF  }
0xf3: {  	p0 =	sne.s32 s0, $0x0;
	s0 =	rddreg [dreg:$0x2]  }
0xf4: {  	s0 =	sadd.s32 @!p0 $0x100000, s0  }
0xf5: {  	[sflag:s0] =	ssyncadd.tile.s32 @!p0 $0x1;
	_ =	shalt  }
.Lfunc_end2:
_tile_overlayer_lowered:
.L_overlay_start_2:
0xf6: {  	(tag) =	ssettag $0x2  }
0xf7: {  	s0 =	rddreg [dreg:$0x0];
	s2 =	stileid.u32  }
0xf8: {  	s1 =	rddreg [dreg:$0x1];
	p0 =	sne.s32 s2, $0x0  }
0xf9: {  	s3 =	rddreg [dreg:$0x2];
	[bflag:$0x3] =	sbarrier.arrive $0xFFFF;
	s2 =	simm.s32 @!p0 $0x1C03  }
0xfa: {  	[timem:s3], [sflag:s2] =	dma.local @!p0 [hbm:s0], s1  }
0xfb: {  	s0 =	simm.s32 @!p0 $0x3  }
0xfc: {  	_ =	swait.ge @!p0 [sflag:s0], s1  }
0xfd: {  	s1 =	ssub.s32 @!p0 $0x0, s1;
	[sflag:s0] =	ssyncset.done @!p0 $0x0  }
0xfe: {  	[sflag:s0] =	ssyncadd.s32 @!p0 s1  }
0xff: {  	[bflag:$0x3] =	sbarrier.arrive $0xFFFF  }
0x100: {  	_ =	shalt  }

</sc_bundles>
